<compile_context>
chip_gen: v7x
topology: tpu7x:2x2x1
jax: 0.10.2.dev20260603
libtpu: 0.0.44.dev20260713+nightly
codegen_flags: <defaults>
</compile_context>

<pallas_src>
import functools

import jax
import jax.numpy as jnp
from jax import lax
from jax.experimental import pallas as pl
from jax.experimental.pallas import tpu as pltpu
from jax.experimental.pallas import tpu_sc as plsc

f32 = jnp.float32

NN = 10000
NP = 10240
EE = 160000
EPAD = 163840
NTILES = 32
CHUNKS = 40
CW = 128
ROWS_PT = NP // 16
GG = 16
MB = 1024
NBLK = NP // MB
FD = 512
NSLAB = 4
SW = FD // NSLAB


@functools.lru_cache(maxsize=None)
def _sc_kernels():
    mesh = plsc.VectorSubcoreMesh(core_axis_name="c", subcore_axis_name="s")

    @functools.partial(
        pl.kernel, mesh=mesh,
        out_type=jax.ShapeDtypeStruct((2, NP, SW), f32),
        scratch_types=[
            pltpu.VMEM((CHUNKS, CW), jnp.int32),
            pltpu.VMEM((CW, SW), f32),
            pltpu.VMEM_SHARED((NP, SW), f32),
        ],
    )
    def deg_kernel(ec_hbm, ones_hbm, z_hbm, out_hbm, ci_v, ones_v, acc_sh):
        c = lax.axis_index("c")
        s = lax.axis_index("s")
        w = c * 16 + s
        pltpu.sync_copy(ec_hbm.at[w], ci_v)
        pltpu.sync_copy(ones_hbm, ones_v)

        @pl.when(s == 0)
        def _():
            pltpu.sync_copy(z_hbm, acc_sh)

        plsc.subcore_barrier()

        @pl.loop(0, CHUNKS)
        def _(j):
            pltpu.sync_copy(ones_v, acc_sh.at[ci_v.at[j]], add=True)

        plsc.subcore_barrier()

        @pl.when(s == 0)
        def _():
            pltpu.sync_copy(acc_sh, out_hbm.at[c])

    @functools.partial(
        pl.kernel, mesh=mesh,
        out_type=jax.ShapeDtypeStruct((2, NSLAB, NP, SW), f32),
        scratch_types=[
            pltpu.VMEM((CHUNKS, CW), jnp.int32),
            pltpu.VMEM((CHUNKS, CW), jnp.int32),
            pltpu.VMEM((CW, SW), f32),
            pltpu.VMEM((CW, SW), f32),
            pltpu.SemaphoreType.DMA,
            pltpu.SemaphoreType.DMA,
            pltpu.SemaphoreType.DMA,
            pltpu.VMEM_SHARED((NP, SW), f32),
        ],
    )
    def mp_kernel(u0, u1, u2, u3, er_hbm, ec_hbm, z_hbm, out_hbm,
                  ri_v, ci_v, ga_v, gb_v, sem_a, sem_b, sem_s, acc_sh):
        c = lax.axis_index("c")
        s = lax.axis_index("s")
        w = c * 16 + s
        pltpu.sync_copy(er_hbm.at[w], ri_v)
        pltpu.sync_copy(ec_hbm.at[w], ci_v)
        tabs = [u0, u1, u2, u3]
        for slab in range(NSLAB):
            tab = tabs[slab]

            @pl.when(s == 0)
            def _():
                pltpu.sync_copy(z_hbm, acc_sh)

            plsc.subcore_barrier()

            pltpu.make_async_copy(tab.at[ri_v.at[0]], ga_v, sem_a).start()

            @pl.loop(0, CHUNKS // 2)
            def _(jj):
                j0 = jj * 2
                j1 = j0 + 1
                pltpu.make_async_copy(tab.at[ri_v.at[j0]], ga_v, sem_a).wait()
                pltpu.make_async_copy(tab.at[ri_v.at[j1]], gb_v, sem_b).start()
                sa = pltpu.make_async_copy(ga_v, acc_sh.at[ci_v.at[j0]],
                                           sem_s)
                sa.start(add=True)
                sa.wait()
                pltpu.make_async_copy(tab.at[ri_v.at[j1]], gb_v, sem_b).wait()
                nxt = jnp.minimum(j0 + 2, CHUNKS - 1)
                pltpu.make_async_copy(tab.at[ri_v.at[nxt]], ga_v,
                                      sem_a).start()
                sb = pltpu.make_async_copy(gb_v, acc_sh.at[ci_v.at[j1]],
                                           sem_s)
                sb.start(add=True)
                sb.wait()

            pltpu.make_async_copy(tab.at[ri_v.at[0]], ga_v, sem_a).wait()

            plsc.subcore_barrier()

            @pl.when(s == 0)
            def _():
                pltpu.sync_copy(acc_sh, out_hbm.at[c].at[slab])

            plsc.subcore_barrier()

    return deg_kernel, mp_kernel



def _k1_body(xb, nx3, degp, emb, waa, wesm, wg0, b2,
             dis_o, u0_o, u1_o, u2_o, u3_o):
    deg = degp[0, :, 0:1] + degp[1, :, 0:1]
    dis = lax.rsqrt(deg + 1.0)
    dis_o[0, 0, :] = dis[:, 0]
    nx = nx3[0, 0, :]
    oh = (nx[:, None] == lax.broadcasted_iota(jnp.int32, (1, 21), 1)
          ).astype(f32)
    t21 = jnp.dot(emb[...], waa[...], preferred_element_type=f32)
    h0 = (oh @ t21
          + jnp.dot(xb[...], wesm[...], preferred_element_type=f32)
          + b2[...])
    h0 = jnp.maximum(h0, 0.0)
    u = jnp.dot(h0, wg0[...], preferred_element_type=f32) * dis
    u0_o[...] = u[:, 0:128]
    u1_o[...] = u[:, 128:256]
    u2_o[...] = u[:, 256:384]
    u3_o[...] = u[:, 384:512]


def _comb_body(has_res, sp, u0, u1, u2, u3, dis3, hprev, wn, b2,
               h_o, u0_o, u1_o, u2_o, u3_o):
    s = sp[0] + sp[1]
    scat = jnp.concatenate([s[0], s[1], s[2], s[3]], axis=1)
    u = jnp.concatenate([u0[...], u1[...], u2[...], u3[...]], axis=1)
    dis = dis3[0, 0, :][:, None]
    out = dis * (scat + u) + b2[...]
    a = jnp.maximum(out, 0.0)
    h = hprev[...] + a if has_res else a
    h_o[...] = h
    un = jnp.dot(h, wn[...], preferred_element_type=f32) * dis
    u0_o[...] = un[:, 0:128]
    u1_o[...] = un[:, 128:256]
    u2_o[...] = un[:, 256:384]
    u3_o[...] = un[:, 384:512]


def _comb2_body(sp, u0, u1, u2, u3, dis3, hprev, batm, b2, gm_o):
    i = pl.program_id(0)
    s = sp[0] + sp[1]
    scat = jnp.concatenate([s[0], s[1], s[2], s[3]], axis=1)
    u = jnp.concatenate([u0[...], u1[...], u2[...], u3[...]], axis=1)
    dis = dis3[0, 0, :][:, None]
    out = dis * (scat + u) + b2[...]
    h = hprev[...] + jnp.maximum(out, 0.0)

    @pl.when(i == 0)
    def _():
        gm_o[...] = jnp.full((GG, FD), -jnp.inf, f32)

    for g in range(GG):
        m = batm[:, g:g + 1] > 0.0
        vals = jnp.where(m, h, -jnp.inf)
        gm_o[g, :] = jnp.maximum(gm_o[g, :], jnp.max(vals, axis=0))


def _head_body(gm, y, wl1, bl1, wl2, bl2, wr1, br1, wr2, br2, yp_o, lab_o):
    l1 = jnp.maximum(jnp.dot(y[...], wl1[...], preferred_element_type=f32)
                     + bl1[...], 0.0)
    lab_o[...] = jnp.maximum(
        jnp.dot(l1, wl2[...], preferred_element_type=f32) + bl2[...], 0.0)
    r1 = jnp.maximum(jnp.dot(gm[...], wr1[...], preferred_element_type=f32)
                     + br1[...], 0.0)
    yp_o[...] = jax.nn.sigmoid(
        jnp.dot(r1, wr2[...], preferred_element_type=f32) + br2[...])


def _full(shape):
    return pl.BlockSpec(shape, lambda *_: tuple(0 for _ in shape))


_K1 = pl.pallas_call(
    _k1_body,
    grid=(NBLK,),
    in_specs=[
        pl.BlockSpec((MB, 1280), lambda i: (i, 0)),
        pl.BlockSpec((1, 1, MB), lambda i: (i, 0, 0)),
        pl.BlockSpec((2, MB, SW), lambda i: (0, i, 0)),
        _full((21, 96)),
        _full((96, FD)),
        _full((1280, FD)),
        _full((FD, FD)),
        _full((1, FD)),
    ],
    out_specs=[
        pl.BlockSpec((1, 1, MB), lambda i: (i, 0, 0)),
        pl.BlockSpec((MB, SW), lambda i: (i, 0)),
        pl.BlockSpec((MB, SW), lambda i: (i, 0)),
        pl.BlockSpec((MB, SW), lambda i: (i, 0)),
        pl.BlockSpec((MB, SW), lambda i: (i, 0)),
    ],
    out_shape=[
        jax.ShapeDtypeStruct((NBLK, 1, MB), f32),
        jax.ShapeDtypeStruct((NP, SW), f32),
        jax.ShapeDtypeStruct((NP, SW), f32),
        jax.ShapeDtypeStruct((NP, SW), f32),
        jax.ShapeDtypeStruct((NP, SW), f32),
    ],
)

_slab_in = pl.BlockSpec((MB, SW), lambda i: (i, 0))
_sp_in = pl.BlockSpec((2, NSLAB, MB, SW), lambda i: (0, 0, i, 0))
_dis_in = pl.BlockSpec((1, 1, MB), lambda i: (i, 0, 0))
_h_in = pl.BlockSpec((MB, FD), lambda i: (i, 0))

_slab_outs = [pl.BlockSpec((MB, SW), lambda i: (i, 0)) for _ in range(NSLAB)]
_slab_shapes = [jax.ShapeDtypeStruct((NP, SW), f32) for _ in range(NSLAB)]


def _make_comb(has_res):
    ins = [_sp_in, _slab_in, _slab_in, _slab_in, _slab_in, _dis_in]
    if has_res:
        ins.append(_h_in)
    ins += [_full((FD, FD)), _full((1, FD))]
    if has_res:
        body = functools.partial(_comb_body, True)
    else:
        def body(sp, u0, u1, u2, u3, dis3, wn, b2, *outs):
            _comb_body(False, sp, u0, u1, u2, u3, dis3, None, wn, b2, *outs)
    return pl.pallas_call(
        body,
        grid=(NBLK,),
        in_specs=ins,
        out_specs=[_h_in] + _slab_outs,
        out_shape=[jax.ShapeDtypeStruct((NP, FD), f32)] + _slab_shapes,
    )


_COMB0 = _make_comb(False)
_COMB1 = _make_comb(True)

_COMB2 = pl.pallas_call(
    _comb2_body,
    grid=(NBLK,),
    in_specs=[_sp_in, _slab_in, _slab_in, _slab_in, _slab_in, _dis_in,
              _h_in, pl.BlockSpec((MB, GG), lambda i: (i, 0)),
              _full((1, FD))],
    out_specs=pl.BlockSpec((GG, FD), lambda i: (0, 0)),
    out_shape=jax.ShapeDtypeStruct((GG, FD), f32),
)

_HEAD = pl.pallas_call(
    _head_body,
    in_specs=[_full((GG, FD)), _full((GG, 256)),
              _full((256, 1024)), _full((1, 1024)),
              _full((1024, FD)), _full((1, FD)),
              _full((FD, 1024)), _full((1, 1024)),
              _full((1024, 256)), _full((1, 256))],
    out_specs=[_full((GG, 256)), _full((GG, FD))],
    out_shape=[jax.ShapeDtypeStruct((GG, 256), f32),
               jax.ShapeDtypeStruct((GG, FD), f32)],
)


def kernel(native_x, x, edge_index, batch, y, emb, W_aa, b_aa, W_esm, b_esm,
           Wg0, bg0, Wg1, bg1, Wg2, bg2, Wl1, bl1, Wl2, bl2,
           Wr1, br1, Wr2, br2):
    i32 = jnp.int32
    er = jnp.concatenate(
        [edge_index[0].astype(i32), jnp.zeros((EPAD - EE,), i32)]
    ).reshape(NTILES, CHUNKS, CW)
    ec = jnp.concatenate(
        [edge_index[1].astype(i32), jnp.full((EPAD - EE,), NN, i32)]
    ).reshape(NTILES, CHUNKS, CW)
    x_p = jnp.pad(x, ((0, NP - NN), (0, 0)))
    nx3 = jnp.pad(native_x.astype(i32), (0, NP - NN)).reshape(NBLK, 1, MB)
    bat_p = jnp.pad(batch.astype(i32), (0, NP - NN), constant_values=GG)
    batm = (bat_p[:, None] == jnp.arange(GG, dtype=i32)[None, :]).astype(f32)
    ones_c = jnp.ones((CW, SW), f32)
    zz = jnp.zeros((NP, SW), f32)

    _deg_kernel, _mp_kernel = _sc_kernels()
    degp = _deg_kernel(ec, ones_c, zz)
    b01 = (b_aa + b_esm).reshape(1, FD)
    dis3, u0, u1, u2, u3 = _K1(x_p, nx3, degp, emb, W_aa, W_esm, Wg0, b01)

    sp0 = _mp_kernel(u0, u1, u2, u3, er, ec, zz)
    h1, v0, v1, v2, v3 = _COMB0(sp0, u0, u1, u2, u3, dis3,
                                Wg1, bg0.reshape(1, FD))
    sp1 = _mp_kernel(v0, v1, v2, v3, er, ec, zz)
    h2, w0, w1, w2, w3 = _COMB1(sp1, v0, v1, v2, v3, dis3, h1,
                                Wg2, bg1.reshape(1, FD))
    sp2 = _mp_kernel(w0, w1, w2, w3, er, ec, zz)
    gmax = _COMB2(sp2, w0, w1, w2, w3, dis3, h2, batm, bg2.reshape(1, FD))

    y_pred, lab = _HEAD(gmax, y, Wl1, bl1.reshape(1, 1024),
                        Wl2, bl2.reshape(1, FD),
                        Wr1, br1.reshape(1, 1024), Wr2, br2.reshape(1, 256))
    return (y_pred, gmax, lab)

# --- scband reference (transcript-rebuilt; emitter-appended) ---
"""Pipeline reference for scband-cl-prot-net-16922171147065 (READ-ONLY COPY).

The authoritative reference and input builder live on the scoring server;
editing this copy changes nothing except your own understanding.
"""

import jax, jax.numpy as jnp
import numpy as np

N = 10000
E = 160000
G = 16
OUT = 256

def _p(key, shape, scale=0.05):
    return jax.random.normal(key, shape, dtype=jnp.float32) * scale

def setup_inputs(seed: int = 0):
    key = jax.random.key(seed)
    ks = jax.random.split(key, 24)
    inp = {}
    inp['native_x'] = jax.random.randint(ks[0], (N,), 0, 21)
    inp['x'] = jax.random.normal(ks[1], (N, 1280), dtype=jnp.float32)
    inp['edge_index'] = jax.random.randint(ks[2], (2, E), 0, N)
    inp['batch'] = jnp.sort(jax.random.randint(ks[3], (N,), 0, G))
    inp['y'] = jax.random.uniform(ks[4], (G, OUT), dtype=jnp.float32)
    inp['emb'] = _p(ks[5], (21, 96), 1.0)
    inp['W_aa'] = _p(ks[6], (96, 512)); inp['b_aa'] = jnp.zeros((512,), jnp.float32)
    inp['W_esm'] = _p(ks[7], (1280, 512)); inp['b_esm'] = jnp.zeros((512,), jnp.float32)
    inp['Wg0'] = _p(ks[8], (512, 512)); inp['bg0'] = jnp.zeros((512,), jnp.float32)
    inp['Wg1'] = _p(ks[9], (512, 512)); inp['bg1'] = jnp.zeros((512,), jnp.float32)
    inp['Wg2'] = _p(ks[10], (512, 512)); inp['bg2'] = jnp.zeros((512,), jnp.float32)
    inp['Wl1'] = _p(ks[11], (OUT, 1024)); inp['bl1'] = jnp.zeros((1024,), jnp.float32)
    inp['Wl2'] = _p(ks[12], (1024, 512)); inp['bl2'] = jnp.zeros((512,), jnp.float32)
    inp['Wr1'] = _p(ks[13], (512, 1024)); inp['br1'] = jnp.zeros((1024,), jnp.float32)
    inp['Wr2'] = _p(ks[14], (1024, OUT)); inp['br2'] = jnp.zeros((OUT,), jnp.float32)
    return inp

def gcn_conv(h, edge_index, W, b, n):
    # PyG GCNConv: add self-loops, symmetric normalization, scatter-add aggregation
    h = h @ W
    loop = jnp.arange(n)
    row = jnp.concatenate([edge_index[0], loop])
    col = jnp.concatenate([edge_index[1], loop])
    ew = jnp.ones(row.shape, h.dtype)
    deg = jax.ops.segment_sum(ew, col, num_segments=n)
    dis = jnp.where(deg > 0, jax.lax.rsqrt(jnp.maximum(deg, 1e-12)), 0.0)
    norm = dis[row] * dis[col]
    msg = h[row] * norm[:, None]
    return jax.ops.segment_sum(msg, col, num_segments=n) + b

def reference(native_x, x, edge_index, batch, y, emb, W_aa, b_aa, W_esm, b_esm, Wg0, bg0, Wg1, bg1, Wg2, bg2, Wl1, bl1, Wl2, bl2, Wr1, br1, Wr2, br2):
    n = x.shape[0]
    # CL_protNET.forward (eval mode: dropout = identity)
    x_aa = emb[native_x] @ W_aa + b_aa
    x_esm = x @ W_esm + b_esm
    h = jax.nn.relu(x_aa + x_esm)
    # GraphCNN: 3 GCN layers with residuals from layer 1 onward
    h = jax.nn.relu(gcn_conv(h, edge_index, Wg0, bg0, n))
    h = h + jax.nn.relu(gcn_conv(h, edge_index, Wg1, bg1, n))
    acts = gcn_conv(h, edge_index, Wg2, bg2, n)
    h = h + jax.nn.relu(acts)
    # global max pooling (gmp) over batch segments
    g_feat = jax.ops.segment_max(h, batch, num_segments=G)
    # label MLP
    lab = jax.nn.relu(jax.nn.relu(y @ Wl1 + bl1) @ Wl2 + bl2)
    # readout
    y_pred = jax.nn.sigmoid(jax.nn.relu(g_feat @ Wr1 + br1) @ Wr2 + br2)
    return (y_pred, g_feat, lab)

if __name__ == "__main__":
    import jax
    _d = setup_inputs()
    print(jax.jit(kernel)(*tuple(_d.values())))

</pallas_src>

<mosaic_0001>
#map = affine_map<(d0, d1) -> (0, 0, 0)>
#map1 = affine_map<(d0, d1) -> (0, 0)>
module attributes {stable_mosaic.version = 14 : i64} {
  func.func @deg_kernel(%arg0: i32, %arg1: i32, %arg2: memref<32x40x128xi32, #tpu.memory_space<hbm>>, %arg3: memref<128x128xf32, #tpu.memory_space<hbm>>, %arg4: memref<10240x128xf32, #tpu.memory_space<hbm>>, %arg5: memref<2x10240x128xf32, #tpu.memory_space<hbm>>, %arg6: memref<40x128xi32, #tpu.memory_space<vmem>>, %arg7: memref<128x128xf32, #tpu.memory_space<vmem>>, %arg8: memref<10240x128xf32, #tpu.memory_space<vmem_shared>>) attributes {dimension_semantics = [#tpu.dimension_semantics<core_parallel>, #tpu.dimension_semantics<subcore_parallel>], iteration_bounds = array<i64: 2, 16>, scalar_prefetch = 0 : i64, scratch_operands = 3 : i64, tpu.core_type = #tpu.core_type<sc_vector_subcore>, window_params = [{transform_indices = #map}, {transform_indices = #map1}, {transform_indices = #map1}, {transform_indices = #map}]} {
    %mul3A = arith.constant 16 : i32
    %mul3A_0 = arith.muli %arg0, %mul3A : i32
    %add3A = arith.addi %mul3A_0, %arg1 : i32
    "tpu.region"() ({
      %run_scoped3A = tpu.sem_alloc : memref<!tpu.dma_semaphore, #tpu.memory_space<semaphore_mem>>
      %dma_start3A = arith.constant 0 : i32
      %dma_start3A_13 = arith.constant 0 : i32
      %dma_start3A_14 = tpu.memref_slice %arg2[%add3A, %dma_start3A, %dma_start3A_13] : memref<32x40x128xi32, #tpu.memory_space<hbm>> -> memref<1x40x128xi32, #tpu.memory_space<hbm>>
      %dma_start3A_15 = tpu.memref_squeeze %dma_start3A_14 : memref<1x40x128xi32, #tpu.memory_space<hbm>> -> memref<40x128xi32, #tpu.memory_space<hbm>>
      %dma_start3A_16 = arith.constant 0 : i32
      %dma_start3A_17 = arith.constant 0 : i32
      %dma_start3A_18 = tpu.memref_slice %arg2[%add3A, %dma_start3A_16, %dma_start3A_17] : memref<32x40x128xi32, #tpu.memory_space<hbm>> -> memref<1x40x128xi32, #tpu.memory_space<hbm>>
      %dma_start3A_19 = tpu.memref_squeeze %dma_start3A_18 : memref<1x40x128xi32, #tpu.memory_space<hbm>> -> memref<40x128xi32, #tpu.memory_space<hbm>>
      tpu.enqueue_dma source(%dma_start3A_19 : memref<40x128xi32, #tpu.memory_space<hbm>>) target(%arg6 : memref<40x128xi32, #tpu.memory_space<vmem>>) target_semaphore(%run_scoped3A : memref<!tpu.dma_semaphore, #tpu.memory_space<semaphore_mem>>)
      %dma_wait3A = arith.constant 0 : i32
      %dma_wait3A_20 = arith.constant 0 : i32
      %dma_wait3A_21 = tpu.memref_slice %arg2[%add3A, %dma_wait3A, %dma_wait3A_20] : memref<32x40x128xi32, #tpu.memory_space<hbm>> -> memref<1x40x128xi32, #tpu.memory_space<hbm>>
      %dma_wait3A_22 = tpu.memref_squeeze %dma_wait3A_21 : memref<1x40x128xi32, #tpu.memory_space<hbm>> -> memref<40x128xi32, #tpu.memory_space<hbm>>
      %dma_wait3A_23 = arith.constant 0 : i32
      %dma_wait3A_24 = arith.constant 0 : i32
      %dma_wait3A_25 = tpu.memref_slice %arg2[%add3A, %dma_wait3A_23, %dma_wait3A_24] : memref<32x40x128xi32, #tpu.memory_space<hbm>> -> memref<1x40x128xi32, #tpu.memory_space<hbm>>
      %dma_wait3A_26 = tpu.memref_squeeze %dma_wait3A_25 : memref<1x40x128xi32, #tpu.memory_space<hbm>> -> memref<40x128xi32, #tpu.memory_space<hbm>>
      tpu.wait_dma2 semaphore(%run_scoped3A : memref<!tpu.dma_semaphore, #tpu.memory_space<semaphore_mem>>) src(%dma_wait3A_26 : memref<40x128xi32, #tpu.memory_space<hbm>>) dst(%arg6 : memref<40x128xi32, #tpu.memory_space<vmem>>)
      tpu.yield
    }) : () -> ()
    "tpu.region"() ({
      %run_scoped3A = tpu.sem_alloc : memref<!tpu.dma_semaphore, #tpu.memory_space<semaphore_mem>>
      tpu.enqueue_dma source(%arg3 : memref<128x128xf32, #tpu.memory_space<hbm>>) target(%arg7 : memref<128x128xf32, #tpu.memory_space<vmem>>) target_semaphore(%run_scoped3A : memref<!tpu.dma_semaphore, #tpu.memory_space<semaphore_mem>>)
      tpu.wait_dma2 semaphore(%run_scoped3A : memref<!tpu.dma_semaphore, #tpu.memory_space<semaphore_mem>>) src(%arg3 : memref<128x128xf32, #tpu.memory_space<hbm>>) dst(%arg7 : memref<128x128xf32, #tpu.memory_space<vmem>>)
      tpu.yield
    }) : () -> ()
    %eq3A = arith.constant 0 : i32
    %eq3A_1 = arith.cmpi eq, %arg1, %eq3A : i32
    %convert_element_type3A = arith.extui %eq3A_1 : i1 to i32
    %cond3A = arith.constant 0 : i32
    %cond3A_2 = arith.cmpi ne, %convert_element_type3A, %cond3A : i32
    scf.if %cond3A_2 {
      "tpu.region"() ({
        %run_scoped3A = tpu.sem_alloc : memref<!tpu.dma_semaphore, #tpu.memory_space<semaphore_mem>>
        tpu.enqueue_dma source(%arg4 : memref<10240x128xf32, #tpu.memory_space<hbm>>) target(%arg8 : memref<10240x128xf32, #tpu.memory_space<vmem_shared>>) target_semaphore(%run_scoped3A : memref<!tpu.dma_semaphore, #tpu.memory_space<semaphore_mem>>)
        tpu.wait_dma2 semaphore(%run_scoped3A : memref<!tpu.dma_semaphore, #tpu.memory_space<semaphore_mem>>) src(%arg4 : memref<10240x128xf32, #tpu.memory_space<hbm>>) dst(%arg8 : memref<10240x128xf32, #tpu.memory_space<vmem_shared>>)
        tpu.yield
      }) : () -> ()
    } else {
    }
    %barrier3A = arith.constant 0 : index
    tpu.barrier barrier_id(%barrier3A)
    %scan3A = arith.constant 0 : i32
    %scan3A_3 = arith.constant 40 : i32
    %scan3A_4 = arith.addi %scan3A, %scan3A_3 : i32
    %scan3A_5 = arith.constant 1 : i32
    scf.for %scan3A_13 = %scan3A to %scan3A_4 step %scan3A_5  : i32 {
      %mul3A_14 = arith.constant 1 : i32
      %mul3A_15 = arith.muli %scan3A_13, %mul3A_14 : i32
      %add3A_16 = arith.constant 0 : i32
      %add3A_17 = arith.addi %add3A_16, %mul3A_15 : i32
      "tpu.region"() ({
        %run_scoped3A = tpu.sem_alloc : memref<!tpu.dma_semaphore, #tpu.memory_space<semaphore_mem>>
        %dma_start3A = arith.constant 0 : i32
        %dma_start3A_18 = tpu.memref_slice %arg6[%add3A_17, %dma_start3A] : memref<40x128xi32, #tpu.memory_space<vmem>> -> memref<1x128xi32, #tpu.memory_space<vmem>>
        %dma_start3A_19 = tpu.memref_squeeze %dma_start3A_18 : memref<1x128xi32, #tpu.memory_space<vmem>> -> memref<128xi32, #tpu.memory_space<vmem>>
        %dma_start3A_20 = arith.constant 0 : i32
        %dma_start3A_21 = arith.constant 0 : i32
        %dma_start3A_22 = tpu.memref_slice %arg8[%dma_start3A_20, %dma_start3A_21] : memref<10240x128xf32, #tpu.memory_space<vmem_shared>> -> memref<10240x128xf32, #tpu.memory_space<vmem_shared>>
        tpu.enqueue_indirect_dma source(%arg7 : memref<128x128xf32, #tpu.memory_space<vmem>>) target(%dma_start3A_22 : memref<10240x128xf32, #tpu.memory_space<vmem_shared>>) offsets(%dma_start3A_19 : memref<128xi32, #tpu.memory_space<vmem>>) semaphore(%run_scoped3A : memref<!tpu.dma_semaphore, #tpu.memory_space<semaphore_mem>>) {add = true}
        %dma_wait3A = arith.constant 0 : i32
        %dma_wait3A_23 = tpu.memref_slice %arg6[%add3A_17, %dma_wait3A] : memref<40x128xi32, #tpu.memory_space<vmem>> -> memref<1x128xi32, #tpu.memory_space<vmem>>
        %dma_wait3A_24 = tpu.memref_squeeze %dma_wait3A_23 : memref<1x128xi32, #tpu.memory_space<vmem>> -> memref<128xi32, #tpu.memory_space<vmem>>
        %dma_wait3A_25 = arith.constant 0 : i32
        %dma_wait3A_26 = arith.constant 0 : i32
        %dma_wait3A_27 = tpu.memref_slice %arg8[%dma_wait3A_25, %dma_wait3A_26] : memref<10240x128xf32, #tpu.memory_space<vmem_shared>> -> memref<10240x128xf32, #tpu.memory_space<vmem_shared>>
        tpu.wait_indirect_dma semaphore(%run_scoped3A : memref<!tpu.dma_semaphore, #tpu.memory_space<semaphore_mem>>) src(%arg7 : memref<128x128xf32, #tpu.memory_space<vmem>>) dst(%dma_wait3A_27 : memref<10240x128xf32, #tpu.memory_space<vmem_shared>>)
        tpu.yield
      }) : () -> ()
    }
    %scan3A_6 = arith.constant 40 : i32
    %barrier3A_7 = arith.constant 0 : index
    tpu.barrier barrier_id(%barrier3A_7)
    %eq3A_8 = arith.constant 0 : i32
    %eq3A_9 = arith.cmpi eq, %arg1, %eq3A_8 : i32
    %convert_element_type3A_10 = arith.extui %eq3A_9 : i1 to i32
    %cond3A_11 = arith.constant 0 : i32
    %cond3A_12 = arith.cmpi ne, %convert_element_type3A_10, %cond3A_11 : i32
    scf.if %cond3A_12 {
      "tpu.region"() ({
        %run_scoped3A = tpu.sem_alloc : memref<!tpu.dma_semaphore, #tpu.memory_space<semaphore_mem>>
        %dma_start3A = arith.constant 0 : i32
        %dma_start3A_13 = arith.constant 0 : i32
        %dma_start3A_14 = tpu.memref_slice %arg5[%arg0, %dma_start3A, %dma_start3A_13] : memref<2x10240x128xf32, #tpu.memory_space<hbm>> -> memref<1x10240x128xf32, #tpu.memory_space<hbm>>
        %dma_start3A_15 = tpu.memref_squeeze %dma_start3A_14 : memref<1x10240x128xf32, #tpu.memory_space<hbm>> -> memref<10240x128xf32, #tpu.memory_space<hbm>>
        tpu.enqueue_dma source(%arg8 : memref<10240x128xf32, #tpu.memory_space<vmem_shared>>) target(%dma_start3A_15 : memref<10240x128xf32, #tpu.memory_space<hbm>>) target_semaphore(%run_scoped3A : memref<!tpu.dma_semaphore, #tpu.memory_space<semaphore_mem>>)
        %dma_wait3A = arith.constant 0 : i32
        %dma_wait3A_16 = arith.constant 0 : i32
        %dma_wait3A_17 = tpu.memref_slice %arg5[%arg0, %dma_wait3A, %dma_wait3A_16] : memref<2x10240x128xf32, #tpu.memory_space<hbm>> -> memref<1x10240x128xf32, #tpu.memory_space<hbm>>
        %dma_wait3A_18 = tpu.memref_squeeze %dma_wait3A_17 : memref<1x10240x128xf32, #tpu.memory_space<hbm>> -> memref<10240x128xf32, #tpu.memory_space<hbm>>
        tpu.wait_dma2 semaphore(%run_scoped3A : memref<!tpu.dma_semaphore, #tpu.memory_space<semaphore_mem>>) src(%arg8 : memref<10240x128xf32, #tpu.memory_space<vmem_shared>>) dst(%dma_wait3A_18 : memref<10240x128xf32, #tpu.memory_space<hbm>>)
        tpu.yield
      }) : () -> ()
    } else {
    }
    return
  }
}

#map = affine_map<(d0, d1) -> (0, 0)>
#map1 = affine_map<(d0, d1) -> (0, 0, 0)>
#map2 = affine_map<(d0, d1) -> (0, 0, 0, 0)>
module attributes {stable_mosaic.version = 14 : i64} {
  func.func @mp_kernel(%arg0: i32, %arg1: i32, %arg2: memref<10240x128xf32, #tpu.memory_space<hbm>>, %arg3: memref<10240x128xf32, #tpu.memory_space<hbm>>, %arg4: memref<10240x128xf32, #tpu.memory_space<hbm>>, %arg5: memref<10240x128xf32, #tpu.memory_space<hbm>>, %arg6: memref<32x40x128xi32, #tpu.memory_space<hbm>>, %arg7: memref<32x40x128xi32, #tpu.memory_space<hbm>>, %arg8: memref<10240x128xf32, #tpu.memory_space<hbm>>, %arg9: memref<2x4x10240x128xf32, #tpu.memory_space<hbm>>, %arg10: memref<40x128xi32, #tpu.memory_space<vmem>>, %arg11: memref<40x128xi32, #tpu.memory_space<vmem>>, %arg12: memref<128x128xf32, #tpu.memory_space<vmem>>, %arg13: memref<128x128xf32, #tpu.memory_space<vmem>>, %arg14: memref<!tpu.dma_semaphore, #tpu.memory_space<semaphore_mem>>, %arg15: memref<!tpu.dma_semaphore, #tpu.memory_space<semaphore_mem>>, %arg16: memref<!tpu.dma_semaphore, #tpu.memory_space<semaphore_mem>>, %arg17: memref<10240x128xf32, #tpu.memory_space<vmem_shared>>) attributes {dimension_semantics = [#tpu.dimension_semantics<core_parallel>, #tpu.dimension_semantics<subcore_parallel>], iteration_bounds = array<i64: 2, 16>, scalar_prefetch = 0 : i64, scratch_operands = 8 : i64, tpu.core_type = #tpu.core_type<sc_vector_subcore>, window_params = [{transform_indices = #map}, {transform_indices = #map}, {transform_indices = #map}, {transform_indices = #map}, {transform_indices = #map1}, {transform_indices = #map1}, {transform_indices = #map}, {transform_indices = #map2}]} {
    %mul3A = arith.constant 16 : i32
    %mul3A_0 = arith.muli %arg0, %mul3A : i32
    %add3A = arith.addi %mul3A_0, %arg1 : i32
    "tpu.region"() ({
      %run_scoped3A = tpu.sem_alloc : memref<!tpu.dma_semaphore, #tpu.memory_space<semaphore_mem>>
      %dma_start3A_122 = arith.constant 0 : i32
      %dma_start3A_123 = arith.constant 0 : i32
      %dma_start3A_124 = tpu.memref_slice %arg6[%add3A, %dma_start3A_122, %dma_start3A_123] : memref<32x40x128xi32, #tpu.memory_space<hbm>> -> memref<1x40x128xi32, #tpu.memory_space<hbm>>
      %dma_start3A_125 = tpu.memref_squeeze %dma_start3A_124 : memref<1x40x128xi32, #tpu.memory_space<hbm>> -> memref<40x128xi32, #tpu.memory_space<hbm>>
      %dma_start3A_126 = arith.constant 0 : i32
      %dma_start3A_127 = arith.constant 0 : i32
      %dma_start3A_128 = tpu.memref_slice %arg6[%add3A, %dma_start3A_126, %dma_start3A_127] : memref<32x40x128xi32, #tpu.memory_space<hbm>> -> memref<1x40x128xi32, #tpu.memory_space<hbm>>
      %dma_start3A_129 = tpu.memref_squeeze %dma_start3A_128 : memref<1x40x128xi32, #tpu.memory_space<hbm>> -> memref<40x128xi32, #tpu.memory_space<hbm>>
      tpu.enqueue_dma source(%dma_start3A_129 : memref<40x128xi32, #tpu.memory_space<hbm>>) target(%arg10 : memref<40x128xi32, #tpu.memory_space<vmem>>) target_semaphore(%run_scoped3A : memref<!tpu.dma_semaphore, #tpu.memory_space<semaphore_mem>>)
      %dma_wait3A_130 = arith.constant 0 : i32
      %dma_wait3A_131 = arith.constant 0 : i32
      %dma_wait3A_132 = tpu.memref_slice %arg6[%add3A, %dma_wait3A_130, %dma_wait3A_131] : memref<32x40x128xi32, #tpu.memory_space<hbm>> -> memref<1x40x128xi32, #tpu.memory_space<hbm>>
      %dma_wait3A_133 = tpu.memref_squeeze %dma_wait3A_132 : memref<1x40x128xi32, #tpu.memory_space<hbm>> -> memref<40x128xi32, #tpu.memory_space<hbm>>
      %dma_wait3A_134 = arith.constant 0 : i32
      %dma_wait3A_135 = arith.constant 0 : i32
      %dma_wait3A_136 = tpu.memref_slice %arg6[%add3A, %dma_wait3A_134, %dma_wait3A_135] : memref<32x40x128xi32, #tpu.memory_space<hbm>> -> memref<1x40x128xi32, #tpu.memory_space<hbm>>
      %dma_wait3A_137 = tpu.memref_squeeze %dma_wait3A_136 : memref<1x40x128xi32, #tpu.memory_space<hbm>> -> memref<40x128xi32, #tpu.memory_space<hbm>>
      tpu.wait_dma2 semaphore(%run_scoped3A : memref<!tpu.dma_semaphore, #tpu.memory_space<semaphore_mem>>) src(%dma_wait3A_137 : memref<40x128xi32, #tpu.memory_space<hbm>>) dst(%arg10 : memref<40x128xi32, #tpu.memory_space<vmem>>)
      tpu.yield
    }) : () -> ()
    "tpu.region"() ({
      %run_scoped3A = tpu.sem_alloc : memref<!tpu.dma_semaphore, #tpu.memory_space<semaphore_mem>>
      %dma_start3A_122 = arith.constant 0 : i32
      %dma_start3A_123 = arith.constant 0 : i32
      %dma_start3A_124 = tpu.memref_slice %arg7[%add3A, %dma_start3A_122, %dma_start3A_123] : memref<32x40x128xi32, #tpu.memory_space<hbm>> -> memref<1x40x128xi32, #tpu.memory_space<hbm>>
      %dma_start3A_125 = tpu.memref_squeeze %dma_start3A_124 : memref<1x40x128xi32, #tpu.memory_space<hbm>> -> memref<40x128xi32, #tpu.memory_space<hbm>>
      %dma_start3A_126 = arith.constant 0 : i32
      %dma_start3A_127 = arith.constant 0 : i32
      %dma_start3A_128 = tpu.memref_slice %arg7[%add3A, %dma_start3A_126, %dma_start3A_127] : memref<32x40x128xi32, #tpu.memory_space<hbm>> -> memref<1x40x128xi32, #tpu.memory_space<hbm>>
      %dma_start3A_129 = tpu.memref_squeeze %dma_start3A_128 : memref<1x40x128xi32, #tpu.memory_space<hbm>> -> memref<40x128xi32, #tpu.memory_space<hbm>>
      tpu.enqueue_dma source(%dma_start3A_129 : memref<40x128xi32, #tpu.memory_space<hbm>>) target(%arg11 : memref<40x128xi32, #tpu.memory_space<vmem>>) target_semaphore(%run_scoped3A : memref<!tpu.dma_semaphore, #tpu.memory_space<semaphore_mem>>)
      %dma_wait3A_130 = arith.constant 0 : i32
      %dma_wait3A_131 = arith.constant 0 : i32
      %dma_wait3A_132 = tpu.memref_slice %arg7[%add3A, %dma_wait3A_130, %dma_wait3A_131] : memref<32x40x128xi32, #tpu.memory_space<hbm>> -> memref<1x40x128xi32, #tpu.memory_space<hbm>>
      %dma_wait3A_133 = tpu.memref_squeeze %dma_wait3A_132 : memref<1x40x128xi32, #tpu.memory_space<hbm>> -> memref<40x128xi32, #tpu.memory_space<hbm>>
      %dma_wait3A_134 = arith.constant 0 : i32
      %dma_wait3A_135 = arith.constant 0 : i32
      %dma_wait3A_136 = tpu.memref_slice %arg7[%add3A, %dma_wait3A_134, %dma_wait3A_135] : memref<32x40x128xi32, #tpu.memory_space<hbm>> -> memref<1x40x128xi32, #tpu.memory_space<hbm>>
      %dma_wait3A_137 = tpu.memref_squeeze %dma_wait3A_136 : memref<1x40x128xi32, #tpu.memory_space<hbm>> -> memref<40x128xi32, #tpu.memory_space<hbm>>
      tpu.wait_dma2 semaphore(%run_scoped3A : memref<!tpu.dma_semaphore, #tpu.memory_space<semaphore_mem>>) src(%dma_wait3A_137 : memref<40x128xi32, #tpu.memory_space<hbm>>) dst(%arg11 : memref<40x128xi32, #tpu.memory_space<vmem>>)
      tpu.yield
    }) : () -> ()
    %eq3A = arith.constant 0 : i32
    %eq3A_1 = arith.cmpi eq, %arg1, %eq3A : i32
    %convert_element_type3A = arith.extui %eq3A_1 : i1 to i32
    %cond3A = arith.constant 0 : i32
    %cond3A_2 = arith.cmpi ne, %convert_element_type3A, %cond3A : i32
    scf.if %cond3A_2 {
      "tpu.region"() ({
        %run_scoped3A = tpu.sem_alloc : memref<!tpu.dma_semaphore, #tpu.memory_space<semaphore_mem>>
        tpu.enqueue_dma source(%arg8 : memref<10240x128xf32, #tpu.memory_space<hbm>>) target(%arg17 : memref<10240x128xf32, #tpu.memory_space<vmem_shared>>) target_semaphore(%run_scoped3A : memref<!tpu.dma_semaphore, #tpu.memory_space<semaphore_mem>>)
        tpu.wait_dma2 semaphore(%run_scoped3A : memref<!tpu.dma_semaphore, #tpu.memory_space<semaphore_mem>>) src(%arg8 : memref<10240x128xf32, #tpu.memory_space<hbm>>) dst(%arg17 : memref<10240x128xf32, #tpu.memory_space<vmem_shared>>)
        tpu.yield
      }) : () -> ()
    } else {
    }
    %barrier3A = arith.constant 0 : index
    tpu.barrier barrier_id(%barrier3A)
    %dma_start3A = arith.constant 0 : i32
    %dma_start3A_3 = arith.constant 0 : i32
    %dma_start3A_4 = tpu.memref_slice %arg10[%dma_start3A, %dma_start3A_3] : memref<40x128xi32, #tpu.memory_space<vmem>> -> memref<1x128xi32, #tpu.memory_space<vmem>>
    %dma_start3A_5 = tpu.memref_squeeze %dma_start3A_4 : memref<1x128xi32, #tpu.memory_space<vmem>> -> memref<128xi32, #tpu.memory_space<vmem>>
    %dma_start3A_6 = arith.constant 0 : i32
    %dma_start3A_7 = arith.constant 0 : i32
    %dma_start3A_8 = tpu.memref_slice %arg2[%dma_start3A_6, %dma_start3A_7] : memref<10240x128xf32, #tpu.memory_space<hbm>> -> memref<10240x128xf32, #tpu.memory_space<hbm>>
    tpu.enqueue_indirect_dma source(%dma_start3A_8 : memref<10240x128xf32, #tpu.memory_space<hbm>>) target(%arg12 : memref<128x128xf32, #tpu.memory_space<vmem>>) offsets(%dma_start3A_5 : memref<128xi32, #tpu.memory_space<vmem>>) semaphore(%arg14 : memref<!tpu.dma_semaphore, #tpu.memory_space<semaphore_mem>>)
    %scan3A = arith.constant 0 : i32
    %scan3A_9 = arith.constant 20 : i32
    %scan3A_10 = arith.addi %scan3A, %scan3A_9 : i32
    %scan3A_11 = arith.constant 1 : i32
    scf.for %scan3A_122 = %scan3A to %scan3A_10 step %scan3A_11  : i32 {
      %mul3A_123 = arith.constant 1 : i32
      %mul3A_124 = arith.muli %scan3A_122, %mul3A_123 : i32
      %add3A_125 = arith.constant 0 : i32
      %add3A_126 = arith.addi %add3A_125, %mul3A_124 : i32
      %mul3A_127 = arith.constant 2 : i32
      %mul3A_128 = arith.muli %add3A_126, %mul3A_127 : i32
      %add3A_129 = arith.constant 1 : i32
      %add3A_130 = arith.addi %mul3A_128, %add3A_129 : i32
      %dma_wait3A_131 = arith.constant 0 : i32
      %dma_wait3A_132 = tpu.memref_slice %arg10[%mul3A_128, %dma_wait3A_131] : memref<40x128xi32, #tpu.memory_space<vmem>> -> memref<1x128xi32, #tpu.memory_space<vmem>>
      %dma_wait3A_133 = tpu.memref_squeeze %dma_wait3A_132 : memref<1x128xi32, #tpu.memory_space<vmem>> -> memref<128xi32, #tpu.memory_space<vmem>>
      %dma_wait3A_134 = arith.constant 0 : i32
      %dma_wait3A_135 = arith.constant 0 : i32
      %dma_wait3A_136 = tpu.memref_slice %arg2[%dma_wait3A_134, %dma_wait3A_135] : memref<10240x128xf32, #tpu.memory_space<hbm>> -> memref<10240x128xf32, #tpu.memory_space<hbm>>
      tpu.wait_indirect_dma semaphore(%arg14 : memref<!tpu.dma_semaphore, #tpu.memory_space<semaphore_mem>>) src(%dma_wait3A_136 : memref<10240x128xf32, #tpu.memory_space<hbm>>) dst(%arg12 : memref<128x128xf32, #tpu.memory_space<vmem>>)
      %dma_start3A_137 = arith.constant 0 : i32
      %dma_start3A_138 = tpu.memref_slice %arg10[%add3A_130, %dma_start3A_137] : memref<40x128xi32, #tpu.memory_space<vmem>> -> memref<1x128xi32, #tpu.memory_space<vmem>>
      %dma_start3A_139 = tpu.memref_squeeze %dma_start3A_138 : memref<1x128xi32, #tpu.memory_space<vmem>> -> memref<128xi32, #tpu.memory_space<vmem>>
      %dma_start3A_140 = arith.constant 0 : i32
      %dma_start3A_141 = arith.constant 0 : i32
      %dma_start3A_142 = tpu.memref_slice %arg2[%dma_start3A_140, %dma_start3A_141] : memref<10240x128xf32, #tpu.memory_space<hbm>> -> memref<10240x128xf32, #tpu.memory_space<hbm>>
      tpu.enqueue_indirect_dma source(%dma_start3A_142 : memref<10240x128xf32, #tpu.memory_space<hbm>>) target(%arg13 : memref<128x128xf32, #tpu.memory_space<vmem>>) offsets(%dma_start3A_139 : memref<128xi32, #tpu.memory_space<vmem>>) semaphore(%arg15 : memref<!tpu.dma_semaphore, #tpu.memory_space<semaphore_mem>>)
      %dma_start3A_143 = arith.constant 0 : i32
      %dma_start3A_144 = tpu.memref_slice %arg11[%mul3A_128, %dma_start3A_143] : memref<40x128xi32, #tpu.memory_space<vmem>> -> memref<1x128xi32, #tpu.memory_space<vmem>>
      %dma_start3A_145 = tpu.memref_squeeze %dma_start3A_144 : memref<1x128xi32, #tpu.memory_space<vmem>> -> memref<128xi32, #tpu.memory_space<vmem>>
      %dma_start3A_146 = arith.constant 0 : i32
      %dma_start3A_147 = arith.constant 0 : i32
      %dma_start3A_148 = tpu.memref_slice %arg17[%dma_start3A_146, %dma_start3A_147] : memref<10240x128xf32, #tpu.memory_space<vmem_shared>> -> memref<10240x128xf32, #tpu.memory_space<vmem_shared>>
      tpu.enqueue_indirect_dma source(%arg12 : memref<128x128xf32, #tpu.memory_space<vmem>>) target(%dma_start3A_148 : memref<10240x128xf32, #tpu.memory_space<vmem_shared>>) offsets(%dma_start3A_145 : memref<128xi32, #tpu.memory_space<vmem>>) semaphore(%arg16 : memref<!tpu.dma_semaphore, #tpu.memory_space<semaphore_mem>>) {add = true}
      %dma_wait3A_149 = arith.constant 0 : i32
      %dma_wait3A_150 = tpu.memref_slice %arg11[%mul3A_128, %dma_wait3A_149] : memref<40x128xi32, #tpu.memory_space<vmem>> -> memref<1x128xi32, #tpu.memory_space<vmem>>
      %dma_wait3A_151 = tpu.memref_squeeze %dma_wait3A_150 : memref<1x128xi32, #tpu.memory_space<vmem>> -> memref<128xi32, #tpu.memory_space<vmem>>
      %dma_wait3A_152 = arith.constant 0 : i32
      %dma_wait3A_153 = arith.constant 0 : i32
      %dma_wait3A_154 = tpu.memref_slice %arg17[%dma_wait3A_152, %dma_wait3A_153] : memref<10240x128xf32, #tpu.memory_space<vmem_shared>> -> memref<10240x128xf32, #tpu.memory_space<vmem_shared>>
      tpu.wait_indirect_dma semaphore(%arg16 : memref<!tpu.dma_semaphore, #tpu.memory_space<semaphore_mem>>) src(%arg12 : memref<128x128xf32, #tpu.memory_space<vmem>>) dst(%dma_wait3A_154 : memref<10240x128xf32, #tpu.memory_space<vmem_shared>>)
      %dma_wait3A_155 = arith.constant 0 : i32
      %dma_wait3A_156 = tpu.memref_slice %arg10[%add3A_130, %dma_wait3A_155] : memref<40x128xi32, #tpu.memory_space<vmem>> -> memref<1x128xi32, #tpu.memory_space<vmem>>
      %dma_wait3A_157 = tpu.memref_squeeze %dma_wait3A_156 : memref<1x128xi32, #tpu.memory_space<vmem>> -> memref<128xi32, #tpu.memory_space<vmem>>
      %dma_wait3A_158 = arith.constant 0 : i32
      %dma_wait3A_159 = arith.constant 0 : i32
      %dma_wait3A_160 = tpu.memref_slice %arg2[%dma_wait3A_158, %dma_wait3A_159] : memref<10240x128xf32, #tpu.memory_space<hbm>> -> memref<10240x128xf32, #tpu.memory_space<hbm>>
      tpu.wait_indirect_dma semaphore(%arg15 : memref<!tpu.dma_semaphore, #tpu.memory_space<semaphore_mem>>) src(%dma_wait3A_160 : memref<10240x128xf32, #tpu.memory_space<hbm>>) dst(%arg13 : memref<128x128xf32, #tpu.memory_space<vmem>>)
      %add3A_161 = arith.constant 2 : i32
      %add3A_162 = arith.addi %mul3A_128, %add3A_161 : i32
      %min3A = arith.constant 39 : i32
      %min3A_163 = arith.minsi %add3A_162, %min3A : i32
      %dma_start3A_164 = arith.constant 0 : i32
      %dma_start3A_165 = tpu.memref_slice %arg10[%min3A_163, %dma_start3A_164] : memref<40x128xi32, #tpu.memory_space<vmem>> -> memref<1x128xi32, #tpu.memory_space<vmem>>
      %dma_start3A_166 = tpu.memref_squeeze %dma_start3A_165 : memref<1x128xi32, #tpu.memory_space<vmem>> -> memref<128xi32, #tpu.memory_space<vmem>>
      %dma_start3A_167 = arith.constant 0 : i32
      %dma_start3A_168 = arith.constant 0 : i32
      %dma_start3A_169 = tpu.memref_slice %arg2[%dma_start3A_167, %dma_start3A_168] : memref<10240x128xf32, #tpu.memory_space<hbm>> -> memref<10240x128xf32, #tpu.memory_space<hbm>>
      tpu.enqueue_indirect_dma source(%dma_start3A_169 : memref<10240x128xf32, #tpu.memory_space<hbm>>) target(%arg12 : memref<128x128xf32, #tpu.memory_space<vmem>>) offsets(%dma_start3A_166 : memref<128xi32, #tpu.memory_space<vmem>>) semaphore(%arg14 : memref<!tpu.dma_semaphore, #tpu.memory_space<semaphore_mem>>)
      %dma_start3A_170 = arith.constant 0 : i32
      %dma_start3A_171 = tpu.memref_slice %arg11[%add3A_130, %dma_start3A_170] : memref<40x128xi32, #tpu.memory_space<vmem>> -> memref<1x128xi32, #tpu.memory_space<vmem>>
      %dma_start3A_172 = tpu.memref_squeeze %dma_start3A_171 : memref<1x128xi32, #tpu.memory_space<vmem>> -> memref<128xi32, #tpu.memory_space<vmem>>
      %dma_start3A_173 = arith.constant 0 : i32
      %dma_start3A_174 = arith.constant 0 : i32
      %dma_start3A_175 = tpu.memref_slice %arg17[%dma_start3A_173, %dma_start3A_174] : memref<10240x128xf32, #tpu.memory_space<vmem_shared>> -> memref<10240x128xf32, #tpu.memory_space<vmem_shared>>
      tpu.enqueue_indirect_dma source(%arg13 : memref<128x128xf32, #tpu.memory_space<vmem>>) target(%dma_start3A_175 : memref<10240x128xf32, #tpu.memory_space<vmem_shared>>) offsets(%dma_start3A_172 : memref<128xi32, #tpu.memory_space<vmem>>) semaphore(%arg16 : memref<!tpu.dma_semaphore, #tpu.memory_space<semaphore_mem>>) {add = true}
      %dma_wait3A_176 = arith.constant 0 : i32
      %dma_wait3A_177 = tpu.memref_slice %arg11[%add3A_130, %dma_wait3A_176] : memref<40x128xi32, #tpu.memory_space<vmem>> -> memref<1x128xi32, #tpu.memory_space<vmem>>
      %dma_wait3A_178 = tpu.memref_squeeze %dma_wait3A_177 : memref<1x128xi32, #tpu.memory_space<vmem>> -> memref<128xi32, #tpu.memory_space<vmem>>
      %dma_wait3A_179 = arith.constant 0 : i32
      %dma_wait3A_180 = arith.constant 0 : i32
      %dma_wait3A_181 = tpu.memref_slice %arg17[%dma_wait3A_179, %dma_wait3A_180] : memref<10240x128xf32, #tpu.memory_space<vmem_shared>> -> memref<10240x128xf32, #tpu.memory_space<vmem_shared>>
      tpu.wait_indirect_dma semaphore(%arg16 : memref<!tpu.dma_semaphore, #tpu.memory_space<semaphore_mem>>) src(%arg13 : memref<128x128xf32, #tpu.memory_space<vmem>>) dst(%dma_wait3A_181 : memref<10240x128xf32, #tpu.memory_space<vmem_shared>>)
    }
    %scan3A_12 = arith.constant 20 : i32
    %dma_wait3A = arith.constant 0 : i32
    %dma_wait3A_13 = arith.constant 0 : i32
    %dma_wait3A_14 = tpu.memref_slice %arg10[%dma_wait3A, %dma_wait3A_13] : memref<40x128xi32, #tpu.memory_space<vmem>> -> memref<1x128xi32, #tpu.memory_space<vmem>>
    %dma_wait3A_15 = tpu.memref_squeeze %dma_wait3A_14 : memref<1x128xi32, #tpu.memory_space<vmem>> -> memref<128xi32, #tpu.memory_space<vmem>>
    %dma_wait3A_16 = arith.constant 0 : i32
    %dma_wait3A_17 = arith.constant 0 : i32
    %dma_wait3A_18 = tpu.memref_slice %arg2[%dma_wait3A_16, %dma_wait3A_17] : memref<10240x128xf32, #tpu.memory_space<hbm>> -> memref<10240x128xf32, #tpu.memory_space<hbm>>
    tpu.wait_indirect_dma semaphore(%arg14 : memref<!tpu.dma_semaphore, #tpu.memory_space<semaphore_mem>>) src(%dma_wait3A_18 : memref<10240x128xf32, #tpu.memory_space<hbm>>) dst(%arg12 : memref<128x128xf32, #tpu.memory_space<vmem>>)
    %barrier3A_19 = arith.constant 0 : index
    tpu.barrier barrier_id(%barrier3A_19)
    %eq3A_20 = arith.constant 0 : i32
    %eq3A_21 = arith.cmpi eq, %arg1, %eq3A_20 : i32
    %convert_element_type3A_22 = arith.extui %eq3A_21 : i1 to i32
    %cond3A_23 = arith.constant 0 : i32
    %cond3A_24 = arith.cmpi ne, %convert_element_type3A_22, %cond3A_23 : i32
    scf.if %cond3A_24 {
      %run_scoped3A = arith.constant 0 : i32
      "tpu.region"() ({
        %run_scoped3A_122 = tpu.sem_alloc : memref<!tpu.dma_semaphore, #tpu.memory_space<semaphore_mem>>
        %dma_start3A_123 = arith.constant 0 : i32
        %dma_start3A_124 = arith.constant 0 : i32
        %dma_start3A_125 = arith.constant 0 : i32
        %dma_start3A_126 = tpu.memref_slice %arg9[%arg0, %dma_start3A_123, %dma_start3A_124, %dma_start3A_125] : memref<2x4x10240x128xf32, #tpu.memory_space<hbm>> -> memref<1x4x10240x128xf32, #tpu.memory_space<hbm>>
        %dma_start3A_127 = tpu.memref_squeeze %dma_start3A_126 : memref<1x4x10240x128xf32, #tpu.memory_space<hbm>> -> memref<4x10240x128xf32, #tpu.memory_space<hbm>>
        %dma_start3A_128 = arith.constant 0 : i32
        %dma_start3A_129 = arith.constant 0 : i32
        %dma_start3A_130 = tpu.memref_slice %dma_start3A_127[%run_scoped3A, %dma_start3A_128, %dma_start3A_129] : memref<4x10240x128xf32, #tpu.memory_space<hbm>> -> memref<1x10240x128xf32, #tpu.memory_space<hbm>>
        %dma_start3A_131 = tpu.memref_squeeze %dma_start3A_130 : memref<1x10240x128xf32, #tpu.memory_space<hbm>> -> memref<10240x128xf32, #tpu.memory_space<hbm>>
        tpu.enqueue_dma source(%arg17 : memref<10240x128xf32, #tpu.memory_space<vmem_shared>>) target(%dma_start3A_131 : memref<10240x128xf32, #tpu.memory_space<hbm>>) target_semaphore(%run_scoped3A_122 : memref<!tpu.dma_semaphore, #tpu.memory_space<semaphore_mem>>)
        %dma_wait3A_132 = arith.constant 0 : i32
        %dma_wait3A_133 = arith.constant 0 : i32
        %dma_wait3A_134 = arith.constant 0 : i32
        %dma_wait3A_135 = tpu.memref_slice %arg9[%arg0, %dma_wait3A_132, %dma_wait3A_133, %dma_wait3A_134] : memref<2x4x10240x128xf32, #tpu.memory_space<hbm>> -> memref<1x4x10240x128xf32, #tpu.memory_space<hbm>>
        %dma_wait3A_136 = tpu.memref_squeeze %dma_wait3A_135 : memref<1x4x10240x128xf32, #tpu.memory_space<hbm>> -> memref<4x10240x128xf32, #tpu.memory_space<hbm>>
        %dma_wait3A_137 = arith.constant 0 : i32
        %dma_wait3A_138 = arith.constant 0 : i32
        %dma_wait3A_139 = tpu.memref_slice %dma_wait3A_136[%run_scoped3A, %dma_wait3A_137, %dma_wait3A_138] : memref<4x10240x128xf32, #tpu.memory_space<hbm>> -> memref<1x10240x128xf32, #tpu.memory_space<hbm>>
        %dma_wait3A_140 = tpu.memref_squeeze %dma_wait3A_139 : memref<1x10240x128xf32, #tpu.memory_space<hbm>> -> memref<10240x128xf32, #tpu.memory_space<hbm>>
        tpu.wait_dma2 semaphore(%run_scoped3A_122 : memref<!tpu.dma_semaphore, #tpu.memory_space<semaphore_mem>>) src(%arg17 : memref<10240x128xf32, #tpu.memory_space<vmem_shared>>) dst(%dma_wait3A_140 : memref<10240x128xf32, #tpu.memory_space<hbm>>)
        tpu.yield
      }) : () -> ()
    } else {
    }
    %barrier3A_25 = arith.constant 0 : index
    tpu.barrier barrier_id(%barrier3A_25)
    %eq3A_26 = arith.constant 0 : i32
    %eq3A_27 = arith.cmpi eq, %arg1, %eq3A_26 : i32
    %convert_element_type3A_28 = arith.extui %eq3A_27 : i1 to i32
    %cond3A_29 = arith.constant 0 : i32
    %cond3A_30 = arith.cmpi ne, %convert_element_type3A_28, %cond3A_29 : i32
    scf.if %cond3A_30 {
      "tpu.region"() ({
        %run_scoped3A = tpu.sem_alloc : memref<!tpu.dma_semaphore, #tpu.memory_space<semaphore_mem>>
        tpu.enqueue_dma source(%arg8 : memref<10240x128xf32, #tpu.memory_space<hbm>>) target(%arg17 : memref<10240x128xf32, #tpu.memory_space<vmem_shared>>) target_semaphore(%run_scoped3A : memref<!tpu.dma_semaphore, #tpu.memory_space<semaphore_mem>>)
        tpu.wait_dma2 semaphore(%run_scoped3A : memref<!tpu.dma_semaphore, #tpu.memory_space<semaphore_mem>>) src(%arg8 : memref<10240x128xf32, #tpu.memory_space<hbm>>) dst(%arg17 : memref<10240x128xf32, #tpu.memory_space<vmem_shared>>)
        tpu.yield
      }) : () -> ()
    } else {
    }
    %barrier3A_31 = arith.constant 0 : index
    tpu.barrier barrier_id(%barrier3A_31)
    %dma_start3A_32 = arith.constant 0 : i32
    %dma_start3A_33 = arith.constant 0 : i32
    %dma_start3A_34 = tpu.memref_slice %arg10[%dma_start3A_32, %dma_start3A_33] : memref<40x128xi32, #tpu.memory_space<vmem>> -> memref<1x128xi32, #tpu.memory_space<vmem>>
    %dma_start3A_35 = tpu.memref_squeeze %dma_start3A_34 : memref<1x128xi32, #tpu.memory_space<vmem>> -> memref<128xi32, #tpu.memory_space<vmem>>
    %dma_start3A_36 = arith.constant 0 : i32
    %dma_start3A_37 = arith.constant 0 : i32
    %dma_start3A_38 = tpu.memref_slice %arg3[%dma_start3A_36, %dma_start3A_37] : memref<10240x128xf32, #tpu.memory_space<hbm>> -> memref<10240x128xf32, #tpu.memory_space<hbm>>
    tpu.enqueue_indirect_dma source(%dma_start3A_38 : memref<10240x128xf32, #tpu.memory_space<hbm>>) target(%arg12 : memref<128x128xf32, #tpu.memory_space<vmem>>) offsets(%dma_start3A_35 : memref<128xi32, #tpu.memory_space<vmem>>) semaphore(%arg14 : memref<!tpu.dma_semaphore, #tpu.memory_space<semaphore_mem>>)
    %scan3A_39 = arith.constant 0 : i32
    %scan3A_40 = arith.constant 20 : i32
    %scan3A_41 = arith.addi %scan3A_39, %scan3A_40 : i32
    %scan3A_42 = arith.constant 1 : i32
    scf.for %scan3A_122 = %scan3A_39 to %scan3A_41 step %scan3A_42  : i32 {
      %mul3A_123 = arith.constant 1 : i32
      %mul3A_124 = arith.muli %scan3A_122, %mul3A_123 : i32
      %add3A_125 = arith.constant 0 : i32
      %add3A_126 = arith.addi %add3A_125, %mul3A_124 : i32
      %mul3A_127 = arith.constant 2 : i32
      %mul3A_128 = arith.muli %add3A_126, %mul3A_127 : i32
      %add3A_129 = arith.constant 1 : i32
      %add3A_130 = arith.addi %mul3A_128, %add3A_129 : i32
      %dma_wait3A_131 = arith.constant 0 : i32
      %dma_wait3A_132 = tpu.memref_slice %arg10[%mul3A_128, %dma_wait3A_131] : memref<40x128xi32, #tpu.memory_space<vmem>> -> memref<1x128xi32, #tpu.memory_space<vmem>>
      %dma_wait3A_133 = tpu.memref_squeeze %dma_wait3A_132 : memref<1x128xi32, #tpu.memory_space<vmem>> -> memref<128xi32, #tpu.memory_space<vmem>>
      %dma_wait3A_134 = arith.constant 0 : i32
      %dma_wait3A_135 = arith.constant 0 : i32
      %dma_wait3A_136 = tpu.memref_slice %arg3[%dma_wait3A_134, %dma_wait3A_135] : memref<10240x128xf32, #tpu.memory_space<hbm>> -> memref<10240x128xf32, #tpu.memory_space<hbm>>
      tpu.wait_indirect_dma semaphore(%arg14 : memref<!tpu.dma_semaphore, #tpu.memory_space<semaphore_mem>>) src(%dma_wait3A_136 : memref<10240x128xf32, #tpu.memory_space<hbm>>) dst(%arg12 : memref<128x128xf32, #tpu.memory_space<vmem>>)
      %dma_start3A_137 = arith.constant 0 : i32
      %dma_start3A_138 = tpu.memref_slice %arg10[%add3A_130, %dma_start3A_137] : memref<40x128xi32, #tpu.memory_space<vmem>> -> memref<1x128xi32, #tpu.memory_space<vmem>>
      %dma_start3A_139 = tpu.memref_squeeze %dma_start3A_138 : memref<1x128xi32, #tpu.memory_space<vmem>> -> memref<128xi32, #tpu.memory_space<vmem>>
      %dma_start3A_140 = arith.constant 0 : i32
      %dma_start3A_141 = arith.constant 0 : i32
      %dma_start3A_142 = tpu.memref_slice %arg3[%dma_start3A_140, %dma_start3A_141] : memref<10240x128xf32, #tpu.memory_space<hbm>> -> memref<10240x128xf32, #tpu.memory_space<hbm>>
      tpu.enqueue_indirect_dma source(%dma_start3A_142 : memref<10240x128xf32, #tpu.memory_space<hbm>>) target(%arg13 : memref<128x128xf32, #tpu.memory_space<vmem>>) offsets(%dma_start3A_139 : memref<128xi32, #tpu.memory_space<vmem>>) semaphore(%arg15 : memref<!tpu.dma_semaphore, #tpu.memory_space<semaphore_mem>>)
      %dma_start3A_143 = arith.constant 0 : i32
      %dma_start3A_144 = tpu.memref_slice %arg11[%mul3A_128, %dma_start3A_143] : memref<40x128xi32, #tpu.memory_space<vmem>> -> memref<1x128xi32, #tpu.memory_space<vmem>>
      %dma_start3A_145 = tpu.memref_squeeze %dma_start3A_144 : memref<1x128xi32, #tpu.memory_space<vmem>> -> memref<128xi32, #tpu.memory_space<vmem>>
      %dma_start3A_146 = arith.constant 0 : i32
      %dma_start3A_147 = arith.constant 0 : i32
      %dma_start3A_148 = tpu.memref_slice %arg17[%dma_start3A_146, %dma_start3A_147] : memref<10240x128xf32, #tpu.memory_space<vmem_shared>> -> memref<10240x128xf32, #tpu.memory_space<vmem_shared>>
      tpu.enqueue_indirect_dma source(%arg12 : memref<128x128xf32, #tpu.memory_space<vmem>>) target(%dma_start3A_148 : memref<10240x128xf32, #tpu.memory_space<vmem_shared>>) offsets(%dma_start3A_145 : memref<128xi32, #tpu.memory_space<vmem>>) semaphore(%arg16 : memref<!tpu.dma_semaphore, #tpu.memory_space<semaphore_mem>>) {add = true}
      %dma_wait3A_149 = arith.constant 0 : i32
      %dma_wait3A_150 = tpu.memref_slice %arg11[%mul3A_128, %dma_wait3A_149] : memref<40x128xi32, #tpu.memory_space<vmem>> -> memref<1x128xi32, #tpu.memory_space<vmem>>
      %dma_wait3A_151 = tpu.memref_squeeze %dma_wait3A_150 : memref<1x128xi32, #tpu.memory_space<vmem>> -> memref<128xi32, #tpu.memory_space<vmem>>
      %dma_wait3A_152 = arith.constant 0 : i32
      %dma_wait3A_153 = arith.constant 0 : i32
      %dma_wait3A_154 = tpu.memref_slice %arg17[%dma_wait3A_152, %dma_wait3A_153] : memref<10240x128xf32, #tpu.memory_space<vmem_shared>> -> memref<10240x128xf32, #tpu.memory_space<vmem_shared>>
      tpu.wait_indirect_dma semaphore(%arg16 : memref<!tpu.dma_semaphore, #tpu.memory_space<semaphore_mem>>) src(%arg12 : memref<128x128xf32, #tpu.memory_space<vmem>>) dst(%dma_wait3A_154 : memref<10240x128xf32, #tpu.memory_space<vmem_shared>>)
      %dma_wait3A_155 = arith.constant 0 : i32
      %dma_wait3A_156 = tpu.memref_slice %arg10[%add3A_130, %dma_wait3A_155] : memref<40x128xi32, #tpu.memory_space<vmem>> -> memref<1x128xi32, #tpu.memory_space<vmem>>
      %dma_wait3A_157 = tpu.memref_squeeze %dma_wait3A_156 : memref<1x128xi32, #tpu.memory_space<vmem>> -> memref<128xi32, #tpu.memory_space<vmem>>
      %dma_wait3A_158 = arith.constant 0 : i32
      %dma_wait3A_159 = arith.constant 0 : i32
      %dma_wait3A_160 = tpu.memref_slice %arg3[%dma_wait3A_158, %dma_wait3A_159] : memref<10240x128xf32, #tpu.memory_space<hbm>> -> memref<10240x128xf32, #tpu.memory_space<hbm>>
      tpu.wait_indirect_dma semaphore(%arg15 : memref<!tpu.dma_semaphore, #tpu.memory_space<semaphore_mem>>) src(%dma_wait3A_160 : memref<10240x128xf32, #tpu.memory_space<hbm>>) dst(%arg13 : memref<128x128xf32, #tpu.memory_space<vmem>>)
      %add3A_161 = arith.constant 2 : i32
      %add3A_162 = arith.addi %mul3A_128, %add3A_161 : i32
      %min3A = arith.constant 39 : i32
      %min3A_163 = arith.minsi %add3A_162, %min3A : i32
      %dma_start3A_164 = arith.constant 0 : i32
      %dma_start3A_165 = tpu.memref_slice %arg10[%min3A_163, %dma_start3A_164] : memref<40x128xi32, #tpu.memory_space<vmem>> -> memref<1x128xi32, #tpu.memory_space<vmem>>
      %dma_start3A_166 = tpu.memref_squeeze %dma_start3A_165 : memref<1x128xi32, #tpu.memory_space<vmem>> -> memref<128xi32, #tpu.memory_space<vmem>>
      %dma_start3A_167 = arith.constant 0 : i32
      %dma_start3A_168 = arith.constant 0 : i32
      %dma_start3A_169 = tpu.memref_slice %arg3[%dma_start3A_167, %dma_start3A_168] : memref<10240x128xf32, #tpu.memory_space<hbm>> -> memref<10240x128xf32, #tpu.memory_space<hbm>>
      tpu.enqueue_indirect_dma source(%dma_start3A_169 : memref<10240x128xf32, #tpu.memory_space<hbm>>) target(%arg12 : memref<128x128xf32, #tpu.memory_space<vmem>>) offsets(%dma_start3A_166 : memref<128xi32, #tpu.memory_space<vmem>>) semaphore(%arg14 : memref<!tpu.dma_semaphore, #tpu.memory_space<semaphore_mem>>)
      %dma_start3A_170 = arith.constant 0 : i32
      %dma_start3A_171 = tpu.memref_slice %arg11[%add3A_130, %dma_start3A_170] : memref<40x128xi32, #tpu.memory_space<vmem>> -> memref<1x128xi32, #tpu.memory_space<vmem>>
      %dma_start3A_172 = tpu.memref_squeeze %dma_start3A_171 : memref<1x128xi32, #tpu.memory_space<vmem>> -> memref<128xi32, #tpu.memory_space<vmem>>
      %dma_start3A_173 = arith.constant 0 : i32
      %dma_start3A_174 = arith.constant 0 : i32
      %dma_start3A_175 = tpu.memref_slice %arg17[%dma_start3A_173, %dma_start3A_174] : memref<10240x128xf32, #tpu.memory_space<vmem_shared>> -> memref<10240x128xf32, #tpu.memory_space<vmem_shared>>
      tpu.enqueue_indirect_dma source(%arg13 : memref<128x128xf32, #tpu.memory_space<vmem>>) target(%dma_start3A_175 : memref<10240x128xf32, #tpu.memory_space<vmem_shared>>) offsets(%dma_start3A_172 : memref<128xi32, #tpu.memory_space<vmem>>) semaphore(%arg16 : memref<!tpu.dma_semaphore, #tpu.memory_space<semaphore_mem>>) {add = true}
      %dma_wait3A_176 = arith.constant 0 : i32
      %dma_wait3A_177 = tpu.memref_slice %arg11[%add3A_130, %dma_wait3A_176] : memref<40x128xi32, #tpu.memory_space<vmem>> -> memref<1x128xi32, #tpu.memory_space<vmem>>
      %dma_wait3A_178 = tpu.memref_squeeze %dma_wait3A_177 : memref<1x128xi32, #tpu.memory_space<vmem>> -> memref<128xi32, #tpu.memory_space<vmem>>
      %dma_wait3A_179 = arith.constant 0 : i32
      %dma_wait3A_180 = arith.constant 0 : i32
      %dma_wait3A_181 = tpu.memref_slice %arg17[%dma_wait3A_179, %dma_wait3A_180] : memref<10240x128xf32, #tpu.memory_space<vmem_shared>> -> memref<10240x128xf32, #tpu.memory_space<vmem_shared>>
      tpu.wait_indirect_dma semaphore(%arg16 : memref<!tpu.dma_semaphore, #tpu.memory_space<semaphore_mem>>) src(%arg13 : memref<128x128xf32, #tpu.memory_space<vmem>>) dst(%dma_wait3A_181 : memref<10240x128xf32, #tpu.memory_space<vmem_shared>>)
    }
    %scan3A_43 = arith.constant 20 : i32
    %dma_wait3A_44 = arith.constant 0 : i32
    %dma_wait3A_45 = arith.constant 0 : i32
    %dma_wait3A_46 = tpu.memref_slice %arg10[%dma_wait3A_44, %dma_wait3A_45] : memref<40x128xi32, #tpu.memory_space<vmem>> -> memref<1x128xi32, #tpu.memory_space<vmem>>
    %dma_wait3A_47 = tpu.memref_squeeze %dma_wait3A_46 : memref<1x128xi32, #tpu.memory_space<vmem>> -> memref<128xi32, #tpu.memory_space<vmem>>
    %dma_wait3A_48 = arith.constant 0 : i32
    %dma_wait3A_49 = arith.constant 0 : i32
    %dma_wait3A_50 = tpu.memref_slice %arg3[%dma_wait3A_48, %dma_wait3A_49] : memref<10240x128xf32, #tpu.memory_space<hbm>> -> memref<10240x128xf32, #tpu.memory_space<hbm>>
    tpu.wait_indirect_dma semaphore(%arg14 : memref<!tpu.dma_semaphore, #tpu.memory_space<semaphore_mem>>) src(%dma_wait3A_50 : memref<10240x128xf32, #tpu.memory_space<hbm>>) dst(%arg12 : memref<128x128xf32, #tpu.memory_space<vmem>>)
    %barrier3A_51 = arith.constant 0 : index
    tpu.barrier barrier_id(%barrier3A_51)
    %eq3A_52 = arith.constant 0 : i32
    %eq3A_53 = arith.cmpi eq, %arg1, %eq3A_52 : i32
    %convert_element_type3A_54 = arith.extui %eq3A_53 : i1 to i32
    %cond3A_55 = arith.constant 0 : i32
    %cond3A_56 = arith.cmpi ne, %convert_element_type3A_54, %cond3A_55 : i32
    scf.if %cond3A_56 {
      %run_scoped3A = arith.constant 1 : i32
      "tpu.region"() ({
        %run_scoped3A_122 = tpu.sem_alloc : memref<!tpu.dma_semaphore, #tpu.memory_space<semaphore_mem>>
        %dma_start3A_123 = arith.constant 0 : i32
        %dma_start3A_124 = arith.constant 0 : i32
        %dma_start3A_125 = arith.constant 0 : i32
        %dma_start3A_126 = tpu.memref_slice %arg9[%arg0, %dma_start3A_123, %dma_start3A_124, %dma_start3A_125] : memref<2x4x10240x128xf32, #tpu.memory_space<hbm>> -> memref<1x4x10240x128xf32, #tpu.memory_space<hbm>>
        %dma_start3A_127 = tpu.memref_squeeze %dma_start3A_126 : memref<1x4x10240x128xf32, #tpu.memory_space<hbm>> -> memref<4x10240x128xf32, #tpu.memory_space<hbm>>
        %dma_start3A_128 = arith.constant 0 : i32
        %dma_start3A_129 = arith.constant 0 : i32
        %dma_start3A_130 = tpu.memref_slice %dma_start3A_127[%run_scoped3A, %dma_start3A_128, %dma_start3A_129] : memref<4x10240x128xf32, #tpu.memory_space<hbm>> -> memref<1x10240x128xf32, #tpu.memory_space<hbm>>
        %dma_start3A_131 = tpu.memref_squeeze %dma_start3A_130 : memref<1x10240x128xf32, #tpu.memory_space<hbm>> -> memref<10240x128xf32, #tpu.memory_space<hbm>>
        tpu.enqueue_dma source(%arg17 : memref<10240x128xf32, #tpu.memory_space<vmem_shared>>) target(%dma_start3A_131 : memref<10240x128xf32, #tpu.memory_space<hbm>>) target_semaphore(%run_scoped3A_122 : memref<!tpu.dma_semaphore, #tpu.memory_space<semaphore_mem>>)
        %dma_wait3A_132 = arith.constant 0 : i32
        %dma_wait3A_133 = arith.constant 0 : i32
        %dma_wait3A_134 = arith.constant 0 : i32
        %dma_wait3A_135 = tpu.memref_slice %arg9[%arg0, %dma_wait3A_132, %dma_wait3A_133, %dma_wait3A_134] : memref<2x4x10240x128xf32, #tpu.memory_space<hbm>> -> memref<1x4x10240x128xf32, #tpu.memory_space<hbm>>
        %dma_wait3A_136 = tpu.memref_squeeze %dma_wait3A_135 : memref<1x4x10240x128xf32, #tpu.memory_space<hbm>> -> memref<4x10240x128xf32, #tpu.memory_space<hbm>>
        %dma_wait3A_137 = arith.constant 0 : i32
        %dma_wait3A_138 = arith.constant 0 : i32
        %dma_wait3A_139 = tpu.memref_slice %dma_wait3A_136[%run_scoped3A, %dma_wait3A_137, %dma_wait3A_138] : memref<4x10240x128xf32, #tpu.memory_space<hbm>> -> memref<1x10240x128xf32, #tpu.memory_space<hbm>>
        %dma_wait3A_140 = tpu.memref_squeeze %dma_wait3A_139 : memref<1x10240x128xf32, #tpu.memory_space<hbm>> -> memref<10240x128xf32, #tpu.memory_space<hbm>>
        tpu.wait_dma2 semaphore(%run_scoped3A_122 : memref<!tpu.dma_semaphore, #tpu.memory_space<semaphore_mem>>) src(%arg17 : memref<10240x128xf32, #tpu.memory_space<vmem_shared>>) dst(%dma_wait3A_140 : memref<10240x128xf32, #tpu.memory_space<hbm>>)
        tpu.yield
      }) : () -> ()
    } else {
    }
    %barrier3A_57 = arith.constant 0 : index
    tpu.barrier barrier_id(%barrier3A_57)
    %eq3A_58 = arith.constant 0 : i32
    %eq3A_59 = arith.cmpi eq, %arg1, %eq3A_58 : i32
    %convert_element_type3A_60 = arith.extui %eq3A_59 : i1 to i32
    %cond3A_61 = arith.constant 0 : i32
    %cond3A_62 = arith.cmpi ne, %convert_element_type3A_60, %cond3A_61 : i32
    scf.if %cond3A_62 {
      "tpu.region"() ({
        %run_scoped3A = tpu.sem_alloc : memref<!tpu.dma_semaphore, #tpu.memory_space<semaphore_mem>>
        tpu.enqueue_dma source(%arg8 : memref<10240x128xf32, #tpu.memory_space<hbm>>) target(%arg17 : memref<10240x128xf32, #tpu.memory_space<vmem_shared>>) target_semaphore(%run_scoped3A : memref<!tpu.dma_semaphore, #tpu.memory_space<semaphore_mem>>)
        tpu.wait_dma2 semaphore(%run_scoped3A : memref<!tpu.dma_semaphore, #tpu.memory_space<semaphore_mem>>) src(%arg8 : memref<10240x128xf32, #tpu.memory_space<hbm>>) dst(%arg17 : memref<10240x128xf32, #tpu.memory_space<vmem_shared>>)
        tpu.yield
      }) : () -> ()
    } else {
    }
    %barrier3A_63 = arith.constant 0 : index
    tpu.barrier barrier_id(%barrier3A_63)
    %dma_start3A_64 = arith.constant 0 : i32
    %dma_start3A_65 = arith.constant 0 : i32
    %dma_start3A_66 = tpu.memref_slice %arg10[%dma_start3A_64, %dma_start3A_65] : memref<40x128xi32, #tpu.memory_space<vmem>> -> memref<1x128xi32, #tpu.memory_space<vmem>>
    %dma_start3A_67 = tpu.memref_squeeze %dma_start3A_66 : memref<1x128xi32, #tpu.memory_space<vmem>> -> memref<128xi32, #tpu.memory_space<vmem>>
    %dma_start3A_68 = arith.constant 0 : i32
    %dma_start3A_69 = arith.constant 0 : i32
    %dma_start3A_70 = tpu.memref_slice %arg4[%dma_start3A_68, %dma_start3A_69] : memref<10240x128xf32, #tpu.memory_space<hbm>> -> memref<10240x128xf32, #tpu.memory_space<hbm>>
    tpu.enqueue_indirect_dma source(%dma_start3A_70 : memref<10240x128xf32, #tpu.memory_space<hbm>>) target(%arg12 : memref<128x128xf32, #tpu.memory_space<vmem>>) offsets(%dma_start3A_67 : memref<128xi32, #tpu.memory_space<vmem>>) semaphore(%arg14 : memref<!tpu.dma_semaphore, #tpu.memory_space<semaphore_mem>>)
    %scan3A_71 = arith.constant 0 : i32
    %scan3A_72 = arith.constant 20 : i32
    %scan3A_73 = arith.addi %scan3A_71, %scan3A_72 : i32
    %scan3A_74 = arith.constant 1 : i32
    scf.for %scan3A_122 = %scan3A_71 to %scan3A_73 step %scan3A_74  : i32 {
      %mul3A_123 = arith.constant 1 : i32
      %mul3A_124 = arith.muli %scan3A_122, %mul3A_123 : i32
      %add3A_125 = arith.constant 0 : i32
      %add3A_126 = arith.addi %add3A_125, %mul3A_124 : i32
      %mul3A_127 = arith.constant 2 : i32
      %mul3A_128 = arith.muli %add3A_126, %mul3A_127 : i32
      %add3A_129 = arith.constant 1 : i32
      %add3A_130 = arith.addi %mul3A_128, %add3A_129 : i32
      %dma_wait3A_131 = arith.constant 0 : i32
      %dma_wait3A_132 = tpu.memref_slice %arg10[%mul3A_128, %dma_wait3A_131] : memref<40x128xi32, #tpu.memory_space<vmem>> -> memref<1x128xi32, #tpu.memory_space<vmem>>
      %dma_wait3A_133 = tpu.memref_squeeze %dma_wait3A_132 : memref<1x128xi32, #tpu.memory_space<vmem>> -> memref<128xi32, #tpu.memory_space<vmem>>
      %dma_wait3A_134 = arith.constant 0 : i32
      %dma_wait3A_135 = arith.constant 0 : i32
      %dma_wait3A_136 = tpu.memref_slice %arg4[%dma_wait3A_134, %dma_wait3A_135] : memref<10240x128xf32, #tpu.memory_space<hbm>> -> memref<10240x128xf32, #tpu.memory_space<hbm>>
      tpu.wait_indirect_dma semaphore(%arg14 : memref<!tpu.dma_semaphore, #tpu.memory_space<semaphore_mem>>) src(%dma_wait3A_136 : memref<10240x128xf32, #tpu.memory_space<hbm>>) dst(%arg12 : memref<128x128xf32, #tpu.memory_space<vmem>>)
      %dma_start3A_137 = arith.constant 0 : i32
      %dma_start3A_138 = tpu.memref_slice %arg10[%add3A_130, %dma_start3A_137] : memref<40x128xi32, #tpu.memory_space<vmem>> -> memref<1x128xi32, #tpu.memory_space<vmem>>
      %dma_start3A_139 = tpu.memref_squeeze %dma_start3A_138 : memref<1x128xi32, #tpu.memory_space<vmem>> -> memref<128xi32, #tpu.memory_space<vmem>>
      %dma_start3A_140 = arith.constant 0 : i32
      %dma_start3A_141 = arith.constant 0 : i32
      %dma_start3A_142 = tpu.memref_slice %arg4[%dma_start3A_140, %dma_start3A_141] : memref<10240x128xf32, #tpu.memory_space<hbm>> -> memref<10240x128xf32, #tpu.memory_space<hbm>>
      tpu.enqueue_indirect_dma source(%dma_start3A_142 : memref<10240x128xf32, #tpu.memory_space<hbm>>) target(%arg13 : memref<128x128xf32, #tpu.memory_space<vmem>>) offsets(%dma_start3A_139 : memref<128xi32, #tpu.memory_space<vmem>>) semaphore(%arg15 : memref<!tpu.dma_semaphore, #tpu.memory_space<semaphore_mem>>)
      %dma_start3A_143 = arith.constant 0 : i32
      %dma_start3A_144 = tpu.memref_slice %arg11[%mul3A_128, %dma_start3A_143] : memref<40x128xi32, #tpu.memory_space<vmem>> -> memref<1x128xi32, #tpu.memory_space<vmem>>
      %dma_start3A_145 = tpu.memref_squeeze %dma_start3A_144 : memref<1x128xi32, #tpu.memory_space<vmem>> -> memref<128xi32, #tpu.memory_space<vmem>>
      %dma_start3A_146 = arith.constant 0 : i32
      %dma_start3A_147 = arith.constant 0 : i32
      %dma_start3A_148 = tpu.memref_slice %arg17[%dma_start3A_146, %dma_start3A_147] : memref<10240x128xf32, #tpu.memory_space<vmem_shared>> -> memref<10240x128xf32, #tpu.memory_space<vmem_shared>>
      tpu.enqueue_indirect_dma source(%arg12 : memref<128x128xf32, #tpu.memory_space<vmem>>) target(%dma_start3A_148 : memref<10240x128xf32, #tpu.memory_space<vmem_shared>>) offsets(%dma_start3A_145 : memref<128xi32, #tpu.memory_space<vmem>>) semaphore(%arg16 : memref<!tpu.dma_semaphore, #tpu.memory_space<semaphore_mem>>) {add = true}
      %dma_wait3A_149 = arith.constant 0 : i32
      %dma_wait3A_150 = tpu.memref_slice %arg11[%mul3A_128, %dma_wait3A_149] : memref<40x128xi32, #tpu.memory_space<vmem>> -> memref<1x128xi32, #tpu.memory_space<vmem>>
      %dma_wait3A_151 = tpu.memref_squeeze %dma_wait3A_150 : memref<1x128xi32, #tpu.memory_space<vmem>> -> memref<128xi32, #tpu.memory_space<vmem>>
      %dma_wait3A_152 = arith.constant 0 : i32
      %dma_wait3A_153 = arith.constant 0 : i32
      %dma_wait3A_154 = tpu.memref_slice %arg17[%dma_wait3A_152, %dma_wait3A_153] : memref<10240x128xf32, #tpu.memory_space<vmem_shared>> -> memref<10240x128xf32, #tpu.memory_space<vmem_shared>>
      tpu.wait_indirect_dma semaphore(%arg16 : memref<!tpu.dma_semaphore, #tpu.memory_space<semaphore_mem>>) src(%arg12 : memref<128x128xf32, #tpu.memory_space<vmem>>) dst(%dma_wait3A_154 : memref<10240x128xf32, #tpu.memory_space<vmem_shared>>)
      %dma_wait3A_155 = arith.constant 0 : i32
      %dma_wait3A_156 = tpu.memref_slice %arg10[%add3A_130, %dma_wait3A_155] : memref<40x128xi32, #tpu.memory_space<vmem>> -> memref<1x128xi32, #tpu.memory_space<vmem>>
      %dma_wait3A_157 = tpu.memref_squeeze %dma_wait3A_156 : memref<1x128xi32, #tpu.memory_space<vmem>> -> memref<128xi32, #tpu.memory_space<vmem>>
      %dma_wait3A_158 = arith.constant 0 : i32
      %dma_wait3A_159 = arith.constant 0 : i32
      %dma_wait3A_160 = tpu.memref_slice %arg4[%dma_wait3A_158, %dma_wait3A_159] : memref<10240x128xf32, #tpu.memory_space<hbm>> -> memref<10240x128xf32, #tpu.memory_space<hbm>>
      tpu.wait_indirect_dma semaphore(%arg15 : memref<!tpu.dma_semaphore, #tpu.memory_space<semaphore_mem>>) src(%dma_wait3A_160 : memref<10240x128xf32, #tpu.memory_space<hbm>>) dst(%arg13 : memref<128x128xf32, #tpu.memory_space<vmem>>)
      %add3A_161 = arith.constant 2 : i32
      %add3A_162 = arith.addi %mul3A_128, %add3A_161 : i32
      %min3A = arith.constant 39 : i32
      %min3A_163 = arith.minsi %add3A_162, %min3A : i32
      %dma_start3A_164 = arith.constant 0 : i32
      %dma_start3A_165 = tpu.memref_slice %arg10[%min3A_163, %dma_start3A_164] : memref<40x128xi32, #tpu.memory_space<vmem>> -> memref<1x128xi32, #tpu.memory_space<vmem>>
      %dma_start3A_166 = tpu.memref_squeeze %dma_start3A_165 : memref<1x128xi32, #tpu.memory_space<vmem>> -> memref<128xi32, #tpu.memory_space<vmem>>
      %dma_start3A_167 = arith.constant 0 : i32
      %dma_start3A_168 = arith.constant 0 : i32
      %dma_start3A_169 = tpu.memref_slice %arg4[%dma_start3A_167, %dma_start3A_168] : memref<10240x128xf32, #tpu.memory_space<hbm>> -> memref<10240x128xf32, #tpu.memory_space<hbm>>
      tpu.enqueue_indirect_dma source(%dma_start3A_169 : memref<10240x128xf32, #tpu.memory_space<hbm>>) target(%arg12 : memref<128x128xf32, #tpu.memory_space<vmem>>) offsets(%dma_start3A_166 : memref<128xi32, #tpu.memory_space<vmem>>) semaphore(%arg14 : memref<!tpu.dma_semaphore, #tpu.memory_space<semaphore_mem>>)
      %dma_start3A_170 = arith.constant 0 : i32
      %dma_start3A_171 = tpu.memref_slice %arg11[%add3A_130, %dma_start3A_170] : memref<40x128xi32, #tpu.memory_space<vmem>> -> memref<1x128xi32, #tpu.memory_space<vmem>>
      %dma_start3A_172 = tpu.memref_squeeze %dma_start3A_171 : memref<1x128xi32, #tpu.memory_space<vmem>> -> memref<128xi32, #tpu.memory_space<vmem>>
      %dma_start3A_173 = arith.constant 0 : i32
      %dma_start3A_174 = arith.constant 0 : i32
      %dma_start3A_175 = tpu.memref_slice %arg17[%dma_start3A_173, %dma_start3A_174] : memref<10240x128xf32, #tpu.memory_space<vmem_shared>> -> memref<10240x128xf32, #tpu.memory_space<vmem_shared>>
      tpu.enqueue_indirect_dma source(%arg13 : memref<128x128xf32, #tpu.memory_space<vmem>>) target(%dma_start3A_175 : memref<10240x128xf32, #tpu.memory_space<vmem_shared>>) offsets(%dma_start3A_172 : memref<128xi32, #tpu.memory_space<vmem>>) semaphore(%arg16 : memref<!tpu.dma_semaphore, #tpu.memory_space<semaphore_mem>>) {add = true}
      %dma_wait3A_176 = arith.constant 0 : i32
      %dma_wait3A_177 = tpu.memref_slice %arg11[%add3A_130, %dma_wait3A_176] : memref<40x128xi32, #tpu.memory_space<vmem>> -> memref<1x128xi32, #tpu.memory_space<vmem>>
      %dma_wait3A_178 = tpu.memref_squeeze %dma_wait3A_177 : memref<1x128xi32, #tpu.memory_space<vmem>> -> memref<128xi32, #tpu.memory_space<vmem>>
      %dma_wait3A_179 = arith.constant 0 : i32
      %dma_wait3A_180 = arith.constant 0 : i32
      %dma_wait3A_181 = tpu.memref_slice %arg17[%dma_wait3A_179, %dma_wait3A_180] : memref<10240x128xf32, #tpu.memory_space<vmem_shared>> -> memref<10240x128xf32, #tpu.memory_space<vmem_shared>>
      tpu.wait_indirect_dma semaphore(%arg16 : memref<!tpu.dma_semaphore, #tpu.memory_space<semaphore_mem>>) src(%arg13 : memref<128x128xf32, #tpu.memory_space<vmem>>) dst(%dma_wait3A_181 : memref<10240x128xf32, #tpu.memory_space<vmem_shared>>)
    }
    %scan3A_75 = arith.constant 20 : i32
    %dma_wait3A_76 = arith.constant 0 : i32
    %dma_wait3A_77 = arith.constant 0 : i32
    %dma_wait3A_78 = tpu.memref_slice %arg10[%dma_wait3A_76, %dma_wait3A_77] : memref<40x128xi32, #tpu.memory_space<vmem>> -> memref<1x128xi32, #tpu.memory_space<vmem>>
    %dma_wait3A_79 = tpu.memref_squeeze %dma_wait3A_78 : memref<1x128xi32, #tpu.memory_space<vmem>> -> memref<128xi32, #tpu.memory_space<vmem>>
    %dma_wait3A_80 = arith.constant 0 : i32
    %dma_wait3A_81 = arith.constant 0 : i32
    %dma_wait3A_82 = tpu.memref_slice %arg4[%dma_wait3A_80, %dma_wait3A_81] : memref<10240x128xf32, #tpu.memory_space<hbm>> -> memref<10240x128xf32, #tpu.memory_space<hbm>>
    tpu.wait_indirect_dma semaphore(%arg14 : memref<!tpu.dma_semaphore, #tpu.memory_space<semaphore_mem>>) src(%dma_wait3A_82 : memref<10240x128xf32, #tpu.memory_space<hbm>>) dst(%arg12 : memref<128x128xf32, #tpu.memory_space<vmem>>)
    %barrier3A_83 = arith.constant 0 : index
    tpu.barrier barrier_id(%barrier3A_83)
    %eq3A_84 = arith.constant 0 : i32
    %eq3A_85 = arith.cmpi eq, %arg1, %eq3A_84 : i32
    %convert_element_type3A_86 = arith.extui %eq3A_85 : i1 to i32
    %cond3A_87 = arith.constant 0 : i32
    %cond3A_88 = arith.cmpi ne, %convert_element_type3A_86, %cond3A_87 : i32
    scf.if %cond3A_88 {
      %run_scoped3A = arith.constant 2 : i32
      "tpu.region"() ({
        %run_scoped3A_122 = tpu.sem_alloc : memref<!tpu.dma_semaphore, #tpu.memory_space<semaphore_mem>>
        %dma_start3A_123 = arith.constant 0 : i32
        %dma_start3A_124 = arith.constant 0 : i32
        %dma_start3A_125 = arith.constant 0 : i32
        %dma_start3A_126 = tpu.memref_slice %arg9[%arg0, %dma_start3A_123, %dma_start3A_124, %dma_start3A_125] : memref<2x4x10240x128xf32, #tpu.memory_space<hbm>> -> memref<1x4x10240x128xf32, #tpu.memory_space<hbm>>
        %dma_start3A_127 = tpu.memref_squeeze %dma_start3A_126 : memref<1x4x10240x128xf32, #tpu.memory_space<hbm>> -> memref<4x10240x128xf32, #tpu.memory_space<hbm>>
        %dma_start3A_128 = arith.constant 0 : i32
        %dma_start3A_129 = arith.constant 0 : i32
        %dma_start3A_130 = tpu.memref_slice %dma_start3A_127[%run_scoped3A, %dma_start3A_128, %dma_start3A_129] : memref<4x10240x128xf32, #tpu.memory_space<hbm>> -> memref<1x10240x128xf32, #tpu.memory_space<hbm>>
        %dma_start3A_131 = tpu.memref_squeeze %dma_start3A_130 : memref<1x10240x128xf32, #tpu.memory_space<hbm>> -> memref<10240x128xf32, #tpu.memory_space<hbm>>
        tpu.enqueue_dma source(%arg17 : memref<10240x128xf32, #tpu.memory_space<vmem_shared>>) target(%dma_start3A_131 : memref<10240x128xf32, #tpu.memory_space<hbm>>) target_semaphore(%run_scoped3A_122 : memref<!tpu.dma_semaphore, #tpu.memory_space<semaphore_mem>>)
        %dma_wait3A_132 = arith.constant 0 : i32
        %dma_wait3A_133 = arith.constant 0 : i32
        %dma_wait3A_134 = arith.constant 0 : i32
        %dma_wait3A_135 = tpu.memref_slice %arg9[%arg0, %dma_wait3A_132, %dma_wait3A_133, %dma_wait3A_134] : memref<2x4x10240x128xf32, #tpu.memory_space<hbm>> -> memref<1x4x10240x128xf32, #tpu.memory_space<hbm>>
        %dma_wait3A_136 = tpu.memref_squeeze %dma_wait3A_135 : memref<1x4x10240x128xf32, #tpu.memory_space<hbm>> -> memref<4x10240x128xf32, #tpu.memory_space<hbm>>
        %dma_wait3A_137 = arith.constant 0 : i32
        %dma_wait3A_138 = arith.constant 0 : i32
        %dma_wait3A_139 = tpu.memref_slice %dma_wait3A_136[%run_scoped3A, %dma_wait3A_137, %dma_wait3A_138] : memref<4x10240x128xf32, #tpu.memory_space<hbm>> -> memref<1x10240x128xf32, #tpu.memory_space<hbm>>
        %dma_wait3A_140 = tpu.memref_squeeze %dma_wait3A_139 : memref<1x10240x128xf32, #tpu.memory_space<hbm>> -> memref<10240x128xf32, #tpu.memory_space<hbm>>
        tpu.wait_dma2 semaphore(%run_scoped3A_122 : memref<!tpu.dma_semaphore, #tpu.memory_space<semaphore_mem>>) src(%arg17 : memref<10240x128xf32, #tpu.memory_space<vmem_shared>>) dst(%dma_wait3A_140 : memref<10240x128xf32, #tpu.memory_space<hbm>>)
        tpu.yield
      }) : () -> ()
    } else {
    }
    %barrier3A_89 = arith.constant 0 : index
    tpu.barrier barrier_id(%barrier3A_89)
    %eq3A_90 = arith.constant 0 : i32
    %eq3A_91 = arith.cmpi eq, %arg1, %eq3A_90 : i32
    %convert_element_type3A_92 = arith.extui %eq3A_91 : i1 to i32
    %cond3A_93 = arith.constant 0 : i32
    %cond3A_94 = arith.cmpi ne, %convert_element_type3A_92, %cond3A_93 : i32
    scf.if %cond3A_94 {
      "tpu.region"() ({
        %run_scoped3A = tpu.sem_alloc : memref<!tpu.dma_semaphore, #tpu.memory_space<semaphore_mem>>
        tpu.enqueue_dma source(%arg8 : memref<10240x128xf32, #tpu.memory_space<hbm>>) target(%arg17 : memref<10240x128xf32, #tpu.memory_space<vmem_shared>>) target_semaphore(%run_scoped3A : memref<!tpu.dma_semaphore, #tpu.memory_space<semaphore_mem>>)
        tpu.wait_dma2 semaphore(%run_scoped3A : memref<!tpu.dma_semaphore, #tpu.memory_space<semaphore_mem>>) src(%arg8 : memref<10240x128xf32, #tpu.memory_space<hbm>>) dst(%arg17 : memref<10240x128xf32, #tpu.memory_space<vmem_shared>>)
        tpu.yield
      }) : () -> ()
    } else {
    }
    %barrier3A_95 = arith.constant 0 : index
    tpu.barrier barrier_id(%barrier3A_95)
    %dma_start3A_96 = arith.constant 0 : i32
    %dma_start3A_97 = arith.constant 0 : i32
    %dma_start3A_98 = tpu.memref_slice %arg10[%dma_start3A_96, %dma_start3A_97] : memref<40x128xi32, #tpu.memory_space<vmem>> -> memref<1x128xi32, #tpu.memory_space<vmem>>
    %dma_start3A_99 = tpu.memref_squeeze %dma_start3A_98 : memref<1x128xi32, #tpu.memory_space<vmem>> -> memref<128xi32, #tpu.memory_space<vmem>>
    %dma_start3A_100 = arith.constant 0 : i32
    %dma_start3A_101 = arith.constant 0 : i32
    %dma_start3A_102 = tpu.memref_slice %arg5[%dma_start3A_100, %dma_start3A_101] : memref<10240x128xf32, #tpu.memory_space<hbm>> -> memref<10240x128xf32, #tpu.memory_space<hbm>>
    tpu.enqueue_indirect_dma source(%dma_start3A_102 : memref<10240x128xf32, #tpu.memory_space<hbm>>) target(%arg12 : memref<128x128xf32, #tpu.memory_space<vmem>>) offsets(%dma_start3A_99 : memref<128xi32, #tpu.memory_space<vmem>>) semaphore(%arg14 : memref<!tpu.dma_semaphore, #tpu.memory_space<semaphore_mem>>)
    %scan3A_103 = arith.constant 0 : i32
    %scan3A_104 = arith.constant 20 : i32
    %scan3A_105 = arith.addi %scan3A_103, %scan3A_104 : i32
    %scan3A_106 = arith.constant 1 : i32
    scf.for %scan3A_122 = %scan3A_103 to %scan3A_105 step %scan3A_106  : i32 {
      %mul3A_123 = arith.constant 1 : i32
      %mul3A_124 = arith.muli %scan3A_122, %mul3A_123 : i32
      %add3A_125 = arith.constant 0 : i32
      %add3A_126 = arith.addi %add3A_125, %mul3A_124 : i32
      %mul3A_127 = arith.constant 2 : i32
      %mul3A_128 = arith.muli %add3A_126, %mul3A_127 : i32
      %add3A_129 = arith.constant 1 : i32
      %add3A_130 = arith.addi %mul3A_128, %add3A_129 : i32
      %dma_wait3A_131 = arith.constant 0 : i32
      %dma_wait3A_132 = tpu.memref_slice %arg10[%mul3A_128, %dma_wait3A_131] : memref<40x128xi32, #tpu.memory_space<vmem>> -> memref<1x128xi32, #tpu.memory_space<vmem>>
      %dma_wait3A_133 = tpu.memref_squeeze %dma_wait3A_132 : memref<1x128xi32, #tpu.memory_space<vmem>> -> memref<128xi32, #tpu.memory_space<vmem>>
      %dma_wait3A_134 = arith.constant 0 : i32
      %dma_wait3A_135 = arith.constant 0 : i32
      %dma_wait3A_136 = tpu.memref_slice %arg5[%dma_wait3A_134, %dma_wait3A_135] : memref<10240x128xf32, #tpu.memory_space<hbm>> -> memref<10240x128xf32, #tpu.memory_space<hbm>>
      tpu.wait_indirect_dma semaphore(%arg14 : memref<!tpu.dma_semaphore, #tpu.memory_space<semaphore_mem>>) src(%dma_wait3A_136 : memref<10240x128xf32, #tpu.memory_space<hbm>>) dst(%arg12 : memref<128x128xf32, #tpu.memory_space<vmem>>)
      %dma_start3A_137 = arith.constant 0 : i32
      %dma_start3A_138 = tpu.memref_slice %arg10[%add3A_130, %dma_start3A_137] : memref<40x128xi32, #tpu.memory_space<vmem>> -> memref<1x128xi32, #tpu.memory_space<vmem>>
      %dma_start3A_139 = tpu.memref_squeeze %dma_start3A_138 : memref<1x128xi32, #tpu.memory_space<vmem>> -> memref<128xi32, #tpu.memory_space<vmem>>
      %dma_start3A_140 = arith.constant 0 : i32
      %dma_start3A_141 = arith.constant 0 : i32
      %dma_start3A_142 = tpu.memref_slice %arg5[%dma_start3A_140, %dma_start3A_141] : memref<10240x128xf32, #tpu.memory_space<hbm>> -> memref<10240x128xf32, #tpu.memory_space<hbm>>
      tpu.enqueue_indirect_dma source(%dma_start3A_142 : memref<10240x128xf32, #tpu.memory_space<hbm>>) target(%arg13 : memref<128x128xf32, #tpu.memory_space<vmem>>) offsets(%dma_start3A_139 : memref<128xi32, #tpu.memory_space<vmem>>) semaphore(%arg15 : memref<!tpu.dma_semaphore, #tpu.memory_space<semaphore_mem>>)
      %dma_start3A_143 = arith.constant 0 : i32
      %dma_start3A_144 = tpu.memref_slice %arg11[%mul3A_128, %dma_start3A_143] : memref<40x128xi32, #tpu.memory_space<vmem>> -> memref<1x128xi32, #tpu.memory_space<vmem>>
      %dma_start3A_145 = tpu.memref_squeeze %dma_start3A_144 : memref<1x128xi32, #tpu.memory_space<vmem>> -> memref<128xi32, #tpu.memory_space<vmem>>
      %dma_start3A_146 = arith.constant 0 : i32
      %dma_start3A_147 = arith.constant 0 : i32
      %dma_start3A_148 = tpu.memref_slice %arg17[%dma_start3A_146, %dma_start3A_147] : memref<10240x128xf32, #tpu.memory_space<vmem_shared>> -> memref<10240x128xf32, #tpu.memory_space<vmem_shared>>
      tpu.enqueue_indirect_dma source(%arg12 : memref<128x128xf32, #tpu.memory_space<vmem>>) target(%dma_start3A_148 : memref<10240x128xf32, #tpu.memory_space<vmem_shared>>) offsets(%dma_start3A_145 : memref<128xi32, #tpu.memory_space<vmem>>) semaphore(%arg16 : memref<!tpu.dma_semaphore, #tpu.memory_space<semaphore_mem>>) {add = true}
      %dma_wait3A_149 = arith.constant 0 : i32
      %dma_wait3A_150 = tpu.memref_slice %arg11[%mul3A_128, %dma_wait3A_149] : memref<40x128xi32, #tpu.memory_space<vmem>> -> memref<1x128xi32, #tpu.memory_space<vmem>>
      %dma_wait3A_151 = tpu.memref_squeeze %dma_wait3A_150 : memref<1x128xi32, #tpu.memory_space<vmem>> -> memref<128xi32, #tpu.memory_space<vmem>>
      %dma_wait3A_152 = arith.constant 0 : i32
      %dma_wait3A_153 = arith.constant 0 : i32
      %dma_wait3A_154 = tpu.memref_slice %arg17[%dma_wait3A_152, %dma_wait3A_153] : memref<10240x128xf32, #tpu.memory_space<vmem_shared>> -> memref<10240x128xf32, #tpu.memory_space<vmem_shared>>
      tpu.wait_indirect_dma semaphore(%arg16 : memref<!tpu.dma_semaphore, #tpu.memory_space<semaphore_mem>>) src(%arg12 : memref<128x128xf32, #tpu.memory_space<vmem>>) dst(%dma_wait3A_154 : memref<10240x128xf32, #tpu.memory_space<vmem_shared>>)
      %dma_wait3A_155 = arith.constant 0 : i32
      %dma_wait3A_156 = tpu.memref_slice %arg10[%add3A_130, %dma_wait3A_155] : memref<40x128xi32, #tpu.memory_space<vmem>> -> memref<1x128xi32, #tpu.memory_space<vmem>>
      %dma_wait3A_157 = tpu.memref_squeeze %dma_wait3A_156 : memref<1x128xi32, #tpu.memory_space<vmem>> -> memref<128xi32, #tpu.memory_space<vmem>>
      %dma_wait3A_158 = arith.constant 0 : i32
      %dma_wait3A_159 = arith.constant 0 : i32
      %dma_wait3A_160 = tpu.memref_slice %arg5[%dma_wait3A_158, %dma_wait3A_159] : memref<10240x128xf32, #tpu.memory_space<hbm>> -> memref<10240x128xf32, #tpu.memory_space<hbm>>
      tpu.wait_indirect_dma semaphore(%arg15 : memref<!tpu.dma_semaphore, #tpu.memory_space<semaphore_mem>>) src(%dma_wait3A_160 : memref<10240x128xf32, #tpu.memory_space<hbm>>) dst(%arg13 : memref<128x128xf32, #tpu.memory_space<vmem>>)
      %add3A_161 = arith.constant 2 : i32
      %add3A_162 = arith.addi %mul3A_128, %add3A_161 : i32
      %min3A = arith.constant 39 : i32
      %min3A_163 = arith.minsi %add3A_162, %min3A : i32
      %dma_start3A_164 = arith.constant 0 : i32
      %dma_start3A_165 = tpu.memref_slice %arg10[%min3A_163, %dma_start3A_164] : memref<40x128xi32, #tpu.memory_space<vmem>> -> memref<1x128xi32, #tpu.memory_space<vmem>>
      %dma_start3A_166 = tpu.memref_squeeze %dma_start3A_165 : memref<1x128xi32, #tpu.memory_space<vmem>> -> memref<128xi32, #tpu.memory_space<vmem>>
      %dma_start3A_167 = arith.constant 0 : i32
      %dma_start3A_168 = arith.constant 0 : i32
      %dma_start3A_169 = tpu.memref_slice %arg5[%dma_start3A_167, %dma_start3A_168] : memref<10240x128xf32, #tpu.memory_space<hbm>> -> memref<10240x128xf32, #tpu.memory_space<hbm>>
      tpu.enqueue_indirect_dma source(%dma_start3A_169 : memref<10240x128xf32, #tpu.memory_space<hbm>>) target(%arg12 : memref<128x128xf32, #tpu.memory_space<vmem>>) offsets(%dma_start3A_166 : memref<128xi32, #tpu.memory_space<vmem>>) semaphore(%arg14 : memref<!tpu.dma_semaphore, #tpu.memory_space<semaphore_mem>>)
      %dma_start3A_170 = arith.constant 0 : i32
      %dma_start3A_171 = tpu.memref_slice %arg11[%add3A_130, %dma_start3A_170] : memref<40x128xi32, #tpu.memory_space<vmem>> -> memref<1x128xi32, #tpu.memory_space<vmem>>
      %dma_start3A_172 = tpu.memref_squeeze %dma_start3A_171 : memref<1x128xi32, #tpu.memory_space<vmem>> -> memref<128xi32, #tpu.memory_space<vmem>>
      %dma_start3A_173 = arith.constant 0 : i32
      %dma_start3A_174 = arith.constant 0 : i32
      %dma_start3A_175 = tpu.memref_slice %arg17[%dma_start3A_173, %dma_start3A_174] : memref<10240x128xf32, #tpu.memory_space<vmem_shared>> -> memref<10240x128xf32, #tpu.memory_space<vmem_shared>>
      tpu.enqueue_indirect_dma source(%arg13 : memref<128x128xf32, #tpu.memory_space<vmem>>) target(%dma_start3A_175 : memref<10240x128xf32, #tpu.memory_space<vmem_shared>>) offsets(%dma_start3A_172 : memref<128xi32, #tpu.memory_space<vmem>>) semaphore(%arg16 : memref<!tpu.dma_semaphore, #tpu.memory_space<semaphore_mem>>) {add = true}
      %dma_wait3A_176 = arith.constant 0 : i32
      %dma_wait3A_177 = tpu.memref_slice %arg11[%add3A_130, %dma_wait3A_176] : memref<40x128xi32, #tpu.memory_space<vmem>> -> memref<1x128xi32, #tpu.memory_space<vmem>>
      %dma_wait3A_178 = tpu.memref_squeeze %dma_wait3A_177 : memref<1x128xi32, #tpu.memory_space<vmem>> -> memref<128xi32, #tpu.memory_space<vmem>>
      %dma_wait3A_179 = arith.constant 0 : i32
      %dma_wait3A_180 = arith.constant 0 : i32
      %dma_wait3A_181 = tpu.memref_slice %arg17[%dma_wait3A_179, %dma_wait3A_180] : memref<10240x128xf32, #tpu.memory_space<vmem_shared>> -> memref<10240x128xf32, #tpu.memory_space<vmem_shared>>
      tpu.wait_indirect_dma semaphore(%arg16 : memref<!tpu.dma_semaphore, #tpu.memory_space<semaphore_mem>>) src(%arg13 : memref<128x128xf32, #tpu.memory_space<vmem>>) dst(%dma_wait3A_181 : memref<10240x128xf32, #tpu.memory_space<vmem_shared>>)
    }
    %scan3A_107 = arith.constant 20 : i32
    %dma_wait3A_108 = arith.constant 0 : i32
    %dma_wait3A_109 = arith.constant 0 : i32
    %dma_wait3A_110 = tpu.memref_slice %arg10[%dma_wait3A_108, %dma_wait3A_109] : memref<40x128xi32, #tpu.memory_space<vmem>> -> memref<1x128xi32, #tpu.memory_space<vmem>>
    %dma_wait3A_111 = tpu.memref_squeeze %dma_wait3A_110 : memref<1x128xi32, #tpu.memory_space<vmem>> -> memref<128xi32, #tpu.memory_space<vmem>>
    %dma_wait3A_112 = arith.constant 0 : i32
    %dma_wait3A_113 = arith.constant 0 : i32
    %dma_wait3A_114 = tpu.memref_slice %arg5[%dma_wait3A_112, %dma_wait3A_113] : memref<10240x128xf32, #tpu.memory_space<hbm>> -> memref<10240x128xf32, #tpu.memory_space<hbm>>
    tpu.wait_indirect_dma semaphore(%arg14 : memref<!tpu.dma_semaphore, #tpu.memory_space<semaphore_mem>>) src(%dma_wait3A_114 : memref<10240x128xf32, #tpu.memory_space<hbm>>) dst(%arg12 : memref<128x128xf32, #tpu.memory_space<vmem>>)
    %barrier3A_115 = arith.constant 0 : index
    tpu.barrier barrier_id(%barrier3A_115)
    %eq3A_116 = arith.constant 0 : i32
    %eq3A_117 = arith.cmpi eq, %arg1, %eq3A_116 : i32
    %convert_element_type3A_118 = arith.extui %eq3A_117 : i1 to i32
    %cond3A_119 = arith.constant 0 : i32
    %cond3A_120 = arith.cmpi ne, %convert_element_type3A_118, %cond3A_119 : i32
    scf.if %cond3A_120 {
      %run_scoped3A = arith.constant 3 : i32
      "tpu.region"() ({
        %run_scoped3A_122 = tpu.sem_alloc : memref<!tpu.dma_semaphore, #tpu.memory_space<semaphore_mem>>
        %dma_start3A_123 = arith.constant 0 : i32
        %dma_start3A_124 = arith.constant 0 : i32
        %dma_start3A_125 = arith.constant 0 : i32
        %dma_start3A_126 = tpu.memref_slice %arg9[%arg0, %dma_start3A_123, %dma_start3A_124, %dma_start3A_125] : memref<2x4x10240x128xf32, #tpu.memory_space<hbm>> -> memref<1x4x10240x128xf32, #tpu.memory_space<hbm>>
        %dma_start3A_127 = tpu.memref_squeeze %dma_start3A_126 : memref<1x4x10240x128xf32, #tpu.memory_space<hbm>> -> memref<4x10240x128xf32, #tpu.memory_space<hbm>>
        %dma_start3A_128 = arith.constant 0 : i32
        %dma_start3A_129 = arith.constant 0 : i32
        %dma_start3A_130 = tpu.memref_slice %dma_start3A_127[%run_scoped3A, %dma_start3A_128, %dma_start3A_129] : memref<4x10240x128xf32, #tpu.memory_space<hbm>> -> memref<1x10240x128xf32, #tpu.memory_space<hbm>>
        %dma_start3A_131 = tpu.memref_squeeze %dma_start3A_130 : memref<1x10240x128xf32, #tpu.memory_space<hbm>> -> memref<10240x128xf32, #tpu.memory_space<hbm>>
        tpu.enqueue_dma source(%arg17 : memref<10240x128xf32, #tpu.memory_space<vmem_shared>>) target(%dma_start3A_131 : memref<10240x128xf32, #tpu.memory_space<hbm>>) target_semaphore(%run_scoped3A_122 : memref<!tpu.dma_semaphore, #tpu.memory_space<semaphore_mem>>)
        %dma_wait3A_132 = arith.constant 0 : i32
        %dma_wait3A_133 = arith.constant 0 : i32
        %dma_wait3A_134 = arith.constant 0 : i32
        %dma_wait3A_135 = tpu.memref_slice %arg9[%arg0, %dma_wait3A_132, %dma_wait3A_133, %dma_wait3A_134] : memref<2x4x10240x128xf32, #tpu.memory_space<hbm>> -> memref<1x4x10240x128xf32, #tpu.memory_space<hbm>>
        %dma_wait3A_136 = tpu.memref_squeeze %dma_wait3A_135 : memref<1x4x10240x128xf32, #tpu.memory_space<hbm>> -> memref<4x10240x128xf32, #tpu.memory_space<hbm>>
        %dma_wait3A_137 = arith.constant 0 : i32
        %dma_wait3A_138 = arith.constant 0 : i32
        %dma_wait3A_139 = tpu.memref_slice %dma_wait3A_136[%run_scoped3A, %dma_wait3A_137, %dma_wait3A_138] : memref<4x10240x128xf32, #tpu.memory_space<hbm>> -> memref<1x10240x128xf32, #tpu.memory_space<hbm>>
        %dma_wait3A_140 = tpu.memref_squeeze %dma_wait3A_139 : memref<1x10240x128xf32, #tpu.memory_space<hbm>> -> memref<10240x128xf32, #tpu.memory_space<hbm>>
        tpu.wait_dma2 semaphore(%run_scoped3A_122 : memref<!tpu.dma_semaphore, #tpu.memory_space<semaphore_mem>>) src(%arg17 : memref<10240x128xf32, #tpu.memory_space<vmem_shared>>) dst(%dma_wait3A_140 : memref<10240x128xf32, #tpu.memory_space<hbm>>)
        tpu.yield
      }) : () -> ()
    } else {
    }
    %barrier3A_121 = arith.constant 0 : index
    tpu.barrier barrier_id(%barrier3A_121)
    return
  }
}

#map = affine_map<(d0, d1) -> (0, 0)>
#map1 = affine_map<(d0, d1) -> (0, 0, 0)>
#map2 = affine_map<(d0, d1) -> (0, 0, 0, 0)>
module attributes {stable_mosaic.version = 14 : i64} {
  func.func @mp_kernel(%arg0: i32, %arg1: i32, %arg2: memref<10240x128xf32, #tpu.memory_space<hbm>>, %arg3: memref<10240x128xf32, #tpu.memory_space<hbm>>, %arg4: memref<10240x128xf32, #tpu.memory_space<hbm>>, %arg5: memref<10240x128xf32, #tpu.memory_space<hbm>>, %arg6: memref<32x40x128xi32, #tpu.memory_space<hbm>>, %arg7: memref<32x40x128xi32, #tpu.memory_space<hbm>>, %arg8: memref<10240x128xf32, #tpu.memory_space<hbm>>, %arg9: memref<2x4x10240x128xf32, #tpu.memory_space<hbm>>, %arg10: memref<40x128xi32, #tpu.memory_space<vmem>>, %arg11: memref<40x128xi32, #tpu.memory_space<vmem>>, %arg12: memref<128x128xf32, #tpu.memory_space<vmem>>, %arg13: memref<128x128xf32, #tpu.memory_space<vmem>>, %arg14: memref<!tpu.dma_semaphore, #tpu.memory_space<semaphore_mem>>, %arg15: memref<!tpu.dma_semaphore, #tpu.memory_space<semaphore_mem>>, %arg16: memref<!tpu.dma_semaphore, #tpu.memory_space<semaphore_mem>>, %arg17: memref<10240x128xf32, #tpu.memory_space<vmem_shared>>) attributes {dimension_semantics = [#tpu.dimension_semantics<core_parallel>, #tpu.dimension_semantics<subcore_parallel>], iteration_bounds = array<i64: 2, 16>, scalar_prefetch = 0 : i64, scratch_operands = 8 : i64, tpu.core_type = #tpu.core_type<sc_vector_subcore>, window_params = [{transform_indices = #map}, {transform_indices = #map}, {transform_indices = #map}, {transform_indices = #map}, {transform_indices = #map1}, {transform_indices = #map1}, {transform_indices = #map}, {transform_indices = #map2}]} {
    %mul3A = arith.constant 16 : i32
    %mul3A_0 = arith.muli %arg0, %mul3A : i32
    %add3A = arith.addi %mul3A_0, %arg1 : i32
    "tpu.region"() ({
      %run_scoped3A = tpu.sem_alloc : memref<!tpu.dma_semaphore, #tpu.memory_space<semaphore_mem>>
      %dma_start3A_122 = arith.constant 0 : i32
      %dma_start3A_123 = arith.constant 0 : i32
      %dma_start3A_124 = tpu.memref_slice %arg6[%add3A, %dma_start3A_122, %dma_start3A_123] : memref<32x40x128xi32, #tpu.memory_space<hbm>> -> memref<1x40x128xi32, #tpu.memory_space<hbm>>
      %dma_start3A_125 = tpu.memref_squeeze %dma_start3A_124 : memref<1x40x128xi32, #tpu.memory_space<hbm>> -> memref<40x128xi32, #tpu.memory_space<hbm>>
      %dma_start3A_126 = arith.constant 0 : i32
      %dma_start3A_127 = arith.constant 0 : i32
      %dma_start3A_128 = tpu.memref_slice %arg6[%add3A, %dma_start3A_126, %dma_start3A_127] : memref<32x40x128xi32, #tpu.memory_space<hbm>> -> memref<1x40x128xi32, #tpu.memory_space<hbm>>
      %dma_start3A_129 = tpu.memref_squeeze %dma_start3A_128 : memref<1x40x128xi32, #tpu.memory_space<hbm>> -> memref<40x128xi32, #tpu.memory_space<hbm>>
      tpu.enqueue_dma source(%dma_start3A_129 : memref<40x128xi32, #tpu.memory_space<hbm>>) target(%arg10 : memref<40x128xi32, #tpu.memory_space<vmem>>) target_semaphore(%run_scoped3A : memref<!tpu.dma_semaphore, #tpu.memory_space<semaphore_mem>>)
      %dma_wait3A_130 = arith.constant 0 : i32
      %dma_wait3A_131 = arith.constant 0 : i32
      %dma_wait3A_132 = tpu.memref_slice %arg6[%add3A, %dma_wait3A_130, %dma_wait3A_131] : memref<32x40x128xi32, #tpu.memory_space<hbm>> -> memref<1x40x128xi32, #tpu.memory_space<hbm>>
      %dma_wait3A_133 = tpu.memref_squeeze %dma_wait3A_132 : memref<1x40x128xi32, #tpu.memory_space<hbm>> -> memref<40x128xi32, #tpu.memory_space<hbm>>
      %dma_wait3A_134 = arith.constant 0 : i32
      %dma_wait3A_135 = arith.constant 0 : i32
      %dma_wait3A_136 = tpu.memref_slice %arg6[%add3A, %dma_wait3A_134, %dma_wait3A_135] : memref<32x40x128xi32, #tpu.memory_space<hbm>> -> memref<1x40x128xi32, #tpu.memory_space<hbm>>
      %dma_wait3A_137 = tpu.memref_squeeze %dma_wait3A_136 : memref<1x40x128xi32, #tpu.memory_space<hbm>> -> memref<40x128xi32, #tpu.memory_space<hbm>>
      tpu.wait_dma2 semaphore(%run_scoped3A : memref<!tpu.dma_semaphore, #tpu.memory_space<semaphore_mem>>) src(%dma_wait3A_137 : memref<40x128xi32, #tpu.memory_space<hbm>>) dst(%arg10 : memref<40x128xi32, #tpu.memory_space<vmem>>)
      tpu.yield
    }) : () -> ()
    "tpu.region"() ({
      %run_scoped3A = tpu.sem_alloc : memref<!tpu.dma_semaphore, #tpu.memory_space<semaphore_mem>>
      %dma_start3A_122 = arith.constant 0 : i32
      %dma_start3A_123 = arith.constant 0 : i32
      %dma_start3A_124 = tpu.memref_slice %arg7[%add3A, %dma_start3A_122, %dma_start3A_123] : memref<32x40x128xi32, #tpu.memory_space<hbm>> -> memref<1x40x128xi32, #tpu.memory_space<hbm>>
      %dma_start3A_125 = tpu.memref_squeeze %dma_start3A_124 : memref<1x40x128xi32, #tpu.memory_space<hbm>> -> memref<40x128xi32, #tpu.memory_space<hbm>>
      %dma_start3A_126 = arith.constant 0 : i32
      %dma_start3A_127 = arith.constant 0 : i32
      %dma_start3A_128 = tpu.memref_slice %arg7[%add3A, %dma_start3A_126, %dma_start3A_127] : memref<32x40x128xi32, #tpu.memory_space<hbm>> -> memref<1x40x128xi32, #tpu.memory_space<hbm>>
      %dma_start3A_129 = tpu.memref_squeeze %dma_start3A_128 : memref<1x40x128xi32, #tpu.memory_space<hbm>> -> memref<40x128xi32, #tpu.memory_space<hbm>>
      tpu.enqueue_dma source(%dma_start3A_129 : memref<40x128xi32, #tpu.memory_space<hbm>>) target(%arg11 : memref<40x128xi32, #tpu.memory_space<vmem>>) target_semaphore(%run_scoped3A : memref<!tpu.dma_semaphore, #tpu.memory_space<semaphore_mem>>)
      %dma_wait3A_130 = arith.constant 0 : i32
      %dma_wait3A_131 = arith.constant 0 : i32
      %dma_wait3A_132 = tpu.memref_slice %arg7[%add3A, %dma_wait3A_130, %dma_wait3A_131] : memref<32x40x128xi32, #tpu.memory_space<hbm>> -> memref<1x40x128xi32, #tpu.memory_space<hbm>>
      %dma_wait3A_133 = tpu.memref_squeeze %dma_wait3A_132 : memref<1x40x128xi32, #tpu.memory_space<hbm>> -> memref<40x128xi32, #tpu.memory_space<hbm>>
      %dma_wait3A_134 = arith.constant 0 : i32
      %dma_wait3A_135 = arith.constant 0 : i32
      %dma_wait3A_136 = tpu.memref_slice %arg7[%add3A, %dma_wait3A_134, %dma_wait3A_135] : memref<32x40x128xi32, #tpu.memory_space<hbm>> -> memref<1x40x128xi32, #tpu.memory_space<hbm>>
      %dma_wait3A_137 = tpu.memref_squeeze %dma_wait3A_136 : memref<1x40x128xi32, #tpu.memory_space<hbm>> -> memref<40x128xi32, #tpu.memory_space<hbm>>
      tpu.wait_dma2 semaphore(%run_scoped3A : memref<!tpu.dma_semaphore, #tpu.memory_space<semaphore_mem>>) src(%dma_wait3A_137 : memref<40x128xi32, #tpu.memory_space<hbm>>) dst(%arg11 : memref<40x128xi32, #tpu.memory_space<vmem>>)
      tpu.yield
    }) : () -> ()
    %eq3A = arith.constant 0 : i32
    %eq3A_1 = arith.cmpi eq, %arg1, %eq3A : i32
    %convert_element_type3A = arith.extui %eq3A_1 : i1 to i32
    %cond3A = arith.constant 0 : i32
    %cond3A_2 = arith.cmpi ne, %convert_element_type3A, %cond3A : i32
    scf.if %cond3A_2 {
      "tpu.region"() ({
        %run_scoped3A = tpu.sem_alloc : memref<!tpu.dma_semaphore, #tpu.memory_space<semaphore_mem>>
        tpu.enqueue_dma source(%arg8 : memref<10240x128xf32, #tpu.memory_space<hbm>>) target(%arg17 : memref<10240x128xf32, #tpu.memory_space<vmem_shared>>) target_semaphore(%run_scoped3A : memref<!tpu.dma_semaphore, #tpu.memory_space<semaphore_mem>>)
        tpu.wait_dma2 semaphore(%run_scoped3A : memref<!tpu.dma_semaphore, #tpu.memory_space<semaphore_mem>>) src(%arg8 : memref<10240x128xf32, #tpu.memory_space<hbm>>) dst(%arg17 : memref<10240x128xf32, #tpu.memory_space<vmem_shared>>)
        tpu.yield
      }) : () -> ()
    } else {
    }
    %barrier3A = arith.constant 0 : index
    tpu.barrier barrier_id(%barrier3A)
    %dma_start3A = arith.constant 0 : i32
    %dma_start3A_3 = arith.constant 0 : i32
    %dma_start3A_4 = tpu.memref_slice %arg10[%dma_start3A, %dma_start3A_3] : memref<40x128xi32, #tpu.memory_space<vmem>> -> memref<1x128xi32, #tpu.memory_space<vmem>>
    %dma_start3A_5 = tpu.memref_squeeze %dma_start3A_4 : memref<1x128xi32, #tpu.memory_space<vmem>> -> memref<128xi32, #tpu.memory_space<vmem>>
    %dma_start3A_6 = arith.constant 0 : i32
    %dma_start3A_7 = arith.constant 0 : i32
    %dma_start3A_8 = tpu.memref_slice %arg2[%dma_start3A_6, %dma_start3A_7] : memref<10240x128xf32, #tpu.memory_space<hbm>> -> memref<10240x128xf32, #tpu.memory_space<hbm>>
    tpu.enqueue_indirect_dma source(%dma_start3A_8 : memref<10240x128xf32, #tpu.memory_space<hbm>>) target(%arg12 : memref<128x128xf32, #tpu.memory_space<vmem>>) offsets(%dma_start3A_5 : memref<128xi32, #tpu.memory_space<vmem>>) semaphore(%arg14 : memref<!tpu.dma_semaphore, #tpu.memory_space<semaphore_mem>>)
    %scan3A = arith.constant 0 : i32
    %scan3A_9 = arith.constant 20 : i32
    %scan3A_10 = arith.addi %scan3A, %scan3A_9 : i32
    %scan3A_11 = arith.constant 1 : i32
    scf.for %scan3A_122 = %scan3A to %scan3A_10 step %scan3A_11  : i32 {
      %mul3A_123 = arith.constant 1 : i32
      %mul3A_124 = arith.muli %scan3A_122, %mul3A_123 : i32
      %add3A_125 = arith.constant 0 : i32
      %add3A_126 = arith.addi %add3A_125, %mul3A_124 : i32
      %mul3A_127 = arith.constant 2 : i32
      %mul3A_128 = arith.muli %add3A_126, %mul3A_127 : i32
      %add3A_129 = arith.constant 1 : i32
      %add3A_130 = arith.addi %mul3A_128, %add3A_129 : i32
      %dma_wait3A_131 = arith.constant 0 : i32
      %dma_wait3A_132 = tpu.memref_slice %arg10[%mul3A_128, %dma_wait3A_131] : memref<40x128xi32, #tpu.memory_space<vmem>> -> memref<1x128xi32, #tpu.memory_space<vmem>>
      %dma_wait3A_133 = tpu.memref_squeeze %dma_wait3A_132 : memref<1x128xi32, #tpu.memory_space<vmem>> -> memref<128xi32, #tpu.memory_space<vmem>>
      %dma_wait3A_134 = arith.constant 0 : i32
      %dma_wait3A_135 = arith.constant 0 : i32
      %dma_wait3A_136 = tpu.memref_slice %arg2[%dma_wait3A_134, %dma_wait3A_135] : memref<10240x128xf32, #tpu.memory_space<hbm>> -> memref<10240x128xf32, #tpu.memory_space<hbm>>
      tpu.wait_indirect_dma semaphore(%arg14 : memref<!tpu.dma_semaphore, #tpu.memory_space<semaphore_mem>>) src(%dma_wait3A_136 : memref<10240x128xf32, #tpu.memory_space<hbm>>) dst(%arg12 : memref<128x128xf32, #tpu.memory_space<vmem>>)
      %dma_start3A_137 = arith.constant 0 : i32
      %dma_start3A_138 = tpu.memref_slice %arg10[%add3A_130, %dma_start3A_137] : memref<40x128xi32, #tpu.memory_space<vmem>> -> memref<1x128xi32, #tpu.memory_space<vmem>>
      %dma_start3A_139 = tpu.memref_squeeze %dma_start3A_138 : memref<1x128xi32, #tpu.memory_space<vmem>> -> memref<128xi32, #tpu.memory_space<vmem>>
      %dma_start3A_140 = arith.constant 0 : i32
      %dma_start3A_141 = arith.constant 0 : i32
      %dma_start3A_142 = tpu.memref_slice %arg2[%dma_start3A_140, %dma_start3A_141] : memref<10240x128xf32, #tpu.memory_space<hbm>> -> memref<10240x128xf32, #tpu.memory_space<hbm>>
      tpu.enqueue_indirect_dma source(%dma_start3A_142 : memref<10240x128xf32, #tpu.memory_space<hbm>>) target(%arg13 : memref<128x128xf32, #tpu.memory_space<vmem>>) offsets(%dma_start3A_139 : memref<128xi32, #tpu.memory_space<vmem>>) semaphore(%arg15 : memref<!tpu.dma_semaphore, #tpu.memory_space<semaphore_mem>>)
      %dma_start3A_143 = arith.constant 0 : i32
      %dma_start3A_144 = tpu.memref_slice %arg11[%mul3A_128, %dma_start3A_143] : memref<40x128xi32, #tpu.memory_space<vmem>> -> memref<1x128xi32, #tpu.memory_space<vmem>>
      %dma_start3A_145 = tpu.memref_squeeze %dma_start3A_144 : memref<1x128xi32, #tpu.memory_space<vmem>> -> memref<128xi32, #tpu.memory_space<vmem>>
      %dma_start3A_146 = arith.constant 0 : i32
      %dma_start3A_147 = arith.constant 0 : i32
      %dma_start3A_148 = tpu.memref_slice %arg17[%dma_start3A_146, %dma_start3A_147] : memref<10240x128xf32, #tpu.memory_space<vmem_shared>> -> memref<10240x128xf32, #tpu.memory_space<vmem_shared>>
      tpu.enqueue_indirect_dma source(%arg12 : memref<128x128xf32, #tpu.memory_space<vmem>>) target(%dma_start3A_148 : memref<10240x128xf32, #tpu.memory_space<vmem_shared>>) offsets(%dma_start3A_145 : memref<128xi32, #tpu.memory_space<vmem>>) semaphore(%arg16 : memref<!tpu.dma_semaphore, #tpu.memory_space<semaphore_mem>>) {add = true}
      %dma_wait3A_149 = arith.constant 0 : i32
      %dma_wait3A_150 = tpu.memref_slice %arg11[%mul3A_128, %dma_wait3A_149] : memref<40x128xi32, #tpu.memory_space<vmem>> -> memref<1x128xi32, #tpu.memory_space<vmem>>
      %dma_wait3A_151 = tpu.memref_squeeze %dma_wait3A_150 : memref<1x128xi32, #tpu.memory_space<vmem>> -> memref<128xi32, #tpu.memory_space<vmem>>
      %dma_wait3A_152 = arith.constant 0 : i32
      %dma_wait3A_153 = arith.constant 0 : i32
      %dma_wait3A_154 = tpu.memref_slice %arg17[%dma_wait3A_152, %dma_wait3A_153] : memref<10240x128xf32, #tpu.memory_space<vmem_shared>> -> memref<10240x128xf32, #tpu.memory_space<vmem_shared>>
      tpu.wait_indirect_dma semaphore(%arg16 : memref<!tpu.dma_semaphore, #tpu.memory_space<semaphore_mem>>) src(%arg12 : memref<128x128xf32, #tpu.memory_space<vmem>>) dst(%dma_wait3A_154 : memref<10240x128xf32, #tpu.memory_space<vmem_shared>>)
      %dma_wait3A_155 = arith.constant 0 : i32
      %dma_wait3A_156 = tpu.memref_slice %arg10[%add3A_130, %dma_wait3A_155] : memref<40x128xi32, #tpu.memory_space<vmem>> -> memref<1x128xi32, #tpu.memory_space<vmem>>
      %dma_wait3A_157 = tpu.memref_squeeze %dma_wait3A_156 : memref<1x128xi32, #tpu.memory_space<vmem>> -> memref<128xi32, #tpu.memory_space<vmem>>
      %dma_wait3A_158 = arith.constant 0 : i32
      %dma_wait3A_159 = arith.constant 0 : i32
      %dma_wait3A_160 = tpu.memref_slice %arg2[%dma_wait3A_158, %dma_wait3A_159] : memref<10240x128xf32, #tpu.memory_space<hbm>> -> memref<10240x128xf32, #tpu.memory_space<hbm>>
      tpu.wait_indirect_dma semaphore(%arg15 : memref<!tpu.dma_semaphore, #tpu.memory_space<semaphore_mem>>) src(%dma_wait3A_160 : memref<10240x128xf32, #tpu.memory_space<hbm>>) dst(%arg13 : memref<128x128xf32, #tpu.memory_space<vmem>>)
      %add3A_161 = arith.constant 2 : i32
      %add3A_162 = arith.addi %mul3A_128, %add3A_161 : i32
      %min3A = arith.constant 39 : i32
      %min3A_163 = arith.minsi %add3A_162, %min3A : i32
      %dma_start3A_164 = arith.constant 0 : i32
      %dma_start3A_165 = tpu.memref_slice %arg10[%min3A_163, %dma_start3A_164] : memref<40x128xi32, #tpu.memory_space<vmem>> -> memref<1x128xi32, #tpu.memory_space<vmem>>
      %dma_start3A_166 = tpu.memref_squeeze %dma_start3A_165 : memref<1x128xi32, #tpu.memory_space<vmem>> -> memref<128xi32, #tpu.memory_space<vmem>>
      %dma_start3A_167 = arith.constant 0 : i32
      %dma_start3A_168 = arith.constant 0 : i32
      %dma_start3A_169 = tpu.memref_slice %arg2[%dma_start3A_167, %dma_start3A_168] : memref<10240x128xf32, #tpu.memory_space<hbm>> -> memref<10240x128xf32, #tpu.memory_space<hbm>>
      tpu.enqueue_indirect_dma source(%dma_start3A_169 : memref<10240x128xf32, #tpu.memory_space<hbm>>) target(%arg12 : memref<128x128xf32, #tpu.memory_space<vmem>>) offsets(%dma_start3A_166 : memref<128xi32, #tpu.memory_space<vmem>>) semaphore(%arg14 : memref<!tpu.dma_semaphore, #tpu.memory_space<semaphore_mem>>)
      %dma_start3A_170 = arith.constant 0 : i32
      %dma_start3A_171 = tpu.memref_slice %arg11[%add3A_130, %dma_start3A_170] : memref<40x128xi32, #tpu.memory_space<vmem>> -> memref<1x128xi32, #tpu.memory_space<vmem>>
      %dma_start3A_172 = tpu.memref_squeeze %dma_start3A_171 : memref<1x128xi32, #tpu.memory_space<vmem>> -> memref<128xi32, #tpu.memory_space<vmem>>
      %dma_start3A_173 = arith.constant 0 : i32
      %dma_start3A_174 = arith.constant 0 : i32
      %dma_start3A_175 = tpu.memref_slice %arg17[%dma_start3A_173, %dma_start3A_174] : memref<10240x128xf32, #tpu.memory_space<vmem_shared>> -> memref<10240x128xf32, #tpu.memory_space<vmem_shared>>
      tpu.enqueue_indirect_dma source(%arg13 : memref<128x128xf32, #tpu.memory_space<vmem>>) target(%dma_start3A_175 : memref<10240x128xf32, #tpu.memory_space<vmem_shared>>) offsets(%dma_start3A_172 : memref<128xi32, #tpu.memory_space<vmem>>) semaphore(%arg16 : memref<!tpu.dma_semaphore, #tpu.memory_space<semaphore_mem>>) {add = true}
      %dma_wait3A_176 = arith.constant 0 : i32
      %dma_wait3A_177 = tpu.memref_slice %arg11[%add3A_130, %dma_wait3A_176] : memref<40x128xi32, #tpu.memory_space<vmem>> -> memref<1x128xi32, #tpu.memory_space<vmem>>
      %dma_wait3A_178 = tpu.memref_squeeze %dma_wait3A_177 : memref<1x128xi32, #tpu.memory_space<vmem>> -> memref<128xi32, #tpu.memory_space<vmem>>
      %dma_wait3A_179 = arith.constant 0 : i32
      %dma_wait3A_180 = arith.constant 0 : i32
      %dma_wait3A_181 = tpu.memref_slice %arg17[%dma_wait3A_179, %dma_wait3A_180] : memref<10240x128xf32, #tpu.memory_space<vmem_shared>> -> memref<10240x128xf32, #tpu.memory_space<vmem_shared>>
      tpu.wait_indirect_dma semaphore(%arg16 : memref<!tpu.dma_semaphore, #tpu.memory_space<semaphore_mem>>) src(%arg13 : memref<128x128xf32, #tpu.memory_space<vmem>>) dst(%dma_wait3A_181 : memref<10240x128xf32, #tpu.memory_space<vmem_shared>>)
    }
    %scan3A_12 = arith.constant 20 : i32
    %dma_wait3A = arith.constant 0 : i32
    %dma_wait3A_13 = arith.constant 0 : i32
    %dma_wait3A_14 = tpu.memref_slice %arg10[%dma_wait3A, %dma_wait3A_13] : memref<40x128xi32, #tpu.memory_space<vmem>> -> memref<1x128xi32, #tpu.memory_space<vmem>>
    %dma_wait3A_15 = tpu.memref_squeeze %dma_wait3A_14 : memref<1x128xi32, #tpu.memory_space<vmem>> -> memref<128xi32, #tpu.memory_space<vmem>>
    %dma_wait3A_16 = arith.constant 0 : i32
    %dma_wait3A_17 = arith.constant 0 : i32
    %dma_wait3A_18 = tpu.memref_slice %arg2[%dma_wait3A_16, %dma_wait3A_17] : memref<10240x128xf32, #tpu.memory_space<hbm>> -> memref<10240x128xf32, #tpu.memory_space<hbm>>
    tpu.wait_indirect_dma semaphore(%arg14 : memref<!tpu.dma_semaphore, #tpu.memory_space<semaphore_mem>>) src(%dma_wait3A_18 : memref<10240x128xf32, #tpu.memory_space<hbm>>) dst(%arg12 : memref<128x128xf32, #tpu.memory_space<vmem>>)
    %barrier3A_19 = arith.constant 0 : index
    tpu.barrier barrier_id(%barrier3A_19)
    %eq3A_20 = arith.constant 0 : i32
    %eq3A_21 = arith.cmpi eq, %arg1, %eq3A_20 : i32
    %convert_element_type3A_22 = arith.extui %eq3A_21 : i1 to i32
    %cond3A_23 = arith.constant 0 : i32
    %cond3A_24 = arith.cmpi ne, %convert_element_type3A_22, %cond3A_23 : i32
    scf.if %cond3A_24 {
      %run_scoped3A = arith.constant 0 : i32
      "tpu.region"() ({
        %run_scoped3A_122 = tpu.sem_alloc : memref<!tpu.dma_semaphore, #tpu.memory_space<semaphore_mem>>
        %dma_start3A_123 = arith.constant 0 : i32
        %dma_start3A_124 = arith.constant 0 : i32
        %dma_start3A_125 = arith.constant 0 : i32
        %dma_start3A_126 = tpu.memref_slice %arg9[%arg0, %dma_start3A_123, %dma_start3A_124, %dma_start3A_125] : memref<2x4x10240x128xf32, #tpu.memory_space<hbm>> -> memref<1x4x10240x128xf32, #tpu.memory_space<hbm>>
        %dma_start3A_127 = tpu.memref_squeeze %dma_start3A_126 : memref<1x4x10240x128xf32, #tpu.memory_space<hbm>> -> memref<4x10240x128xf32, #tpu.memory_space<hbm>>
        %dma_start3A_128 = arith.constant 0 : i32
        %dma_start3A_129 = arith.constant 0 : i32
        %dma_start3A_130 = tpu.memref_slice %dma_start3A_127[%run_scoped3A, %dma_start3A_128, %dma_start3A_129] : memref<4x10240x128xf32, #tpu.memory_space<hbm>> -> memref<1x10240x128xf32, #tpu.memory_space<hbm>>
        %dma_start3A_131 = tpu.memref_squeeze %dma_start3A_130 : memref<1x10240x128xf32, #tpu.memory_space<hbm>> -> memref<10240x128xf32, #tpu.memory_space<hbm>>
        tpu.enqueue_dma source(%arg17 : memref<10240x128xf32, #tpu.memory_space<vmem_shared>>) target(%dma_start3A_131 : memref<10240x128xf32, #tpu.memory_space<hbm>>) target_semaphore(%run_scoped3A_122 : memref<!tpu.dma_semaphore, #tpu.memory_space<semaphore_mem>>)
        %dma_wait3A_132 = arith.constant 0 : i32
        %dma_wait3A_133 = arith.constant 0 : i32
        %dma_wait3A_134 = arith.constant 0 : i32
        %dma_wait3A_135 = tpu.memref_slice %arg9[%arg0, %dma_wait3A_132, %dma_wait3A_133, %dma_wait3A_134] : memref<2x4x10240x128xf32, #tpu.memory_space<hbm>> -> memref<1x4x10240x128xf32, #tpu.memory_space<hbm>>
        %dma_wait3A_136 = tpu.memref_squeeze %dma_wait3A_135 : memref<1x4x10240x128xf32, #tpu.memory_space<hbm>> -> memref<4x10240x128xf32, #tpu.memory_space<hbm>>
        %dma_wait3A_137 = arith.constant 0 : i32
        %dma_wait3A_138 = arith.constant 0 : i32
        %dma_wait3A_139 = tpu.memref_slice %dma_wait3A_136[%run_scoped3A, %dma_wait3A_137, %dma_wait3A_138] : memref<4x10240x128xf32, #tpu.memory_space<hbm>> -> memref<1x10240x128xf32, #tpu.memory_space<hbm>>
        %dma_wait3A_140 = tpu.memref_squeeze %dma_wait3A_139 : memref<1x10240x128xf32, #tpu.memory_space<hbm>> -> memref<10240x128xf32, #tpu.memory_space<hbm>>
        tpu.wait_dma2 semaphore(%run_scoped3A_122 : memref<!tpu.dma_semaphore, #tpu.memory_space<semaphore_mem>>) src(%arg17 : memref<10240x128xf32, #tpu.memory_space<vmem_shared>>) dst(%dma_wait3A_140 : memref<10240x128xf32, #tpu.memory_space<hbm>>)
        tpu.yield
      }) : () -> ()
    } else {
    }
    %barrier3A_25 = arith.constant 0 : index
    tpu.barrier barrier_id(%barrier3A_25)
    %eq3A_26 = arith.constant 0 : i32
    %eq3A_27 = arith.cmpi eq, %arg1, %eq3A_26 : i32
    %convert_element_type3A_28 = arith.extui %eq3A_27 : i1 to i32
    %cond3A_29 = arith.constant 0 : i32
    %cond3A_30 = arith.cmpi ne, %convert_element_type3A_28, %cond3A_29 : i32
    scf.if %cond3A_30 {
      "tpu.region"() ({
        %run_scoped3A = tpu.sem_alloc : memref<!tpu.dma_semaphore, #tpu.memory_space<semaphore_mem>>
        tpu.enqueue_dma source(%arg8 : memref<10240x128xf32, #tpu.memory_space<hbm>>) target(%arg17 : memref<10240x128xf32, #tpu.memory_space<vmem_shared>>) target_semaphore(%run_scoped3A : memref<!tpu.dma_semaphore, #tpu.memory_space<semaphore_mem>>)
        tpu.wait_dma2 semaphore(%run_scoped3A : memref<!tpu.dma_semaphore, #tpu.memory_space<semaphore_mem>>) src(%arg8 : memref<10240x128xf32, #tpu.memory_space<hbm>>) dst(%arg17 : memref<10240x128xf32, #tpu.memory_space<vmem_shared>>)
        tpu.yield
      }) : () -> ()
    } else {
    }
    %barrier3A_31 = arith.constant 0 : index
    tpu.barrier barrier_id(%barrier3A_31)
    %dma_start3A_32 = arith.constant 0 : i32
    %dma_start3A_33 = arith.constant 0 : i32
    %dma_start3A_34 = tpu.memref_slice %arg10[%dma_start3A_32, %dma_start3A_33] : memref<40x128xi32, #tpu.memory_space<vmem>> -> memref<1x128xi32, #tpu.memory_space<vmem>>
    %dma_start3A_35 = tpu.memref_squeeze %dma_start3A_34 : memref<1x128xi32, #tpu.memory_space<vmem>> -> memref<128xi32, #tpu.memory_space<vmem>>
    %dma_start3A_36 = arith.constant 0 : i32
    %dma_start3A_37 = arith.constant 0 : i32
    %dma_start3A_38 = tpu.memref_slice %arg3[%dma_start3A_36, %dma_start3A_37] : memref<10240x128xf32, #tpu.memory_space<hbm>> -> memref<10240x128xf32, #tpu.memory_space<hbm>>
    tpu.enqueue_indirect_dma source(%dma_start3A_38 : memref<10240x128xf32, #tpu.memory_space<hbm>>) target(%arg12 : memref<128x128xf32, #tpu.memory_space<vmem>>) offsets(%dma_start3A_35 : memref<128xi32, #tpu.memory_space<vmem>>) semaphore(%arg14 : memref<!tpu.dma_semaphore, #tpu.memory_space<semaphore_mem>>)
    %scan3A_39 = arith.constant 0 : i32
    %scan3A_40 = arith.constant 20 : i32
    %scan3A_41 = arith.addi %scan3A_39, %scan3A_40 : i32
    %scan3A_42 = arith.constant 1 : i32
    scf.for %scan3A_122 = %scan3A_39 to %scan3A_41 step %scan3A_42  : i32 {
      %mul3A_123 = arith.constant 1 : i32
      %mul3A_124 = arith.muli %scan3A_122, %mul3A_123 : i32
      %add3A_125 = arith.constant 0 : i32
      %add3A_126 = arith.addi %add3A_125, %mul3A_124 : i32
      %mul3A_127 = arith.constant 2 : i32
      %mul3A_128 = arith.muli %add3A_126, %mul3A_127 : i32
      %add3A_129 = arith.constant 1 : i32
      %add3A_130 = arith.addi %mul3A_128, %add3A_129 : i32
      %dma_wait3A_131 = arith.constant 0 : i32
      %dma_wait3A_132 = tpu.memref_slice %arg10[%mul3A_128, %dma_wait3A_131] : memref<40x128xi32, #tpu.memory_space<vmem>> -> memref<1x128xi32, #tpu.memory_space<vmem>>
      %dma_wait3A_133 = tpu.memref_squeeze %dma_wait3A_132 : memref<1x128xi32, #tpu.memory_space<vmem>> -> memref<128xi32, #tpu.memory_space<vmem>>
      %dma_wait3A_134 = arith.constant 0 : i32
      %dma_wait3A_135 = arith.constant 0 : i32
      %dma_wait3A_136 = tpu.memref_slice %arg3[%dma_wait3A_134, %dma_wait3A_135] : memref<10240x128xf32, #tpu.memory_space<hbm>> -> memref<10240x128xf32, #tpu.memory_space<hbm>>
      tpu.wait_indirect_dma semaphore(%arg14 : memref<!tpu.dma_semaphore, #tpu.memory_space<semaphore_mem>>) src(%dma_wait3A_136 : memref<10240x128xf32, #tpu.memory_space<hbm>>) dst(%arg12 : memref<128x128xf32, #tpu.memory_space<vmem>>)
      %dma_start3A_137 = arith.constant 0 : i32
      %dma_start3A_138 = tpu.memref_slice %arg10[%add3A_130, %dma_start3A_137] : memref<40x128xi32, #tpu.memory_space<vmem>> -> memref<1x128xi32, #tpu.memory_space<vmem>>
      %dma_start3A_139 = tpu.memref_squeeze %dma_start3A_138 : memref<1x128xi32, #tpu.memory_space<vmem>> -> memref<128xi32, #tpu.memory_space<vmem>>
      %dma_start3A_140 = arith.constant 0 : i32
      %dma_start3A_141 = arith.constant 0 : i32
      %dma_start3A_142 = tpu.memref_slice %arg3[%dma_start3A_140, %dma_start3A_141] : memref<10240x128xf32, #tpu.memory_space<hbm>> -> memref<10240x128xf32, #tpu.memory_space<hbm>>
      tpu.enqueue_indirect_dma source(%dma_start3A_142 : memref<10240x128xf32, #tpu.memory_space<hbm>>) target(%arg13 : memref<128x128xf32, #tpu.memory_space<vmem>>) offsets(%dma_start3A_139 : memref<128xi32, #tpu.memory_space<vmem>>) semaphore(%arg15 : memref<!tpu.dma_semaphore, #tpu.memory_space<semaphore_mem>>)
      %dma_start3A_143 = arith.constant 0 : i32
      %dma_start3A_144 = tpu.memref_slice %arg11[%mul3A_128, %dma_start3A_143] : memref<40x128xi32, #tpu.memory_space<vmem>> -> memref<1x128xi32, #tpu.memory_space<vmem>>
      %dma_start3A_145 = tpu.memref_squeeze %dma_start3A_144 : memref<1x128xi32, #tpu.memory_space<vmem>> -> memref<128xi32, #tpu.memory_space<vmem>>
      %dma_start3A_146 = arith.constant 0 : i32
      %dma_start3A_147 = arith.constant 0 : i32
      %dma_start3A_148 = tpu.memref_slice %arg17[%dma_start3A_146, %dma_start3A_147] : memref<10240x128xf32, #tpu.memory_space<vmem_shared>> -> memref<10240x128xf32, #tpu.memory_space<vmem_shared>>
      tpu.enqueue_indirect_dma source(%arg12 : memref<128x128xf32, #tpu.memory_space<vmem>>) target(%dma_start3A_148 : memref<10240x128xf32, #tpu.memory_space<vmem_shared>>) offsets(%dma_start3A_145 : memref<128xi32, #tpu.memory_space<vmem>>) semaphore(%arg16 : memref<!tpu.dma_semaphore, #tpu.memory_space<semaphore_mem>>) {add = true}
      %dma_wait3A_149 = arith.constant 0 : i32
      %dma_wait3A_150 = tpu.memref_slice %arg11[%mul3A_128, %dma_wait3A_149] : memref<40x128xi32, #tpu.memory_space<vmem>> -> memref<1x128xi32, #tpu.memory_space<vmem>>
      %dma_wait3A_151 = tpu.memref_squeeze %dma_wait3A_150 : memref<1x128xi32, #tpu.memory_space<vmem>> -> memref<128xi32, #tpu.memory_space<vmem>>
      %dma_wait3A_152 = arith.constant 0 : i32
      %dma_wait3A_153 = arith.constant 0 : i32
      %dma_wait3A_154 = tpu.memref_slice %arg17[%dma_wait3A_152, %dma_wait3A_153] : memref<10240x128xf32, #tpu.memory_space<vmem_shared>> -> memref<10240x128xf32, #tpu.memory_space<vmem_shared>>
      tpu.wait_indirect_dma semaphore(%arg16 : memref<!tpu.dma_semaphore, #tpu.memory_space<semaphore_mem>>) src(%arg12 : memref<128x128xf32, #tpu.memory_space<vmem>>) dst(%dma_wait3A_154 : memref<10240x128xf32, #tpu.memory_space<vmem_shared>>)
      %dma_wait3A_155 = arith.constant 0 : i32
      %dma_wait3A_156 = tpu.memref_slice %arg10[%add3A_130, %dma_wait3A_155] : memref<40x128xi32, #tpu.memory_space<vmem>> -> memref<1x128xi32, #tpu.memory_space<vmem>>
      %dma_wait3A_157 = tpu.memref_squeeze %dma_wait3A_156 : memref<1x128xi32, #tpu.memory_space<vmem>> -> memref<128xi32, #tpu.memory_space<vmem>>
      %dma_wait3A_158 = arith.constant 0 : i32
      %dma_wait3A_159 = arith.constant 0 : i32
      %dma_wait3A_160 = tpu.memref_slice %arg3[%dma_wait3A_158, %dma_wait3A_159] : memref<10240x128xf32, #tpu.memory_space<hbm>> -> memref<10240x128xf32, #tpu.memory_space<hbm>>
      tpu.wait_indirect_dma semaphore(%arg15 : memref<!tpu.dma_semaphore, #tpu.memory_space<semaphore_mem>>) src(%dma_wait3A_160 : memref<10240x128xf32, #tpu.memory_space<hbm>>) dst(%arg13 : memref<128x128xf32, #tpu.memory_space<vmem>>)
      %add3A_161 = arith.constant 2 : i32
      %add3A_162 = arith.addi %mul3A_128, %add3A_161 : i32
      %min3A = arith.constant 39 : i32
      %min3A_163 = arith.minsi %add3A_162, %min3A : i32
      %dma_start3A_164 = arith.constant 0 : i32
      %dma_start3A_165 = tpu.memref_slice %arg10[%min3A_163, %dma_start3A_164] : memref<40x128xi32, #tpu.memory_space<vmem>> -> memref<1x128xi32, #tpu.memory_space<vmem>>
      %dma_start3A_166 = tpu.memref_squeeze %dma_start3A_165 : memref<1x128xi32, #tpu.memory_space<vmem>> -> memref<128xi32, #tpu.memory_space<vmem>>
      %dma_start3A_167 = arith.constant 0 : i32
      %dma_start3A_168 = arith.constant 0 : i32
      %dma_start3A_169 = tpu.memref_slice %arg3[%dma_start3A_167, %dma_start3A_168] : memref<10240x128xf32, #tpu.memory_space<hbm>> -> memref<10240x128xf32, #tpu.memory_space<hbm>>
      tpu.enqueue_indirect_dma source(%dma_start3A_169 : memref<10240x128xf32, #tpu.memory_space<hbm>>) target(%arg12 : memref<128x128xf32, #tpu.memory_space<vmem>>) offsets(%dma_start3A_166 : memref<128xi32, #tpu.memory_space<vmem>>) semaphore(%arg14 : memref<!tpu.dma_semaphore, #tpu.memory_space<semaphore_mem>>)
      %dma_start3A_170 = arith.constant 0 : i32
      %dma_start3A_171 = tpu.memref_slice %arg11[%add3A_130, %dma_start3A_170] : memref<40x128xi32, #tpu.memory_space<vmem>> -> memref<1x128xi32, #tpu.memory_space<vmem>>
      %dma_start3A_172 = tpu.memref_squeeze %dma_start3A_171 : memref<1x128xi32, #tpu.memory_space<vmem>> -> memref<128xi32, #tpu.memory_space<vmem>>
      %dma_start3A_173 = arith.constant 0 : i32
      %dma_start3A_174 = arith.constant 0 : i32
      %dma_start3A_175 = tpu.memref_slice %arg17[%dma_start3A_173, %dma_start3A_174] : memref<10240x128xf32, #tpu.memory_space<vmem_shared>> -> memref<10240x128xf32, #tpu.memory_space<vmem_shared>>
      tpu.enqueue_indirect_dma source(%arg13 : memref<128x128xf32, #tpu.memory_space<vmem>>) target(%dma_start3A_175 : memref<10240x128xf32, #tpu.memory_space<vmem_shared>>) offsets(%dma_start3A_172 : memref<128xi32, #tpu.memory_space<vmem>>) semaphore(%arg16 : memref<!tpu.dma_semaphore, #tpu.memory_space<semaphore_mem>>) {add = true}
      %dma_wait3A_176 = arith.constant 0 : i32
      %dma_wait3A_177 = tpu.memref_slice %arg11[%add3A_130, %dma_wait3A_176] : memref<40x128xi32, #tpu.memory_space<vmem>> -> memref<1x128xi32, #tpu.memory_space<vmem>>
      %dma_wait3A_178 = tpu.memref_squeeze %dma_wait3A_177 : memref<1x128xi32, #tpu.memory_space<vmem>> -> memref<128xi32, #tpu.memory_space<vmem>>
      %dma_wait3A_179 = arith.constant 0 : i32
      %dma_wait3A_180 = arith.constant 0 : i32
      %dma_wait3A_181 = tpu.memref_slice %arg17[%dma_wait3A_179, %dma_wait3A_180] : memref<10240x128xf32, #tpu.memory_space<vmem_shared>> -> memref<10240x128xf32, #tpu.memory_space<vmem_shared>>
      tpu.wait_indirect_dma semaphore(%arg16 : memref<!tpu.dma_semaphore, #tpu.memory_space<semaphore_mem>>) src(%arg13 : memref<128x128xf32, #tpu.memory_space<vmem>>) dst(%dma_wait3A_181 : memref<10240x128xf32, #tpu.memory_space<vmem_shared>>)
    }
    %scan3A_43 = arith.constant 20 : i32
    %dma_wait3A_44 = arith.constant 0 : i32
    %dma_wait3A_45 = arith.constant 0 : i32
    %dma_wait3A_46 = tpu.memref_slice %arg10[%dma_wait3A_44, %dma_wait3A_45] : memref<40x128xi32, #tpu.memory_space<vmem>> -> memref<1x128xi32, #tpu.memory_space<vmem>>
    %dma_wait3A_47 = tpu.memref_squeeze %dma_wait3A_46 : memref<1x128xi32, #tpu.memory_space<vmem>> -> memref<128xi32, #tpu.memory_space<vmem>>
    %dma_wait3A_48 = arith.constant 0 : i32
    %dma_wait3A_49 = arith.constant 0 : i32
    %dma_wait3A_50 = tpu.memref_slice %arg3[%dma_wait3A_48, %dma_wait3A_49] : memref<10240x128xf32, #tpu.memory_space<hbm>> -> memref<10240x128xf32, #tpu.memory_space<hbm>>
    tpu.wait_indirect_dma semaphore(%arg14 : memref<!tpu.dma_semaphore, #tpu.memory_space<semaphore_mem>>) src(%dma_wait3A_50 : memref<10240x128xf32, #tpu.memory_space<hbm>>) dst(%arg12 : memref<128x128xf32, #tpu.memory_space<vmem>>)
    %barrier3A_51 = arith.constant 0 : index
    tpu.barrier barrier_id(%barrier3A_51)
    %eq3A_52 = arith.constant 0 : i32
    %eq3A_53 = arith.cmpi eq, %arg1, %eq3A_52 : i32
    %convert_element_type3A_54 = arith.extui %eq3A_53 : i1 to i32
    %cond3A_55 = arith.constant 0 : i32
    %cond3A_56 = arith.cmpi ne, %convert_element_type3A_54, %cond3A_55 : i32
    scf.if %cond3A_56 {
      %run_scoped3A = arith.constant 1 : i32
      "tpu.region"() ({
        %run_scoped3A_122 = tpu.sem_alloc : memref<!tpu.dma_semaphore, #tpu.memory_space<semaphore_mem>>
        %dma_start3A_123 = arith.constant 0 : i32
        %dma_start3A_124 = arith.constant 0 : i32
        %dma_start3A_125 = arith.constant 0 : i32
        %dma_start3A_126 = tpu.memref_slice %arg9[%arg0, %dma_start3A_123, %dma_start3A_124, %dma_start3A_125] : memref<2x4x10240x128xf32, #tpu.memory_space<hbm>> -> memref<1x4x10240x128xf32, #tpu.memory_space<hbm>>
        %dma_start3A_127 = tpu.memref_squeeze %dma_start3A_126 : memref<1x4x10240x128xf32, #tpu.memory_space<hbm>> -> memref<4x10240x128xf32, #tpu.memory_space<hbm>>
        %dma_start3A_128 = arith.constant 0 : i32
        %dma_start3A_129 = arith.constant 0 : i32
        %dma_start3A_130 = tpu.memref_slice %dma_start3A_127[%run_scoped3A, %dma_start3A_128, %dma_start3A_129] : memref<4x10240x128xf32, #tpu.memory_space<hbm>> -> memref<1x10240x128xf32, #tpu.memory_space<hbm>>
        %dma_start3A_131 = tpu.memref_squeeze %dma_start3A_130 : memref<1x10240x128xf32, #tpu.memory_space<hbm>> -> memref<10240x128xf32, #tpu.memory_space<hbm>>
        tpu.enqueue_dma source(%arg17 : memref<10240x128xf32, #tpu.memory_space<vmem_shared>>) target(%dma_start3A_131 : memref<10240x128xf32, #tpu.memory_space<hbm>>) target_semaphore(%run_scoped3A_122 : memref<!tpu.dma_semaphore, #tpu.memory_space<semaphore_mem>>)
        %dma_wait3A_132 = arith.constant 0 : i32
        %dma_wait3A_133 = arith.constant 0 : i32
        %dma_wait3A_134 = arith.constant 0 : i32
        %dma_wait3A_135 = tpu.memref_slice %arg9[%arg0, %dma_wait3A_132, %dma_wait3A_133, %dma_wait3A_134] : memref<2x4x10240x128xf32, #tpu.memory_space<hbm>> -> memref<1x4x10240x128xf32, #tpu.memory_space<hbm>>
        %dma_wait3A_136 = tpu.memref_squeeze %dma_wait3A_135 : memref<1x4x10240x128xf32, #tpu.memory_space<hbm>> -> memref<4x10240x128xf32, #tpu.memory_space<hbm>>
        %dma_wait3A_137 = arith.constant 0 : i32
        %dma_wait3A_138 = arith.constant 0 : i32
        %dma_wait3A_139 = tpu.memref_slice %dma_wait3A_136[%run_scoped3A, %dma_wait3A_137, %dma_wait3A_138] : memref<4x10240x128xf32, #tpu.memory_space<hbm>> -> memref<1x10240x128xf32, #tpu.memory_space<hbm>>
        %dma_wait3A_140 = tpu.memref_squeeze %dma_wait3A_139 : memref<1x10240x128xf32, #tpu.memory_space<hbm>> -> memref<10240x128xf32, #tpu.memory_space<hbm>>
        tpu.wait_dma2 semaphore(%run_scoped3A_122 : memref<!tpu.dma_semaphore, #tpu.memory_space<semaphore_mem>>) src(%arg17 : memref<10240x128xf32, #tpu.memory_space<vmem_shared>>) dst(%dma_wait3A_140 : memref<10240x128xf32, #tpu.memory_space<hbm>>)
        tpu.yield
      }) : () -> ()
    } else {
    }
    %barrier3A_57 = arith.constant 0 : index
    tpu.barrier barrier_id(%barrier3A_57)
    %eq3A_58 = arith.constant 0 : i32
    %eq3A_59 = arith.cmpi eq, %arg1, %eq3A_58 : i32
    %convert_element_type3A_60 = arith.extui %eq3A_59 : i1 to i32
    %cond3A_61 = arith.constant 0 : i32
    %cond3A_62 = arith.cmpi ne, %convert_element_type3A_60, %cond3A_61 : i32
    scf.if %cond3A_62 {
      "tpu.region"() ({
        %run_scoped3A = tpu.sem_alloc : memref<!tpu.dma_semaphore, #tpu.memory_space<semaphore_mem>>
        tpu.enqueue_dma source(%arg8 : memref<10240x128xf32, #tpu.memory_space<hbm>>) target(%arg17 : memref<10240x128xf32, #tpu.memory_space<vmem_shared>>) target_semaphore(%run_scoped3A : memref<!tpu.dma_semaphore, #tpu.memory_space<semaphore_mem>>)
        tpu.wait_dma2 semaphore(%run_scoped3A : memref<!tpu.dma_semaphore, #tpu.memory_space<semaphore_mem>>) src(%arg8 : memref<10240x128xf32, #tpu.memory_space<hbm>>) dst(%arg17 : memref<10240x128xf32, #tpu.memory_space<vmem_shared>>)
        tpu.yield
      }) : () -> ()
    } else {
    }
    %barrier3A_63 = arith.constant 0 : index
    tpu.barrier barrier_id(%barrier3A_63)
    %dma_start3A_64 = arith.constant 0 : i32
    %dma_start3A_65 = arith.constant 0 : i32
    %dma_start3A_66 = tpu.memref_slice %arg10[%dma_start3A_64, %dma_start3A_65] : memref<40x128xi32, #tpu.memory_space<vmem>> -> memref<1x128xi32, #tpu.memory_space<vmem>>
    %dma_start3A_67 = tpu.memref_squeeze %dma_start3A_66 : memref<1x128xi32, #tpu.memory_space<vmem>> -> memref<128xi32, #tpu.memory_space<vmem>>
    %dma_start3A_68 = arith.constant 0 : i32
    %dma_start3A_69 = arith.constant 0 : i32
    %dma_start3A_70 = tpu.memref_slice %arg4[%dma_start3A_68, %dma_start3A_69] : memref<10240x128xf32, #tpu.memory_space<hbm>> -> memref<10240x128xf32, #tpu.memory_space<hbm>>
    tpu.enqueue_indirect_dma source(%dma_start3A_70 : memref<10240x128xf32, #tpu.memory_space<hbm>>) target(%arg12 : memref<128x128xf32, #tpu.memory_space<vmem>>) offsets(%dma_start3A_67 : memref<128xi32, #tpu.memory_space<vmem>>) semaphore(%arg14 : memref<!tpu.dma_semaphore, #tpu.memory_space<semaphore_mem>>)
    %scan3A_71 = arith.constant 0 : i32
    %scan3A_72 = arith.constant 20 : i32
    %scan3A_73 = arith.addi %scan3A_71, %scan3A_72 : i32
    %scan3A_74 = arith.constant 1 : i32
    scf.for %scan3A_122 = %scan3A_71 to %scan3A_73 step %scan3A_74  : i32 {
      %mul3A_123 = arith.constant 1 : i32
      %mul3A_124 = arith.muli %scan3A_122, %mul3A_123 : i32
      %add3A_125 = arith.constant 0 : i32
      %add3A_126 = arith.addi %add3A_125, %mul3A_124 : i32
      %mul3A_127 = arith.constant 2 : i32
      %mul3A_128 = arith.muli %add3A_126, %mul3A_127 : i32
      %add3A_129 = arith.constant 1 : i32
      %add3A_130 = arith.addi %mul3A_128, %add3A_129 : i32
      %dma_wait3A_131 = arith.constant 0 : i32
      %dma_wait3A_132 = tpu.memref_slice %arg10[%mul3A_128, %dma_wait3A_131] : memref<40x128xi32, #tpu.memory_space<vmem>> -> memref<1x128xi32, #tpu.memory_space<vmem>>
      %dma_wait3A_133 = tpu.memref_squeeze %dma_wait3A_132 : memref<1x128xi32, #tpu.memory_space<vmem>> -> memref<128xi32, #tpu.memory_space<vmem>>
      %dma_wait3A_134 = arith.constant 0 : i32
      %dma_wait3A_135 = arith.constant 0 : i32
      %dma_wait3A_136 = tpu.memref_slice %arg4[%dma_wait3A_134, %dma_wait3A_135] : memref<10240x128xf32, #tpu.memory_space<hbm>> -> memref<10240x128xf32, #tpu.memory_space<hbm>>
      tpu.wait_indirect_dma semaphore(%arg14 : memref<!tpu.dma_semaphore, #tpu.memory_space<semaphore_mem>>) src(%dma_wait3A_136 : memref<10240x128xf32, #tpu.memory_space<hbm>>) dst(%arg12 : memref<128x128xf32, #tpu.memory_space<vmem>>)
      %dma_start3A_137 = arith.constant 0 : i32
      %dma_start3A_138 = tpu.memref_slice %arg10[%add3A_130, %dma_start3A_137] : memref<40x128xi32, #tpu.memory_space<vmem>> -> memref<1x128xi32, #tpu.memory_space<vmem>>
      %dma_start3A_139 = tpu.memref_squeeze %dma_start3A_138 : memref<1x128xi32, #tpu.memory_space<vmem>> -> memref<128xi32, #tpu.memory_space<vmem>>
      %dma_start3A_140 = arith.constant 0 : i32
      %dma_start3A_141 = arith.constant 0 : i32
      %dma_start3A_142 = tpu.memref_slice %arg4[%dma_start3A_140, %dma_start3A_141] : memref<10240x128xf32, #tpu.memory_space<hbm>> -> memref<10240x128xf32, #tpu.memory_space<hbm>>
      tpu.enqueue_indirect_dma source(%dma_start3A_142 : memref<10240x128xf32, #tpu.memory_space<hbm>>) target(%arg13 : memref<128x128xf32, #tpu.memory_space<vmem>>) offsets(%dma_start3A_139 : memref<128xi32, #tpu.memory_space<vmem>>) semaphore(%arg15 : memref<!tpu.dma_semaphore, #tpu.memory_space<semaphore_mem>>)
      %dma_start3A_143 = arith.constant 0 : i32
      %dma_start3A_144 = tpu.memref_slice %arg11[%mul3A_128, %dma_start3A_143] : memref<40x128xi32, #tpu.memory_space<vmem>> -> memref<1x128xi32, #tpu.memory_space<vmem>>
      %dma_start3A_145 = tpu.memref_squeeze %dma_start3A_144 : memref<1x128xi32, #tpu.memory_space<vmem>> -> memref<128xi32, #tpu.memory_space<vmem>>
      %dma_start3A_146 = arith.constant 0 : i32
      %dma_start3A_147 = arith.constant 0 : i32
      %dma_start3A_148 = tpu.memref_slice %arg17[%dma_start3A_146, %dma_start3A_147] : memref<10240x128xf32, #tpu.memory_space<vmem_shared>> -> memref<10240x128xf32, #tpu.memory_space<vmem_shared>>
      tpu.enqueue_indirect_dma source(%arg12 : memref<128x128xf32, #tpu.memory_space<vmem>>) target(%dma_start3A_148 : memref<10240x128xf32, #tpu.memory_space<vmem_shared>>) offsets(%dma_start3A_145 : memref<128xi32, #tpu.memory_space<vmem>>) semaphore(%arg16 : memref<!tpu.dma_semaphore, #tpu.memory_space<semaphore_mem>>) {add = true}
      %dma_wait3A_149 = arith.constant 0 : i32
      %dma_wait3A_150 = tpu.memref_slice %arg11[%mul3A_128, %dma_wait3A_149] : memref<40x128xi32, #tpu.memory_space<vmem>> -> memref<1x128xi32, #tpu.memory_space<vmem>>
      %dma_wait3A_151 = tpu.memref_squeeze %dma_wait3A_150 : memref<1x128xi32, #tpu.memory_space<vmem>> -> memref<128xi32, #tpu.memory_space<vmem>>
      %dma_wait3A_152 = arith.constant 0 : i32
      %dma_wait3A_153 = arith.constant 0 : i32
      %dma_wait3A_154 = tpu.memref_slice %arg17[%dma_wait3A_152, %dma_wait3A_153] : memref<10240x128xf32, #tpu.memory_space<vmem_shared>> -> memref<10240x128xf32, #tpu.memory_space<vmem_shared>>
      tpu.wait_indirect_dma semaphore(%arg16 : memref<!tpu.dma_semaphore, #tpu.memory_space<semaphore_mem>>) src(%arg12 : memref<128x128xf32, #tpu.memory_space<vmem>>) dst(%dma_wait3A_154 : memref<10240x128xf32, #tpu.memory_space<vmem_shared>>)
      %dma_wait3A_155 = arith.constant 0 : i32
      %dma_wait3A_156 = tpu.memref_slice %arg10[%add3A_130, %dma_wait3A_155] : memref<40x128xi32, #tpu.memory_space<vmem>> -> memref<1x128xi32, #tpu.memory_space<vmem>>
      %dma_wait3A_157 = tpu.memref_squeeze %dma_wait3A_156 : memref<1x128xi32, #tpu.memory_space<vmem>> -> memref<128xi32, #tpu.memory_space<vmem>>
      %dma_wait3A_158 = arith.constant 0 : i32
      %dma_wait3A_159 = arith.constant 0 : i32
      %dma_wait3A_160 = tpu.memref_slice %arg4[%dma_wait3A_158, %dma_wait3A_159] : memref<10240x128xf32, #tpu.memory_space<hbm>> -> memref<10240x128xf32, #tpu.memory_space<hbm>>
      tpu.wait_indirect_dma semaphore(%arg15 : memref<!tpu.dma_semaphore, #tpu.memory_space<semaphore_mem>>) src(%dma_wait3A_160 : memref<10240x128xf32, #tpu.memory_space<hbm>>) dst(%arg13 : memref<128x128xf32, #tpu.memory_space<vmem>>)
      %add3A_161 = arith.constant 2 : i32
      %add3A_162 = arith.addi %mul3A_128, %add3A_161 : i32
      %min3A = arith.constant 39 : i32
      %min3A_163 = arith.minsi %add3A_162, %min3A : i32
      %dma_start3A_164 = arith.constant 0 : i32
      %dma_start3A_165 = tpu.memref_slice %arg10[%min3A_163, %dma_start3A_164] : memref<40x128xi32, #tpu.memory_space<vmem>> -> memref<1x128xi32, #tpu.memory_space<vmem>>
      %dma_start3A_166 = tpu.memref_squeeze %dma_start3A_165 : memref<1x128xi32, #tpu.memory_space<vmem>> -> memref<128xi32, #tpu.memory_space<vmem>>
      %dma_start3A_167 = arith.constant 0 : i32
      %dma_start3A_168 = arith.constant 0 : i32
      %dma_start3A_169 = tpu.memref_slice %arg4[%dma_start3A_167, %dma_start3A_168] : memref<10240x128xf32, #tpu.memory_space<hbm>> -> memref<10240x128xf32, #tpu.memory_space<hbm>>
      tpu.enqueue_indirect_dma source(%dma_start3A_169 : memref<10240x128xf32, #tpu.memory_space<hbm>>) target(%arg12 : memref<128x128xf32, #tpu.memory_space<vmem>>) offsets(%dma_start3A_166 : memref<128xi32, #tpu.memory_space<vmem>>) semaphore(%arg14 : memref<!tpu.dma_semaphore, #tpu.memory_space<semaphore_mem>>)
      %dma_start3A_170 = arith.constant 0 : i32
      %dma_start3A_171 = tpu.memref_slice %arg11[%add3A_130, %dma_start3A_170] : memref<40x128xi32, #tpu.memory_space<vmem>> -> memref<1x128xi32, #tpu.memory_space<vmem>>
      %dma_start3A_172 = tpu.memref_squeeze %dma_start3A_171 : memref<1x128xi32, #tpu.memory_space<vmem>> -> memref<128xi32, #tpu.memory_space<vmem>>
      %dma_start3A_173 = arith.constant 0 : i32
      %dma_start3A_174 = arith.constant 0 : i32
      %dma_start3A_175 = tpu.memref_slice %arg17[%dma_start3A_173, %dma_start3A_174] : memref<10240x128xf32, #tpu.memory_space<vmem_shared>> -> memref<10240x128xf32, #tpu.memory_space<vmem_shared>>
      tpu.enqueue_indirect_dma source(%arg13 : memref<128x128xf32, #tpu.memory_space<vmem>>) target(%dma_start3A_175 : memref<10240x128xf32, #tpu.memory_space<vmem_shared>>) offsets(%dma_start3A_172 : memref<128xi32, #tpu.memory_space<vmem>>) semaphore(%arg16 : memref<!tpu.dma_semaphore, #tpu.memory_space<semaphore_mem>>) {add = true}
      %dma_wait3A_176 = arith.constant 0 : i32
      %dma_wait3A_177 = tpu.memref_slice %arg11[%add3A_130, %dma_wait3A_176] : memref<40x128xi32, #tpu.memory_space<vmem>> -> memref<1x128xi32, #tpu.memory_space<vmem>>
      %dma_wait3A_178 = tpu.memref_squeeze %dma_wait3A_177 : memref<1x128xi32, #tpu.memory_space<vmem>> -> memref<128xi32, #tpu.memory_space<vmem>>
      %dma_wait3A_179 = arith.constant 0 : i32
      %dma_wait3A_180 = arith.constant 0 : i32
      %dma_wait3A_181 = tpu.memref_slice %arg17[%dma_wait3A_179, %dma_wait3A_180] : memref<10240x128xf32, #tpu.memory_space<vmem_shared>> -> memref<10240x128xf32, #tpu.memory_space<vmem_shared>>
      tpu.wait_indirect_dma semaphore(%arg16 : memref<!tpu.dma_semaphore, #tpu.memory_space<semaphore_mem>>) src(%arg13 : memref<128x128xf32, #tpu.memory_space<vmem>>) dst(%dma_wait3A_181 : memref<10240x128xf32, #tpu.memory_space<vmem_shared>>)
    }
    %scan3A_75 = arith.constant 20 : i32
    %dma_wait3A_76 = arith.constant 0 : i32
    %dma_wait3A_77 = arith.constant 0 : i32
    %dma_wait3A_78 = tpu.memref_slice %arg10[%dma_wait3A_76, %dma_wait3A_77] : memref<40x128xi32, #tpu.memory_space<vmem>> -> memref<1x128xi32, #tpu.memory_space<vmem>>
    %dma_wait3A_79 = tpu.memref_squeeze %dma_wait3A_78 : memref<1x128xi32, #tpu.memory_space<vmem>> -> memref<128xi32, #tpu.memory_space<vmem>>
    %dma_wait3A_80 = arith.constant 0 : i32
    %dma_wait3A_81 = arith.constant 0 : i32
    %dma_wait3A_82 = tpu.memref_slice %arg4[%dma_wait3A_80, %dma_wait3A_81] : memref<10240x128xf32, #tpu.memory_space<hbm>> -> memref<10240x128xf32, #tpu.memory_space<hbm>>
    tpu.wait_indirect_dma semaphore(%arg14 : memref<!tpu.dma_semaphore, #tpu.memory_space<semaphore_mem>>) src(%dma_wait3A_82 : memref<10240x128xf32, #tpu.memory_space<hbm>>) dst(%arg12 : memref<128x128xf32, #tpu.memory_space<vmem>>)
    %barrier3A_83 = arith.constant 0 : index
    tpu.barrier barrier_id(%barrier3A_83)
    %eq3A_84 = arith.constant 0 : i32
    %eq3A_85 = arith.cmpi eq, %arg1, %eq3A_84 : i32
    %convert_element_type3A_86 = arith.extui %eq3A_85 : i1 to i32
    %cond3A_87 = arith.constant 0 : i32
    %cond3A_88 = arith.cmpi ne, %convert_element_type3A_86, %cond3A_87 : i32
    scf.if %cond3A_88 {
      %run_scoped3A = arith.constant 2 : i32
      "tpu.region"() ({
        %run_scoped3A_122 = tpu.sem_alloc : memref<!tpu.dma_semaphore, #tpu.memory_space<semaphore_mem>>
        %dma_start3A_123 = arith.constant 0 : i32
        %dma_start3A_124 = arith.constant 0 : i32
        %dma_start3A_125 = arith.constant 0 : i32
        %dma_start3A_126 = tpu.memref_slice %arg9[%arg0, %dma_start3A_123, %dma_start3A_124, %dma_start3A_125] : memref<2x4x10240x128xf32, #tpu.memory_space<hbm>> -> memref<1x4x10240x128xf32, #tpu.memory_space<hbm>>
        %dma_start3A_127 = tpu.memref_squeeze %dma_start3A_126 : memref<1x4x10240x128xf32, #tpu.memory_space<hbm>> -> memref<4x10240x128xf32, #tpu.memory_space<hbm>>
        %dma_start3A_128 = arith.constant 0 : i32
        %dma_start3A_129 = arith.constant 0 : i32
        %dma_start3A_130 = tpu.memref_slice %dma_start3A_127[%run_scoped3A, %dma_start3A_128, %dma_start3A_129] : memref<4x10240x128xf32, #tpu.memory_space<hbm>> -> memref<1x10240x128xf32, #tpu.memory_space<hbm>>
        %dma_start3A_131 = tpu.memref_squeeze %dma_start3A_130 : memref<1x10240x128xf32, #tpu.memory_space<hbm>> -> memref<10240x128xf32, #tpu.memory_space<hbm>>
        tpu.enqueue_dma source(%arg17 : memref<10240x128xf32, #tpu.memory_space<vmem_shared>>) target(%dma_start3A_131 : memref<10240x128xf32, #tpu.memory_space<hbm>>) target_semaphore(%run_scoped3A_122 : memref<!tpu.dma_semaphore, #tpu.memory_space<semaphore_mem>>)
        %dma_wait3A_132 = arith.constant 0 : i32
        %dma_wait3A_133 = arith.constant 0 : i32
        %dma_wait3A_134 = arith.constant 0 : i32
        %dma_wait3A_135 = tpu.memref_slice %arg9[%arg0, %dma_wait3A_132, %dma_wait3A_133, %dma_wait3A_134] : memref<2x4x10240x128xf32, #tpu.memory_space<hbm>> -> memref<1x4x10240x128xf32, #tpu.memory_space<hbm>>
        %dma_wait3A_136 = tpu.memref_squeeze %dma_wait3A_135 : memref<1x4x10240x128xf32, #tpu.memory_space<hbm>> -> memref<4x10240x128xf32, #tpu.memory_space<hbm>>
        %dma_wait3A_137 = arith.constant 0 : i32
        %dma_wait3A_138 = arith.constant 0 : i32
        %dma_wait3A_139 = tpu.memref_slice %dma_wait3A_136[%run_scoped3A, %dma_wait3A_137, %dma_wait3A_138] : memref<4x10240x128xf32, #tpu.memory_space<hbm>> -> memref<1x10240x128xf32, #tpu.memory_space<hbm>>
        %dma_wait3A_140 = tpu.memref_squeeze %dma_wait3A_139 : memref<1x10240x128xf32, #tpu.memory_space<hbm>> -> memref<10240x128xf32, #tpu.memory_space<hbm>>
        tpu.wait_dma2 semaphore(%run_scoped3A_122 : memref<!tpu.dma_semaphore, #tpu.memory_space<semaphore_mem>>) src(%arg17 : memref<10240x128xf32, #tpu.memory_space<vmem_shared>>) dst(%dma_wait3A_140 : memref<10240x128xf32, #tpu.memory_space<hbm>>)
        tpu.yield
      }) : () -> ()
    } else {
    }
    %barrier3A_89 = arith.constant 0 : index
    tpu.barrier barrier_id(%barrier3A_89)
    %eq3A_90 = arith.constant 0 : i32
    %eq3A_91 = arith.cmpi eq, %arg1, %eq3A_90 : i32
    %convert_element_type3A_92 = arith.extui %eq3A_91 : i1 to i32
    %cond3A_93 = arith.constant 0 : i32
    %cond3A_94 = arith.cmpi ne, %convert_element_type3A_92, %cond3A_93 : i32
    scf.if %cond3A_94 {
      "tpu.region"() ({
        %run_scoped3A = tpu.sem_alloc : memref<!tpu.dma_semaphore, #tpu.memory_space<semaphore_mem>>
        tpu.enqueue_dma source(%arg8 : memref<10240x128xf32, #tpu.memory_space<hbm>>) target(%arg17 : memref<10240x128xf32, #tpu.memory_space<vmem_shared>>) target_semaphore(%run_scoped3A : memref<!tpu.dma_semaphore, #tpu.memory_space<semaphore_mem>>)
        tpu.wait_dma2 semaphore(%run_scoped3A : memref<!tpu.dma_semaphore, #tpu.memory_space<semaphore_mem>>) src(%arg8 : memref<10240x128xf32, #tpu.memory_space<hbm>>) dst(%arg17 : memref<10240x128xf32, #tpu.memory_space<vmem_shared>>)
        tpu.yield
      }) : () -> ()
    } else {
    }
    %barrier3A_95 = arith.constant 0 : index
    tpu.barrier barrier_id(%barrier3A_95)
    %dma_start3A_96 = arith.constant 0 : i32
    %dma_start3A_97 = arith.constant 0 : i32
    %dma_start3A_98 = tpu.memref_slice %arg10[%dma_start3A_96, %dma_start3A_97] : memref<40x128xi32, #tpu.memory_space<vmem>> -> memref<1x128xi32, #tpu.memory_space<vmem>>
    %dma_start3A_99 = tpu.memref_squeeze %dma_start3A_98 : memref<1x128xi32, #tpu.memory_space<vmem>> -> memref<128xi32, #tpu.memory_space<vmem>>
    %dma_start3A_100 = arith.constant 0 : i32
    %dma_start3A_101 = arith.constant 0 : i32
    %dma_start3A_102 = tpu.memref_slice %arg5[%dma_start3A_100, %dma_start3A_101] : memref<10240x128xf32, #tpu.memory_space<hbm>> -> memref<10240x128xf32, #tpu.memory_space<hbm>>
    tpu.enqueue_indirect_dma source(%dma_start3A_102 : memref<10240x128xf32, #tpu.memory_space<hbm>>) target(%arg12 : memref<128x128xf32, #tpu.memory_space<vmem>>) offsets(%dma_start3A_99 : memref<128xi32, #tpu.memory_space<vmem>>) semaphore(%arg14 : memref<!tpu.dma_semaphore, #tpu.memory_space<semaphore_mem>>)
    %scan3A_103 = arith.constant 0 : i32
    %scan3A_104 = arith.constant 20 : i32
    %scan3A_105 = arith.addi %scan3A_103, %scan3A_104 : i32
    %scan3A_106 = arith.constant 1 : i32
    scf.for %scan3A_122 = %scan3A_103 to %scan3A_105 step %scan3A_106  : i32 {
      %mul3A_123 = arith.constant 1 : i32
      %mul3A_124 = arith.muli %scan3A_122, %mul3A_123 : i32
      %add3A_125 = arith.constant 0 : i32
      %add3A_126 = arith.addi %add3A_125, %mul3A_124 : i32
      %mul3A_127 = arith.constant 2 : i32
      %mul3A_128 = arith.muli %add3A_126, %mul3A_127 : i32
      %add3A_129 = arith.constant 1 : i32
      %add3A_130 = arith.addi %mul3A_128, %add3A_129 : i32
      %dma_wait3A_131 = arith.constant 0 : i32
      %dma_wait3A_132 = tpu.memref_slice %arg10[%mul3A_128, %dma_wait3A_131] : memref<40x128xi32, #tpu.memory_space<vmem>> -> memref<1x128xi32, #tpu.memory_space<vmem>>
      %dma_wait3A_133 = tpu.memref_squeeze %dma_wait3A_132 : memref<1x128xi32, #tpu.memory_space<vmem>> -> memref<128xi32, #tpu.memory_space<vmem>>
      %dma_wait3A_134 = arith.constant 0 : i32
      %dma_wait3A_135 = arith.constant 0 : i32
      %dma_wait3A_136 = tpu.memref_slice %arg5[%dma_wait3A_134, %dma_wait3A_135] : memref<10240x128xf32, #tpu.memory_space<hbm>> -> memref<10240x128xf32, #tpu.memory_space<hbm>>
      tpu.wait_indirect_dma semaphore(%arg14 : memref<!tpu.dma_semaphore, #tpu.memory_space<semaphore_mem>>) src(%dma_wait3A_136 : memref<10240x128xf32, #tpu.memory_space<hbm>>) dst(%arg12 : memref<128x128xf32, #tpu.memory_space<vmem>>)
      %dma_start3A_137 = arith.constant 0 : i32
      %dma_start3A_138 = tpu.memref_slice %arg10[%add3A_130, %dma_start3A_137] : memref<40x128xi32, #tpu.memory_space<vmem>> -> memref<1x128xi32, #tpu.memory_space<vmem>>
      %dma_start3A_139 = tpu.memref_squeeze %dma_start3A_138 : memref<1x128xi32, #tpu.memory_space<vmem>> -> memref<128xi32, #tpu.memory_space<vmem>>
      %dma_start3A_140 = arith.constant 0 : i32
      %dma_start3A_141 = arith.constant 0 : i32
      %dma_start3A_142 = tpu.memref_slice %arg5[%dma_start3A_140, %dma_start3A_141] : memref<10240x128xf32, #tpu.memory_space<hbm>> -> memref<10240x128xf32, #tpu.memory_space<hbm>>
      tpu.enqueue_indirect_dma source(%dma_start3A_142 : memref<10240x128xf32, #tpu.memory_space<hbm>>) target(%arg13 : memref<128x128xf32, #tpu.memory_space<vmem>>) offsets(%dma_start3A_139 : memref<128xi32, #tpu.memory_space<vmem>>) semaphore(%arg15 : memref<!tpu.dma_semaphore, #tpu.memory_space<semaphore_mem>>)
      %dma_start3A_143 = arith.constant 0 : i32
      %dma_start3A_144 = tpu.memref_slice %arg11[%mul3A_128, %dma_start3A_143] : memref<40x128xi32, #tpu.memory_space<vmem>> -> memref<1x128xi32, #tpu.memory_space<vmem>>
      %dma_start3A_145 = tpu.memref_squeeze %dma_start3A_144 : memref<1x128xi32, #tpu.memory_space<vmem>> -> memref<128xi32, #tpu.memory_space<vmem>>
      %dma_start3A_146 = arith.constant 0 : i32
      %dma_start3A_147 = arith.constant 0 : i32
      %dma_start3A_148 = tpu.memref_slice %arg17[%dma_start3A_146, %dma_start3A_147] : memref<10240x128xf32, #tpu.memory_space<vmem_shared>> -> memref<10240x128xf32, #tpu.memory_space<vmem_shared>>
      tpu.enqueue_indirect_dma source(%arg12 : memref<128x128xf32, #tpu.memory_space<vmem>>) target(%dma_start3A_148 : memref<10240x128xf32, #tpu.memory_space<vmem_shared>>) offsets(%dma_start3A_145 : memref<128xi32, #tpu.memory_space<vmem>>) semaphore(%arg16 : memref<!tpu.dma_semaphore, #tpu.memory_space<semaphore_mem>>) {add = true}
      %dma_wait3A_149 = arith.constant 0 : i32
      %dma_wait3A_150 = tpu.memref_slice %arg11[%mul3A_128, %dma_wait3A_149] : memref<40x128xi32, #tpu.memory_space<vmem>> -> memref<1x128xi32, #tpu.memory_space<vmem>>
      %dma_wait3A_151 = tpu.memref_squeeze %dma_wait3A_150 : memref<1x128xi32, #tpu.memory_space<vmem>> -> memref<128xi32, #tpu.memory_space<vmem>>
      %dma_wait3A_152 = arith.constant 0 : i32
      %dma_wait3A_153 = arith.constant 0 : i32
      %dma_wait3A_154 = tpu.memref_slice %arg17[%dma_wait3A_152, %dma_wait3A_153] : memref<10240x128xf32, #tpu.memory_space<vmem_shared>> -> memref<10240x128xf32, #tpu.memory_space<vmem_shared>>
      tpu.wait_indirect_dma semaphore(%arg16 : memref<!tpu.dma_semaphore, #tpu.memory_space<semaphore_mem>>) src(%arg12 : memref<128x128xf32, #tpu.memory_space<vmem>>) dst(%dma_wait3A_154 : memref<10240x128xf32, #tpu.memory_space<vmem_shared>>)
      %dma_wait3A_155 = arith.constant 0 : i32
      %dma_wait3A_156 = tpu.memref_slice %arg10[%add3A_130, %dma_wait3A_155] : memref<40x128xi32, #tpu.memory_space<vmem>> -> memref<1x128xi32, #tpu.memory_space<vmem>>
      %dma_wait3A_157 = tpu.memref_squeeze %dma_wait3A_156 : memref<1x128xi32, #tpu.memory_space<vmem>> -> memref<128xi32, #tpu.memory_space<vmem>>
      %dma_wait3A_158 = arith.constant 0 : i32
      %dma_wait3A_159 = arith.constant 0 : i32
      %dma_wait3A_160 = tpu.memref_slice %arg5[%dma_wait3A_158, %dma_wait3A_159] : memref<10240x128xf32, #tpu.memory_space<hbm>> -> memref<10240x128xf32, #tpu.memory_space<hbm>>
      tpu.wait_indirect_dma semaphore(%arg15 : memref<!tpu.dma_semaphore, #tpu.memory_space<semaphore_mem>>) src(%dma_wait3A_160 : memref<10240x128xf32, #tpu.memory_space<hbm>>) dst(%arg13 : memref<128x128xf32, #tpu.memory_space<vmem>>)
      %add3A_161 = arith.constant 2 : i32
      %add3A_162 = arith.addi %mul3A_128, %add3A_161 : i32
      %min3A = arith.constant 39 : i32
      %min3A_163 = arith.minsi %add3A_162, %min3A : i32
      %dma_start3A_164 = arith.constant 0 : i32
      %dma_start3A_165 = tpu.memref_slice %arg10[%min3A_163, %dma_start3A_164] : memref<40x128xi32, #tpu.memory_space<vmem>> -> memref<1x128xi32, #tpu.memory_space<vmem>>
      %dma_start3A_166 = tpu.memref_squeeze %dma_start3A_165 : memref<1x128xi32, #tpu.memory_space<vmem>> -> memref<128xi32, #tpu.memory_space<vmem>>
      %dma_start3A_167 = arith.constant 0 : i32
      %dma_start3A_168 = arith.constant 0 : i32
      %dma_start3A_169 = tpu.memref_slice %arg5[%dma_start3A_167, %dma_start3A_168] : memref<10240x128xf32, #tpu.memory_space<hbm>> -> memref<10240x128xf32, #tpu.memory_space<hbm>>
      tpu.enqueue_indirect_dma source(%dma_start3A_169 : memref<10240x128xf32, #tpu.memory_space<hbm>>) target(%arg12 : memref<128x128xf32, #tpu.memory_space<vmem>>) offsets(%dma_start3A_166 : memref<128xi32, #tpu.memory_space<vmem>>) semaphore(%arg14 : memref<!tpu.dma_semaphore, #tpu.memory_space<semaphore_mem>>)
      %dma_start3A_170 = arith.constant 0 : i32
      %dma_start3A_171 = tpu.memref_slice %arg11[%add3A_130, %dma_start3A_170] : memref<40x128xi32, #tpu.memory_space<vmem>> -> memref<1x128xi32, #tpu.memory_space<vmem>>
      %dma_start3A_172 = tpu.memref_squeeze %dma_start3A_171 : memref<1x128xi32, #tpu.memory_space<vmem>> -> memref<128xi32, #tpu.memory_space<vmem>>
      %dma_start3A_173 = arith.constant 0 : i32
      %dma_start3A_174 = arith.constant 0 : i32
      %dma_start3A_175 = tpu.memref_slice %arg17[%dma_start3A_173, %dma_start3A_174] : memref<10240x128xf32, #tpu.memory_space<vmem_shared>> -> memref<10240x128xf32, #tpu.memory_space<vmem_shared>>
      tpu.enqueue_indirect_dma source(%arg13 : memref<128x128xf32, #tpu.memory_space<vmem>>) target(%dma_start3A_175 : memref<10240x128xf32, #tpu.memory_space<vmem_shared>>) offsets(%dma_start3A_172 : memref<128xi32, #tpu.memory_space<vmem>>) semaphore(%arg16 : memref<!tpu.dma_semaphore, #tpu.memory_space<semaphore_mem>>) {add = true}
      %dma_wait3A_176 = arith.constant 0 : i32
      %dma_wait3A_177 = tpu.memref_slice %arg11[%add3A_130, %dma_wait3A_176] : memref<40x128xi32, #tpu.memory_space<vmem>> -> memref<1x128xi32, #tpu.memory_space<vmem>>
      %dma_wait3A_178 = tpu.memref_squeeze %dma_wait3A_177 : memref<1x128xi32, #tpu.memory_space<vmem>> -> memref<128xi32, #tpu.memory_space<vmem>>
      %dma_wait3A_179 = arith.constant 0 : i32
      %dma_wait3A_180 = arith.constant 0 : i32
      %dma_wait3A_181 = tpu.memref_slice %arg17[%dma_wait3A_179, %dma_wait3A_180] : memref<10240x128xf32, #tpu.memory_space<vmem_shared>> -> memref<10240x128xf32, #tpu.memory_space<vmem_shared>>
      tpu.wait_indirect_dma semaphore(%arg16 : memref<!tpu.dma_semaphore, #tpu.memory_space<semaphore_mem>>) src(%arg13 : memref<128x128xf32, #tpu.memory_space<vmem>>) dst(%dma_wait3A_181 : memref<10240x128xf32, #tpu.memory_space<vmem_shared>>)
    }
    %scan3A_107 = arith.constant 20 : i32
    %dma_wait3A_108 = arith.constant 0 : i32
    %dma_wait3A_109 = arith.constant 0 : i32
    %dma_wait3A_110 = tpu.memref_slice %arg10[%dma_wait3A_108, %dma_wait3A_109] : memref<40x128xi32, #tpu.memory_space<vmem>> -> memref<1x128xi32, #tpu.memory_space<vmem>>
    %dma_wait3A_111 = tpu.memref_squeeze %dma_wait3A_110 : memref<1x128xi32, #tpu.memory_space<vmem>> -> memref<128xi32, #tpu.memory_space<vmem>>
    %dma_wait3A_112 = arith.constant 0 : i32
    %dma_wait3A_113 = arith.constant 0 : i32
    %dma_wait3A_114 = tpu.memref_slice %arg5[%dma_wait3A_112, %dma_wait3A_113] : memref<10240x128xf32, #tpu.memory_space<hbm>> -> memref<10240x128xf32, #tpu.memory_space<hbm>>
    tpu.wait_indirect_dma semaphore(%arg14 : memref<!tpu.dma_semaphore, #tpu.memory_space<semaphore_mem>>) src(%dma_wait3A_114 : memref<10240x128xf32, #tpu.memory_space<hbm>>) dst(%arg12 : memref<128x128xf32, #tpu.memory_space<vmem>>)
    %barrier3A_115 = arith.constant 0 : index
    tpu.barrier barrier_id(%barrier3A_115)
    %eq3A_116 = arith.constant 0 : i32
    %eq3A_117 = arith.cmpi eq, %arg1, %eq3A_116 : i32
    %convert_element_type3A_118 = arith.extui %eq3A_117 : i1 to i32
    %cond3A_119 = arith.constant 0 : i32
    %cond3A_120 = arith.cmpi ne, %convert_element_type3A_118, %cond3A_119 : i32
    scf.if %cond3A_120 {
      %run_scoped3A = arith.constant 3 : i32
      "tpu.region"() ({
        %run_scoped3A_122 = tpu.sem_alloc : memref<!tpu.dma_semaphore, #tpu.memory_space<semaphore_mem>>
        %dma_start3A_123 = arith.constant 0 : i32
        %dma_start3A_124 = arith.constant 0 : i32
        %dma_start3A_125 = arith.constant 0 : i32
        %dma_start3A_126 = tpu.memref_slice %arg9[%arg0, %dma_start3A_123, %dma_start3A_124, %dma_start3A_125] : memref<2x4x10240x128xf32, #tpu.memory_space<hbm>> -> memref<1x4x10240x128xf32, #tpu.memory_space<hbm>>
        %dma_start3A_127 = tpu.memref_squeeze %dma_start3A_126 : memref<1x4x10240x128xf32, #tpu.memory_space<hbm>> -> memref<4x10240x128xf32, #tpu.memory_space<hbm>>
        %dma_start3A_128 = arith.constant 0 : i32
        %dma_start3A_129 = arith.constant 0 : i32
        %dma_start3A_130 = tpu.memref_slice %dma_start3A_127[%run_scoped3A, %dma_start3A_128, %dma_start3A_129] : memref<4x10240x128xf32, #tpu.memory_space<hbm>> -> memref<1x10240x128xf32, #tpu.memory_space<hbm>>
        %dma_start3A_131 = tpu.memref_squeeze %dma_start3A_130 : memref<1x10240x128xf32, #tpu.memory_space<hbm>> -> memref<10240x128xf32, #tpu.memory_space<hbm>>
        tpu.enqueue_dma source(%arg17 : memref<10240x128xf32, #tpu.memory_space<vmem_shared>>) target(%dma_start3A_131 : memref<10240x128xf32, #tpu.memory_space<hbm>>) target_semaphore(%run_scoped3A_122 : memref<!tpu.dma_semaphore, #tpu.memory_space<semaphore_mem>>)
        %dma_wait3A_132 = arith.constant 0 : i32
        %dma_wait3A_133 = arith.constant 0 : i32
        %dma_wait3A_134 = arith.constant 0 : i32
        %dma_wait3A_135 = tpu.memref_slice %arg9[%arg0, %dma_wait3A_132, %dma_wait3A_133, %dma_wait3A_134] : memref<2x4x10240x128xf32, #tpu.memory_space<hbm>> -> memref<1x4x10240x128xf32, #tpu.memory_space<hbm>>
        %dma_wait3A_136 = tpu.memref_squeeze %dma_wait3A_135 : memref<1x4x10240x128xf32, #tpu.memory_space<hbm>> -> memref<4x10240x128xf32, #tpu.memory_space<hbm>>
        %dma_wait3A_137 = arith.constant 0 : i32
        %dma_wait3A_138 = arith.constant 0 : i32
        %dma_wait3A_139 = tpu.memref_slice %dma_wait3A_136[%run_scoped3A, %dma_wait3A_137, %dma_wait3A_138] : memref<4x10240x128xf32, #tpu.memory_space<hbm>> -> memref<1x10240x128xf32, #tpu.memory_space<hbm>>
        %dma_wait3A_140 = tpu.memref_squeeze %dma_wait3A_139 : memref<1x10240x128xf32, #tpu.memory_space<hbm>> -> memref<10240x128xf32, #tpu.memory_space<hbm>>
        tpu.wait_dma2 semaphore(%run_scoped3A_122 : memref<!tpu.dma_semaphore, #tpu.memory_space<semaphore_mem>>) src(%arg17 : memref<10240x128xf32, #tpu.memory_space<vmem_shared>>) dst(%dma_wait3A_140 : memref<10240x128xf32, #tpu.memory_space<hbm>>)
        tpu.yield
      }) : () -> ()
    } else {
    }
    %barrier3A_121 = arith.constant 0 : index
    tpu.barrier barrier_id(%barrier3A_121)
    return
  }
}

#map = affine_map<(d0, d1) -> (0, 0)>
#map1 = affine_map<(d0, d1) -> (0, 0, 0)>
#map2 = affine_map<(d0, d1) -> (0, 0, 0, 0)>
module attributes {stable_mosaic.version = 14 : i64} {
  func.func @mp_kernel(%arg0: i32, %arg1: i32, %arg2: memref<10240x128xf32, #tpu.memory_space<hbm>>, %arg3: memref<10240x128xf32, #tpu.memory_space<hbm>>, %arg4: memref<10240x128xf32, #tpu.memory_space<hbm>>, %arg5: memref<10240x128xf32, #tpu.memory_space<hbm>>, %arg6: memref<32x40x128xi32, #tpu.memory_space<hbm>>, %arg7: memref<32x40x128xi32, #tpu.memory_space<hbm>>, %arg8: memref<10240x128xf32, #tpu.memory_space<hbm>>, %arg9: memref<2x4x10240x128xf32, #tpu.memory_space<hbm>>, %arg10: memref<40x128xi32, #tpu.memory_space<vmem>>, %arg11: memref<40x128xi32, #tpu.memory_space<vmem>>, %arg12: memref<128x128xf32, #tpu.memory_space<vmem>>, %arg13: memref<128x128xf32, #tpu.memory_space<vmem>>, %arg14: memref<!tpu.dma_semaphore, #tpu.memory_space<semaphore_mem>>, %arg15: memref<!tpu.dma_semaphore, #tpu.memory_space<semaphore_mem>>, %arg16: memref<!tpu.dma_semaphore, #tpu.memory_space<semaphore_mem>>, %arg17: memref<10240x128xf32, #tpu.memory_space<vmem_shared>>) attributes {dimension_semantics = [#tpu.dimension_semantics<core_parallel>, #tpu.dimension_semantics<subcore_parallel>], iteration_bounds = array<i64: 2, 16>, scalar_prefetch = 0 : i64, scratch_operands = 8 : i64, tpu.core_type = #tpu.core_type<sc_vector_subcore>, window_params = [{transform_indices = #map}, {transform_indices = #map}, {transform_indices = #map}, {transform_indices = #map}, {transform_indices = #map1}, {transform_indices = #map1}, {transform_indices = #map}, {transform_indices = #map2}]} {
    %mul3A = arith.constant 16 : i32
    %mul3A_0 = arith.muli %arg0, %mul3A : i32
    %add3A = arith.addi %mul3A_0, %arg1 : i32
    "tpu.region"() ({
      %run_scoped3A = tpu.sem_alloc : memref<!tpu.dma_semaphore, #tpu.memory_space<semaphore_mem>>
      %dma_start3A_122 = arith.constant 0 : i32
      %dma_start3A_123 = arith.constant 0 : i32
      %dma_start3A_124 = tpu.memref_slice %arg6[%add3A, %dma_start3A_122, %dma_start3A_123] : memref<32x40x128xi32, #tpu.memory_space<hbm>> -> memref<1x40x128xi32, #tpu.memory_space<hbm>>
      %dma_start3A_125 = tpu.memref_squeeze %dma_start3A_124 : memref<1x40x128xi32, #tpu.memory_space<hbm>> -> memref<40x128xi32, #tpu.memory_space<hbm>>
      %dma_start3A_126 = arith.constant 0 : i32
      %dma_start3A_127 = arith.constant 0 : i32
      %dma_start3A_128 = tpu.memref_slice %arg6[%add3A, %dma_start3A_126, %dma_start3A_127] : memref<32x40x128xi32, #tpu.memory_space<hbm>> -> memref<1x40x128xi32, #tpu.memory_space<hbm>>
      %dma_start3A_129 = tpu.memref_squeeze %dma_start3A_128 : memref<1x40x128xi32, #tpu.memory_space<hbm>> -> memref<40x128xi32, #tpu.memory_space<hbm>>
      tpu.enqueue_dma source(%dma_start3A_129 : memref<40x128xi32, #tpu.memory_space<hbm>>) target(%arg10 : memref<40x128xi32, #tpu.memory_space<vmem>>) target_semaphore(%run_scoped3A : memref<!tpu.dma_semaphore, #tpu.memory_space<semaphore_mem>>)
      %dma_wait3A_130 = arith.constant 0 : i32
      %dma_wait3A_131 = arith.constant 0 : i32
      %dma_wait3A_132 = tpu.memref_slice %arg6[%add3A, %dma_wait3A_130, %dma_wait3A_131] : memref<32x40x128xi32, #tpu.memory_space<hbm>> -> memref<1x40x128xi32, #tpu.memory_space<hbm>>
      %dma_wait3A_133 = tpu.memref_squeeze %dma_wait3A_132 : memref<1x40x128xi32, #tpu.memory_space<hbm>> -> memref<40x128xi32, #tpu.memory_space<hbm>>
      %dma_wait3A_134 = arith.constant 0 : i32
      %dma_wait3A_135 = arith.constant 0 : i32
      %dma_wait3A_136 = tpu.memref_slice %arg6[%add3A, %dma_wait3A_134, %dma_wait3A_135] : memref<32x40x128xi32, #tpu.memory_space<hbm>> -> memref<1x40x128xi32, #tpu.memory_space<hbm>>
      %dma_wait3A_137 = tpu.memref_squeeze %dma_wait3A_136 : memref<1x40x128xi32, #tpu.memory_space<hbm>> -> memref<40x128xi32, #tpu.memory_space<hbm>>
      tpu.wait_dma2 semaphore(%run_scoped3A : memref<!tpu.dma_semaphore, #tpu.memory_space<semaphore_mem>>) src(%dma_wait3A_137 : memref<40x128xi32, #tpu.memory_space<hbm>>) dst(%arg10 : memref<40x128xi32, #tpu.memory_space<vmem>>)
      tpu.yield
    }) : () -> ()
    "tpu.region"() ({
      %run_scoped3A = tpu.sem_alloc : memref<!tpu.dma_semaphore, #tpu.memory_space<semaphore_mem>>
      %dma_start3A_122 = arith.constant 0 : i32
      %dma_start3A_123 = arith.constant 0 : i32
      %dma_start3A_124 = tpu.memref_slice %arg7[%add3A, %dma_start3A_122, %dma_start3A_123] : memref<32x40x128xi32, #tpu.memory_space<hbm>> -> memref<1x40x128xi32, #tpu.memory_space<hbm>>
      %dma_start3A_125 = tpu.memref_squeeze %dma_start3A_124 : memref<1x40x128xi32, #tpu.memory_space<hbm>> -> memref<40x128xi32, #tpu.memory_space<hbm>>
      %dma_start3A_126 = arith.constant 0 : i32
      %dma_start3A_127 = arith.constant 0 : i32
      %dma_start3A_128 = tpu.memref_slice %arg7[%add3A, %dma_start3A_126, %dma_start3A_127] : memref<32x40x128xi32, #tpu.memory_space<hbm>> -> memref<1x40x128xi32, #tpu.memory_space<hbm>>
      %dma_start3A_129 = tpu.memref_squeeze %dma_start3A_128 : memref<1x40x128xi32, #tpu.memory_space<hbm>> -> memref<40x128xi32, #tpu.memory_space<hbm>>
      tpu.enqueue_dma source(%dma_start3A_129 : memref<40x128xi32, #tpu.memory_space<hbm>>) target(%arg11 : memref<40x128xi32, #tpu.memory_space<vmem>>) target_semaphore(%run_scoped3A : memref<!tpu.dma_semaphore, #tpu.memory_space<semaphore_mem>>)
      %dma_wait3A_130 = arith.constant 0 : i32
      %dma_wait3A_131 = arith.constant 0 : i32
      %dma_wait3A_132 = tpu.memref_slice %arg7[%add3A, %dma_wait3A_130, %dma_wait3A_131] : memref<32x40x128xi32, #tpu.memory_space<hbm>> -> memref<1x40x128xi32, #tpu.memory_space<hbm>>
      %dma_wait3A_133 = tpu.memref_squeeze %dma_wait3A_132 : memref<1x40x128xi32, #tpu.memory_space<hbm>> -> memref<40x128xi32, #tpu.memory_space<hbm>>
      %dma_wait3A_134 = arith.constant 0 : i32
      %dma_wait3A_135 = arith.constant 0 : i32
      %dma_wait3A_136 = tpu.memref_slice %arg7[%add3A, %dma_wait3A_134, %dma_wait3A_135] : memref<32x40x128xi32, #tpu.memory_space<hbm>> -> memref<1x40x128xi32, #tpu.memory_space<hbm>>
      %dma_wait3A_137 = tpu.memref_squeeze %dma_wait3A_136 : memref<1x40x128xi32, #tpu.memory_space<hbm>> -> memref<40x128xi32, #tpu.memory_space<hbm>>
      tpu.wait_dma2 semaphore(%run_scoped3A : memref<!tpu.dma_semaphore, #tpu.memory_space<semaphore_mem>>) src(%dma_wait3A_137 : memref<40x128xi32, #tpu.memory_space<hbm>>) dst(%arg11 : memref<40x128xi32, #tpu.memory_space<vmem>>)
      tpu.yield
    }) : () -> ()
    %eq3A = arith.constant 0 : i32
    %eq3A_1 = arith.cmpi eq, %arg1, %eq3A : i32
    %convert_element_type3A = arith.extui %eq3A_1 : i1 to i32
    %cond3A = arith.constant 0 : i32
    %cond3A_2 = arith.cmpi ne, %convert_element_type3A, %cond3A : i32
    scf.if %cond3A_2 {
      "tpu.region"() ({
        %run_scoped3A = tpu.sem_alloc : memref<!tpu.dma_semaphore, #tpu.memory_space<semaphore_mem>>
        tpu.enqueue_dma source(%arg8 : memref<10240x128xf32, #tpu.memory_space<hbm>>) target(%arg17 : memref<10240x128xf32, #tpu.memory_space<vmem_shared>>) target_semaphore(%run_scoped3A : memref<!tpu.dma_semaphore, #tpu.memory_space<semaphore_mem>>)
        tpu.wait_dma2 semaphore(%run_scoped3A : memref<!tpu.dma_semaphore, #tpu.memory_space<semaphore_mem>>) src(%arg8 : memref<10240x128xf32, #tpu.memory_space<hbm>>) dst(%arg17 : memref<10240x128xf32, #tpu.memory_space<vmem_shared>>)
        tpu.yield
      }) : () -> ()
    } else {
    }
    %barrier3A = arith.constant 0 : index
    tpu.barrier barrier_id(%barrier3A)
    %dma_start3A = arith.constant 0 : i32
    %dma_start3A_3 = arith.constant 0 : i32
    %dma_start3A_4 = tpu.memref_slice %arg10[%dma_start3A, %dma_start3A_3] : memref<40x128xi32, #tpu.memory_space<vmem>> -> memref<1x128xi32, #tpu.memory_space<vmem>>
    %dma_start3A_5 = tpu.memref_squeeze %dma_start3A_4 : memref<1x128xi32, #tpu.memory_space<vmem>> -> memref<128xi32, #tpu.memory_space<vmem>>
    %dma_start3A_6 = arith.constant 0 : i32
    %dma_start3A_7 = arith.constant 0 : i32
    %dma_start3A_8 = tpu.memref_slice %arg2[%dma_start3A_6, %dma_start3A_7] : memref<10240x128xf32, #tpu.memory_space<hbm>> -> memref<10240x128xf32, #tpu.memory_space<hbm>>
    tpu.enqueue_indirect_dma source(%dma_start3A_8 : memref<10240x128xf32, #tpu.memory_space<hbm>>) target(%arg12 : memref<128x128xf32, #tpu.memory_space<vmem>>) offsets(%dma_start3A_5 : memref<128xi32, #tpu.memory_space<vmem>>) semaphore(%arg14 : memref<!tpu.dma_semaphore, #tpu.memory_space<semaphore_mem>>)
    %scan3A = arith.constant 0 : i32
    %scan3A_9 = arith.constant 20 : i32
    %scan3A_10 = arith.addi %scan3A, %scan3A_9 : i32
    %scan3A_11 = arith.constant 1 : i32
    scf.for %scan3A_122 = %scan3A to %scan3A_10 step %scan3A_11  : i32 {
      %mul3A_123 = arith.constant 1 : i32
      %mul3A_124 = arith.muli %scan3A_122, %mul3A_123 : i32
      %add3A_125 = arith.constant 0 : i32
      %add3A_126 = arith.addi %add3A_125, %mul3A_124 : i32
      %mul3A_127 = arith.constant 2 : i32
      %mul3A_128 = arith.muli %add3A_126, %mul3A_127 : i32
      %add3A_129 = arith.constant 1 : i32
      %add3A_130 = arith.addi %mul3A_128, %add3A_129 : i32
      %dma_wait3A_131 = arith.constant 0 : i32
      %dma_wait3A_132 = tpu.memref_slice %arg10[%mul3A_128, %dma_wait3A_131] : memref<40x128xi32, #tpu.memory_space<vmem>> -> memref<1x128xi32, #tpu.memory_space<vmem>>
      %dma_wait3A_133 = tpu.memref_squeeze %dma_wait3A_132 : memref<1x128xi32, #tpu.memory_space<vmem>> -> memref<128xi32, #tpu.memory_space<vmem>>
      %dma_wait3A_134 = arith.constant 0 : i32
      %dma_wait3A_135 = arith.constant 0 : i32
      %dma_wait3A_136 = tpu.memref_slice %arg2[%dma_wait3A_134, %dma_wait3A_135] : memref<10240x128xf32, #tpu.memory_space<hbm>> -> memref<10240x128xf32, #tpu.memory_space<hbm>>
      tpu.wait_indirect_dma semaphore(%arg14 : memref<!tpu.dma_semaphore, #tpu.memory_space<semaphore_mem>>) src(%dma_wait3A_136 : memref<10240x128xf32, #tpu.memory_space<hbm>>) dst(%arg12 : memref<128x128xf32, #tpu.memory_space<vmem>>)
      %dma_start3A_137 = arith.constant 0 : i32
      %dma_start3A_138 = tpu.memref_slice %arg10[%add3A_130, %dma_start3A_137] : memref<40x128xi32, #tpu.memory_space<vmem>> -> memref<1x128xi32, #tpu.memory_space<vmem>>
      %dma_start3A_139 = tpu.memref_squeeze %dma_start3A_138 : memref<1x128xi32, #tpu.memory_space<vmem>> -> memref<128xi32, #tpu.memory_space<vmem>>
      %dma_start3A_140 = arith.constant 0 : i32
      %dma_start3A_141 = arith.constant 0 : i32
      %dma_start3A_142 = tpu.memref_slice %arg2[%dma_start3A_140, %dma_start3A_141] : memref<10240x128xf32, #tpu.memory_space<hbm>> -> memref<10240x128xf32, #tpu.memory_space<hbm>>
      tpu.enqueue_indirect_dma source(%dma_start3A_142 : memref<10240x128xf32, #tpu.memory_space<hbm>>) target(%arg13 : memref<128x128xf32, #tpu.memory_space<vmem>>) offsets(%dma_start3A_139 : memref<128xi32, #tpu.memory_space<vmem>>) semaphore(%arg15 : memref<!tpu.dma_semaphore, #tpu.memory_space<semaphore_mem>>)
      %dma_start3A_143 = arith.constant 0 : i32
      %dma_start3A_144 = tpu.memref_slice %arg11[%mul3A_128, %dma_start3A_143] : memref<40x128xi32, #tpu.memory_space<vmem>> -> memref<1x128xi32, #tpu.memory_space<vmem>>
      %dma_start3A_145 = tpu.memref_squeeze %dma_start3A_144 : memref<1x128xi32, #tpu.memory_space<vmem>> -> memref<128xi32, #tpu.memory_space<vmem>>
      %dma_start3A_146 = arith.constant 0 : i32
      %dma_start3A_147 = arith.constant 0 : i32
      %dma_start3A_148 = tpu.memref_slice %arg17[%dma_start3A_146, %dma_start3A_147] : memref<10240x128xf32, #tpu.memory_space<vmem_shared>> -> memref<10240x128xf32, #tpu.memory_space<vmem_shared>>
      tpu.enqueue_indirect_dma source(%arg12 : memref<128x128xf32, #tpu.memory_space<vmem>>) target(%dma_start3A_148 : memref<10240x128xf32, #tpu.memory_space<vmem_shared>>) offsets(%dma_start3A_145 : memref<128xi32, #tpu.memory_space<vmem>>) semaphore(%arg16 : memref<!tpu.dma_semaphore, #tpu.memory_space<semaphore_mem>>) {add = true}
      %dma_wait3A_149 = arith.constant 0 : i32
      %dma_wait3A_150 = tpu.memref_slice %arg11[%mul3A_128, %dma_wait3A_149] : memref<40x128xi32, #tpu.memory_space<vmem>> -> memref<1x128xi32, #tpu.memory_space<vmem>>
      %dma_wait3A_151 = tpu.memref_squeeze %dma_wait3A_150 : memref<1x128xi32, #tpu.memory_space<vmem>> -> memref<128xi32, #tpu.memory_space<vmem>>
      %dma_wait3A_152 = arith.constant 0 : i32
      %dma_wait3A_153 = arith.constant 0 : i32
      %dma_wait3A_154 = tpu.memref_slice %arg17[%dma_wait3A_152, %dma_wait3A_153] : memref<10240x128xf32, #tpu.memory_space<vmem_shared>> -> memref<10240x128xf32, #tpu.memory_space<vmem_shared>>
      tpu.wait_indirect_dma semaphore(%arg16 : memref<!tpu.dma_semaphore, #tpu.memory_space<semaphore_mem>>) src(%arg12 : memref<128x128xf32, #tpu.memory_space<vmem>>) dst(%dma_wait3A_154 : memref<10240x128xf32, #tpu.memory_space<vmem_shared>>)
      %dma_wait3A_155 = arith.constant 0 : i32
      %dma_wait3A_156 = tpu.memref_slice %arg10[%add3A_130, %dma_wait3A_155] : memref<40x128xi32, #tpu.memory_space<vmem>> -> memref<1x128xi32, #tpu.memory_space<vmem>>
      %dma_wait3A_157 = tpu.memref_squeeze %dma_wait3A_156 : memref<1x128xi32, #tpu.memory_space<vmem>> -> memref<128xi32, #tpu.memory_space<vmem>>
      %dma_wait3A_158 = arith.constant 0 : i32
      %dma_wait3A_159 = arith.constant 0 : i32
      %dma_wait3A_160 = tpu.memref_slice %arg2[%dma_wait3A_158, %dma_wait3A_159] : memref<10240x128xf32, #tpu.memory_space<hbm>> -> memref<10240x128xf32, #tpu.memory_space<hbm>>
      tpu.wait_indirect_dma semaphore(%arg15 : memref<!tpu.dma_semaphore, #tpu.memory_space<semaphore_mem>>) src(%dma_wait3A_160 : memref<10240x128xf32, #tpu.memory_space<hbm>>) dst(%arg13 : memref<128x128xf32, #tpu.memory_space<vmem>>)
      %add3A_161 = arith.constant 2 : i32
      %add3A_162 = arith.addi %mul3A_128, %add3A_161 : i32
      %min3A = arith.constant 39 : i32
      %min3A_163 = arith.minsi %add3A_162, %min3A : i32
      %dma_start3A_164 = arith.constant 0 : i32
      %dma_start3A_165 = tpu.memref_slice %arg10[%min3A_163, %dma_start3A_164] : memref<40x128xi32, #tpu.memory_space<vmem>> -> memref<1x128xi32, #tpu.memory_space<vmem>>
      %dma_start3A_166 = tpu.memref_squeeze %dma_start3A_165 : memref<1x128xi32, #tpu.memory_space<vmem>> -> memref<128xi32, #tpu.memory_space<vmem>>
      %dma_start3A_167 = arith.constant 0 : i32
      %dma_start3A_168 = arith.constant 0 : i32
      %dma_start3A_169 = tpu.memref_slice %arg2[%dma_start3A_167, %dma_start3A_168] : memref<10240x128xf32, #tpu.memory_space<hbm>> -> memref<10240x128xf32, #tpu.memory_space<hbm>>
      tpu.enqueue_indirect_dma source(%dma_start3A_169 : memref<10240x128xf32, #tpu.memory_space<hbm>>) target(%arg12 : memref<128x128xf32, #tpu.memory_space<vmem>>) offsets(%dma_start3A_166 : memref<128xi32, #tpu.memory_space<vmem>>) semaphore(%arg14 : memref<!tpu.dma_semaphore, #tpu.memory_space<semaphore_mem>>)
      %dma_start3A_170 = arith.constant 0 : i32
      %dma_start3A_171 = tpu.memref_slice %arg11[%add3A_130, %dma_start3A_170] : memref<40x128xi32, #tpu.memory_space<vmem>> -> memref<1x128xi32, #tpu.memory_space<vmem>>
      %dma_start3A_172 = tpu.memref_squeeze %dma_start3A_171 : memref<1x128xi32, #tpu.memory_space<vmem>> -> memref<128xi32, #tpu.memory_space<vmem>>
      %dma_start3A_173 = arith.constant 0 : i32
      %dma_start3A_174 = arith.constant 0 : i32
      %dma_start3A_175 = tpu.memref_slice %arg17[%dma_start3A_173, %dma_start3A_174] : memref<10240x128xf32, #tpu.memory_space<vmem_shared>> -> memref<10240x128xf32, #tpu.memory_space<vmem_shared>>
      tpu.enqueue_indirect_dma source(%arg13 : memref<128x128xf32, #tpu.memory_space<vmem>>) target(%dma_start3A_175 : memref<10240x128xf32, #tpu.memory_space<vmem_shared>>) offsets(%dma_start3A_172 : memref<128xi32, #tpu.memory_space<vmem>>) semaphore(%arg16 : memref<!tpu.dma_semaphore, #tpu.memory_space<semaphore_mem>>) {add = true}
      %dma_wait3A_176 = arith.constant 0 : i32
      %dma_wait3A_177 = tpu.memref_slice %arg11[%add3A_130, %dma_wait3A_176] : memref<40x128xi32, #tpu.memory_space<vmem>> -> memref<1x128xi32, #tpu.memory_space<vmem>>
      %dma_wait3A_178 = tpu.memref_squeeze %dma_wait3A_177 : memref<1x128xi32, #tpu.memory_space<vmem>> -> memref<128xi32, #tpu.memory_space<vmem>>
      %dma_wait3A_179 = arith.constant 0 : i32
      %dma_wait3A_180 = arith.constant 0 : i32
      %dma_wait3A_181 = tpu.memref_slice %arg17[%dma_wait3A_179, %dma_wait3A_180] : memref<10240x128xf32, #tpu.memory_space<vmem_shared>> -> memref<10240x128xf32, #tpu.memory_space<vmem_shared>>
      tpu.wait_indirect_dma semaphore(%arg16 : memref<!tpu.dma_semaphore, #tpu.memory_space<semaphore_mem>>) src(%arg13 : memref<128x128xf32, #tpu.memory_space<vmem>>) dst(%dma_wait3A_181 : memref<10240x128xf32, #tpu.memory_space<vmem_shared>>)
    }
    %scan3A_12 = arith.constant 20 : i32
    %dma_wait3A = arith.constant 0 : i32
    %dma_wait3A_13 = arith.constant 0 : i32
    %dma_wait3A_14 = tpu.memref_slice %arg10[%dma_wait3A, %dma_wait3A_13] : memref<40x128xi32, #tpu.memory_space<vmem>> -> memref<1x128xi32, #tpu.memory_space<vmem>>
    %dma_wait3A_15 = tpu.memref_squeeze %dma_wait3A_14 : memref<1x128xi32, #tpu.memory_space<vmem>> -> memref<128xi32, #tpu.memory_space<vmem>>
    %dma_wait3A_16 = arith.constant 0 : i32
    %dma_wait3A_17 = arith.constant 0 : i32
    %dma_wait3A_18 = tpu.memref_slice %arg2[%dma_wait3A_16, %dma_wait3A_17] : memref<10240x128xf32, #tpu.memory_space<hbm>> -> memref<10240x128xf32, #tpu.memory_space<hbm>>
    tpu.wait_indirect_dma semaphore(%arg14 : memref<!tpu.dma_semaphore, #tpu.memory_space<semaphore_mem>>) src(%dma_wait3A_18 : memref<10240x128xf32, #tpu.memory_space<hbm>>) dst(%arg12 : memref<128x128xf32, #tpu.memory_space<vmem>>)
    %barrier3A_19 = arith.constant 0 : index
    tpu.barrier barrier_id(%barrier3A_19)
    %eq3A_20 = arith.constant 0 : i32
    %eq3A_21 = arith.cmpi eq, %arg1, %eq3A_20 : i32
    %convert_element_type3A_22 = arith.extui %eq3A_21 : i1 to i32
    %cond3A_23 = arith.constant 0 : i32
    %cond3A_24 = arith.cmpi ne, %convert_element_type3A_22, %cond3A_23 : i32
    scf.if %cond3A_24 {
      %run_scoped3A = arith.constant 0 : i32
      "tpu.region"() ({
        %run_scoped3A_122 = tpu.sem_alloc : memref<!tpu.dma_semaphore, #tpu.memory_space<semaphore_mem>>
        %dma_start3A_123 = arith.constant 0 : i32
        %dma_start3A_124 = arith.constant 0 : i32
        %dma_start3A_125 = arith.constant 0 : i32
        %dma_start3A_126 = tpu.memref_slice %arg9[%arg0, %dma_start3A_123, %dma_start3A_124, %dma_start3A_125] : memref<2x4x10240x128xf32, #tpu.memory_space<hbm>> -> memref<1x4x10240x128xf32, #tpu.memory_space<hbm>>
        %dma_start3A_127 = tpu.memref_squeeze %dma_start3A_126 : memref<1x4x10240x128xf32, #tpu.memory_space<hbm>> -> memref<4x10240x128xf32, #tpu.memory_space<hbm>>
        %dma_start3A_128 = arith.constant 0 : i32
        %dma_start3A_129 = arith.constant 0 : i32
        %dma_start3A_130 = tpu.memref_slice %dma_start3A_127[%run_scoped3A, %dma_start3A_128, %dma_start3A_129] : memref<4x10240x128xf32, #tpu.memory_space<hbm>> -> memref<1x10240x128xf32, #tpu.memory_space<hbm>>
        %dma_start3A_131 = tpu.memref_squeeze %dma_start3A_130 : memref<1x10240x128xf32, #tpu.memory_space<hbm>> -> memref<10240x128xf32, #tpu.memory_space<hbm>>
        tpu.enqueue_dma source(%arg17 : memref<10240x128xf32, #tpu.memory_space<vmem_shared>>) target(%dma_start3A_131 : memref<10240x128xf32, #tpu.memory_space<hbm>>) target_semaphore(%run_scoped3A_122 : memref<!tpu.dma_semaphore, #tpu.memory_space<semaphore_mem>>)
        %dma_wait3A_132 = arith.constant 0 : i32
        %dma_wait3A_133 = arith.constant 0 : i32
        %dma_wait3A_134 = arith.constant 0 : i32
        %dma_wait3A_135 = tpu.memref_slice %arg9[%arg0, %dma_wait3A_132, %dma_wait3A_133, %dma_wait3A_134] : memref<2x4x10240x128xf32, #tpu.memory_space<hbm>> -> memref<1x4x10240x128xf32, #tpu.memory_space<hbm>>
        %dma_wait3A_136 = tpu.memref_squeeze %dma_wait3A_135 : memref<1x4x10240x128xf32, #tpu.memory_space<hbm>> -> memref<4x10240x128xf32, #tpu.memory_space<hbm>>
        %dma_wait3A_137 = arith.constant 0 : i32
        %dma_wait3A_138 = arith.constant 0 : i32
        %dma_wait3A_139 = tpu.memref_slice %dma_wait3A_136[%run_scoped3A, %dma_wait3A_137, %dma_wait3A_138] : memref<4x10240x128xf32, #tpu.memory_space<hbm>> -> memref<1x10240x128xf32, #tpu.memory_space<hbm>>
        %dma_wait3A_140 = tpu.memref_squeeze %dma_wait3A_139 : memref<1x10240x128xf32, #tpu.memory_space<hbm>> -> memref<10240x128xf32, #tpu.memory_space<hbm>>
        tpu.wait_dma2 semaphore(%run_scoped3A_122 : memref<!tpu.dma_semaphore, #tpu.memory_space<semaphore_mem>>) src(%arg17 : memref<10240x128xf32, #tpu.memory_space<vmem_shared>>) dst(%dma_wait3A_140 : memref<10240x128xf32, #tpu.memory_space<hbm>>)
        tpu.yield
      }) : () -> ()
    } else {
    }
    %barrier3A_25 = arith.constant 0 : index
    tpu.barrier barrier_id(%barrier3A_25)
    %eq3A_26 = arith.constant 0 : i32
    %eq3A_27 = arith.cmpi eq, %arg1, %eq3A_26 : i32
    %convert_element_type3A_28 = arith.extui %eq3A_27 : i1 to i32
    %cond3A_29 = arith.constant 0 : i32
    %cond3A_30 = arith.cmpi ne, %convert_element_type3A_28, %cond3A_29 : i32
    scf.if %cond3A_30 {
      "tpu.region"() ({
        %run_scoped3A = tpu.sem_alloc : memref<!tpu.dma_semaphore, #tpu.memory_space<semaphore_mem>>
        tpu.enqueue_dma source(%arg8 : memref<10240x128xf32, #tpu.memory_space<hbm>>) target(%arg17 : memref<10240x128xf32, #tpu.memory_space<vmem_shared>>) target_semaphore(%run_scoped3A : memref<!tpu.dma_semaphore, #tpu.memory_space<semaphore_mem>>)
        tpu.wait_dma2 semaphore(%run_scoped3A : memref<!tpu.dma_semaphore, #tpu.memory_space<semaphore_mem>>) src(%arg8 : memref<10240x128xf32, #tpu.memory_space<hbm>>) dst(%arg17 : memref<10240x128xf32, #tpu.memory_space<vmem_shared>>)
        tpu.yield
      }) : () -> ()
    } else {
    }
    %barrier3A_31 = arith.constant 0 : index
    tpu.barrier barrier_id(%barrier3A_31)
    %dma_start3A_32 = arith.constant 0 : i32
    %dma_start3A_33 = arith.constant 0 : i32
    %dma_start3A_34 = tpu.memref_slice %arg10[%dma_start3A_32, %dma_start3A_33] : memref<40x128xi32, #tpu.memory_space<vmem>> -> memref<1x128xi32, #tpu.memory_space<vmem>>
    %dma_start3A_35 = tpu.memref_squeeze %dma_start3A_34 : memref<1x128xi32, #tpu.memory_space<vmem>> -> memref<128xi32, #tpu.memory_space<vmem>>
    %dma_start3A_36 = arith.constant 0 : i32
    %dma_start3A_37 = arith.constant 0 : i32
    %dma_start3A_38 = tpu.memref_slice %arg3[%dma_start3A_36, %dma_start3A_37] : memref<10240x128xf32, #tpu.memory_space<hbm>> -> memref<10240x128xf32, #tpu.memory_space<hbm>>
    tpu.enqueue_indirect_dma source(%dma_start3A_38 : memref<10240x128xf32, #tpu.memory_space<hbm>>) target(%arg12 : memref<128x128xf32, #tpu.memory_space<vmem>>) offsets(%dma_start3A_35 : memref<128xi32, #tpu.memory_space<vmem>>) semaphore(%arg14 : memref<!tpu.dma_semaphore, #tpu.memory_space<semaphore_mem>>)
    %scan3A_39 = arith.constant 0 : i32
    %scan3A_40 = arith.constant 20 : i32
    %scan3A_41 = arith.addi %scan3A_39, %scan3A_40 : i32
    %scan3A_42 = arith.constant 1 : i32
    scf.for %scan3A_122 = %scan3A_39 to %scan3A_41 step %scan3A_42  : i32 {
      %mul3A_123 = arith.constant 1 : i32
      %mul3A_124 = arith.muli %scan3A_122, %mul3A_123 : i32
      %add3A_125 = arith.constant 0 : i32
      %add3A_126 = arith.addi %add3A_125, %mul3A_124 : i32
      %mul3A_127 = arith.constant 2 : i32
      %mul3A_128 = arith.muli %add3A_126, %mul3A_127 : i32
      %add3A_129 = arith.constant 1 : i32
      %add3A_130 = arith.addi %mul3A_128, %add3A_129 : i32
      %dma_wait3A_131 = arith.constant 0 : i32
      %dma_wait3A_132 = tpu.memref_slice %arg10[%mul3A_128, %dma_wait3A_131] : memref<40x128xi32, #tpu.memory_space<vmem>> -> memref<1x128xi32, #tpu.memory_space<vmem>>
      %dma_wait3A_133 = tpu.memref_squeeze %dma_wait3A_132 : memref<1x128xi32, #tpu.memory_space<vmem>> -> memref<128xi32, #tpu.memory_space<vmem>>
      %dma_wait3A_134 = arith.constant 0 : i32
      %dma_wait3A_135 = arith.constant 0 : i32
      %dma_wait3A_136 = tpu.memref_slice %arg3[%dma_wait3A_134, %dma_wait3A_135] : memref<10240x128xf32, #tpu.memory_space<hbm>> -> memref<10240x128xf32, #tpu.memory_space<hbm>>
      tpu.wait_indirect_dma semaphore(%arg14 : memref<!tpu.dma_semaphore, #tpu.memory_space<semaphore_mem>>) src(%dma_wait3A_136 : memref<10240x128xf32, #tpu.memory_space<hbm>>) dst(%arg12 : memref<128x128xf32, #tpu.memory_space<vmem>>)
      %dma_start3A_137 = arith.constant 0 : i32
      %dma_start3A_138 = tpu.memref_slice %arg10[%add3A_130, %dma_start3A_137] : memref<40x128xi32, #tpu.memory_space<vmem>> -> memref<1x128xi32, #tpu.memory_space<vmem>>
      %dma_start3A_139 = tpu.memref_squeeze %dma_start3A_138 : memref<1x128xi32, #tpu.memory_space<vmem>> -> memref<128xi32, #tpu.memory_space<vmem>>
      %dma_start3A_140 = arith.constant 0 : i32
      %dma_start3A_141 = arith.constant 0 : i32
      %dma_start3A_142 = tpu.memref_slice %arg3[%dma_start3A_140, %dma_start3A_141] : memref<10240x128xf32, #tpu.memory_space<hbm>> -> memref<10240x128xf32, #tpu.memory_space<hbm>>
      tpu.enqueue_indirect_dma source(%dma_start3A_142 : memref<10240x128xf32, #tpu.memory_space<hbm>>) target(%arg13 : memref<128x128xf32, #tpu.memory_space<vmem>>) offsets(%dma_start3A_139 : memref<128xi32, #tpu.memory_space<vmem>>) semaphore(%arg15 : memref<!tpu.dma_semaphore, #tpu.memory_space<semaphore_mem>>)
      %dma_start3A_143 = arith.constant 0 : i32
      %dma_start3A_144 = tpu.memref_slice %arg11[%mul3A_128, %dma_start3A_143] : memref<40x128xi32, #tpu.memory_space<vmem>> -> memref<1x128xi32, #tpu.memory_space<vmem>>
      %dma_start3A_145 = tpu.memref_squeeze %dma_start3A_144 : memref<1x128xi32, #tpu.memory_space<vmem>> -> memref<128xi32, #tpu.memory_space<vmem>>
      %dma_start3A_146 = arith.constant 0 : i32
      %dma_start3A_147 = arith.constant 0 : i32
      %dma_start3A_148 = tpu.memref_slice %arg17[%dma_start3A_146, %dma_start3A_147] : memref<10240x128xf32, #tpu.memory_space<vmem_shared>> -> memref<10240x128xf32, #tpu.memory_space<vmem_shared>>
      tpu.enqueue_indirect_dma source(%arg12 : memref<128x128xf32, #tpu.memory_space<vmem>>) target(%dma_start3A_148 : memref<10240x128xf32, #tpu.memory_space<vmem_shared>>) offsets(%dma_start3A_145 : memref<128xi32, #tpu.memory_space<vmem>>) semaphore(%arg16 : memref<!tpu.dma_semaphore, #tpu.memory_space<semaphore_mem>>) {add = true}
      %dma_wait3A_149 = arith.constant 0 : i32
      %dma_wait3A_150 = tpu.memref_slice %arg11[%mul3A_128, %dma_wait3A_149] : memref<40x128xi32, #tpu.memory_space<vmem>> -> memref<1x128xi32, #tpu.memory_space<vmem>>
      %dma_wait3A_151 = tpu.memref_squeeze %dma_wait3A_150 : memref<1x128xi32, #tpu.memory_space<vmem>> -> memref<128xi32, #tpu.memory_space<vmem>>
      %dma_wait3A_152 = arith.constant 0 : i32
      %dma_wait3A_153 = arith.constant 0 : i32
      %dma_wait3A_154 = tpu.memref_slice %arg17[%dma_wait3A_152, %dma_wait3A_153] : memref<10240x128xf32, #tpu.memory_space<vmem_shared>> -> memref<10240x128xf32, #tpu.memory_space<vmem_shared>>
      tpu.wait_indirect_dma semaphore(%arg16 : memref<!tpu.dma_semaphore, #tpu.memory_space<semaphore_mem>>) src(%arg12 : memref<128x128xf32, #tpu.memory_space<vmem>>) dst(%dma_wait3A_154 : memref<10240x128xf32, #tpu.memory_space<vmem_shared>>)
      %dma_wait3A_155 = arith.constant 0 : i32
      %dma_wait3A_156 = tpu.memref_slice %arg10[%add3A_130, %dma_wait3A_155] : memref<40x128xi32, #tpu.memory_space<vmem>> -> memref<1x128xi32, #tpu.memory_space<vmem>>
      %dma_wait3A_157 = tpu.memref_squeeze %dma_wait3A_156 : memref<1x128xi32, #tpu.memory_space<vmem>> -> memref<128xi32, #tpu.memory_space<vmem>>
      %dma_wait3A_158 = arith.constant 0 : i32
      %dma_wait3A_159 = arith.constant 0 : i32
      %dma_wait3A_160 = tpu.memref_slice %arg3[%dma_wait3A_158, %dma_wait3A_159] : memref<10240x128xf32, #tpu.memory_space<hbm>> -> memref<10240x128xf32, #tpu.memory_space<hbm>>
      tpu.wait_indirect_dma semaphore(%arg15 : memref<!tpu.dma_semaphore, #tpu.memory_space<semaphore_mem>>) src(%dma_wait3A_160 : memref<10240x128xf32, #tpu.memory_space<hbm>>) dst(%arg13 : memref<128x128xf32, #tpu.memory_space<vmem>>)
      %add3A_161 = arith.constant 2 : i32
      %add3A_162 = arith.addi %mul3A_128, %add3A_161 : i32
      %min3A = arith.constant 39 : i32
      %min3A_163 = arith.minsi %add3A_162, %min3A : i32
      %dma_start3A_164 = arith.constant 0 : i32
      %dma_start3A_165 = tpu.memref_slice %arg10[%min3A_163, %dma_start3A_164] : memref<40x128xi32, #tpu.memory_space<vmem>> -> memref<1x128xi32, #tpu.memory_space<vmem>>
      %dma_start3A_166 = tpu.memref_squeeze %dma_start3A_165 : memref<1x128xi32, #tpu.memory_space<vmem>> -> memref<128xi32, #tpu.memory_space<vmem>>
      %dma_start3A_167 = arith.constant 0 : i32
      %dma_start3A_168 = arith.constant 0 : i32
      %dma_start3A_169 = tpu.memref_slice %arg3[%dma_start3A_167, %dma_start3A_168] : memref<10240x128xf32, #tpu.memory_space<hbm>> -> memref<10240x128xf32, #tpu.memory_space<hbm>>
      tpu.enqueue_indirect_dma source(%dma_start3A_169 : memref<10240x128xf32, #tpu.memory_space<hbm>>) target(%arg12 : memref<128x128xf32, #tpu.memory_space<vmem>>) offsets(%dma_start3A_166 : memref<128xi32, #tpu.memory_space<vmem>>) semaphore(%arg14 : memref<!tpu.dma_semaphore, #tpu.memory_space<semaphore_mem>>)
      %dma_start3A_170 = arith.constant 0 : i32
      %dma_start3A_171 = tpu.memref_slice %arg11[%add3A_130, %dma_start3A_170] : memref<40x128xi32, #tpu.memory_space<vmem>> -> memref<1x128xi32, #tpu.memory_space<vmem>>
      %dma_start3A_172 = tpu.memref_squeeze %dma_start3A_171 : memref<1x128xi32, #tpu.memory_space<vmem>> -> memref<128xi32, #tpu.memory_space<vmem>>
      %dma_start3A_173 = arith.constant 0 : i32
      %dma_start3A_174 = arith.constant 0 : i32
      %dma_start3A_175 = tpu.memref_slice %arg17[%dma_start3A_173, %dma_start3A_174] : memref<10240x128xf32, #tpu.memory_space<vmem_shared>> -> memref<10240x128xf32, #tpu.memory_space<vmem_shared>>
      tpu.enqueue_indirect_dma source(%arg13 : memref<128x128xf32, #tpu.memory_space<vmem>>) target(%dma_start3A_175 : memref<10240x128xf32, #tpu.memory_space<vmem_shared>>) offsets(%dma_start3A_172 : memref<128xi32, #tpu.memory_space<vmem>>) semaphore(%arg16 : memref<!tpu.dma_semaphore, #tpu.memory_space<semaphore_mem>>) {add = true}
      %dma_wait3A_176 = arith.constant 0 : i32
      %dma_wait3A_177 = tpu.memref_slice %arg11[%add3A_130, %dma_wait3A_176] : memref<40x128xi32, #tpu.memory_space<vmem>> -> memref<1x128xi32, #tpu.memory_space<vmem>>
      %dma_wait3A_178 = tpu.memref_squeeze %dma_wait3A_177 : memref<1x128xi32, #tpu.memory_space<vmem>> -> memref<128xi32, #tpu.memory_space<vmem>>
      %dma_wait3A_179 = arith.constant 0 : i32
      %dma_wait3A_180 = arith.constant 0 : i32
      %dma_wait3A_181 = tpu.memref_slice %arg17[%dma_wait3A_179, %dma_wait3A_180] : memref<10240x128xf32, #tpu.memory_space<vmem_shared>> -> memref<10240x128xf32, #tpu.memory_space<vmem_shared>>
      tpu.wait_indirect_dma semaphore(%arg16 : memref<!tpu.dma_semaphore, #tpu.memory_space<semaphore_mem>>) src(%arg13 : memref<128x128xf32, #tpu.memory_space<vmem>>) dst(%dma_wait3A_181 : memref<10240x128xf32, #tpu.memory_space<vmem_shared>>)
    }
    %scan3A_43 = arith.constant 20 : i32
    %dma_wait3A_44 = arith.constant 0 : i32
    %dma_wait3A_45 = arith.constant 0 : i32
    %dma_wait3A_46 = tpu.memref_slice %arg10[%dma_wait3A_44, %dma_wait3A_45] : memref<40x128xi32, #tpu.memory_space<vmem>> -> memref<1x128xi32, #tpu.memory_space<vmem>>
    %dma_wait3A_47 = tpu.memref_squeeze %dma_wait3A_46 : memref<1x128xi32, #tpu.memory_space<vmem>> -> memref<128xi32, #tpu.memory_space<vmem>>
    %dma_wait3A_48 = arith.constant 0 : i32
    %dma_wait3A_49 = arith.constant 0 : i32
    %dma_wait3A_50 = tpu.memref_slice %arg3[%dma_wait3A_48, %dma_wait3A_49] : memref<10240x128xf32, #tpu.memory_space<hbm>> -> memref<10240x128xf32, #tpu.memory_space<hbm>>
    tpu.wait_indirect_dma semaphore(%arg14 : memref<!tpu.dma_semaphore, #tpu.memory_space<semaphore_mem>>) src(%dma_wait3A_50 : memref<10240x128xf32, #tpu.memory_space<hbm>>) dst(%arg12 : memref<128x128xf32, #tpu.memory_space<vmem>>)
    %barrier3A_51 = arith.constant 0 : index
    tpu.barrier barrier_id(%barrier3A_51)
    %eq3A_52 = arith.constant 0 : i32
    %eq3A_53 = arith.cmpi eq, %arg1, %eq3A_52 : i32
    %convert_element_type3A_54 = arith.extui %eq3A_53 : i1 to i32
    %cond3A_55 = arith.constant 0 : i32
    %cond3A_56 = arith.cmpi ne, %convert_element_type3A_54, %cond3A_55 : i32
    scf.if %cond3A_56 {
      %run_scoped3A = arith.constant 1 : i32
      "tpu.region"() ({
        %run_scoped3A_122 = tpu.sem_alloc : memref<!tpu.dma_semaphore, #tpu.memory_space<semaphore_mem>>
        %dma_start3A_123 = arith.constant 0 : i32
        %dma_start3A_124 = arith.constant 0 : i32
        %dma_start3A_125 = arith.constant 0 : i32
        %dma_start3A_126 = tpu.memref_slice %arg9[%arg0, %dma_start3A_123, %dma_start3A_124, %dma_start3A_125] : memref<2x4x10240x128xf32, #tpu.memory_space<hbm>> -> memref<1x4x10240x128xf32, #tpu.memory_space<hbm>>
        %dma_start3A_127 = tpu.memref_squeeze %dma_start3A_126 : memref<1x4x10240x128xf32, #tpu.memory_space<hbm>> -> memref<4x10240x128xf32, #tpu.memory_space<hbm>>
        %dma_start3A_128 = arith.constant 0 : i32
        %dma_start3A_129 = arith.constant 0 : i32
        %dma_start3A_130 = tpu.memref_slice %dma_start3A_127[%run_scoped3A, %dma_start3A_128, %dma_start3A_129] : memref<4x10240x128xf32, #tpu.memory_space<hbm>> -> memref<1x10240x128xf32, #tpu.memory_space<hbm>>
        %dma_start3A_131 = tpu.memref_squeeze %dma_start3A_130 : memref<1x10240x128xf32, #tpu.memory_space<hbm>> -> memref<10240x128xf32, #tpu.memory_space<hbm>>
        tpu.enqueue_dma source(%arg17 : memref<10240x128xf32, #tpu.memory_space<vmem_shared>>) target(%dma_start3A_131 : memref<10240x128xf32, #tpu.memory_space<hbm>>) target_semaphore(%run_scoped3A_122 : memref<!tpu.dma_semaphore, #tpu.memory_space<semaphore_mem>>)
        %dma_wait3A_132 = arith.constant 0 : i32
        %dma_wait3A_133 = arith.constant 0 : i32
        %dma_wait3A_134 = arith.constant 0 : i32
        %dma_wait3A_135 = tpu.memref_slice %arg9[%arg0, %dma_wait3A_132, %dma_wait3A_133, %dma_wait3A_134] : memref<2x4x10240x128xf32, #tpu.memory_space<hbm>> -> memref<1x4x10240x128xf32, #tpu.memory_space<hbm>>
        %dma_wait3A_136 = tpu.memref_squeeze %dma_wait3A_135 : memref<1x4x10240x128xf32, #tpu.memory_space<hbm>> -> memref<4x10240x128xf32, #tpu.memory_space<hbm>>
        %dma_wait3A_137 = arith.constant 0 : i32
        %dma_wait3A_138 = arith.constant 0 : i32
        %dma_wait3A_139 = tpu.memref_slice %dma_wait3A_136[%run_scoped3A, %dma_wait3A_137, %dma_wait3A_138] : memref<4x10240x128xf32, #tpu.memory_space<hbm>> -> memref<1x10240x128xf32, #tpu.memory_space<hbm>>
        %dma_wait3A_140 = tpu.memref_squeeze %dma_wait3A_139 : memref<1x10240x128xf32, #tpu.memory_space<hbm>> -> memref<10240x128xf32, #tpu.memory_space<hbm>>
        tpu.wait_dma2 semaphore(%run_scoped3A_122 : memref<!tpu.dma_semaphore, #tpu.memory_space<semaphore_mem>>) src(%arg17 : memref<10240x128xf32, #tpu.memory_space<vmem_shared>>) dst(%dma_wait3A_140 : memref<10240x128xf32, #tpu.memory_space<hbm>>)
        tpu.yield
      }) : () -> ()
    } else {
    }
    %barrier3A_57 = arith.constant 0 : index
    tpu.barrier barrier_id(%barrier3A_57)
    %eq3A_58 = arith.constant 0 : i32
    %eq3A_59 = arith.cmpi eq, %arg1, %eq3A_58 : i32
    %convert_element_type3A_60 = arith.extui %eq3A_59 : i1 to i32
    %cond3A_61 = arith.constant 0 : i32
    %cond3A_62 = arith.cmpi ne, %convert_element_type3A_60, %cond3A_61 : i32
    scf.if %cond3A_62 {
      "tpu.region"() ({
        %run_scoped3A = tpu.sem_alloc : memref<!tpu.dma_semaphore, #tpu.memory_space<semaphore_mem>>
        tpu.enqueue_dma source(%arg8 : memref<10240x128xf32, #tpu.memory_space<hbm>>) target(%arg17 : memref<10240x128xf32, #tpu.memory_space<vmem_shared>>) target_semaphore(%run_scoped3A : memref<!tpu.dma_semaphore, #tpu.memory_space<semaphore_mem>>)
        tpu.wait_dma2 semaphore(%run_scoped3A : memref<!tpu.dma_semaphore, #tpu.memory_space<semaphore_mem>>) src(%arg8 : memref<10240x128xf32, #tpu.memory_space<hbm>>) dst(%arg17 : memref<10240x128xf32, #tpu.memory_space<vmem_shared>>)
        tpu.yield
      }) : () -> ()
    } else {
    }
    %barrier3A_63 = arith.constant 0 : index
    tpu.barrier barrier_id(%barrier3A_63)
    %dma_start3A_64 = arith.constant 0 : i32
    %dma_start3A_65 = arith.constant 0 : i32
    %dma_start3A_66 = tpu.memref_slice %arg10[%dma_start3A_64, %dma_start3A_65] : memref<40x128xi32, #tpu.memory_space<vmem>> -> memref<1x128xi32, #tpu.memory_space<vmem>>
    %dma_start3A_67 = tpu.memref_squeeze %dma_start3A_66 : memref<1x128xi32, #tpu.memory_space<vmem>> -> memref<128xi32, #tpu.memory_space<vmem>>
    %dma_start3A_68 = arith.constant 0 : i32
    %dma_start3A_69 = arith.constant 0 : i32
    %dma_start3A_70 = tpu.memref_slice %arg4[%dma_start3A_68, %dma_start3A_69] : memref<10240x128xf32, #tpu.memory_space<hbm>> -> memref<10240x128xf32, #tpu.memory_space<hbm>>
    tpu.enqueue_indirect_dma source(%dma_start3A_70 : memref<10240x128xf32, #tpu.memory_space<hbm>>) target(%arg12 : memref<128x128xf32, #tpu.memory_space<vmem>>) offsets(%dma_start3A_67 : memref<128xi32, #tpu.memory_space<vmem>>) semaphore(%arg14 : memref<!tpu.dma_semaphore, #tpu.memory_space<semaphore_mem>>)
    %scan3A_71 = arith.constant 0 : i32
    %scan3A_72 = arith.constant 20 : i32
    %scan3A_73 = arith.addi %scan3A_71, %scan3A_72 : i32
    %scan3A_74 = arith.constant 1 : i32
    scf.for %scan3A_122 = %scan3A_71 to %scan3A_73 step %scan3A_74  : i32 {
      %mul3A_123 = arith.constant 1 : i32
      %mul3A_124 = arith.muli %scan3A_122, %mul3A_123 : i32
      %add3A_125 = arith.constant 0 : i32
      %add3A_126 = arith.addi %add3A_125, %mul3A_124 : i32
      %mul3A_127 = arith.constant 2 : i32
      %mul3A_128 = arith.muli %add3A_126, %mul3A_127 : i32
      %add3A_129 = arith.constant 1 : i32
      %add3A_130 = arith.addi %mul3A_128, %add3A_129 : i32
      %dma_wait3A_131 = arith.constant 0 : i32
      %dma_wait3A_132 = tpu.memref_slice %arg10[%mul3A_128, %dma_wait3A_131] : memref<40x128xi32, #tpu.memory_space<vmem>> -> memref<1x128xi32, #tpu.memory_space<vmem>>
      %dma_wait3A_133 = tpu.memref_squeeze %dma_wait3A_132 : memref<1x128xi32, #tpu.memory_space<vmem>> -> memref<128xi32, #tpu.memory_space<vmem>>
      %dma_wait3A_134 = arith.constant 0 : i32
      %dma_wait3A_135 = arith.constant 0 : i32
      %dma_wait3A_136 = tpu.memref_slice %arg4[%dma_wait3A_134, %dma_wait3A_135] : memref<10240x128xf32, #tpu.memory_space<hbm>> -> memref<10240x128xf32, #tpu.memory_space<hbm>>
      tpu.wait_indirect_dma semaphore(%arg14 : memref<!tpu.dma_semaphore, #tpu.memory_space<semaphore_mem>>) src(%dma_wait3A_136 : memref<10240x128xf32, #tpu.memory_space<hbm>>) dst(%arg12 : memref<128x128xf32, #tpu.memory_space<vmem>>)
      %dma_start3A_137 = arith.constant 0 : i32
      %dma_start3A_138 = tpu.memref_slice %arg10[%add3A_130, %dma_start3A_137] : memref<40x128xi32, #tpu.memory_space<vmem>> -> memref<1x128xi32, #tpu.memory_space<vmem>>
      %dma_start3A_139 = tpu.memref_squeeze %dma_start3A_138 : memref<1x128xi32, #tpu.memory_space<vmem>> -> memref<128xi32, #tpu.memory_space<vmem>>
      %dma_start3A_140 = arith.constant 0 : i32
      %dma_start3A_141 = arith.constant 0 : i32
      %dma_start3A_142 = tpu.memref_slice %arg4[%dma_start3A_140, %dma_start3A_141] : memref<10240x128xf32, #tpu.memory_space<hbm>> -> memref<10240x128xf32, #tpu.memory_space<hbm>>
      tpu.enqueue_indirect_dma source(%dma_start3A_142 : memref<10240x128xf32, #tpu.memory_space<hbm>>) target(%arg13 : memref<128x128xf32, #tpu.memory_space<vmem>>) offsets(%dma_start3A_139 : memref<128xi32, #tpu.memory_space<vmem>>) semaphore(%arg15 : memref<!tpu.dma_semaphore, #tpu.memory_space<semaphore_mem>>)
      %dma_start3A_143 = arith.constant 0 : i32
      %dma_start3A_144 = tpu.memref_slice %arg11[%mul3A_128, %dma_start3A_143] : memref<40x128xi32, #tpu.memory_space<vmem>> -> memref<1x128xi32, #tpu.memory_space<vmem>>
      %dma_start3A_145 = tpu.memref_squeeze %dma_start3A_144 : memref<1x128xi32, #tpu.memory_space<vmem>> -> memref<128xi32, #tpu.memory_space<vmem>>
      %dma_start3A_146 = arith.constant 0 : i32
      %dma_start3A_147 = arith.constant 0 : i32
      %dma_start3A_148 = tpu.memref_slice %arg17[%dma_start3A_146, %dma_start3A_147] : memref<10240x128xf32, #tpu.memory_space<vmem_shared>> -> memref<10240x128xf32, #tpu.memory_space<vmem_shared>>
      tpu.enqueue_indirect_dma source(%arg12 : memref<128x128xf32, #tpu.memory_space<vmem>>) target(%dma_start3A_148 : memref<10240x128xf32, #tpu.memory_space<vmem_shared>>) offsets(%dma_start3A_145 : memref<128xi32, #tpu.memory_space<vmem>>) semaphore(%arg16 : memref<!tpu.dma_semaphore, #tpu.memory_space<semaphore_mem>>) {add = true}
      %dma_wait3A_149 = arith.constant 0 : i32
      %dma_wait3A_150 = tpu.memref_slice %arg11[%mul3A_128, %dma_wait3A_149] : memref<40x128xi32, #tpu.memory_space<vmem>> -> memref<1x128xi32, #tpu.memory_space<vmem>>
      %dma_wait3A_151 = tpu.memref_squeeze %dma_wait3A_150 : memref<1x128xi32, #tpu.memory_space<vmem>> -> memref<128xi32, #tpu.memory_space<vmem>>
      %dma_wait3A_152 = arith.constant 0 : i32
      %dma_wait3A_153 = arith.constant 0 : i32
      %dma_wait3A_154 = tpu.memref_slice %arg17[%dma_wait3A_152, %dma_wait3A_153] : memref<10240x128xf32, #tpu.memory_space<vmem_shared>> -> memref<10240x128xf32, #tpu.memory_space<vmem_shared>>
      tpu.wait_indirect_dma semaphore(%arg16 : memref<!tpu.dma_semaphore, #tpu.memory_space<semaphore_mem>>) src(%arg12 : memref<128x128xf32, #tpu.memory_space<vmem>>) dst(%dma_wait3A_154 : memref<10240x128xf32, #tpu.memory_space<vmem_shared>>)
      %dma_wait3A_155 = arith.constant 0 : i32
      %dma_wait3A_156 = tpu.memref_slice %arg10[%add3A_130, %dma_wait3A_155] : memref<40x128xi32, #tpu.memory_space<vmem>> -> memref<1x128xi32, #tpu.memory_space<vmem>>
      %dma_wait3A_157 = tpu.memref_squeeze %dma_wait3A_156 : memref<1x128xi32, #tpu.memory_space<vmem>> -> memref<128xi32, #tpu.memory_space<vmem>>
      %dma_wait3A_158 = arith.constant 0 : i32
      %dma_wait3A_159 = arith.constant 0 : i32
      %dma_wait3A_160 = tpu.memref_slice %arg4[%dma_wait3A_158, %dma_wait3A_159] : memref<10240x128xf32, #tpu.memory_space<hbm>> -> memref<10240x128xf32, #tpu.memory_space<hbm>>
      tpu.wait_indirect_dma semaphore(%arg15 : memref<!tpu.dma_semaphore, #tpu.memory_space<semaphore_mem>>) src(%dma_wait3A_160 : memref<10240x128xf32, #tpu.memory_space<hbm>>) dst(%arg13 : memref<128x128xf32, #tpu.memory_space<vmem>>)
      %add3A_161 = arith.constant 2 : i32
      %add3A_162 = arith.addi %mul3A_128, %add3A_161 : i32
      %min3A = arith.constant 39 : i32
      %min3A_163 = arith.minsi %add3A_162, %min3A : i32
      %dma_start3A_164 = arith.constant 0 : i32
      %dma_start3A_165 = tpu.memref_slice %arg10[%min3A_163, %dma_start3A_164] : memref<40x128xi32, #tpu.memory_space<vmem>> -> memref<1x128xi32, #tpu.memory_space<vmem>>
      %dma_start3A_166 = tpu.memref_squeeze %dma_start3A_165 : memref<1x128xi32, #tpu.memory_space<vmem>> -> memref<128xi32, #tpu.memory_space<vmem>>
      %dma_start3A_167 = arith.constant 0 : i32
      %dma_start3A_168 = arith.constant 0 : i32
      %dma_start3A_169 = tpu.memref_slice %arg4[%dma_start3A_167, %dma_start3A_168] : memref<10240x128xf32, #tpu.memory_space<hbm>> -> memref<10240x128xf32, #tpu.memory_space<hbm>>
      tpu.enqueue_indirect_dma source(%dma_start3A_169 : memref<10240x128xf32, #tpu.memory_space<hbm>>) target(%arg12 : memref<128x128xf32, #tpu.memory_space<vmem>>) offsets(%dma_start3A_166 : memref<128xi32, #tpu.memory_space<vmem>>) semaphore(%arg14 : memref<!tpu.dma_semaphore, #tpu.memory_space<semaphore_mem>>)
      %dma_start3A_170 = arith.constant 0 : i32
      %dma_start3A_171 = tpu.memref_slice %arg11[%add3A_130, %dma_start3A_170] : memref<40x128xi32, #tpu.memory_space<vmem>> -> memref<1x128xi32, #tpu.memory_space<vmem>>
      %dma_start3A_172 = tpu.memref_squeeze %dma_start3A_171 : memref<1x128xi32, #tpu.memory_space<vmem>> -> memref<128xi32, #tpu.memory_space<vmem>>
      %dma_start3A_173 = arith.constant 0 : i32
      %dma_start3A_174 = arith.constant 0 : i32
      %dma_start3A_175 = tpu.memref_slice %arg17[%dma_start3A_173, %dma_start3A_174] : memref<10240x128xf32, #tpu.memory_space<vmem_shared>> -> memref<10240x128xf32, #tpu.memory_space<vmem_shared>>
      tpu.enqueue_indirect_dma source(%arg13 : memref<128x128xf32, #tpu.memory_space<vmem>>) target(%dma_start3A_175 : memref<10240x128xf32, #tpu.memory_space<vmem_shared>>) offsets(%dma_start3A_172 : memref<128xi32, #tpu.memory_space<vmem>>) semaphore(%arg16 : memref<!tpu.dma_semaphore, #tpu.memory_space<semaphore_mem>>) {add = true}
      %dma_wait3A_176 = arith.constant 0 : i32
      %dma_wait3A_177 = tpu.memref_slice %arg11[%add3A_130, %dma_wait3A_176] : memref<40x128xi32, #tpu.memory_space<vmem>> -> memref<1x128xi32, #tpu.memory_space<vmem>>
      %dma_wait3A_178 = tpu.memref_squeeze %dma_wait3A_177 : memref<1x128xi32, #tpu.memory_space<vmem>> -> memref<128xi32, #tpu.memory_space<vmem>>
      %dma_wait3A_179 = arith.constant 0 : i32
      %dma_wait3A_180 = arith.constant 0 : i32
      %dma_wait3A_181 = tpu.memref_slice %arg17[%dma_wait3A_179, %dma_wait3A_180] : memref<10240x128xf32, #tpu.memory_space<vmem_shared>> -> memref<10240x128xf32, #tpu.memory_space<vmem_shared>>
      tpu.wait_indirect_dma semaphore(%arg16 : memref<!tpu.dma_semaphore, #tpu.memory_space<semaphore_mem>>) src(%arg13 : memref<128x128xf32, #tpu.memory_space<vmem>>) dst(%dma_wait3A_181 : memref<10240x128xf32, #tpu.memory_space<vmem_shared>>)
    }
    %scan3A_75 = arith.constant 20 : i32
    %dma_wait3A_76 = arith.constant 0 : i32
    %dma_wait3A_77 = arith.constant 0 : i32
    %dma_wait3A_78 = tpu.memref_slice %arg10[%dma_wait3A_76, %dma_wait3A_77] : memref<40x128xi32, #tpu.memory_space<vmem>> -> memref<1x128xi32, #tpu.memory_space<vmem>>
    %dma_wait3A_79 = tpu.memref_squeeze %dma_wait3A_78 : memref<1x128xi32, #tpu.memory_space<vmem>> -> memref<128xi32, #tpu.memory_space<vmem>>
    %dma_wait3A_80 = arith.constant 0 : i32
    %dma_wait3A_81 = arith.constant 0 : i32
    %dma_wait3A_82 = tpu.memref_slice %arg4[%dma_wait3A_80, %dma_wait3A_81] : memref<10240x128xf32, #tpu.memory_space<hbm>> -> memref<10240x128xf32, #tpu.memory_space<hbm>>
    tpu.wait_indirect_dma semaphore(%arg14 : memref<!tpu.dma_semaphore, #tpu.memory_space<semaphore_mem>>) src(%dma_wait3A_82 : memref<10240x128xf32, #tpu.memory_space<hbm>>) dst(%arg12 : memref<128x128xf32, #tpu.memory_space<vmem>>)
    %barrier3A_83 = arith.constant 0 : index
    tpu.barrier barrier_id(%barrier3A_83)
    %eq3A_84 = arith.constant 0 : i32
    %eq3A_85 = arith.cmpi eq, %arg1, %eq3A_84 : i32
    %convert_element_type3A_86 = arith.extui %eq3A_85 : i1 to i32
    %cond3A_87 = arith.constant 0 : i32
    %cond3A_88 = arith.cmpi ne, %convert_element_type3A_86, %cond3A_87 : i32
    scf.if %cond3A_88 {
      %run_scoped3A = arith.constant 2 : i32
      "tpu.region"() ({
        %run_scoped3A_122 = tpu.sem_alloc : memref<!tpu.dma_semaphore, #tpu.memory_space<semaphore_mem>>
        %dma_start3A_123 = arith.constant 0 : i32
        %dma_start3A_124 = arith.constant 0 : i32
        %dma_start3A_125 = arith.constant 0 : i32
        %dma_start3A_126 = tpu.memref_slice %arg9[%arg0, %dma_start3A_123, %dma_start3A_124, %dma_start3A_125] : memref<2x4x10240x128xf32, #tpu.memory_space<hbm>> -> memref<1x4x10240x128xf32, #tpu.memory_space<hbm>>
        %dma_start3A_127 = tpu.memref_squeeze %dma_start3A_126 : memref<1x4x10240x128xf32, #tpu.memory_space<hbm>> -> memref<4x10240x128xf32, #tpu.memory_space<hbm>>
        %dma_start3A_128 = arith.constant 0 : i32
        %dma_start3A_129 = arith.constant 0 : i32
        %dma_start3A_130 = tpu.memref_slice %dma_start3A_127[%run_scoped3A, %dma_start3A_128, %dma_start3A_129] : memref<4x10240x128xf32, #tpu.memory_space<hbm>> -> memref<1x10240x128xf32, #tpu.memory_space<hbm>>
        %dma_start3A_131 = tpu.memref_squeeze %dma_start3A_130 : memref<1x10240x128xf32, #tpu.memory_space<hbm>> -> memref<10240x128xf32, #tpu.memory_space<hbm>>
        tpu.enqueue_dma source(%arg17 : memref<10240x128xf32, #tpu.memory_space<vmem_shared>>) target(%dma_start3A_131 : memref<10240x128xf32, #tpu.memory_space<hbm>>) target_semaphore(%run_scoped3A_122 : memref<!tpu.dma_semaphore, #tpu.memory_space<semaphore_mem>>)
        %dma_wait3A_132 = arith.constant 0 : i32
        %dma_wait3A_133 = arith.constant 0 : i32
        %dma_wait3A_134 = arith.constant 0 : i32
        %dma_wait3A_135 = tpu.memref_slice %arg9[%arg0, %dma_wait3A_132, %dma_wait3A_133, %dma_wait3A_134] : memref<2x4x10240x128xf32, #tpu.memory_space<hbm>> -> memref<1x4x10240x128xf32, #tpu.memory_space<hbm>>
        %dma_wait3A_136 = tpu.memref_squeeze %dma_wait3A_135 : memref<1x4x10240x128xf32, #tpu.memory_space<hbm>> -> memref<4x10240x128xf32, #tpu.memory_space<hbm>>
        %dma_wait3A_137 = arith.constant 0 : i32
        %dma_wait3A_138 = arith.constant 0 : i32
        %dma_wait3A_139 = tpu.memref_slice %dma_wait3A_136[%run_scoped3A, %dma_wait3A_137, %dma_wait3A_138] : memref<4x10240x128xf32, #tpu.memory_space<hbm>> -> memref<1x10240x128xf32, #tpu.memory_space<hbm>>
        %dma_wait3A_140 = tpu.memref_squeeze %dma_wait3A_139 : memref<1x10240x128xf32, #tpu.memory_space<hbm>> -> memref<10240x128xf32, #tpu.memory_space<hbm>>
        tpu.wait_dma2 semaphore(%run_scoped3A_122 : memref<!tpu.dma_semaphore, #tpu.memory_space<semaphore_mem>>) src(%arg17 : memref<10240x128xf32, #tpu.memory_space<vmem_shared>>) dst(%dma_wait3A_140 : memref<10240x128xf32, #tpu.memory_space<hbm>>)
        tpu.yield
      }) : () -> ()
    } else {
    }
    %barrier3A_89 = arith.constant 0 : index
    tpu.barrier barrier_id(%barrier3A_89)
    %eq3A_90 = arith.constant 0 : i32
    %eq3A_91 = arith.cmpi eq, %arg1, %eq3A_90 : i32
    %convert_element_type3A_92 = arith.extui %eq3A_91 : i1 to i32
    %cond3A_93 = arith.constant 0 : i32
    %cond3A_94 = arith.cmpi ne, %convert_element_type3A_92, %cond3A_93 : i32
    scf.if %cond3A_94 {
      "tpu.region"() ({
        %run_scoped3A = tpu.sem_alloc : memref<!tpu.dma_semaphore, #tpu.memory_space<semaphore_mem>>
        tpu.enqueue_dma source(%arg8 : memref<10240x128xf32, #tpu.memory_space<hbm>>) target(%arg17 : memref<10240x128xf32, #tpu.memory_space<vmem_shared>>) target_semaphore(%run_scoped3A : memref<!tpu.dma_semaphore, #tpu.memory_space<semaphore_mem>>)
        tpu.wait_dma2 semaphore(%run_scoped3A : memref<!tpu.dma_semaphore, #tpu.memory_space<semaphore_mem>>) src(%arg8 : memref<10240x128xf32, #tpu.memory_space<hbm>>) dst(%arg17 : memref<10240x128xf32, #tpu.memory_space<vmem_shared>>)
        tpu.yield
      }) : () -> ()
    } else {
    }
    %barrier3A_95 = arith.constant 0 : index
    tpu.barrier barrier_id(%barrier3A_95)
    %dma_start3A_96 = arith.constant 0 : i32
    %dma_start3A_97 = arith.constant 0 : i32
    %dma_start3A_98 = tpu.memref_slice %arg10[%dma_start3A_96, %dma_start3A_97] : memref<40x128xi32, #tpu.memory_space<vmem>> -> memref<1x128xi32, #tpu.memory_space<vmem>>
    %dma_start3A_99 = tpu.memref_squeeze %dma_start3A_98 : memref<1x128xi32, #tpu.memory_space<vmem>> -> memref<128xi32, #tpu.memory_space<vmem>>
    %dma_start3A_100 = arith.constant 0 : i32
    %dma_start3A_101 = arith.constant 0 : i32
    %dma_start3A_102 = tpu.memref_slice %arg5[%dma_start3A_100, %dma_start3A_101] : memref<10240x128xf32, #tpu.memory_space<hbm>> -> memref<10240x128xf32, #tpu.memory_space<hbm>>
    tpu.enqueue_indirect_dma source(%dma_start3A_102 : memref<10240x128xf32, #tpu.memory_space<hbm>>) target(%arg12 : memref<128x128xf32, #tpu.memory_space<vmem>>) offsets(%dma_start3A_99 : memref<128xi32, #tpu.memory_space<vmem>>) semaphore(%arg14 : memref<!tpu.dma_semaphore, #tpu.memory_space<semaphore_mem>>)
    %scan3A_103 = arith.constant 0 : i32
    %scan3A_104 = arith.constant 20 : i32
    %scan3A_105 = arith.addi %scan3A_103, %scan3A_104 : i32
    %scan3A_106 = arith.constant 1 : i32
    scf.for %scan3A_122 = %scan3A_103 to %scan3A_105 step %scan3A_106  : i32 {
      %mul3A_123 = arith.constant 1 : i32
      %mul3A_124 = arith.muli %scan3A_122, %mul3A_123 : i32
      %add3A_125 = arith.constant 0 : i32
      %add3A_126 = arith.addi %add3A_125, %mul3A_124 : i32
      %mul3A_127 = arith.constant 2 : i32
      %mul3A_128 = arith.muli %add3A_126, %mul3A_127 : i32
      %add3A_129 = arith.constant 1 : i32
      %add3A_130 = arith.addi %mul3A_128, %add3A_129 : i32
      %dma_wait3A_131 = arith.constant 0 : i32
      %dma_wait3A_132 = tpu.memref_slice %arg10[%mul3A_128, %dma_wait3A_131] : memref<40x128xi32, #tpu.memory_space<vmem>> -> memref<1x128xi32, #tpu.memory_space<vmem>>
      %dma_wait3A_133 = tpu.memref_squeeze %dma_wait3A_132 : memref<1x128xi32, #tpu.memory_space<vmem>> -> memref<128xi32, #tpu.memory_space<vmem>>
      %dma_wait3A_134 = arith.constant 0 : i32
      %dma_wait3A_135 = arith.constant 0 : i32
      %dma_wait3A_136 = tpu.memref_slice %arg5[%dma_wait3A_134, %dma_wait3A_135] : memref<10240x128xf32, #tpu.memory_space<hbm>> -> memref<10240x128xf32, #tpu.memory_space<hbm>>
      tpu.wait_indirect_dma semaphore(%arg14 : memref<!tpu.dma_semaphore, #tpu.memory_space<semaphore_mem>>) src(%dma_wait3A_136 : memref<10240x128xf32, #tpu.memory_space<hbm>>) dst(%arg12 : memref<128x128xf32, #tpu.memory_space<vmem>>)
      %dma_start3A_137 = arith.constant 0 : i32
      %dma_start3A_138 = tpu.memref_slice %arg10[%add3A_130, %dma_start3A_137] : memref<40x128xi32, #tpu.memory_space<vmem>> -> memref<1x128xi32, #tpu.memory_space<vmem>>
      %dma_start3A_139 = tpu.memref_squeeze %dma_start3A_138 : memref<1x128xi32, #tpu.memory_space<vmem>> -> memref<128xi32, #tpu.memory_space<vmem>>
      %dma_start3A_140 = arith.constant 0 : i32
      %dma_start3A_141 = arith.constant 0 : i32
      %dma_start3A_142 = tpu.memref_slice %arg5[%dma_start3A_140, %dma_start3A_141] : memref<10240x128xf32, #tpu.memory_space<hbm>> -> memref<10240x128xf32, #tpu.memory_space<hbm>>
      tpu.enqueue_indirect_dma source(%dma_start3A_142 : memref<10240x128xf32, #tpu.memory_space<hbm>>) target(%arg13 : memref<128x128xf32, #tpu.memory_space<vmem>>) offsets(%dma_start3A_139 : memref<128xi32, #tpu.memory_space<vmem>>) semaphore(%arg15 : memref<!tpu.dma_semaphore, #tpu.memory_space<semaphore_mem>>)
      %dma_start3A_143 = arith.constant 0 : i32
      %dma_start3A_144 = tpu.memref_slice %arg11[%mul3A_128, %dma_start3A_143] : memref<40x128xi32, #tpu.memory_space<vmem>> -> memref<1x128xi32, #tpu.memory_space<vmem>>
      %dma_start3A_145 = tpu.memref_squeeze %dma_start3A_144 : memref<1x128xi32, #tpu.memory_space<vmem>> -> memref<128xi32, #tpu.memory_space<vmem>>
      %dma_start3A_146 = arith.constant 0 : i32
      %dma_start3A_147 = arith.constant 0 : i32
      %dma_start3A_148 = tpu.memref_slice %arg17[%dma_start3A_146, %dma_start3A_147] : memref<10240x128xf32, #tpu.memory_space<vmem_shared>> -> memref<10240x128xf32, #tpu.memory_space<vmem_shared>>
      tpu.enqueue_indirect_dma source(%arg12 : memref<128x128xf32, #tpu.memory_space<vmem>>) target(%dma_start3A_148 : memref<10240x128xf32, #tpu.memory_space<vmem_shared>>) offsets(%dma_start3A_145 : memref<128xi32, #tpu.memory_space<vmem>>) semaphore(%arg16 : memref<!tpu.dma_semaphore, #tpu.memory_space<semaphore_mem>>) {add = true}
      %dma_wait3A_149 = arith.constant 0 : i32
      %dma_wait3A_150 = tpu.memref_slice %arg11[%mul3A_128, %dma_wait3A_149] : memref<40x128xi32, #tpu.memory_space<vmem>> -> memref<1x128xi32, #tpu.memory_space<vmem>>
      %dma_wait3A_151 = tpu.memref_squeeze %dma_wait3A_150 : memref<1x128xi32, #tpu.memory_space<vmem>> -> memref<128xi32, #tpu.memory_space<vmem>>
      %dma_wait3A_152 = arith.constant 0 : i32
      %dma_wait3A_153 = arith.constant 0 : i32
      %dma_wait3A_154 = tpu.memref_slice %arg17[%dma_wait3A_152, %dma_wait3A_153] : memref<10240x128xf32, #tpu.memory_space<vmem_shared>> -> memref<10240x128xf32, #tpu.memory_space<vmem_shared>>
      tpu.wait_indirect_dma semaphore(%arg16 : memref<!tpu.dma_semaphore, #tpu.memory_space<semaphore_mem>>) src(%arg12 : memref<128x128xf32, #tpu.memory_space<vmem>>) dst(%dma_wait3A_154 : memref<10240x128xf32, #tpu.memory_space<vmem_shared>>)
      %dma_wait3A_155 = arith.constant 0 : i32
      %dma_wait3A_156 = tpu.memref_slice %arg10[%add3A_130, %dma_wait3A_155] : memref<40x128xi32, #tpu.memory_space<vmem>> -> memref<1x128xi32, #tpu.memory_space<vmem>>
      %dma_wait3A_157 = tpu.memref_squeeze %dma_wait3A_156 : memref<1x128xi32, #tpu.memory_space<vmem>> -> memref<128xi32, #tpu.memory_space<vmem>>
      %dma_wait3A_158 = arith.constant 0 : i32
      %dma_wait3A_159 = arith.constant 0 : i32
      %dma_wait3A_160 = tpu.memref_slice %arg5[%dma_wait3A_158, %dma_wait3A_159] : memref<10240x128xf32, #tpu.memory_space<hbm>> -> memref<10240x128xf32, #tpu.memory_space<hbm>>
      tpu.wait_indirect_dma semaphore(%arg15 : memref<!tpu.dma_semaphore, #tpu.memory_space<semaphore_mem>>) src(%dma_wait3A_160 : memref<10240x128xf32, #tpu.memory_space<hbm>>) dst(%arg13 : memref<128x128xf32, #tpu.memory_space<vmem>>)
      %add3A_161 = arith.constant 2 : i32
      %add3A_162 = arith.addi %mul3A_128, %add3A_161 : i32
      %min3A = arith.constant 39 : i32
      %min3A_163 = arith.minsi %add3A_162, %min3A : i32
      %dma_start3A_164 = arith.constant 0 : i32
      %dma_start3A_165 = tpu.memref_slice %arg10[%min3A_163, %dma_start3A_164] : memref<40x128xi32, #tpu.memory_space<vmem>> -> memref<1x128xi32, #tpu.memory_space<vmem>>
      %dma_start3A_166 = tpu.memref_squeeze %dma_start3A_165 : memref<1x128xi32, #tpu.memory_space<vmem>> -> memref<128xi32, #tpu.memory_space<vmem>>
      %dma_start3A_167 = arith.constant 0 : i32
      %dma_start3A_168 = arith.constant 0 : i32
      %dma_start3A_169 = tpu.memref_slice %arg5[%dma_start3A_167, %dma_start3A_168] : memref<10240x128xf32, #tpu.memory_space<hbm>> -> memref<10240x128xf32, #tpu.memory_space<hbm>>
      tpu.enqueue_indirect_dma source(%dma_start3A_169 : memref<10240x128xf32, #tpu.memory_space<hbm>>) target(%arg12 : memref<128x128xf32, #tpu.memory_space<vmem>>) offsets(%dma_start3A_166 : memref<128xi32, #tpu.memory_space<vmem>>) semaphore(%arg14 : memref<!tpu.dma_semaphore, #tpu.memory_space<semaphore_mem>>)
      %dma_start3A_170 = arith.constant 0 : i32
      %dma_start3A_171 = tpu.memref_slice %arg11[%add3A_130, %dma_start3A_170] : memref<40x128xi32, #tpu.memory_space<vmem>> -> memref<1x128xi32, #tpu.memory_space<vmem>>
      %dma_start3A_172 = tpu.memref_squeeze %dma_start3A_171 : memref<1x128xi32, #tpu.memory_space<vmem>> -> memref<128xi32, #tpu.memory_space<vmem>>
      %dma_start3A_173 = arith.constant 0 : i32
      %dma_start3A_174 = arith.constant 0 : i32
      %dma_start3A_175 = tpu.memref_slice %arg17[%dma_start3A_173, %dma_start3A_174] : memref<10240x128xf32, #tpu.memory_space<vmem_shared>> -> memref<10240x128xf32, #tpu.memory_space<vmem_shared>>
      tpu.enqueue_indirect_dma source(%arg13 : memref<128x128xf32, #tpu.memory_space<vmem>>) target(%dma_start3A_175 : memref<10240x128xf32, #tpu.memory_space<vmem_shared>>) offsets(%dma_start3A_172 : memref<128xi32, #tpu.memory_space<vmem>>) semaphore(%arg16 : memref<!tpu.dma_semaphore, #tpu.memory_space<semaphore_mem>>) {add = true}
      %dma_wait3A_176 = arith.constant 0 : i32
      %dma_wait3A_177 = tpu.memref_slice %arg11[%add3A_130, %dma_wait3A_176] : memref<40x128xi32, #tpu.memory_space<vmem>> -> memref<1x128xi32, #tpu.memory_space<vmem>>
      %dma_wait3A_178 = tpu.memref_squeeze %dma_wait3A_177 : memref<1x128xi32, #tpu.memory_space<vmem>> -> memref<128xi32, #tpu.memory_space<vmem>>
      %dma_wait3A_179 = arith.constant 0 : i32
      %dma_wait3A_180 = arith.constant 0 : i32
      %dma_wait3A_181 = tpu.memref_slice %arg17[%dma_wait3A_179, %dma_wait3A_180] : memref<10240x128xf32, #tpu.memory_space<vmem_shared>> -> memref<10240x128xf32, #tpu.memory_space<vmem_shared>>
      tpu.wait_indirect_dma semaphore(%arg16 : memref<!tpu.dma_semaphore, #tpu.memory_space<semaphore_mem>>) src(%arg13 : memref<128x128xf32, #tpu.memory_space<vmem>>) dst(%dma_wait3A_181 : memref<10240x128xf32, #tpu.memory_space<vmem_shared>>)
    }
    %scan3A_107 = arith.constant 20 : i32
    %dma_wait3A_108 = arith.constant 0 : i32
    %dma_wait3A_109 = arith.constant 0 : i32
    %dma_wait3A_110 = tpu.memref_slice %arg10[%dma_wait3A_108, %dma_wait3A_109] : memref<40x128xi32, #tpu.memory_space<vmem>> -> memref<1x128xi32, #tpu.memory_space<vmem>>
    %dma_wait3A_111 = tpu.memref_squeeze %dma_wait3A_110 : memref<1x128xi32, #tpu.memory_space<vmem>> -> memref<128xi32, #tpu.memory_space<vmem>>
    %dma_wait3A_112 = arith.constant 0 : i32
    %dma_wait3A_113 = arith.constant 0 : i32
    %dma_wait3A_114 = tpu.memref_slice %arg5[%dma_wait3A_112, %dma_wait3A_113] : memref<10240x128xf32, #tpu.memory_space<hbm>> -> memref<10240x128xf32, #tpu.memory_space<hbm>>
    tpu.wait_indirect_dma semaphore(%arg14 : memref<!tpu.dma_semaphore, #tpu.memory_space<semaphore_mem>>) src(%dma_wait3A_114 : memref<10240x128xf32, #tpu.memory_space<hbm>>) dst(%arg12 : memref<128x128xf32, #tpu.memory_space<vmem>>)
    %barrier3A_115 = arith.constant 0 : index
    tpu.barrier barrier_id(%barrier3A_115)
    %eq3A_116 = arith.constant 0 : i32
    %eq3A_117 = arith.cmpi eq, %arg1, %eq3A_116 : i32
    %convert_element_type3A_118 = arith.extui %eq3A_117 : i1 to i32
    %cond3A_119 = arith.constant 0 : i32
    %cond3A_120 = arith.cmpi ne, %convert_element_type3A_118, %cond3A_119 : i32
    scf.if %cond3A_120 {
      %run_scoped3A = arith.constant 3 : i32
      "tpu.region"() ({
        %run_scoped3A_122 = tpu.sem_alloc : memref<!tpu.dma_semaphore, #tpu.memory_space<semaphore_mem>>
        %dma_start3A_123 = arith.constant 0 : i32
        %dma_start3A_124 = arith.constant 0 : i32
        %dma_start3A_125 = arith.constant 0 : i32
        %dma_start3A_126 = tpu.memref_slice %arg9[%arg0, %dma_start3A_123, %dma_start3A_124, %dma_start3A_125] : memref<2x4x10240x128xf32, #tpu.memory_space<hbm>> -> memref<1x4x10240x128xf32, #tpu.memory_space<hbm>>
        %dma_start3A_127 = tpu.memref_squeeze %dma_start3A_126 : memref<1x4x10240x128xf32, #tpu.memory_space<hbm>> -> memref<4x10240x128xf32, #tpu.memory_space<hbm>>
        %dma_start3A_128 = arith.constant 0 : i32
        %dma_start3A_129 = arith.constant 0 : i32
        %dma_start3A_130 = tpu.memref_slice %dma_start3A_127[%run_scoped3A, %dma_start3A_128, %dma_start3A_129] : memref<4x10240x128xf32, #tpu.memory_space<hbm>> -> memref<1x10240x128xf32, #tpu.memory_space<hbm>>
        %dma_start3A_131 = tpu.memref_squeeze %dma_start3A_130 : memref<1x10240x128xf32, #tpu.memory_space<hbm>> -> memref<10240x128xf32, #tpu.memory_space<hbm>>
        tpu.enqueue_dma source(%arg17 : memref<10240x128xf32, #tpu.memory_space<vmem_shared>>) target(%dma_start3A_131 : memref<10240x128xf32, #tpu.memory_space<hbm>>) target_semaphore(%run_scoped3A_122 : memref<!tpu.dma_semaphore, #tpu.memory_space<semaphore_mem>>)
        %dma_wait3A_132 = arith.constant 0 : i32
        %dma_wait3A_133 = arith.constant 0 : i32
        %dma_wait3A_134 = arith.constant 0 : i32
        %dma_wait3A_135 = tpu.memref_slice %arg9[%arg0, %dma_wait3A_132, %dma_wait3A_133, %dma_wait3A_134] : memref<2x4x10240x128xf32, #tpu.memory_space<hbm>> -> memref<1x4x10240x128xf32, #tpu.memory_space<hbm>>
        %dma_wait3A_136 = tpu.memref_squeeze %dma_wait3A_135 : memref<1x4x10240x128xf32, #tpu.memory_space<hbm>> -> memref<4x10240x128xf32, #tpu.memory_space<hbm>>
        %dma_wait3A_137 = arith.constant 0 : i32
        %dma_wait3A_138 = arith.constant 0 : i32
        %dma_wait3A_139 = tpu.memref_slice %dma_wait3A_136[%run_scoped3A, %dma_wait3A_137, %dma_wait3A_138] : memref<4x10240x128xf32, #tpu.memory_space<hbm>> -> memref<1x10240x128xf32, #tpu.memory_space<hbm>>
        %dma_wait3A_140 = tpu.memref_squeeze %dma_wait3A_139 : memref<1x10240x128xf32, #tpu.memory_space<hbm>> -> memref<10240x128xf32, #tpu.memory_space<hbm>>
        tpu.wait_dma2 semaphore(%run_scoped3A_122 : memref<!tpu.dma_semaphore, #tpu.memory_space<semaphore_mem>>) src(%arg17 : memref<10240x128xf32, #tpu.memory_space<vmem_shared>>) dst(%dma_wait3A_140 : memref<10240x128xf32, #tpu.memory_space<hbm>>)
        tpu.yield
      }) : () -> ()
    } else {
    }
    %barrier3A_121 = arith.constant 0 : index
    tpu.barrier barrier_id(%barrier3A_121)
    return
  }
}

module attributes {stable_mosaic.version = 14 : i64} {
  func.func @_k1_body(%arg0: i32, %arg1: memref<1024x1280xf32, #tpu.memory_space<vmem>>, %arg2: memref<1x1x1024xi32, #tpu.memory_space<vmem>>, %arg3: memref<2x1024x128xf32, #tpu.memory_space<vmem>>, %arg4: memref<21x96xf32, #tpu.memory_space<vmem>>, %arg5: memref<96x512xf32, #tpu.memory_space<vmem>>, %arg6: memref<1280x512xf32, #tpu.memory_space<vmem>>, %arg7: memref<512x512xf32, #tpu.memory_space<vmem>>, %arg8: memref<1x512xf32, #tpu.memory_space<vmem>>, %arg9: memref<1x1x1024xf32, #tpu.memory_space<vmem>>, %arg10: memref<1024x128xf32, #tpu.memory_space<vmem>>, %arg11: memref<1024x128xf32, #tpu.memory_space<vmem>>, %arg12: memref<1024x128xf32, #tpu.memory_space<vmem>>, %arg13: memref<1024x128xf32, #tpu.memory_space<vmem>>) attributes {dimension_semantics = [#tpu.dimension_semantics<arbitrary>], iteration_bounds = array<i64: 10>, scalar_prefetch = 0 : i64, scratch_operands = 0 : i64, tpu.core_type = #tpu.core_type<tc>, window_params = [{transform_indices = @transform_0, window_bounds = array<i64: 1024, 1280>}, {transform_indices = @transform_1, window_bounds = array<i64: 1, 1, 1024>}, {transform_indices = @transform_2, window_bounds = array<i64: 2, 1024, 128>}, {pipeline_mode = #tpu.pipeline_mode<synchronous>, transform_indices = @transform_3, window_bounds = array<i64: 21, 96>}, {pipeline_mode = #tpu.pipeline_mode<synchronous>, transform_indices = @transform_4, window_bounds = array<i64: 96, 512>}, {pipeline_mode = #tpu.pipeline_mode<synchronous>, transform_indices = @transform_5, window_bounds = array<i64: 1280, 512>}, {pipeline_mode = #tpu.pipeline_mode<synchronous>, transform_indices = @transform_6, window_bounds = array<i64: 512, 512>}, {pipeline_mode = #tpu.pipeline_mode<synchronous>, transform_indices = @transform_7, window_bounds = array<i64: 1, 512>}, {transform_indices = @transform_8, window_bounds = array<i64: 1, 1, 1024>}, {transform_indices = @transform_9, window_bounds = array<i64: 1024, 128>}, {transform_indices = @transform_10, window_bounds = array<i64: 1024, 128>}, {transform_indices = @transform_11, window_bounds = array<i64: 1024, 128>}, {transform_indices = @transform_12, window_bounds = array<i64: 1024, 128>}]} {
    %get3A = arith.constant 0 : index
    %get3A_0 = arith.constant 0 : index
    %get3A_1 = arith.constant 0 : index
    %get3A_2 = vector.load %arg3[%get3A, %get3A_0, %get3A_1] : memref<2x1024x128xf32, #tpu.memory_space<vmem>>, vector<1x1024x1xf32>
    %get3A_3 = vector.shape_cast %get3A_2 : vector<1x1024x1xf32> to vector<1024x1xf32>
    %get3A_4 = arith.constant 1 : index
    %get3A_5 = arith.constant 0 : index
    %get3A_6 = arith.constant 0 : index
    %get3A_7 = vector.load %arg3[%get3A_4, %get3A_5, %get3A_6] : memref<2x1024x128xf32, #tpu.memory_space<vmem>>, vector<1x1024x1xf32>
    %get3A_8 = vector.shape_cast %get3A_7 : vector<1x1024x1xf32> to vector<1024x1xf32>
    %add3A = arith.addf %get3A_3, %get3A_8 : vector<1024x1xf32>
    %add3A_9 = arith.constant 1.000000e+00 : f32
    %add3A_10 = vector.broadcast %add3A_9 : f32 to vector<1024x1xf32>
    %add3A_11 = arith.addf %add3A, %add3A_10 : vector<1024x1xf32>
    %rsqrt3A = math.rsqrt %add3A_11 : vector<1024x1xf32>
    %squeeze3A = vector.shape_cast %rsqrt3A : vector<1024x1xf32> to vector<1024xf32>
    %swap3A = arith.constant 0 : index
    %swap3A_12 = arith.constant 0 : index
    %swap3A_13 = arith.constant 0 : index
    %swap3A_14 = vector.load %arg9[%swap3A, %swap3A_12, %swap3A_13] : memref<1x1x1024xf32, #tpu.memory_space<vmem>>, vector<1x1x1024xf32>
    %swap3A_15 = vector.shape_cast %swap3A_14 : vector<1x1x1024xf32> to vector<1024xf32>
    %swap3A_16 = vector.shape_cast %squeeze3A : vector<1024xf32> to vector<1x1x1024xf32>
    tpu.vector_store %arg9[%swap3A, %swap3A_12, %swap3A_13], %swap3A_16 {strides = array<i32>} : memref<1x1x1024xf32, #tpu.memory_space<vmem>>, vector<1x1x1024xf32>,
    %get3A_17 = arith.constant 0 : index
    %get3A_18 = arith.constant 0 : index
    %get3A_19 = arith.constant 0 : index
    %get3A_20 = vector.load %arg2[%get3A_17, %get3A_18, %get3A_19] : memref<1x1x1024xi32, #tpu.memory_space<vmem>>, vector<1x1x1024xi32>
    %get3A_21 = vector.shape_cast %get3A_20 : vector<1x1x1024xi32> to vector<1024xi32>
    %broadcast_in_dim3A = vector.shape_cast %get3A_21 : vector<1024xi32> to vector<1024x1xi32>
    %iota3A = tpu.iota {dimensions = array<i32: 1>} : vector<1x21xi32>
    %eq3A = vector.broadcast %broadcast_in_dim3A : vector<1024x1xi32> to vector<1024x21xi32>
    %eq3A_22 = vector.broadcast %iota3A : vector<1x21xi32> to vector<1024x21xi32>
    %eq3A_23 = arith.cmpi eq, %eq3A, %eq3A_22 : vector<1024x21xi32>
    %convert_element_type3A = arith.extui %eq3A_23 : vector<1024x21xi1> to vector<1024x21xi32>
    %convert_element_type3A_24 = arith.sitofp %convert_element_type3A : vector<1024x21xi32> to vector<1024x21xf32>
    %get3A_25 = arith.constant 0 : index
    %get3A_26 = arith.constant 0 : index
    %get3A_27 = vector.load %arg4[%get3A_25, %get3A_26] : memref<21x96xf32, #tpu.memory_space<vmem>>, vector<21x96xf32>
    %get3A_28 = arith.constant 0 : index
    %get3A_29 = arith.constant 0 : index
    %get3A_30 = vector.load %arg5[%get3A_28, %get3A_29] : memref<96x512xf32, #tpu.memory_space<vmem>>, vector<96x512xf32>
    %dot_general3A = arith.constant dense<0.000000e+00> : vector<21x512xf32>
    %dot_general3A_31 = tpu.matmul %get3A_27, %get3A_30, %dot_general3A {dimension_numbers = #tpu.dot_dimension_numbers<[1], [0], [0], [1], [0, 0, 1, 1], [], []>, transpose_lhs_hint = false} : vector<21x96xf32>, vector<96x512xf32>, vector<21x512xf32> -> vector<21x512xf32>
    %dot_general3A_32 = arith.constant dense<0.000000e+00> : vector<1024x512xf32>
    %dot_general3A_33 = tpu.matmul %convert_element_type3A_24, %dot_general3A_31, %dot_general3A_32 {dimension_numbers = #tpu.dot_dimension_numbers<[1], [0], [0], [1], [0, 0, 1, 1], [], []>, transpose_lhs_hint = false} : vector<1024x21xf32>, vector<21x512xf32>, vector<1024x512xf32> -> vector<1024x512xf32>
    %get3A_34 = arith.constant 0 : index
    %get3A_35 = arith.constant 0 : index
    %get3A_36 = vector.load %arg1[%get3A_34, %get3A_35] : memref<1024x1280xf32, #tpu.memory_space<vmem>>, vector<1024x1280xf32>
    %get3A_37 = arith.constant 0 : index
    %get3A_38 = arith.constant 0 : index
    %get3A_39 = vector.load %arg6[%get3A_37, %get3A_38] : memref<1280x512xf32, #tpu.memory_space<vmem>>, vector<1280x512xf32>
    %dot_general3A_40 = arith.constant dense<0.000000e+00> : vector<1024x512xf32>
    %dot_general3A_41 = tpu.matmul %get3A_36, %get3A_39, %dot_general3A_40 {dimension_numbers = #tpu.dot_dimension_numbers<[1], [0], [0], [1], [0, 0, 1, 1], [], []>, transpose_lhs_hint = false} : vector<1024x1280xf32>, vector<1280x512xf32>, vector<1024x512xf32> -> vector<1024x512xf32>
    %add3A_42 = arith.addf %dot_general3A_33, %dot_general3A_41 : vector<1024x512xf32>
    %get3A_43 = arith.constant 0 : index
    %get3A_44 = arith.constant 0 : index
    %get3A_45 = vector.load %arg8[%get3A_43, %get3A_44] : memref<1x512xf32, #tpu.memory_space<vmem>>, vector<1x512xf32>
    %add3A_46 = vector.broadcast %get3A_45 : vector<1x512xf32> to vector<1024x512xf32>
    %add3A_47 = arith.addf %add3A_42, %add3A_46 : vector<1024x512xf32>
    %max3A = arith.constant 0.000000e+00 : f32
    %max3A_48 = vector.broadcast %max3A : f32 to vector<1024x512xf32>
    %max3A_49 = arith.maximumf %add3A_47, %max3A_48 : vector<1024x512xf32>
    %get3A_50 = arith.constant 0 : index
    %get3A_51 = arith.constant 0 : index
    %get3A_52 = vector.load %arg7[%get3A_50, %get3A_51] : memref<512x512xf32, #tpu.memory_space<vmem>>, vector<512x512xf32>
    %dot_general3A_53 = arith.constant dense<0.000000e+00> : vector<1024x512xf32>
    %dot_general3A_54 = tpu.matmul %max3A_49, %get3A_52, %dot_general3A_53 {dimension_numbers = #tpu.dot_dimension_numbers<[1], [0], [0], [1], [0, 0, 1, 1], [], []>, transpose_lhs_hint = false} : vector<1024x512xf32>, vector<512x512xf32>, vector<1024x512xf32> -> vector<1024x512xf32>
    %mul3A = vector.broadcast %rsqrt3A : vector<1024x1xf32> to vector<1024x512xf32>
    %mul3A_55 = arith.mulf %dot_general3A_54, %mul3A : vector<1024x512xf32>
    %slice3A = vector.extract_strided_slice %mul3A_55 {offsets = [0, 0], sizes = [1024, 128], strides = [1, 1]} : vector<1024x512xf32> to vector<1024x128xf32>
    %swap3A_56 = arith.constant 0 : index
    %swap3A_57 = arith.constant 0 : index
    %swap3A_58 = vector.load %arg10[%swap3A_56, %swap3A_57] : memref<1024x128xf32, #tpu.memory_space<vmem>>, vector<1024x128xf32>
    tpu.vector_store %arg10[%swap3A_56, %swap3A_57], %slice3A {strides = array<i32>} : memref<1024x128xf32, #tpu.memory_space<vmem>>, vector<1024x128xf32>,
    %slice3A_59 = vector.extract_strided_slice %mul3A_55 {offsets = [0, 128], sizes = [1024, 128], strides = [1, 1]} : vector<1024x512xf32> to vector<1024x128xf32>
    %swap3A_60 = arith.constant 0 : index
    %swap3A_61 = arith.constant 0 : index
    %swap3A_62 = vector.load %arg11[%swap3A_60, %swap3A_61] : memref<1024x128xf32, #tpu.memory_space<vmem>>, vector<1024x128xf32>
    tpu.vector_store %arg11[%swap3A_60, %swap3A_61], %slice3A_59 {strides = array<i32>} : memref<1024x128xf32, #tpu.memory_space<vmem>>, vector<1024x128xf32>,
    %slice3A_63 = vector.extract_strided_slice %mul3A_55 {offsets = [0, 256], sizes = [1024, 128], strides = [1, 1]} : vector<1024x512xf32> to vector<1024x128xf32>
    %swap3A_64 = arith.constant 0 : index
    %swap3A_65 = arith.constant 0 : index
    %swap3A_66 = vector.load %arg12[%swap3A_64, %swap3A_65] : memref<1024x128xf32, #tpu.memory_space<vmem>>, vector<1024x128xf32>
    tpu.vector_store %arg12[%swap3A_64, %swap3A_65], %slice3A_63 {strides = array<i32>} : memref<1024x128xf32, #tpu.memory_space<vmem>>, vector<1024x128xf32>,
    %slice3A_67 = vector.extract_strided_slice %mul3A_55 {offsets = [0, 384], sizes = [1024, 128], strides = [1, 1]} : vector<1024x512xf32> to vector<1024x128xf32>
    %swap3A_68 = arith.constant 0 : index
    %swap3A_69 = arith.constant 0 : index
    %swap3A_70 = vector.load %arg13[%swap3A_68, %swap3A_69] : memref<1024x128xf32, #tpu.memory_space<vmem>>, vector<1024x128xf32>
    tpu.vector_store %arg13[%swap3A_68, %swap3A_69], %slice3A_67 {strides = array<i32>} : memref<1024x128xf32, #tpu.memory_space<vmem>>, vector<1024x128xf32>,
    return
  }
  func.func @transform_0(%arg0: i32) -> (i32, i32) {
    %c0_i32 = arith.constant 0 : i32
    %c0_i32_0 = arith.constant 0 : i32
    return %arg0, %c0_i32 : i32, i32
  }
  func.func @transform_1(%arg0: i32) -> (i32, i32, i32) {
    %c0_i32 = arith.constant 0 : i32
    %c0_i32_0 = arith.constant 0 : i32
    %c0_i32_1 = arith.constant 0 : i32
    return %arg0, %c0_i32, %c0_i32_0 : i32, i32, i32
  }
  func.func @transform_2(%arg0: i32) -> (i32, i32, i32) {
    %c0_i32 = arith.constant 0 : i32
    %c0_i32_0 = arith.constant 0 : i32
    %c0_i32_1 = arith.constant 0 : i32
    return %c0_i32, %arg0, %c0_i32_0 : i32, i32, i32
  }
  func.func @transform_3(%arg0: i32) -> (i32, i32) {
    %c0_i32 = arith.constant 0 : i32
    %c0_i32_0 = arith.constant 0 : i32
    %c0_i32_1 = arith.constant 0 : i32
    return %c0_i32, %c0_i32_0 : i32, i32
  }
  func.func @transform_4(%arg0: i32) -> (i32, i32) {
    %c0_i32 = arith.constant 0 : i32
    %c0_i32_0 = arith.constant 0 : i32
    %c0_i32_1 = arith.constant 0 : i32
    return %c0_i32, %c0_i32_0 : i32, i32
  }
  func.func @transform_5(%arg0: i32) -> (i32, i32) {
    %c0_i32 = arith.constant 0 : i32
    %c0_i32_0 = arith.constant 0 : i32
    %c0_i32_1 = arith.constant 0 : i32
    return %c0_i32, %c0_i32_0 : i32, i32
  }
  func.func @transform_6(%arg0: i32) -> (i32, i32) {
    %c0_i32 = arith.constant 0 : i32
    %c0_i32_0 = arith.constant 0 : i32
    %c0_i32_1 = arith.constant 0 : i32
    return %c0_i32, %c0_i32_0 : i32, i32
  }
  func.func @transform_7(%arg0: i32) -> (i32, i32) {
    %c0_i32 = arith.constant 0 : i32
    %c0_i32_0 = arith.constant 0 : i32
    %c0_i32_1 = arith.constant 0 : i32
    return %c0_i32, %c0_i32_0 : i32, i32
  }
  func.func @transform_8(%arg0: i32) -> (i32, i32, i32) {
    %c0_i32 = arith.constant 0 : i32
    %c0_i32_0 = arith.constant 0 : i32
    %c0_i32_1 = arith.constant 0 : i32
    return %arg0, %c0_i32, %c0_i32_0 : i32, i32, i32
  }
  func.func @transform_9(%arg0: i32) -> (i32, i32) {
    %c0_i32 = arith.constant 0 : i32
    %c0_i32_0 = arith.constant 0 : i32
    return %arg0, %c0_i32 : i32, i32
  }
  func.func @transform_10(%arg0: i32) -> (i32, i32) {
    %c0_i32 = arith.constant 0 : i32
    %c0_i32_0 = arith.constant 0 : i32
    return %arg0, %c0_i32 : i32, i32
  }
  func.func @transform_11(%arg0: i32) -> (i32, i32) {
    %c0_i32 = arith.constant 0 : i32
    %c0_i32_0 = arith.constant 0 : i32
    return %arg0, %c0_i32 : i32, i32
  }
  func.func @transform_12(%arg0: i32) -> (i32, i32) {
    %c0_i32 = arith.constant 0 : i32
    %c0_i32_0 = arith.constant 0 : i32
    return %arg0, %c0_i32 : i32, i32
  }
}

module attributes {stable_mosaic.version = 14 : i64} {
  func.func @body(%arg0: i32, %arg1: memref<2x4x1024x128xf32, #tpu.memory_space<vmem>>, %arg2: memref<1024x128xf32, #tpu.memory_space<vmem>>, %arg3: memref<1024x128xf32, #tpu.memory_space<vmem>>, %arg4: memref<1024x128xf32, #tpu.memory_space<vmem>>, %arg5: memref<1024x128xf32, #tpu.memory_space<vmem>>, %arg6: memref<1x1x1024xf32, #tpu.memory_space<vmem>>, %arg7: memref<512x512xf32, #tpu.memory_space<vmem>>, %arg8: memref<1x512xf32, #tpu.memory_space<vmem>>, %arg9: memref<1024x512xf32, #tpu.memory_space<vmem>>, %arg10: memref<1024x128xf32, #tpu.memory_space<vmem>>, %arg11: memref<1024x128xf32, #tpu.memory_space<vmem>>, %arg12: memref<1024x128xf32, #tpu.memory_space<vmem>>, %arg13: memref<1024x128xf32, #tpu.memory_space<vmem>>) attributes {dimension_semantics = [#tpu.dimension_semantics<arbitrary>], iteration_bounds = array<i64: 10>, scalar_prefetch = 0 : i64, scratch_operands = 0 : i64, tpu.core_type = #tpu.core_type<tc>, window_params = [{transform_indices = @transform_0, window_bounds = array<i64: 2, 4, 1024, 128>}, {transform_indices = @transform_1, window_bounds = array<i64: 1024, 128>}, {transform_indices = @transform_2, window_bounds = array<i64: 1024, 128>}, {transform_indices = @transform_3, window_bounds = array<i64: 1024, 128>}, {transform_indices = @transform_4, window_bounds = array<i64: 1024, 128>}, {transform_indices = @transform_5, window_bounds = array<i64: 1, 1, 1024>}, {pipeline_mode = #tpu.pipeline_mode<synchronous>, transform_indices = @transform_6, window_bounds = array<i64: 512, 512>}, {pipeline_mode = #tpu.pipeline_mode<synchronous>, transform_indices = @transform_7, window_bounds = array<i64: 1, 512>}, {transform_indices = @transform_8, window_bounds = array<i64: 1024, 512>}, {transform_indices = @transform_9, window_bounds = array<i64: 1024, 128>}, {transform_indices = @transform_10, window_bounds = array<i64: 1024, 128>}, {transform_indices = @transform_11, window_bounds = array<i64: 1024, 128>}, {transform_indices = @transform_12, window_bounds = array<i64: 1024, 128>}]} {
    %get3A = arith.constant 0 : index
    %get3A_0 = arith.constant 0 : index
    %get3A_1 = arith.constant 0 : index
    %get3A_2 = arith.constant 0 : index
    %get3A_3 = vector.load %arg1[%get3A, %get3A_0, %get3A_1, %get3A_2] : memref<2x4x1024x128xf32, #tpu.memory_space<vmem>>, vector<1x4x1024x128xf32>
    %get3A_4 = vector.shape_cast %get3A_3 : vector<1x4x1024x128xf32> to vector<4x1024x128xf32>
    %get3A_5 = arith.constant 1 : index
    %get3A_6 = arith.constant 0 : index
    %get3A_7 = arith.constant 0 : index
    %get3A_8 = arith.constant 0 : index
    %get3A_9 = vector.load %arg1[%get3A_5, %get3A_6, %get3A_7, %get3A_8] : memref<2x4x1024x128xf32, #tpu.memory_space<vmem>>, vector<1x4x1024x128xf32>
    %get3A_10 = vector.shape_cast %get3A_9 : vector<1x4x1024x128xf32> to vector<4x1024x128xf32>
    %add3A = arith.addf %get3A_4, %get3A_10 : vector<4x1024x128xf32>
    %slice3A = vector.extract_strided_slice %add3A {offsets = [0, 0, 0], sizes = [1, 1024, 128], strides = [1, 1, 1]} : vector<4x1024x128xf32> to vector<1x1024x128xf32>
    %squeeze3A = vector.shape_cast %slice3A : vector<1x1024x128xf32> to vector<1024x128xf32>
    %slice3A_11 = vector.extract_strided_slice %add3A {offsets = [1, 0, 0], sizes = [1, 1024, 128], strides = [1, 1, 1]} : vector<4x1024x128xf32> to vector<1x1024x128xf32>
    %squeeze3A_12 = vector.shape_cast %slice3A_11 : vector<1x1024x128xf32> to vector<1024x128xf32>
    %slice3A_13 = vector.extract_strided_slice %add3A {offsets = [2, 0, 0], sizes = [1, 1024, 128], strides = [1, 1, 1]} : vector<4x1024x128xf32> to vector<1x1024x128xf32>
    %squeeze3A_14 = vector.shape_cast %slice3A_13 : vector<1x1024x128xf32> to vector<1024x128xf32>
    %slice3A_15 = vector.extract_strided_slice %add3A {offsets = [3, 0, 0], sizes = [1, 1024, 128], strides = [1, 1, 1]} : vector<4x1024x128xf32> to vector<1x1024x128xf32>
    %squeeze3A_16 = vector.shape_cast %slice3A_15 : vector<1x1024x128xf32> to vector<1024x128xf32>
    %concatenate3A = tpu.concatenate %squeeze3A, %squeeze3A_12, %squeeze3A_14, %squeeze3A_16 in 1 : vector<1024x128xf32>, vector<1024x128xf32>, vector<1024x128xf32>, vector<1024x128xf32> -> vector<1024x512xf32>
    %get3A_17 = arith.constant 0 : index
    %get3A_18 = arith.constant 0 : index
    %get3A_19 = vector.load %arg2[%get3A_17, %get3A_18] : memref<1024x128xf32, #tpu.memory_space<vmem>>, vector<1024x128xf32>
    %get3A_20 = arith.constant 0 : index
    %get3A_21 = arith.constant 0 : index
    %get3A_22 = vector.load %arg3[%get3A_20, %get3A_21] : memref<1024x128xf32, #tpu.memory_space<vmem>>, vector<1024x128xf32>
    %get3A_23 = arith.constant 0 : index
    %get3A_24 = arith.constant 0 : index
    %get3A_25 = vector.load %arg4[%get3A_23, %get3A_24] : memref<1024x128xf32, #tpu.memory_space<vmem>>, vector<1024x128xf32>
    %get3A_26 = arith.constant 0 : index
    %get3A_27 = arith.constant 0 : index
    %get3A_28 = vector.load %arg5[%get3A_26, %get3A_27] : memref<1024x128xf32, #tpu.memory_space<vmem>>, vector<1024x128xf32>
    %concatenate3A_29 = tpu.concatenate %get3A_19, %get3A_22, %get3A_25, %get3A_28 in 1 : vector<1024x128xf32>, vector<1024x128xf32>, vector<1024x128xf32>, vector<1024x128xf32> -> vector<1024x512xf32>
    %get3A_30 = arith.constant 0 : index
    %get3A_31 = arith.constant 0 : index
    %get3A_32 = arith.constant 0 : index
    %get3A_33 = vector.load %arg6[%get3A_30, %get3A_31, %get3A_32] : memref<1x1x1024xf32, #tpu.memory_space<vmem>>, vector<1x1x1024xf32>
    %get3A_34 = vector.shape_cast %get3A_33 : vector<1x1x1024xf32> to vector<1024xf32>
    %broadcast_in_dim3A = vector.shape_cast %get3A_34 : vector<1024xf32> to vector<1024x1xf32>
    %add3A_35 = arith.addf %concatenate3A, %concatenate3A_29 : vector<1024x512xf32>
    %mul3A = vector.broadcast %broadcast_in_dim3A : vector<1024x1xf32> to vector<1024x512xf32>
    %mul3A_36 = arith.mulf %mul3A, %add3A_35 : vector<1024x512xf32>
    %get3A_37 = arith.constant 0 : index
    %get3A_38 = arith.constant 0 : index
    %get3A_39 = vector.load %arg8[%get3A_37, %get3A_38] : memref<1x512xf32, #tpu.memory_space<vmem>>, vector<1x512xf32>
    %add3A_40 = vector.broadcast %get3A_39 : vector<1x512xf32> to vector<1024x512xf32>
    %add3A_41 = arith.addf %mul3A_36, %add3A_40 : vector<1024x512xf32>
    %max3A = arith.constant 0.000000e+00 : f32
    %max3A_42 = vector.broadcast %max3A : f32 to vector<1024x512xf32>
    %max3A_43 = arith.maximumf %add3A_41, %max3A_42 : vector<1024x512xf32>
    %swap3A = arith.constant 0 : index
    %swap3A_44 = arith.constant 0 : index
    %swap3A_45 = vector.load %arg9[%swap3A, %swap3A_44] : memref<1024x512xf32, #tpu.memory_space<vmem>>, vector<1024x512xf32>
    tpu.vector_store %arg9[%swap3A, %swap3A_44], %max3A_43 {strides = array<i32>} : memref<1024x512xf32, #tpu.memory_space<vmem>>, vector<1024x512xf32>,
    %get3A_46 = arith.constant 0 : index
    %get3A_47 = arith.constant 0 : index
    %get3A_48 = vector.load %arg7[%get3A_46, %get3A_47] : memref<512x512xf32, #tpu.memory_space<vmem>>, vector<512x512xf32>
    %dot_general3A = arith.constant dense<0.000000e+00> : vector<1024x512xf32>
    %dot_general3A_49 = tpu.matmul %max3A_43, %get3A_48, %dot_general3A {dimension_numbers = #tpu.dot_dimension_numbers<[1], [0], [0], [1], [0, 0, 1, 1], [], []>, transpose_lhs_hint = false} : vector<1024x512xf32>, vector<512x512xf32>, vector<1024x512xf32> -> vector<1024x512xf32>
    %mul3A_50 = vector.broadcast %broadcast_in_dim3A : vector<1024x1xf32> to vector<1024x512xf32>
    %mul3A_51 = arith.mulf %dot_general3A_49, %mul3A_50 : vector<1024x512xf32>
    %slice3A_52 = vector.extract_strided_slice %mul3A_51 {offsets = [0, 0], sizes = [1024, 128], strides = [1, 1]} : vector<1024x512xf32> to vector<1024x128xf32>
    %swap3A_53 = arith.constant 0 : index
    %swap3A_54 = arith.constant 0 : index
    %swap3A_55 = vector.load %arg10[%swap3A_53, %swap3A_54] : memref<1024x128xf32, #tpu.memory_space<vmem>>, vector<1024x128xf32>
    tpu.vector_store %arg10[%swap3A_53, %swap3A_54], %slice3A_52 {strides = array<i32>} : memref<1024x128xf32, #tpu.memory_space<vmem>>, vector<1024x128xf32>,
    %slice3A_56 = vector.extract_strided_slice %mul3A_51 {offsets = [0, 128], sizes = [1024, 128], strides = [1, 1]} : vector<1024x512xf32> to vector<1024x128xf32>
    %swap3A_57 = arith.constant 0 : index
    %swap3A_58 = arith.constant 0 : index
    %swap3A_59 = vector.load %arg11[%swap3A_57, %swap3A_58] : memref<1024x128xf32, #tpu.memory_space<vmem>>, vector<1024x128xf32>
    tpu.vector_store %arg11[%swap3A_57, %swap3A_58], %slice3A_56 {strides = array<i32>} : memref<1024x128xf32, #tpu.memory_space<vmem>>, vector<1024x128xf32>,
    %slice3A_60 = vector.extract_strided_slice %mul3A_51 {offsets = [0, 256], sizes = [1024, 128], strides = [1, 1]} : vector<1024x512xf32> to vector<1024x128xf32>
    %swap3A_61 = arith.constant 0 : index
    %swap3A_62 = arith.constant 0 : index
    %swap3A_63 = vector.load %arg12[%swap3A_61, %swap3A_62] : memref<1024x128xf32, #tpu.memory_space<vmem>>, vector<1024x128xf32>
    tpu.vector_store %arg12[%swap3A_61, %swap3A_62], %slice3A_60 {strides = array<i32>} : memref<1024x128xf32, #tpu.memory_space<vmem>>, vector<1024x128xf32>,
    %slice3A_64 = vector.extract_strided_slice %mul3A_51 {offsets = [0, 384], sizes = [1024, 128], strides = [1, 1]} : vector<1024x512xf32> to vector<1024x128xf32>
    %swap3A_65 = arith.constant 0 : index
    %swap3A_66 = arith.constant 0 : index
    %swap3A_67 = vector.load %arg13[%swap3A_65, %swap3A_66] : memref<1024x128xf32, #tpu.memory_space<vmem>>, vector<1024x128xf32>
    tpu.vector_store %arg13[%swap3A_65, %swap3A_66], %slice3A_64 {strides = array<i32>} : memref<1024x128xf32, #tpu.memory_space<vmem>>, vector<1024x128xf32>,
    return
  }
  func.func @transform_0(%arg0: i32) -> (i32, i32, i32, i32) {
    %c0_i32 = arith.constant 0 : i32
    %c0_i32_0 = arith.constant 0 : i32
    %c0_i32_1 = arith.constant 0 : i32
    %c0_i32_2 = arith.constant 0 : i32
    return %c0_i32, %c0_i32_0, %arg0, %c0_i32_1 : i32, i32, i32, i32
  }
  func.func @transform_1(%arg0: i32) -> (i32, i32) {
    %c0_i32 = arith.constant 0 : i32
    %c0_i32_0 = arith.constant 0 : i32
    return %arg0, %c0_i32 : i32, i32
  }
  func.func @transform_2(%arg0: i32) -> (i32, i32) {
    %c0_i32 = arith.constant 0 : i32
    %c0_i32_0 = arith.constant 0 : i32
    return %arg0, %c0_i32 : i32, i32
  }
  func.func @transform_3(%arg0: i32) -> (i32, i32) {
    %c0_i32 = arith.constant 0 : i32
    %c0_i32_0 = arith.constant 0 : i32
    return %arg0, %c0_i32 : i32, i32
  }
  func.func @transform_4(%arg0: i32) -> (i32, i32) {
    %c0_i32 = arith.constant 0 : i32
    %c0_i32_0 = arith.constant 0 : i32
    return %arg0, %c0_i32 : i32, i32
  }
  func.func @transform_5(%arg0: i32) -> (i32, i32, i32) {
    %c0_i32 = arith.constant 0 : i32
    %c0_i32_0 = arith.constant 0 : i32
    %c0_i32_1 = arith.constant 0 : i32
    return %arg0, %c0_i32, %c0_i32_0 : i32, i32, i32
  }
  func.func @transform_6(%arg0: i32) -> (i32, i32) {
    %c0_i32 = arith.constant 0 : i32
    %c0_i32_0 = arith.constant 0 : i32
    %c0_i32_1 = arith.constant 0 : i32
    return %c0_i32, %c0_i32_0 : i32, i32
  }
  func.func @transform_7(%arg0: i32) -> (i32, i32) {
    %c0_i32 = arith.constant 0 : i32
    %c0_i32_0 = arith.constant 0 : i32
    %c0_i32_1 = arith.constant 0 : i32
    return %c0_i32, %c0_i32_0 : i32, i32
  }
  func.func @transform_8(%arg0: i32) -> (i32, i32) {
    %c0_i32 = arith.constant 0 : i32
    %c0_i32_0 = arith.constant 0 : i32
    return %arg0, %c0_i32 : i32, i32
  }
  func.func @transform_9(%arg0: i32) -> (i32, i32) {
    %c0_i32 = arith.constant 0 : i32
    %c0_i32_0 = arith.constant 0 : i32
    return %arg0, %c0_i32 : i32, i32
  }
  func.func @transform_10(%arg0: i32) -> (i32, i32) {
    %c0_i32 = arith.constant 0 : i32
    %c0_i32_0 = arith.constant 0 : i32
    return %arg0, %c0_i32 : i32, i32
  }
  func.func @transform_11(%arg0: i32) -> (i32, i32) {
    %c0_i32 = arith.constant 0 : i32
    %c0_i32_0 = arith.constant 0 : i32
    return %arg0, %c0_i32 : i32, i32
  }
  func.func @transform_12(%arg0: i32) -> (i32, i32) {
    %c0_i32 = arith.constant 0 : i32
    %c0_i32_0 = arith.constant 0 : i32
    return %arg0, %c0_i32 : i32, i32
  }
}

module attributes {stable_mosaic.version = 14 : i64} {
  func.func @_comb_body(%arg0: i32, %arg1: memref<2x4x1024x128xf32, #tpu.memory_space<vmem>>, %arg2: memref<1024x128xf32, #tpu.memory_space<vmem>>, %arg3: memref<1024x128xf32, #tpu.memory_space<vmem>>, %arg4: memref<1024x128xf32, #tpu.memory_space<vmem>>, %arg5: memref<1024x128xf32, #tpu.memory_space<vmem>>, %arg6: memref<1x1x1024xf32, #tpu.memory_space<vmem>>, %arg7: memref<1024x512xf32, #tpu.memory_space<vmem>>, %arg8: memref<512x512xf32, #tpu.memory_space<vmem>>, %arg9: memref<1x512xf32, #tpu.memory_space<vmem>>, %arg10: memref<1024x512xf32, #tpu.memory_space<vmem>>, %arg11: memref<1024x128xf32, #tpu.memory_space<vmem>>, %arg12: memref<1024x128xf32, #tpu.memory_space<vmem>>, %arg13: memref<1024x128xf32, #tpu.memory_space<vmem>>, %arg14: memref<1024x128xf32, #tpu.memory_space<vmem>>) attributes {dimension_semantics = [#tpu.dimension_semantics<arbitrary>], iteration_bounds = array<i64: 10>, scalar_prefetch = 0 : i64, scratch_operands = 0 : i64, tpu.core_type = #tpu.core_type<tc>, window_params = [{transform_indices = @transform_0, window_bounds = array<i64: 2, 4, 1024, 128>}, {transform_indices = @transform_1, window_bounds = array<i64: 1024, 128>}, {transform_indices = @transform_2, window_bounds = array<i64: 1024, 128>}, {transform_indices = @transform_3, window_bounds = array<i64: 1024, 128>}, {transform_indices = @transform_4, window_bounds = array<i64: 1024, 128>}, {transform_indices = @transform_5, window_bounds = array<i64: 1, 1, 1024>}, {transform_indices = @transform_6, window_bounds = array<i64: 1024, 512>}, {pipeline_mode = #tpu.pipeline_mode<synchronous>, transform_indices = @transform_7, window_bounds = array<i64: 512, 512>}, {pipeline_mode = #tpu.pipeline_mode<synchronous>, transform_indices = @transform_8, window_bounds = array<i64: 1, 512>}, {transform_indices = @transform_9, window_bounds = array<i64: 1024, 512>}, {transform_indices = @transform_10, window_bounds = array<i64: 1024, 128>}, {transform_indices = @transform_11, window_bounds = array<i64: 1024, 128>}, {transform_indices = @transform_12, window_bounds = array<i64: 1024, 128>}, {transform_indices = @transform_13, window_bounds = array<i64: 1024, 128>}]} {
    %get3A = arith.constant 0 : index
    %get3A_0 = arith.constant 0 : index
    %get3A_1 = arith.constant 0 : index
    %get3A_2 = arith.constant 0 : index
    %get3A_3 = vector.load %arg1[%get3A, %get3A_0, %get3A_1, %get3A_2] : memref<2x4x1024x128xf32, #tpu.memory_space<vmem>>, vector<1x4x1024x128xf32>
    %get3A_4 = vector.shape_cast %get3A_3 : vector<1x4x1024x128xf32> to vector<4x1024x128xf32>
    %get3A_5 = arith.constant 1 : index
    %get3A_6 = arith.constant 0 : index
    %get3A_7 = arith.constant 0 : index
    %get3A_8 = arith.constant 0 : index
    %get3A_9 = vector.load %arg1[%get3A_5, %get3A_6, %get3A_7, %get3A_8] : memref<2x4x1024x128xf32, #tpu.memory_space<vmem>>, vector<1x4x1024x128xf32>
    %get3A_10 = vector.shape_cast %get3A_9 : vector<1x4x1024x128xf32> to vector<4x1024x128xf32>
    %add3A = arith.addf %get3A_4, %get3A_10 : vector<4x1024x128xf32>
    %slice3A = vector.extract_strided_slice %add3A {offsets = [0, 0, 0], sizes = [1, 1024, 128], strides = [1, 1, 1]} : vector<4x1024x128xf32> to vector<1x1024x128xf32>
    %squeeze3A = vector.shape_cast %slice3A : vector<1x1024x128xf32> to vector<1024x128xf32>
    %slice3A_11 = vector.extract_strided_slice %add3A {offsets = [1, 0, 0], sizes = [1, 1024, 128], strides = [1, 1, 1]} : vector<4x1024x128xf32> to vector<1x1024x128xf32>
    %squeeze3A_12 = vector.shape_cast %slice3A_11 : vector<1x1024x128xf32> to vector<1024x128xf32>
    %slice3A_13 = vector.extract_strided_slice %add3A {offsets = [2, 0, 0], sizes = [1, 1024, 128], strides = [1, 1, 1]} : vector<4x1024x128xf32> to vector<1x1024x128xf32>
    %squeeze3A_14 = vector.shape_cast %slice3A_13 : vector<1x1024x128xf32> to vector<1024x128xf32>
    %slice3A_15 = vector.extract_strided_slice %add3A {offsets = [3, 0, 0], sizes = [1, 1024, 128], strides = [1, 1, 1]} : vector<4x1024x128xf32> to vector<1x1024x128xf32>
    %squeeze3A_16 = vector.shape_cast %slice3A_15 : vector<1x1024x128xf32> to vector<1024x128xf32>
    %concatenate3A = tpu.concatenate %squeeze3A, %squeeze3A_12, %squeeze3A_14, %squeeze3A_16 in 1 : vector<1024x128xf32>, vector<1024x128xf32>, vector<1024x128xf32>, vector<1024x128xf32> -> vector<1024x512xf32>
    %get3A_17 = arith.constant 0 : index
    %get3A_18 = arith.constant 0 : index
    %get3A_19 = vector.load %arg2[%get3A_17, %get3A_18] : memref<1024x128xf32, #tpu.memory_space<vmem>>, vector<1024x128xf32>
    %get3A_20 = arith.constant 0 : index
    %get3A_21 = arith.constant 0 : index
    %get3A_22 = vector.load %arg3[%get3A_20, %get3A_21] : memref<1024x128xf32, #tpu.memory_space<vmem>>, vector<1024x128xf32>
    %get3A_23 = arith.constant 0 : index
    %get3A_24 = arith.constant 0 : index
    %get3A_25 = vector.load %arg4[%get3A_23, %get3A_24] : memref<1024x128xf32, #tpu.memory_space<vmem>>, vector<1024x128xf32>
    %get3A_26 = arith.constant 0 : index
    %get3A_27 = arith.constant 0 : index
    %get3A_28 = vector.load %arg5[%get3A_26, %get3A_27] : memref<1024x128xf32, #tpu.memory_space<vmem>>, vector<1024x128xf32>
    %concatenate3A_29 = tpu.concatenate %get3A_19, %get3A_22, %get3A_25, %get3A_28 in 1 : vector<1024x128xf32>, vector<1024x128xf32>, vector<1024x128xf32>, vector<1024x128xf32> -> vector<1024x512xf32>
    %get3A_30 = arith.constant 0 : index
    %get3A_31 = arith.constant 0 : index
    %get3A_32 = arith.constant 0 : index
    %get3A_33 = vector.load %arg6[%get3A_30, %get3A_31, %get3A_32] : memref<1x1x1024xf32, #tpu.memory_space<vmem>>, vector<1x1x1024xf32>
    %get3A_34 = vector.shape_cast %get3A_33 : vector<1x1x1024xf32> to vector<1024xf32>
    %broadcast_in_dim3A = vector.shape_cast %get3A_34 : vector<1024xf32> to vector<1024x1xf32>
    %add3A_35 = arith.addf %concatenate3A, %concatenate3A_29 : vector<1024x512xf32>
    %mul3A = vector.broadcast %broadcast_in_dim3A : vector<1024x1xf32> to vector<1024x512xf32>
    %mul3A_36 = arith.mulf %mul3A, %add3A_35 : vector<1024x512xf32>
    %get3A_37 = arith.constant 0 : index
    %get3A_38 = arith.constant 0 : index
    %get3A_39 = vector.load %arg9[%get3A_37, %get3A_38] : memref<1x512xf32, #tpu.memory_space<vmem>>, vector<1x512xf32>
    %add3A_40 = vector.broadcast %get3A_39 : vector<1x512xf32> to vector<1024x512xf32>
    %add3A_41 = arith.addf %mul3A_36, %add3A_40 : vector<1024x512xf32>
    %max3A = arith.constant 0.000000e+00 : f32
    %max3A_42 = vector.broadcast %max3A : f32 to vector<1024x512xf32>
    %max3A_43 = arith.maximumf %add3A_41, %max3A_42 : vector<1024x512xf32>
    %get3A_44 = arith.constant 0 : index
    %get3A_45 = arith.constant 0 : index
    %get3A_46 = vector.load %arg7[%get3A_44, %get3A_45] : memref<1024x512xf32, #tpu.memory_space<vmem>>, vector<1024x512xf32>
    %add3A_47 = arith.addf %get3A_46, %max3A_43 : vector<1024x512xf32>
    %swap3A = arith.constant 0 : index
    %swap3A_48 = arith.constant 0 : index
    %swap3A_49 = vector.load %arg10[%swap3A, %swap3A_48] : memref<1024x512xf32, #tpu.memory_space<vmem>>, vector<1024x512xf32>
    tpu.vector_store %arg10[%swap3A, %swap3A_48], %add3A_47 {strides = array<i32>} : memref<1024x512xf32, #tpu.memory_space<vmem>>, vector<1024x512xf32>,
    %get3A_50 = arith.constant 0 : index
    %get3A_51 = arith.constant 0 : index
    %get3A_52 = vector.load %arg8[%get3A_50, %get3A_51] : memref<512x512xf32, #tpu.memory_space<vmem>>, vector<512x512xf32>
    %dot_general3A = arith.constant dense<0.000000e+00> : vector<1024x512xf32>
    %dot_general3A_53 = tpu.matmul %add3A_47, %get3A_52, %dot_general3A {dimension_numbers = #tpu.dot_dimension_numbers<[1], [0], [0], [1], [0, 0, 1, 1], [], []>, transpose_lhs_hint = false} : vector<1024x512xf32>, vector<512x512xf32>, vector<1024x512xf32> -> vector<1024x512xf32>
    %mul3A_54 = vector.broadcast %broadcast_in_dim3A : vector<1024x1xf32> to vector<1024x512xf32>
    %mul3A_55 = arith.mulf %dot_general3A_53, %mul3A_54 : vector<1024x512xf32>
    %slice3A_56 = vector.extract_strided_slice %mul3A_55 {offsets = [0, 0], sizes = [1024, 128], strides = [1, 1]} : vector<1024x512xf32> to vector<1024x128xf32>
    %swap3A_57 = arith.constant 0 : index
    %swap3A_58 = arith.constant 0 : index
    %swap3A_59 = vector.load %arg11[%swap3A_57, %swap3A_58] : memref<1024x128xf32, #tpu.memory_space<vmem>>, vector<1024x128xf32>
    tpu.vector_store %arg11[%swap3A_57, %swap3A_58], %slice3A_56 {strides = array<i32>} : memref<1024x128xf32, #tpu.memory_space<vmem>>, vector<1024x128xf32>,
    %slice3A_60 = vector.extract_strided_slice %mul3A_55 {offsets = [0, 128], sizes = [1024, 128], strides = [1, 1]} : vector<1024x512xf32> to vector<1024x128xf32>
    %swap3A_61 = arith.constant 0 : index
    %swap3A_62 = arith.constant 0 : index
    %swap3A_63 = vector.load %arg12[%swap3A_61, %swap3A_62] : memref<1024x128xf32, #tpu.memory_space<vmem>>, vector<1024x128xf32>
    tpu.vector_store %arg12[%swap3A_61, %swap3A_62], %slice3A_60 {strides = array<i32>} : memref<1024x128xf32, #tpu.memory_space<vmem>>, vector<1024x128xf32>,
    %slice3A_64 = vector.extract_strided_slice %mul3A_55 {offsets = [0, 256], sizes = [1024, 128], strides = [1, 1]} : vector<1024x512xf32> to vector<1024x128xf32>
    %swap3A_65 = arith.constant 0 : index
    %swap3A_66 = arith.constant 0 : index
    %swap3A_67 = vector.load %arg13[%swap3A_65, %swap3A_66] : memref<1024x128xf32, #tpu.memory_space<vmem>>, vector<1024x128xf32>
    tpu.vector_store %arg13[%swap3A_65, %swap3A_66], %slice3A_64 {strides = array<i32>} : memref<1024x128xf32, #tpu.memory_space<vmem>>, vector<1024x128xf32>,
    %slice3A_68 = vector.extract_strided_slice %mul3A_55 {offsets = [0, 384], sizes = [1024, 128], strides = [1, 1]} : vector<1024x512xf32> to vector<1024x128xf32>
    %swap3A_69 = arith.constant 0 : index
    %swap3A_70 = arith.constant 0 : index
    %swap3A_71 = vector.load %arg14[%swap3A_69, %swap3A_70] : memref<1024x128xf32, #tpu.memory_space<vmem>>, vector<1024x128xf32>
    tpu.vector_store %arg14[%swap3A_69, %swap3A_70], %slice3A_68 {strides = array<i32>} : memref<1024x128xf32, #tpu.memory_space<vmem>>, vector<1024x128xf32>,
    return
  }
  func.func @transform_0(%arg0: i32) -> (i32, i32, i32, i32) {
    %c0_i32 = arith.constant 0 : i32
    %c0_i32_0 = arith.constant 0 : i32
    %c0_i32_1 = arith.constant 0 : i32
    %c0_i32_2 = arith.constant 0 : i32
    return %c0_i32, %c0_i32_0, %arg0, %c0_i32_1 : i32, i32, i32, i32
  }
  func.func @transform_1(%arg0: i32) -> (i32, i32) {
    %c0_i32 = arith.constant 0 : i32
    %c0_i32_0 = arith.constant 0 : i32
    return %arg0, %c0_i32 : i32, i32
  }
  func.func @transform_2(%arg0: i32) -> (i32, i32) {
    %c0_i32 = arith.constant 0 : i32
    %c0_i32_0 = arith.constant 0 : i32
    return %arg0, %c0_i32 : i32, i32
  }
  func.func @transform_3(%arg0: i32) -> (i32, i32) {
    %c0_i32 = arith.constant 0 : i32
    %c0_i32_0 = arith.constant 0 : i32
    return %arg0, %c0_i32 : i32, i32
  }
  func.func @transform_4(%arg0: i32) -> (i32, i32) {
    %c0_i32 = arith.constant 0 : i32
    %c0_i32_0 = arith.constant 0 : i32
    return %arg0, %c0_i32 : i32, i32
  }
  func.func @transform_5(%arg0: i32) -> (i32, i32, i32) {
    %c0_i32 = arith.constant 0 : i32
    %c0_i32_0 = arith.constant 0 : i32
    %c0_i32_1 = arith.constant 0 : i32
    return %arg0, %c0_i32, %c0_i32_0 : i32, i32, i32
  }
  func.func @transform_6(%arg0: i32) -> (i32, i32) {
    %c0_i32 = arith.constant 0 : i32
    %c0_i32_0 = arith.constant 0 : i32
    return %arg0, %c0_i32 : i32, i32
  }
  func.func @transform_7(%arg0: i32) -> (i32, i32) {
    %c0_i32 = arith.constant 0 : i32
    %c0_i32_0 = arith.constant 0 : i32
    %c0_i32_1 = arith.constant 0 : i32
    return %c0_i32, %c0_i32_0 : i32, i32
  }
  func.func @transform_8(%arg0: i32) -> (i32, i32) {
    %c0_i32 = arith.constant 0 : i32
    %c0_i32_0 = arith.constant 0 : i32
    %c0_i32_1 = arith.constant 0 : i32
    return %c0_i32, %c0_i32_0 : i32, i32
  }
  func.func @transform_9(%arg0: i32) -> (i32, i32) {
    %c0_i32 = arith.constant 0 : i32
    %c0_i32_0 = arith.constant 0 : i32
    return %arg0, %c0_i32 : i32, i32
  }
  func.func @transform_10(%arg0: i32) -> (i32, i32) {
    %c0_i32 = arith.constant 0 : i32
    %c0_i32_0 = arith.constant 0 : i32
    return %arg0, %c0_i32 : i32, i32
  }
  func.func @transform_11(%arg0: i32) -> (i32, i32) {
    %c0_i32 = arith.constant 0 : i32
    %c0_i32_0 = arith.constant 0 : i32
    return %arg0, %c0_i32 : i32, i32
  }
  func.func @transform_12(%arg0: i32) -> (i32, i32) {
    %c0_i32 = arith.constant 0 : i32
    %c0_i32_0 = arith.constant 0 : i32
    return %arg0, %c0_i32 : i32, i32
  }
  func.func @transform_13(%arg0: i32) -> (i32, i32) {
    %c0_i32 = arith.constant 0 : i32
    %c0_i32_0 = arith.constant 0 : i32
    return %arg0, %c0_i32 : i32, i32
  }
}

module attributes {stable_mosaic.version = 14 : i64} {
  func.func @_comb2_body(%arg0: i32, %arg1: memref<2x4x1024x128xf32, #tpu.memory_space<vmem>>, %arg2: memref<1024x128xf32, #tpu.memory_space<vmem>>, %arg3: memref<1024x128xf32, #tpu.memory_space<vmem>>, %arg4: memref<1024x128xf32, #tpu.memory_space<vmem>>, %arg5: memref<1024x128xf32, #tpu.memory_space<vmem>>, %arg6: memref<1x1x1024xf32, #tpu.memory_space<vmem>>, %arg7: memref<1024x512xf32, #tpu.memory_space<vmem>>, %arg8: memref<1024x16xf32, #tpu.memory_space<vmem>>, %arg9: memref<1x512xf32, #tpu.memory_space<vmem>>, %arg10: memref<16x512xf32, #tpu.memory_space<vmem>>) attributes {dimension_semantics = [#tpu.dimension_semantics<arbitrary>], iteration_bounds = array<i64: 10>, scalar_prefetch = 0 : i64, scratch_operands = 0 : i64, tpu.core_type = #tpu.core_type<tc>, window_params = [{transform_indices = @transform_0, window_bounds = array<i64: 2, 4, 1024, 128>}, {transform_indices = @transform_1, window_bounds = array<i64: 1024, 128>}, {transform_indices = @transform_2, window_bounds = array<i64: 1024, 128>}, {transform_indices = @transform_3, window_bounds = array<i64: 1024, 128>}, {transform_indices = @transform_4, window_bounds = array<i64: 1024, 128>}, {transform_indices = @transform_5, window_bounds = array<i64: 1, 1, 1024>}, {transform_indices = @transform_6, window_bounds = array<i64: 1024, 512>}, {transform_indices = @transform_7, window_bounds = array<i64: 1024, 16>}, {pipeline_mode = #tpu.pipeline_mode<synchronous>, transform_indices = @transform_8, window_bounds = array<i64: 1, 512>}, {pipeline_mode = #tpu.pipeline_mode<synchronous>, transform_indices = @transform_9, window_bounds = array<i64: 16, 512>}]} {
    %get3A = arith.constant 0 : index
    %get3A_0 = arith.constant 0 : index
    %get3A_1 = arith.constant 0 : index
    %get3A_2 = arith.constant 0 : index
    %get3A_3 = vector.load %arg1[%get3A, %get3A_0, %get3A_1, %get3A_2] : memref<2x4x1024x128xf32, #tpu.memory_space<vmem>>, vector<1x4x1024x128xf32>
    %get3A_4 = vector.shape_cast %get3A_3 : vector<1x4x1024x128xf32> to vector<4x1024x128xf32>
    %get3A_5 = arith.constant 1 : index
    %get3A_6 = arith.constant 0 : index
    %get3A_7 = arith.constant 0 : index
    %get3A_8 = arith.constant 0 : index
    %get3A_9 = vector.load %arg1[%get3A_5, %get3A_6, %get3A_7, %get3A_8] : memref<2x4x1024x128xf32, #tpu.memory_space<vmem>>, vector<1x4x1024x128xf32>
    %get3A_10 = vector.shape_cast %get3A_9 : vector<1x4x1024x128xf32> to vector<4x1024x128xf32>
    %add3A = arith.addf %get3A_4, %get3A_10 : vector<4x1024x128xf32>
    %slice3A = vector.extract_strided_slice %add3A {offsets = [0, 0, 0], sizes = [1, 1024, 128], strides = [1, 1, 1]} : vector<4x1024x128xf32> to vector<1x1024x128xf32>
    %squeeze3A = vector.shape_cast %slice3A : vector<1x1024x128xf32> to vector<1024x128xf32>
    %slice3A_11 = vector.extract_strided_slice %add3A {offsets = [1, 0, 0], sizes = [1, 1024, 128], strides = [1, 1, 1]} : vector<4x1024x128xf32> to vector<1x1024x128xf32>
    %squeeze3A_12 = vector.shape_cast %slice3A_11 : vector<1x1024x128xf32> to vector<1024x128xf32>
    %slice3A_13 = vector.extract_strided_slice %add3A {offsets = [2, 0, 0], sizes = [1, 1024, 128], strides = [1, 1, 1]} : vector<4x1024x128xf32> to vector<1x1024x128xf32>
    %squeeze3A_14 = vector.shape_cast %slice3A_13 : vector<1x1024x128xf32> to vector<1024x128xf32>
    %slice3A_15 = vector.extract_strided_slice %add3A {offsets = [3, 0, 0], sizes = [1, 1024, 128], strides = [1, 1, 1]} : vector<4x1024x128xf32> to vector<1x1024x128xf32>
    %squeeze3A_16 = vector.shape_cast %slice3A_15 : vector<1x1024x128xf32> to vector<1024x128xf32>
    %concatenate3A = tpu.concatenate %squeeze3A, %squeeze3A_12, %squeeze3A_14, %squeeze3A_16 in 1 : vector<1024x128xf32>, vector<1024x128xf32>, vector<1024x128xf32>, vector<1024x128xf32> -> vector<1024x512xf32>
    %get3A_17 = arith.constant 0 : index
    %get3A_18 = arith.constant 0 : index
    %get3A_19 = vector.load %arg2[%get3A_17, %get3A_18] : memref<1024x128xf32, #tpu.memory_space<vmem>>, vector<1024x128xf32>
    %get3A_20 = arith.constant 0 : index
    %get3A_21 = arith.constant 0 : index
    %get3A_22 = vector.load %arg3[%get3A_20, %get3A_21] : memref<1024x128xf32, #tpu.memory_space<vmem>>, vector<1024x128xf32>
    %get3A_23 = arith.constant 0 : index
    %get3A_24 = arith.constant 0 : index
    %get3A_25 = vector.load %arg4[%get3A_23, %get3A_24] : memref<1024x128xf32, #tpu.memory_space<vmem>>, vector<1024x128xf32>
    %get3A_26 = arith.constant 0 : index
    %get3A_27 = arith.constant 0 : index
    %get3A_28 = vector.load %arg5[%get3A_26, %get3A_27] : memref<1024x128xf32, #tpu.memory_space<vmem>>, vector<1024x128xf32>
    %concatenate3A_29 = tpu.concatenate %get3A_19, %get3A_22, %get3A_25, %get3A_28 in 1 : vector<1024x128xf32>, vector<1024x128xf32>, vector<1024x128xf32>, vector<1024x128xf32> -> vector<1024x512xf32>
    %get3A_30 = arith.constant 0 : index
    %get3A_31 = arith.constant 0 : index
    %get3A_32 = arith.constant 0 : index
    %get3A_33 = vector.load %arg6[%get3A_30, %get3A_31, %get3A_32] : memref<1x1x1024xf32, #tpu.memory_space<vmem>>, vector<1x1x1024xf32>
    %get3A_34 = vector.shape_cast %get3A_33 : vector<1x1x1024xf32> to vector<1024xf32>
    %broadcast_in_dim3A = vector.shape_cast %get3A_34 : vector<1024xf32> to vector<1024x1xf32>
    %add3A_35 = arith.addf %concatenate3A, %concatenate3A_29 : vector<1024x512xf32>
    %mul3A = vector.broadcast %broadcast_in_dim3A : vector<1024x1xf32> to vector<1024x512xf32>
    %mul3A_36 = arith.mulf %mul3A, %add3A_35 : vector<1024x512xf32>
    %get3A_37 = arith.constant 0 : index
    %get3A_38 = arith.constant 0 : index
    %get3A_39 = vector.load %arg9[%get3A_37, %get3A_38] : memref<1x512xf32, #tpu.memory_space<vmem>>, vector<1x512xf32>
    %add3A_40 = vector.broadcast %get3A_39 : vector<1x512xf32> to vector<1024x512xf32>
    %add3A_41 = arith.addf %mul3A_36, %add3A_40 : vector<1024x512xf32>
    %get3A_42 = arith.constant 0 : index
    %get3A_43 = arith.constant 0 : index
    %get3A_44 = vector.load %arg7[%get3A_42, %get3A_43] : memref<1024x512xf32, #tpu.memory_space<vmem>>, vector<1024x512xf32>
    %max3A = arith.constant 0.000000e+00 : f32
    %max3A_45 = vector.broadcast %max3A : f32 to vector<1024x512xf32>
    %max3A_46 = arith.maximumf %add3A_41, %max3A_45 : vector<1024x512xf32>
    %add3A_47 = arith.addf %get3A_44, %max3A_46 : vector<1024x512xf32>
    %eq3A = arith.constant 0 : i32
    %eq3A_48 = arith.cmpi eq, %arg0, %eq3A : i32
    %convert_element_type3A = arith.extui %eq3A_48 : i1 to i32
    %cond3A = arith.constant 0 : i32
    %cond3A_49 = arith.cmpi ne, %convert_element_type3A, %cond3A : i32
    scf.if %cond3A_49 {
      %broadcast_in_dim3A_413 = arith.constant 0xFF800000 : f32
      %broadcast_in_dim3A_414 = vector.broadcast %broadcast_in_dim3A_413 : f32 to vector<16x512xf32>
      %swap3A_415 = arith.constant 0 : index
      %swap3A_416 = arith.constant 0 : index
      %swap3A_417 = vector.load %arg10[%swap3A_415, %swap3A_416] : memref<16x512xf32, #tpu.memory_space<vmem>>, vector<16x512xf32>
      tpu.vector_store %arg10[%swap3A_415, %swap3A_416], %broadcast_in_dim3A_414 {strides = array<i32>} : memref<16x512xf32, #tpu.memory_space<vmem>>, vector<16x512xf32>,
    } else {
    }
    %get3A_50 = arith.constant 0 : index
    %get3A_51 = arith.constant 0 : index
    %get3A_52 = vector.load %arg8[%get3A_50, %get3A_51] : memref<1024x16xf32, #tpu.memory_space<vmem>>, vector<1024x1xf32>
    %gt3A = arith.constant 0.000000e+00 : f32
    %gt3A_53 = vector.broadcast %gt3A : f32 to vector<1024x1xf32>
    %gt3A_54 = arith.cmpf ogt, %get3A_52, %gt3A_53 : vector<1024x1xf32>
    %jit3A = arith.constant 0xFF800000 : f32
    %broadcast_in_dim3A_55 = vector.shape_cast %gt3A_54 : vector<1024x1xi1> to vector<1024x1xi1>
    %broadcast_in_dim3A_56 = vector.broadcast %broadcast_in_dim3A_55 : vector<1024x1xi1> to vector<1024x512xi1>
    %broadcast_in_dim3A_57 = vector.broadcast %jit3A : f32 to vector<1024x512xf32>
    %select_n3A = arith.select %broadcast_in_dim3A_56, %add3A_47, %broadcast_in_dim3A_57 : vector<1024x512xi1>, vector<1024x512xf32>
    %get3A_58 = arith.constant 0 : index
    %get3A_59 = arith.constant 0 : index
    %get3A_60 = vector.load %arg10[%get3A_58, %get3A_59] : memref<16x512xf32, #tpu.memory_space<vmem>>, vector<1x512xf32>
    %get3A_61 = vector.shape_cast %get3A_60 : vector<1x512xf32> to vector<512xf32>
    %reduce_max3A = arith.constant dense<0xFF800000> : vector<512xf32>
    %reduce_max3A_62 = vector.multi_reduction <maximumf>, %select_n3A, %reduce_max3A [0] : vector<1024x512xf32> to vector<512xf32>
    %max3A_63 = arith.maximumf %get3A_61, %reduce_max3A_62 : vector<512xf32>
    %swap3A = arith.constant 0 : index
    %swap3A_64 = arith.constant 0 : index
    %swap3A_65 = vector.load %arg10[%swap3A, %swap3A_64] : memref<16x512xf32, #tpu.memory_space<vmem>>, vector<1x512xf32>
    %swap3A_66 = vector.shape_cast %swap3A_65 : vector<1x512xf32> to vector<512xf32>
    %swap3A_67 = vector.shape_cast %max3A_63 : vector<512xf32> to vector<1x512xf32>
    tpu.vector_store %arg10[%swap3A, %swap3A_64], %swap3A_67 {strides = array<i32>} : memref<16x512xf32, #tpu.memory_space<vmem>>, vector<1x512xf32>,
    %get3A_68 = arith.constant 0 : index
    %get3A_69 = arith.constant 1 : index
    %get3A_70 = vector.load %arg8[%get3A_68, %get3A_69] : memref<1024x16xf32, #tpu.memory_space<vmem>>, vector<1024x1xf32>
    %gt3A_71 = arith.constant 0.000000e+00 : f32
    %gt3A_72 = vector.broadcast %gt3A_71 : f32 to vector<1024x1xf32>
    %gt3A_73 = arith.cmpf ogt, %get3A_70, %gt3A_72 : vector<1024x1xf32>
    %jit3A_74 = arith.constant 0xFF800000 : f32
    %broadcast_in_dim3A_75 = vector.shape_cast %gt3A_73 : vector<1024x1xi1> to vector<1024x1xi1>
    %broadcast_in_dim3A_76 = vector.broadcast %broadcast_in_dim3A_75 : vector<1024x1xi1> to vector<1024x512xi1>
    %broadcast_in_dim3A_77 = vector.broadcast %jit3A_74 : f32 to vector<1024x512xf32>
    %select_n3A_78 = arith.select %broadcast_in_dim3A_76, %add3A_47, %broadcast_in_dim3A_77 : vector<1024x512xi1>, vector<1024x512xf32>
    %get3A_79 = arith.constant 1 : index
    %get3A_80 = arith.constant 0 : index
    %get3A_81 = vector.load %arg10[%get3A_79, %get3A_80] : memref<16x512xf32, #tpu.memory_space<vmem>>, vector<1x512xf32>
    %get3A_82 = vector.shape_cast %get3A_81 : vector<1x512xf32> to vector<512xf32>
    %reduce_max3A_83 = arith.constant dense<0xFF800000> : vector<512xf32>
    %reduce_max3A_84 = vector.multi_reduction <maximumf>, %select_n3A_78, %reduce_max3A_83 [0] : vector<1024x512xf32> to vector<512xf32>
    %max3A_85 = arith.maximumf %get3A_82, %reduce_max3A_84 : vector<512xf32>
    %swap3A_86 = arith.constant 1 : index
    %swap3A_87 = arith.constant 0 : index
    %swap3A_88 = vector.load %arg10[%swap3A_86, %swap3A_87] : memref<16x512xf32, #tpu.memory_space<vmem>>, vector<1x512xf32>
    %swap3A_89 = vector.shape_cast %swap3A_88 : vector<1x512xf32> to vector<512xf32>
    %swap3A_90 = vector.shape_cast %max3A_85 : vector<512xf32> to vector<1x512xf32>
    tpu.vector_store %arg10[%swap3A_86, %swap3A_87], %swap3A_90 {strides = array<i32>} : memref<16x512xf32, #tpu.memory_space<vmem>>, vector<1x512xf32>,
    %get3A_91 = arith.constant 0 : index
    %get3A_92 = arith.constant 2 : index
    %get3A_93 = vector.load %arg8[%get3A_91, %get3A_92] : memref<1024x16xf32, #tpu.memory_space<vmem>>, vector<1024x1xf32>
    %gt3A_94 = arith.constant 0.000000e+00 : f32
    %gt3A_95 = vector.broadcast %gt3A_94 : f32 to vector<1024x1xf32>
    %gt3A_96 = arith.cmpf ogt, %get3A_93, %gt3A_95 : vector<1024x1xf32>
    %jit3A_97 = arith.constant 0xFF800000 : f32
    %broadcast_in_dim3A_98 = vector.shape_cast %gt3A_96 : vector<1024x1xi1> to vector<1024x1xi1>
    %broadcast_in_dim3A_99 = vector.broadcast %broadcast_in_dim3A_98 : vector<1024x1xi1> to vector<1024x512xi1>
    %broadcast_in_dim3A_100 = vector.broadcast %jit3A_97 : f32 to vector<1024x512xf32>
    %select_n3A_101 = arith.select %broadcast_in_dim3A_99, %add3A_47, %broadcast_in_dim3A_100 : vector<1024x512xi1>, vector<1024x512xf32>
    %get3A_102 = arith.constant 2 : index
    %get3A_103 = arith.constant 0 : index
    %get3A_104 = vector.load %arg10[%get3A_102, %get3A_103] : memref<16x512xf32, #tpu.memory_space<vmem>>, vector<1x512xf32>
    %get3A_105 = vector.shape_cast %get3A_104 : vector<1x512xf32> to vector<512xf32>
    %reduce_max3A_106 = arith.constant dense<0xFF800000> : vector<512xf32>
    %reduce_max3A_107 = vector.multi_reduction <maximumf>, %select_n3A_101, %reduce_max3A_106 [0] : vector<1024x512xf32> to vector<512xf32>
    %max3A_108 = arith.maximumf %get3A_105, %reduce_max3A_107 : vector<512xf32>
    %swap3A_109 = arith.constant 2 : index
    %swap3A_110 = arith.constant 0 : index
    %swap3A_111 = vector.load %arg10[%swap3A_109, %swap3A_110] : memref<16x512xf32, #tpu.memory_space<vmem>>, vector<1x512xf32>
    %swap3A_112 = vector.shape_cast %swap3A_111 : vector<1x512xf32> to vector<512xf32>
    %swap3A_113 = vector.shape_cast %max3A_108 : vector<512xf32> to vector<1x512xf32>
    tpu.vector_store %arg10[%swap3A_109, %swap3A_110], %swap3A_113 {strides = array<i32>} : memref<16x512xf32, #tpu.memory_space<vmem>>, vector<1x512xf32>,
    %get3A_114 = arith.constant 0 : index
    %get3A_115 = arith.constant 3 : index
    %get3A_116 = vector.load %arg8[%get3A_114, %get3A_115] : memref<1024x16xf32, #tpu.memory_space<vmem>>, vector<1024x1xf32>
    %gt3A_117 = arith.constant 0.000000e+00 : f32
    %gt3A_118 = vector.broadcast %gt3A_117 : f32 to vector<1024x1xf32>
    %gt3A_119 = arith.cmpf ogt, %get3A_116, %gt3A_118 : vector<1024x1xf32>
    %jit3A_120 = arith.constant 0xFF800000 : f32
    %broadcast_in_dim3A_121 = vector.shape_cast %gt3A_119 : vector<1024x1xi1> to vector<1024x1xi1>
    %broadcast_in_dim3A_122 = vector.broadcast %broadcast_in_dim3A_121 : vector<1024x1xi1> to vector<1024x512xi1>
    %broadcast_in_dim3A_123 = vector.broadcast %jit3A_120 : f32 to vector<1024x512xf32>
    %select_n3A_124 = arith.select %broadcast_in_dim3A_122, %add3A_47, %broadcast_in_dim3A_123 : vector<1024x512xi1>, vector<1024x512xf32>
    %get3A_125 = arith.constant 3 : index
    %get3A_126 = arith.constant 0 : index
    %get3A_127 = vector.load %arg10[%get3A_125, %get3A_126] : memref<16x512xf32, #tpu.memory_space<vmem>>, vector<1x512xf32>
    %get3A_128 = vector.shape_cast %get3A_127 : vector<1x512xf32> to vector<512xf32>
    %reduce_max3A_129 = arith.constant dense<0xFF800000> : vector<512xf32>
    %reduce_max3A_130 = vector.multi_reduction <maximumf>, %select_n3A_124, %reduce_max3A_129 [0] : vector<1024x512xf32> to vector<512xf32>
    %max3A_131 = arith.maximumf %get3A_128, %reduce_max3A_130 : vector<512xf32>
    %swap3A_132 = arith.constant 3 : index
    %swap3A_133 = arith.constant 0 : index
    %swap3A_134 = vector.load %arg10[%swap3A_132, %swap3A_133] : memref<16x512xf32, #tpu.memory_space<vmem>>, vector<1x512xf32>
    %swap3A_135 = vector.shape_cast %swap3A_134 : vector<1x512xf32> to vector<512xf32>
    %swap3A_136 = vector.shape_cast %max3A_131 : vector<512xf32> to vector<1x512xf32>
    tpu.vector_store %arg10[%swap3A_132, %swap3A_133], %swap3A_136 {strides = array<i32>} : memref<16x512xf32, #tpu.memory_space<vmem>>, vector<1x512xf32>,
    %get3A_137 = arith.constant 0 : index
    %get3A_138 = arith.constant 4 : index
    %get3A_139 = vector.load %arg8[%get3A_137, %get3A_138] : memref<1024x16xf32, #tpu.memory_space<vmem>>, vector<1024x1xf32>
    %gt3A_140 = arith.constant 0.000000e+00 : f32
    %gt3A_141 = vector.broadcast %gt3A_140 : f32 to vector<1024x1xf32>
    %gt3A_142 = arith.cmpf ogt, %get3A_139, %gt3A_141 : vector<1024x1xf32>
    %jit3A_143 = arith.constant 0xFF800000 : f32
    %broadcast_in_dim3A_144 = vector.shape_cast %gt3A_142 : vector<1024x1xi1> to vector<1024x1xi1>
    %broadcast_in_dim3A_145 = vector.broadcast %broadcast_in_dim3A_144 : vector<1024x1xi1> to vector<1024x512xi1>
    %broadcast_in_dim3A_146 = vector.broadcast %jit3A_143 : f32 to vector<1024x512xf32>
    %select_n3A_147 = arith.select %broadcast_in_dim3A_145, %add3A_47, %broadcast_in_dim3A_146 : vector<1024x512xi1>, vector<1024x512xf32>
    %get3A_148 = arith.constant 4 : index
    %get3A_149 = arith.constant 0 : index
    %get3A_150 = vector.load %arg10[%get3A_148, %get3A_149] : memref<16x512xf32, #tpu.memory_space<vmem>>, vector<1x512xf32>
    %get3A_151 = vector.shape_cast %get3A_150 : vector<1x512xf32> to vector<512xf32>
    %reduce_max3A_152 = arith.constant dense<0xFF800000> : vector<512xf32>
    %reduce_max3A_153 = vector.multi_reduction <maximumf>, %select_n3A_147, %reduce_max3A_152 [0] : vector<1024x512xf32> to vector<512xf32>
    %max3A_154 = arith.maximumf %get3A_151, %reduce_max3A_153 : vector<512xf32>
    %swap3A_155 = arith.constant 4 : index
    %swap3A_156 = arith.constant 0 : index
    %swap3A_157 = vector.load %arg10[%swap3A_155, %swap3A_156] : memref<16x512xf32, #tpu.memory_space<vmem>>, vector<1x512xf32>
    %swap3A_158 = vector.shape_cast %swap3A_157 : vector<1x512xf32> to vector<512xf32>
    %swap3A_159 = vector.shape_cast %max3A_154 : vector<512xf32> to vector<1x512xf32>
    tpu.vector_store %arg10[%swap3A_155, %swap3A_156], %swap3A_159 {strides = array<i32>} : memref<16x512xf32, #tpu.memory_space<vmem>>, vector<1x512xf32>,
    %get3A_160 = arith.constant 0 : index
    %get3A_161 = arith.constant 5 : index
    %get3A_162 = vector.load %arg8[%get3A_160, %get3A_161] : memref<1024x16xf32, #tpu.memory_space<vmem>>, vector<1024x1xf32>
    %gt3A_163 = arith.constant 0.000000e+00 : f32
    %gt3A_164 = vector.broadcast %gt3A_163 : f32 to vector<1024x1xf32>
    %gt3A_165 = arith.cmpf ogt, %get3A_162, %gt3A_164 : vector<1024x1xf32>
    %jit3A_166 = arith.constant 0xFF800000 : f32
    %broadcast_in_dim3A_167 = vector.shape_cast %gt3A_165 : vector<1024x1xi1> to vector<1024x1xi1>
    %broadcast_in_dim3A_168 = vector.broadcast %broadcast_in_dim3A_167 : vector<1024x1xi1> to vector<1024x512xi1>
    %broadcast_in_dim3A_169 = vector.broadcast %jit3A_166 : f32 to vector<1024x512xf32>
    %select_n3A_170 = arith.select %broadcast_in_dim3A_168, %add3A_47, %broadcast_in_dim3A_169 : vector<1024x512xi1>, vector<1024x512xf32>
    %get3A_171 = arith.constant 5 : index
    %get3A_172 = arith.constant 0 : index
    %get3A_173 = vector.load %arg10[%get3A_171, %get3A_172] : memref<16x512xf32, #tpu.memory_space<vmem>>, vector<1x512xf32>
    %get3A_174 = vector.shape_cast %get3A_173 : vector<1x512xf32> to vector<512xf32>
    %reduce_max3A_175 = arith.constant dense<0xFF800000> : vector<512xf32>
    %reduce_max3A_176 = vector.multi_reduction <maximumf>, %select_n3A_170, %reduce_max3A_175 [0] : vector<1024x512xf32> to vector<512xf32>
    %max3A_177 = arith.maximumf %get3A_174, %reduce_max3A_176 : vector<512xf32>
    %swap3A_178 = arith.constant 5 : index
    %swap3A_179 = arith.constant 0 : index
    %swap3A_180 = vector.load %arg10[%swap3A_178, %swap3A_179] : memref<16x512xf32, #tpu.memory_space<vmem>>, vector<1x512xf32>
    %swap3A_181 = vector.shape_cast %swap3A_180 : vector<1x512xf32> to vector<512xf32>
    %swap3A_182 = vector.shape_cast %max3A_177 : vector<512xf32> to vector<1x512xf32>
    tpu.vector_store %arg10[%swap3A_178, %swap3A_179], %swap3A_182 {strides = array<i32>} : memref<16x512xf32, #tpu.memory_space<vmem>>, vector<1x512xf32>,
    %get3A_183 = arith.constant 0 : index
    %get3A_184 = arith.constant 6 : index
    %get3A_185 = vector.load %arg8[%get3A_183, %get3A_184] : memref<1024x16xf32, #tpu.memory_space<vmem>>, vector<1024x1xf32>
    %gt3A_186 = arith.constant 0.000000e+00 : f32
    %gt3A_187 = vector.broadcast %gt3A_186 : f32 to vector<1024x1xf32>
    %gt3A_188 = arith.cmpf ogt, %get3A_185, %gt3A_187 : vector<1024x1xf32>
    %jit3A_189 = arith.constant 0xFF800000 : f32
    %broadcast_in_dim3A_190 = vector.shape_cast %gt3A_188 : vector<1024x1xi1> to vector<1024x1xi1>
    %broadcast_in_dim3A_191 = vector.broadcast %broadcast_in_dim3A_190 : vector<1024x1xi1> to vector<1024x512xi1>
    %broadcast_in_dim3A_192 = vector.broadcast %jit3A_189 : f32 to vector<1024x512xf32>
    %select_n3A_193 = arith.select %broadcast_in_dim3A_191, %add3A_47, %broadcast_in_dim3A_192 : vector<1024x512xi1>, vector<1024x512xf32>
    %get3A_194 = arith.constant 6 : index
    %get3A_195 = arith.constant 0 : index
    %get3A_196 = vector.load %arg10[%get3A_194, %get3A_195] : memref<16x512xf32, #tpu.memory_space<vmem>>, vector<1x512xf32>
    %get3A_197 = vector.shape_cast %get3A_196 : vector<1x512xf32> to vector<512xf32>
    %reduce_max3A_198 = arith.constant dense<0xFF800000> : vector<512xf32>
    %reduce_max3A_199 = vector.multi_reduction <maximumf>, %select_n3A_193, %reduce_max3A_198 [0] : vector<1024x512xf32> to vector<512xf32>
    %max3A_200 = arith.maximumf %get3A_197, %reduce_max3A_199 : vector<512xf32>
    %swap3A_201 = arith.constant 6 : index
    %swap3A_202 = arith.constant 0 : index
    %swap3A_203 = vector.load %arg10[%swap3A_201, %swap3A_202] : memref<16x512xf32, #tpu.memory_space<vmem>>, vector<1x512xf32>
    %swap3A_204 = vector.shape_cast %swap3A_203 : vector<1x512xf32> to vector<512xf32>
    %swap3A_205 = vector.shape_cast %max3A_200 : vector<512xf32> to vector<1x512xf32>
    tpu.vector_store %arg10[%swap3A_201, %swap3A_202], %swap3A_205 {strides = array<i32>} : memref<16x512xf32, #tpu.memory_space<vmem>>, vector<1x512xf32>,
    %get3A_206 = arith.constant 0 : index
    %get3A_207 = arith.constant 7 : index
    %get3A_208 = vector.load %arg8[%get3A_206, %get3A_207] : memref<1024x16xf32, #tpu.memory_space<vmem>>, vector<1024x1xf32>
    %gt3A_209 = arith.constant 0.000000e+00 : f32
    %gt3A_210 = vector.broadcast %gt3A_209 : f32 to vector<1024x1xf32>
    %gt3A_211 = arith.cmpf ogt, %get3A_208, %gt3A_210 : vector<1024x1xf32>
    %jit3A_212 = arith.constant 0xFF800000 : f32
    %broadcast_in_dim3A_213 = vector.shape_cast %gt3A_211 : vector<1024x1xi1> to vector<1024x1xi1>
    %broadcast_in_dim3A_214 = vector.broadcast %broadcast_in_dim3A_213 : vector<1024x1xi1> to vector<1024x512xi1>
    %broadcast_in_dim3A_215 = vector.broadcast %jit3A_212 : f32 to vector<1024x512xf32>
    %select_n3A_216 = arith.select %broadcast_in_dim3A_214, %add3A_47, %broadcast_in_dim3A_215 : vector<1024x512xi1>, vector<1024x512xf32>
    %get3A_217 = arith.constant 7 : index
    %get3A_218 = arith.constant 0 : index
    %get3A_219 = vector.load %arg10[%get3A_217, %get3A_218] : memref<16x512xf32, #tpu.memory_space<vmem>>, vector<1x512xf32>
    %get3A_220 = vector.shape_cast %get3A_219 : vector<1x512xf32> to vector<512xf32>
    %reduce_max3A_221 = arith.constant dense<0xFF800000> : vector<512xf32>
    %reduce_max3A_222 = vector.multi_reduction <maximumf>, %select_n3A_216, %reduce_max3A_221 [0] : vector<1024x512xf32> to vector<512xf32>
    %max3A_223 = arith.maximumf %get3A_220, %reduce_max3A_222 : vector<512xf32>
    %swap3A_224 = arith.constant 7 : index
    %swap3A_225 = arith.constant 0 : index
    %swap3A_226 = vector.load %arg10[%swap3A_224, %swap3A_225] : memref<16x512xf32, #tpu.memory_space<vmem>>, vector<1x512xf32>
    %swap3A_227 = vector.shape_cast %swap3A_226 : vector<1x512xf32> to vector<512xf32>
    %swap3A_228 = vector.shape_cast %max3A_223 : vector<512xf32> to vector<1x512xf32>
    tpu.vector_store %arg10[%swap3A_224, %swap3A_225], %swap3A_228 {strides = array<i32>} : memref<16x512xf32, #tpu.memory_space<vmem>>, vector<1x512xf32>,
    %get3A_229 = arith.constant 0 : index
    %get3A_230 = arith.constant 8 : index
    %get3A_231 = vector.load %arg8[%get3A_229, %get3A_230] : memref<1024x16xf32, #tpu.memory_space<vmem>>, vector<1024x1xf32>
    %gt3A_232 = arith.constant 0.000000e+00 : f32
    %gt3A_233 = vector.broadcast %gt3A_232 : f32 to vector<1024x1xf32>
    %gt3A_234 = arith.cmpf ogt, %get3A_231, %gt3A_233 : vector<1024x1xf32>
    %jit3A_235 = arith.constant 0xFF800000 : f32
    %broadcast_in_dim3A_236 = vector.shape_cast %gt3A_234 : vector<1024x1xi1> to vector<1024x1xi1>
    %broadcast_in_dim3A_237 = vector.broadcast %broadcast_in_dim3A_236 : vector<1024x1xi1> to vector<1024x512xi1>
    %broadcast_in_dim3A_238 = vector.broadcast %jit3A_235 : f32 to vector<1024x512xf32>
    %select_n3A_239 = arith.select %broadcast_in_dim3A_237, %add3A_47, %broadcast_in_dim3A_238 : vector<1024x512xi1>, vector<1024x512xf32>
    %get3A_240 = arith.constant 8 : index
    %get3A_241 = arith.constant 0 : index
    %get3A_242 = vector.load %arg10[%get3A_240, %get3A_241] : memref<16x512xf32, #tpu.memory_space<vmem>>, vector<1x512xf32>
    %get3A_243 = vector.shape_cast %get3A_242 : vector<1x512xf32> to vector<512xf32>
    %reduce_max3A_244 = arith.constant dense<0xFF800000> : vector<512xf32>
    %reduce_max3A_245 = vector.multi_reduction <maximumf>, %select_n3A_239, %reduce_max3A_244 [0] : vector<1024x512xf32> to vector<512xf32>
    %max3A_246 = arith.maximumf %get3A_243, %reduce_max3A_245 : vector<512xf32>
    %swap3A_247 = arith.constant 8 : index
    %swap3A_248 = arith.constant 0 : index
    %swap3A_249 = vector.load %arg10[%swap3A_247, %swap3A_248] : memref<16x512xf32, #tpu.memory_space<vmem>>, vector<1x512xf32>
    %swap3A_250 = vector.shape_cast %swap3A_249 : vector<1x512xf32> to vector<512xf32>
    %swap3A_251 = vector.shape_cast %max3A_246 : vector<512xf32> to vector<1x512xf32>
    tpu.vector_store %arg10[%swap3A_247, %swap3A_248], %swap3A_251 {strides = array<i32>} : memref<16x512xf32, #tpu.memory_space<vmem>>, vector<1x512xf32>,
    %get3A_252 = arith.constant 0 : index
    %get3A_253 = arith.constant 9 : index
    %get3A_254 = vector.load %arg8[%get3A_252, %get3A_253] : memref<1024x16xf32, #tpu.memory_space<vmem>>, vector<1024x1xf32>
    %gt3A_255 = arith.constant 0.000000e+00 : f32
    %gt3A_256 = vector.broadcast %gt3A_255 : f32 to vector<1024x1xf32>
    %gt3A_257 = arith.cmpf ogt, %get3A_254, %gt3A_256 : vector<1024x1xf32>
    %jit3A_258 = arith.constant 0xFF800000 : f32
    %broadcast_in_dim3A_259 = vector.shape_cast %gt3A_257 : vector<1024x1xi1> to vector<1024x1xi1>
    %broadcast_in_dim3A_260 = vector.broadcast %broadcast_in_dim3A_259 : vector<1024x1xi1> to vector<1024x512xi1>
    %broadcast_in_dim3A_261 = vector.broadcast %jit3A_258 : f32 to vector<1024x512xf32>
    %select_n3A_262 = arith.select %broadcast_in_dim3A_260, %add3A_47, %broadcast_in_dim3A_261 : vector<1024x512xi1>, vector<1024x512xf32>
    %get3A_263 = arith.constant 9 : index
    %get3A_264 = arith.constant 0 : index
    %get3A_265 = vector.load %arg10[%get3A_263, %get3A_264] : memref<16x512xf32, #tpu.memory_space<vmem>>, vector<1x512xf32>
    %get3A_266 = vector.shape_cast %get3A_265 : vector<1x512xf32> to vector<512xf32>
    %reduce_max3A_267 = arith.constant dense<0xFF800000> : vector<512xf32>
    %reduce_max3A_268 = vector.multi_reduction <maximumf>, %select_n3A_262, %reduce_max3A_267 [0] : vector<1024x512xf32> to vector<512xf32>
    %max3A_269 = arith.maximumf %get3A_266, %reduce_max3A_268 : vector<512xf32>
    %swap3A_270 = arith.constant 9 : index
    %swap3A_271 = arith.constant 0 : index
    %swap3A_272 = vector.load %arg10[%swap3A_270, %swap3A_271] : memref<16x512xf32, #tpu.memory_space<vmem>>, vector<1x512xf32>
    %swap3A_273 = vector.shape_cast %swap3A_272 : vector<1x512xf32> to vector<512xf32>
    %swap3A_274 = vector.shape_cast %max3A_269 : vector<512xf32> to vector<1x512xf32>
    tpu.vector_store %arg10[%swap3A_270, %swap3A_271], %swap3A_274 {strides = array<i32>} : memref<16x512xf32, #tpu.memory_space<vmem>>, vector<1x512xf32>,
    %get3A_275 = arith.constant 0 : index
    %get3A_276 = arith.constant 10 : index
    %get3A_277 = vector.load %arg8[%get3A_275, %get3A_276] : memref<1024x16xf32, #tpu.memory_space<vmem>>, vector<1024x1xf32>
    %gt3A_278 = arith.constant 0.000000e+00 : f32
    %gt3A_279 = vector.broadcast %gt3A_278 : f32 to vector<1024x1xf32>
    %gt3A_280 = arith.cmpf ogt, %get3A_277, %gt3A_279 : vector<1024x1xf32>
    %jit3A_281 = arith.constant 0xFF800000 : f32
    %broadcast_in_dim3A_282 = vector.shape_cast %gt3A_280 : vector<1024x1xi1> to vector<1024x1xi1>
    %broadcast_in_dim3A_283 = vector.broadcast %broadcast_in_dim3A_282 : vector<1024x1xi1> to vector<1024x512xi1>
    %broadcast_in_dim3A_284 = vector.broadcast %jit3A_281 : f32 to vector<1024x512xf32>
    %select_n3A_285 = arith.select %broadcast_in_dim3A_283, %add3A_47, %broadcast_in_dim3A_284 : vector<1024x512xi1>, vector<1024x512xf32>
    %get3A_286 = arith.constant 10 : index
    %get3A_287 = arith.constant 0 : index
    %get3A_288 = vector.load %arg10[%get3A_286, %get3A_287] : memref<16x512xf32, #tpu.memory_space<vmem>>, vector<1x512xf32>
    %get3A_289 = vector.shape_cast %get3A_288 : vector<1x512xf32> to vector<512xf32>
    %reduce_max3A_290 = arith.constant dense<0xFF800000> : vector<512xf32>
    %reduce_max3A_291 = vector.multi_reduction <maximumf>, %select_n3A_285, %reduce_max3A_290 [0] : vector<1024x512xf32> to vector<512xf32>
    %max3A_292 = arith.maximumf %get3A_289, %reduce_max3A_291 : vector<512xf32>
    %swap3A_293 = arith.constant 10 : index
    %swap3A_294 = arith.constant 0 : index
    %swap3A_295 = vector.load %arg10[%swap3A_293, %swap3A_294] : memref<16x512xf32, #tpu.memory_space<vmem>>, vector<1x512xf32>
    %swap3A_296 = vector.shape_cast %swap3A_295 : vector<1x512xf32> to vector<512xf32>
    %swap3A_297 = vector.shape_cast %max3A_292 : vector<512xf32> to vector<1x512xf32>
    tpu.vector_store %arg10[%swap3A_293, %swap3A_294], %swap3A_297 {strides = array<i32>} : memref<16x512xf32, #tpu.memory_space<vmem>>, vector<1x512xf32>,
    %get3A_298 = arith.constant 0 : index
    %get3A_299 = arith.constant 11 : index
    %get3A_300 = vector.load %arg8[%get3A_298, %get3A_299] : memref<1024x16xf32, #tpu.memory_space<vmem>>, vector<1024x1xf32>
    %gt3A_301 = arith.constant 0.000000e+00 : f32
    %gt3A_302 = vector.broadcast %gt3A_301 : f32 to vector<1024x1xf32>
    %gt3A_303 = arith.cmpf ogt, %get3A_300, %gt3A_302 : vector<1024x1xf32>
    %jit3A_304 = arith.constant 0xFF800000 : f32
    %broadcast_in_dim3A_305 = vector.shape_cast %gt3A_303 : vector<1024x1xi1> to vector<1024x1xi1>
    %broadcast_in_dim3A_306 = vector.broadcast %broadcast_in_dim3A_305 : vector<1024x1xi1> to vector<1024x512xi1>
    %broadcast_in_dim3A_307 = vector.broadcast %jit3A_304 : f32 to vector<1024x512xf32>
    %select_n3A_308 = arith.select %broadcast_in_dim3A_306, %add3A_47, %broadcast_in_dim3A_307 : vector<1024x512xi1>, vector<1024x512xf32>
    %get3A_309 = arith.constant 11 : index
    %get3A_310 = arith.constant 0 : index
    %get3A_311 = vector.load %arg10[%get3A_309, %get3A_310] : memref<16x512xf32, #tpu.memory_space<vmem>>, vector<1x512xf32>
    %get3A_312 = vector.shape_cast %get3A_311 : vector<1x512xf32> to vector<512xf32>
    %reduce_max3A_313 = arith.constant dense<0xFF800000> : vector<512xf32>
    %reduce_max3A_314 = vector.multi_reduction <maximumf>, %select_n3A_308, %reduce_max3A_313 [0] : vector<1024x512xf32> to vector<512xf32>
    %max3A_315 = arith.maximumf %get3A_312, %reduce_max3A_314 : vector<512xf32>
    %swap3A_316 = arith.constant 11 : index
    %swap3A_317 = arith.constant 0 : index
    %swap3A_318 = vector.load %arg10[%swap3A_316, %swap3A_317] : memref<16x512xf32, #tpu.memory_space<vmem>>, vector<1x512xf32>
    %swap3A_319 = vector.shape_cast %swap3A_318 : vector<1x512xf32> to vector<512xf32>
    %swap3A_320 = vector.shape_cast %max3A_315 : vector<512xf32> to vector<1x512xf32>
    tpu.vector_store %arg10[%swap3A_316, %swap3A_317], %swap3A_320 {strides = array<i32>} : memref<16x512xf32, #tpu.memory_space<vmem>>, vector<1x512xf32>,
    %get3A_321 = arith.constant 0 : index
    %get3A_322 = arith.constant 12 : index
    %get3A_323 = vector.load %arg8[%get3A_321, %get3A_322] : memref<1024x16xf32, #tpu.memory_space<vmem>>, vector<1024x1xf32>
    %gt3A_324 = arith.constant 0.000000e+00 : f32
    %gt3A_325 = vector.broadcast %gt3A_324 : f32 to vector<1024x1xf32>
    %gt3A_326 = arith.cmpf ogt, %get3A_323, %gt3A_325 : vector<1024x1xf32>
    %jit3A_327 = arith.constant 0xFF800000 : f32
    %broadcast_in_dim3A_328 = vector.shape_cast %gt3A_326 : vector<1024x1xi1> to vector<1024x1xi1>
    %broadcast_in_dim3A_329 = vector.broadcast %broadcast_in_dim3A_328 : vector<1024x1xi1> to vector<1024x512xi1>
    %broadcast_in_dim3A_330 = vector.broadcast %jit3A_327 : f32 to vector<1024x512xf32>
    %select_n3A_331 = arith.select %broadcast_in_dim3A_329, %add3A_47, %broadcast_in_dim3A_330 : vector<1024x512xi1>, vector<1024x512xf32>
    %get3A_332 = arith.constant 12 : index
    %get3A_333 = arith.constant 0 : index
    %get3A_334 = vector.load %arg10[%get3A_332, %get3A_333] : memref<16x512xf32, #tpu.memory_space<vmem>>, vector<1x512xf32>
    %get3A_335 = vector.shape_cast %get3A_334 : vector<1x512xf32> to vector<512xf32>
    %reduce_max3A_336 = arith.constant dense<0xFF800000> : vector<512xf32>
    %reduce_max3A_337 = vector.multi_reduction <maximumf>, %select_n3A_331, %reduce_max3A_336 [0] : vector<1024x512xf32> to vector<512xf32>
    %max3A_338 = arith.maximumf %get3A_335, %reduce_max3A_337 : vector<512xf32>
    %swap3A_339 = arith.constant 12 : index
    %swap3A_340 = arith.constant 0 : index
    %swap3A_341 = vector.load %arg10[%swap3A_339, %swap3A_340] : memref<16x512xf32, #tpu.memory_space<vmem>>, vector<1x512xf32>
    %swap3A_342 = vector.shape_cast %swap3A_341 : vector<1x512xf32> to vector<512xf32>
    %swap3A_343 = vector.shape_cast %max3A_338 : vector<512xf32> to vector<1x512xf32>
    tpu.vector_store %arg10[%swap3A_339, %swap3A_340], %swap3A_343 {strides = array<i32>} : memref<16x512xf32, #tpu.memory_space<vmem>>, vector<1x512xf32>,
    %get3A_344 = arith.constant 0 : index
    %get3A_345 = arith.constant 13 : index
    %get3A_346 = vector.load %arg8[%get3A_344, %get3A_345] : memref<1024x16xf32, #tpu.memory_space<vmem>>, vector<1024x1xf32>
    %gt3A_347 = arith.constant 0.000000e+00 : f32
    %gt3A_348 = vector.broadcast %gt3A_347 : f32 to vector<1024x1xf32>
    %gt3A_349 = arith.cmpf ogt, %get3A_346, %gt3A_348 : vector<1024x1xf32>
    %jit3A_350 = arith.constant 0xFF800000 : f32
    %broadcast_in_dim3A_351 = vector.shape_cast %gt3A_349 : vector<1024x1xi1> to vector<1024x1xi1>
    %broadcast_in_dim3A_352 = vector.broadcast %broadcast_in_dim3A_351 : vector<1024x1xi1> to vector<1024x512xi1>
    %broadcast_in_dim3A_353 = vector.broadcast %jit3A_350 : f32 to vector<1024x512xf32>
    %select_n3A_354 = arith.select %broadcast_in_dim3A_352, %add3A_47, %broadcast_in_dim3A_353 : vector<1024x512xi1>, vector<1024x512xf32>
    %get3A_355 = arith.constant 13 : index
    %get3A_356 = arith.constant 0 : index
    %get3A_357 = vector.load %arg10[%get3A_355, %get3A_356] : memref<16x512xf32, #tpu.memory_space<vmem>>, vector<1x512xf32>
    %get3A_358 = vector.shape_cast %get3A_357 : vector<1x512xf32> to vector<512xf32>
    %reduce_max3A_359 = arith.constant dense<0xFF800000> : vector<512xf32>
    %reduce_max3A_360 = vector.multi_reduction <maximumf>, %select_n3A_354, %reduce_max3A_359 [0] : vector<1024x512xf32> to vector<512xf32>
    %max3A_361 = arith.maximumf %get3A_358, %reduce_max3A_360 : vector<512xf32>
    %swap3A_362 = arith.constant 13 : index
    %swap3A_363 = arith.constant 0 : index
    %swap3A_364 = vector.load %arg10[%swap3A_362, %swap3A_363] : memref<16x512xf32, #tpu.memory_space<vmem>>, vector<1x512xf32>
    %swap3A_365 = vector.shape_cast %swap3A_364 : vector<1x512xf32> to vector<512xf32>
    %swap3A_366 = vector.shape_cast %max3A_361 : vector<512xf32> to vector<1x512xf32>
    tpu.vector_store %arg10[%swap3A_362, %swap3A_363], %swap3A_366 {strides = array<i32>} : memref<16x512xf32, #tpu.memory_space<vmem>>, vector<1x512xf32>,
    %get3A_367 = arith.constant 0 : index
    %get3A_368 = arith.constant 14 : index
    %get3A_369 = vector.load %arg8[%get3A_367, %get3A_368] : memref<1024x16xf32, #tpu.memory_space<vmem>>, vector<1024x1xf32>
    %gt3A_370 = arith.constant 0.000000e+00 : f32
    %gt3A_371 = vector.broadcast %gt3A_370 : f32 to vector<1024x1xf32>
    %gt3A_372 = arith.cmpf ogt, %get3A_369, %gt3A_371 : vector<1024x1xf32>
    %jit3A_373 = arith.constant 0xFF800000 : f32
    %broadcast_in_dim3A_374 = vector.shape_cast %gt3A_372 : vector<1024x1xi1> to vector<1024x1xi1>
    %broadcast_in_dim3A_375 = vector.broadcast %broadcast_in_dim3A_374 : vector<1024x1xi1> to vector<1024x512xi1>
    %broadcast_in_dim3A_376 = vector.broadcast %jit3A_373 : f32 to vector<1024x512xf32>
    %select_n3A_377 = arith.select %broadcast_in_dim3A_375, %add3A_47, %broadcast_in_dim3A_376 : vector<1024x512xi1>, vector<1024x512xf32>
    %get3A_378 = arith.constant 14 : index
    %get3A_379 = arith.constant 0 : index
    %get3A_380 = vector.load %arg10[%get3A_378, %get3A_379] : memref<16x512xf32, #tpu.memory_space<vmem>>, vector<1x512xf32>
    %get3A_381 = vector.shape_cast %get3A_380 : vector<1x512xf32> to vector<512xf32>
    %reduce_max3A_382 = arith.constant dense<0xFF800000> : vector<512xf32>
    %reduce_max3A_383 = vector.multi_reduction <maximumf>, %select_n3A_377, %reduce_max3A_382 [0] : vector<1024x512xf32> to vector<512xf32>
    %max3A_384 = arith.maximumf %get3A_381, %reduce_max3A_383 : vector<512xf32>
    %swap3A_385 = arith.constant 14 : index
    %swap3A_386 = arith.constant 0 : index
    %swap3A_387 = vector.load %arg10[%swap3A_385, %swap3A_386] : memref<16x512xf32, #tpu.memory_space<vmem>>, vector<1x512xf32>
    %swap3A_388 = vector.shape_cast %swap3A_387 : vector<1x512xf32> to vector<512xf32>
    %swap3A_389 = vector.shape_cast %max3A_384 : vector<512xf32> to vector<1x512xf32>
    tpu.vector_store %arg10[%swap3A_385, %swap3A_386], %swap3A_389 {strides = array<i32>} : memref<16x512xf32, #tpu.memory_space<vmem>>, vector<1x512xf32>,
    %get3A_390 = arith.constant 0 : index
    %get3A_391 = arith.constant 15 : index
    %get3A_392 = vector.load %arg8[%get3A_390, %get3A_391] : memref<1024x16xf32, #tpu.memory_space<vmem>>, vector<1024x1xf32>
    %gt3A_393 = arith.constant 0.000000e+00 : f32
    %gt3A_394 = vector.broadcast %gt3A_393 : f32 to vector<1024x1xf32>
    %gt3A_395 = arith.cmpf ogt, %get3A_392, %gt3A_394 : vector<1024x1xf32>
    %jit3A_396 = arith.constant 0xFF800000 : f32
    %broadcast_in_dim3A_397 = vector.shape_cast %gt3A_395 : vector<1024x1xi1> to vector<1024x1xi1>
    %broadcast_in_dim3A_398 = vector.broadcast %broadcast_in_dim3A_397 : vector<1024x1xi1> to vector<1024x512xi1>
    %broadcast_in_dim3A_399 = vector.broadcast %jit3A_396 : f32 to vector<1024x512xf32>
    %select_n3A_400 = arith.select %broadcast_in_dim3A_398, %add3A_47, %broadcast_in_dim3A_399 : vector<1024x512xi1>, vector<1024x512xf32>
    %get3A_401 = arith.constant 15 : index
    %get3A_402 = arith.constant 0 : index
    %get3A_403 = vector.load %arg10[%get3A_401, %get3A_402] : memref<16x512xf32, #tpu.memory_space<vmem>>, vector<1x512xf32>
    %get3A_404 = vector.shape_cast %get3A_403 : vector<1x512xf32> to vector<512xf32>
    %reduce_max3A_405 = arith.constant dense<0xFF800000> : vector<512xf32>
    %reduce_max3A_406 = vector.multi_reduction <maximumf>, %select_n3A_400, %reduce_max3A_405 [0] : vector<1024x512xf32> to vector<512xf32>
    %max3A_407 = arith.maximumf %get3A_404, %reduce_max3A_406 : vector<512xf32>
    %swap3A_408 = arith.constant 15 : index
    %swap3A_409 = arith.constant 0 : index
    %swap3A_410 = vector.load %arg10[%swap3A_408, %swap3A_409] : memref<16x512xf32, #tpu.memory_space<vmem>>, vector<1x512xf32>
    %swap3A_411 = vector.shape_cast %swap3A_410 : vector<1x512xf32> to vector<512xf32>
    %swap3A_412 = vector.shape_cast %max3A_407 : vector<512xf32> to vector<1x512xf32>
    tpu.vector_store %arg10[%swap3A_408, %swap3A_409], %swap3A_412 {strides = array<i32>} : memref<16x512xf32, #tpu.memory_space<vmem>>, vector<1x512xf32>,
    return
  }
  func.func @transform_0(%arg0: i32) -> (i32, i32, i32, i32) {
    %c0_i32 = arith.constant 0 : i32
    %c0_i32_0 = arith.constant 0 : i32
    %c0_i32_1 = arith.constant 0 : i32
    %c0_i32_2 = arith.constant 0 : i32
    return %c0_i32, %c0_i32_0, %arg0, %c0_i32_1 : i32, i32, i32, i32
  }
  func.func @transform_1(%arg0: i32) -> (i32, i32) {
    %c0_i32 = arith.constant 0 : i32
    %c0_i32_0 = arith.constant 0 : i32
    return %arg0, %c0_i32 : i32, i32
  }
  func.func @transform_2(%arg0: i32) -> (i32, i32) {
    %c0_i32 = arith.constant 0 : i32
    %c0_i32_0 = arith.constant 0 : i32
    return %arg0, %c0_i32 : i32, i32
  }
  func.func @transform_3(%arg0: i32) -> (i32, i32) {
    %c0_i32 = arith.constant 0 : i32
    %c0_i32_0 = arith.constant 0 : i32
    return %arg0, %c0_i32 : i32, i32
  }
  func.func @transform_4(%arg0: i32) -> (i32, i32) {
    %c0_i32 = arith.constant 0 : i32
    %c0_i32_0 = arith.constant 0 : i32
    return %arg0, %c0_i32 : i32, i32
  }
  func.func @transform_5(%arg0: i32) -> (i32, i32, i32) {
    %c0_i32 = arith.constant 0 : i32
    %c0_i32_0 = arith.constant 0 : i32
    %c0_i32_1 = arith.constant 0 : i32
    return %arg0, %c0_i32, %c0_i32_0 : i32, i32, i32
  }
  func.func @transform_6(%arg0: i32) -> (i32, i32) {
    %c0_i32 = arith.constant 0 : i32
    %c0_i32_0 = arith.constant 0 : i32
    return %arg0, %c0_i32 : i32, i32
  }
  func.func @transform_7(%arg0: i32) -> (i32, i32) {
    %c0_i32 = arith.constant 0 : i32
    %c0_i32_0 = arith.constant 0 : i32
    return %arg0, %c0_i32 : i32, i32
  }
  func.func @transform_8(%arg0: i32) -> (i32, i32) {
    %c0_i32 = arith.constant 0 : i32
    %c0_i32_0 = arith.constant 0 : i32
    %c0_i32_1 = arith.constant 0 : i32
    return %c0_i32, %c0_i32_0 : i32, i32
  }
  func.func @transform_9(%arg0: i32) -> (i32, i32) {
    %c0_i32 = arith.constant 0 : i32
    %c0_i32_0 = arith.constant 0 : i32
    %c0_i32_1 = arith.constant 0 : i32
    return %c0_i32, %c0_i32_0 : i32, i32
  }
}

module attributes {stable_mosaic.version = 14 : i64} {
  func.func @_head_body(%arg0: memref<16x512xf32, #tpu.memory_space<vmem>>, %arg1: memref<16x256xf32, #tpu.memory_space<vmem>>, %arg2: memref<256x1024xf32, #tpu.memory_space<vmem>>, %arg3: memref<1x1024xf32, #tpu.memory_space<vmem>>, %arg4: memref<1024x512xf32, #tpu.memory_space<vmem>>, %arg5: memref<1x512xf32, #tpu.memory_space<vmem>>, %arg6: memref<512x1024xf32, #tpu.memory_space<vmem>>, %arg7: memref<1x1024xf32, #tpu.memory_space<vmem>>, %arg8: memref<1024x256xf32, #tpu.memory_space<vmem>>, %arg9: memref<1x256xf32, #tpu.memory_space<vmem>>, %arg10: memref<16x256xf32, #tpu.memory_space<vmem>>, %arg11: memref<16x512xf32, #tpu.memory_space<vmem>>) attributes {dimension_semantics = [], scalar_prefetch = 0 : i64, scratch_operands = 0 : i64, tpu.core_type = #tpu.core_type<tc>} {
    %get3A = arith.constant 0 : index
    %get3A_0 = arith.constant 0 : index
    %get3A_1 = vector.load %arg1[%get3A, %get3A_0] : memref<16x256xf32, #tpu.memory_space<vmem>>, vector<16x256xf32>
    %get3A_2 = arith.constant 0 : index
    %get3A_3 = arith.constant 0 : index
    %get3A_4 = vector.load %arg2[%get3A_2, %get3A_3] : memref<256x1024xf32, #tpu.memory_space<vmem>>, vector<256x1024xf32>
    %dot_general3A = arith.constant dense<0.000000e+00> : vector<16x1024xf32>
    %dot_general3A_5 = tpu.matmul %get3A_1, %get3A_4, %dot_general3A {dimension_numbers = #tpu.dot_dimension_numbers<[1], [0], [0], [1], [0, 0, 1, 1], [], []>, transpose_lhs_hint = false} : vector<16x256xf32>, vector<256x1024xf32>, vector<16x1024xf32> -> vector<16x1024xf32>
    %get3A_6 = arith.constant 0 : index
    %get3A_7 = arith.constant 0 : index
    %get3A_8 = vector.load %arg3[%get3A_6, %get3A_7] : memref<1x1024xf32, #tpu.memory_space<vmem>>, vector<1x1024xf32>
    %add3A = vector.broadcast %get3A_8 : vector<1x1024xf32> to vector<16x1024xf32>
    %add3A_9 = arith.addf %dot_general3A_5, %add3A : vector<16x1024xf32>
    %max3A = arith.constant 0.000000e+00 : f32
    %max3A_10 = vector.broadcast %max3A : f32 to vector<16x1024xf32>
    %max3A_11 = arith.maximumf %add3A_9, %max3A_10 : vector<16x1024xf32>
    %get3A_12 = arith.constant 0 : index
    %get3A_13 = arith.constant 0 : index
    %get3A_14 = vector.load %arg4[%get3A_12, %get3A_13] : memref<1024x512xf32, #tpu.memory_space<vmem>>, vector<1024x512xf32>
    %dot_general3A_15 = arith.constant dense<0.000000e+00> : vector<16x512xf32>
    %dot_general3A_16 = tpu.matmul %max3A_11, %get3A_14, %dot_general3A_15 {dimension_numbers = #tpu.dot_dimension_numbers<[1], [0], [0], [1], [0, 0, 1, 1], [], []>, transpose_lhs_hint = false} : vector<16x1024xf32>, vector<1024x512xf32>, vector<16x512xf32> -> vector<16x512xf32>
    %get3A_17 = arith.constant 0 : index
    %get3A_18 = arith.constant 0 : index
    %get3A_19 = vector.load %arg5[%get3A_17, %get3A_18] : memref<1x512xf32, #tpu.memory_space<vmem>>, vector<1x512xf32>
    %add3A_20 = vector.broadcast %get3A_19 : vector<1x512xf32> to vector<16x512xf32>
    %add3A_21 = arith.addf %dot_general3A_16, %add3A_20 : vector<16x512xf32>
    %max3A_22 = arith.constant 0.000000e+00 : f32
    %max3A_23 = vector.broadcast %max3A_22 : f32 to vector<16x512xf32>
    %max3A_24 = arith.maximumf %add3A_21, %max3A_23 : vector<16x512xf32>
    %swap3A = arith.constant 0 : index
    %swap3A_25 = arith.constant 0 : index
    %swap3A_26 = vector.load %arg11[%swap3A, %swap3A_25] : memref<16x512xf32, #tpu.memory_space<vmem>>, vector<16x512xf32>
    tpu.vector_store %arg11[%swap3A, %swap3A_25], %max3A_24 {strides = array<i32>} : memref<16x512xf32, #tpu.memory_space<vmem>>, vector<16x512xf32>,
    %get3A_27 = arith.constant 0 : index
    %get3A_28 = arith.constant 0 : index
    %get3A_29 = vector.load %arg0[%get3A_27, %get3A_28] : memref<16x512xf32, #tpu.memory_space<vmem>>, vector<16x512xf32>
    %get3A_30 = arith.constant 0 : index
    %get3A_31 = arith.constant 0 : index
    %get3A_32 = vector.load %arg6[%get3A_30, %get3A_31] : memref<512x1024xf32, #tpu.memory_space<vmem>>, vector<512x1024xf32>
    %dot_general3A_33 = arith.constant dense<0.000000e+00> : vector<16x1024xf32>
    %dot_general3A_34 = tpu.matmul %get3A_29, %get3A_32, %dot_general3A_33 {dimension_numbers = #tpu.dot_dimension_numbers<[1], [0], [0], [1], [0, 0, 1, 1], [], []>, transpose_lhs_hint = false} : vector<16x512xf32>, vector<512x1024xf32>, vector<16x1024xf32> -> vector<16x1024xf32>
    %get3A_35 = arith.constant 0 : index
    %get3A_36 = arith.constant 0 : index
    %get3A_37 = vector.load %arg7[%get3A_35, %get3A_36] : memref<1x1024xf32, #tpu.memory_space<vmem>>, vector<1x1024xf32>
    %add3A_38 = vector.broadcast %get3A_37 : vector<1x1024xf32> to vector<16x1024xf32>
    %add3A_39 = arith.addf %dot_general3A_34, %add3A_38 : vector<16x1024xf32>
    %max3A_40 = arith.constant 0.000000e+00 : f32
    %max3A_41 = vector.broadcast %max3A_40 : f32 to vector<16x1024xf32>
    %max3A_42 = arith.maximumf %add3A_39, %max3A_41 : vector<16x1024xf32>
    %get3A_43 = arith.constant 0 : index
    %get3A_44 = arith.constant 0 : index
    %get3A_45 = vector.load %arg8[%get3A_43, %get3A_44] : memref<1024x256xf32, #tpu.memory_space<vmem>>, vector<1024x256xf32>
    %dot_general3A_46 = arith.constant dense<0.000000e+00> : vector<16x256xf32>
    %dot_general3A_47 = tpu.matmul %max3A_42, %get3A_45, %dot_general3A_46 {dimension_numbers = #tpu.dot_dimension_numbers<[1], [0], [0], [1], [0, 0, 1, 1], [], []>, transpose_lhs_hint = false} : vector<16x1024xf32>, vector<1024x256xf32>, vector<16x256xf32> -> vector<16x256xf32>
    %get3A_48 = arith.constant 0 : index
    %get3A_49 = arith.constant 0 : index
    %get3A_50 = vector.load %arg9[%get3A_48, %get3A_49] : memref<1x256xf32, #tpu.memory_space<vmem>>, vector<1x256xf32>
    %add3A_51 = vector.broadcast %get3A_50 : vector<1x256xf32> to vector<16x256xf32>
    %add3A_52 = arith.addf %dot_general3A_47, %add3A_51 : vector<16x256xf32>
    %logistic3A = arith.negf %add3A_52 : vector<16x256xf32>
    %logistic3A_53 = math.exp %logistic3A : vector<16x256xf32>
    %logistic3A_54 = arith.constant 1.000000e+00 : f32
    %logistic3A_55 = vector.broadcast %logistic3A_54 : f32 to vector<16x256xf32>
    %logistic3A_56 = arith.addf %logistic3A_55, %logistic3A_53 : vector<16x256xf32>
    %logistic3A_57 = arith.divf %logistic3A_55, %logistic3A_56 : vector<16x256xf32>
    %swap3A_58 = arith.constant 0 : index
    %swap3A_59 = arith.constant 0 : index
    %swap3A_60 = vector.load %arg10[%swap3A_58, %swap3A_59] : memref<16x256xf32, #tpu.memory_space<vmem>>, vector<16x256xf32>
    tpu.vector_store %arg10[%swap3A_58, %swap3A_59], %logistic3A_57 {strides = array<i32>} : memref<16x256xf32, #tpu.memory_space<vmem>>, vector<16x256xf32>,
    return
  }
}

</mosaic_0001>

<sc_bundles>
// kernel: kernel.11.cloned.1.call-start
scs
__scs_entry_jumppad:
0x0: {  	(pc) =	sbr.rel $0x88, $3  }
0x1: {  	(tag) =	ssettag $0x0;
	lr =	simm.s32 $0x1  }
0x2: {  	[smem:$0x3F89] =	sst lr;
	_ =	strace $0xD0000000  }
0x3: {  	_ = 	snop  }
0x4: {  	_ = 	snop  }
0x5: {  	_ = 	snop  }
0x6: {  	_ = 	snop  }
0x7: {  	_ = 	snop  }
__scs_overlays_trampoline_lowered:
0x8: {  	[smem:$0x3F98] =	sst s0  }
0x9: {  	[smem:$0x3F99] =	sst s1  }
0xa: {  	[smem:$0x3F9A] =	sst s2  }
0xb: {  	[smem:$0x3F9B] =	sst s3  }
0xc: {  	[smem:$0x3F9C] =	sst s4  }
0xd: {  	[smem:$0x3F9D] =	sst s5  }
0xe: {  	[smem:$0x3F9E] =	sst s6  }
0xf: {  	[smem:$0x3F9F] =	sst s7  }
0x10: {  	[smem:$0x3FA0] =	sst s8  }
0x11: {  	[smem:$0x3FA1] =	sst s9;
	s0 =	simm.s32 @!p0 $0x0  }
0x12: {  	s1 =	sld [smem:$0x3F87];
	s0 =	simm.s32 @p0 $0x1  }
0x13: {  	[smem:$0x3FA2] =	sst s0;
	s0 =	simm.s32 @!p1 $0x0  }
0x14: {  	s2 =	sld [smem:$0x3F86];
	s0 =	simm.s32 @p1 $0x1  }
0x15: {  	[smem:$0x3FA3] =	sst s0;
	s0 =	simm.s32 @!p2 $0x0  }
0x16: {  	s3 =	sld [smem:$0x3FDB];
	s0 =	simm.s32 @p2 $0x1  }
0x17: {  	s4 =	simm.s32 $0x1BF5;
	[smem:$0x3FA5] =	sst s0  }
0x18: {  	s0 =	sld [smem:$0x3F88];
	_ =	swait.ge [sflag:s4], $0x0  }
0x19: {  	s7 =	sld [smem:$0x3F89]  }
0x1a: {  	s8 =	sadd.s32 $0xFFFFE003, lr  }
0x1b: {  	s9 =	sadd.s32 $0xFFFFFEF7, lr;
	s5 =	simm.s32 $0xFFFFFFFF;
	p2 =	slt.u32 s8, $0xFFFFF086  }
0x1c: {  	p1 =	slt.u32 s9, $0xF7A;
	s5 =	simm.s32 @!p2 $0x0  }
0x1d: {  	s5 =	simm.s32 @p1 $0x1;
	p0 =	seq.s32 s7, s2  }
0x1e: {  	s7 =	smul.u32 @!p0 $0xF7A, s2;
	p2 =	seq.s32 @!p0 s5, $0x0  }
0x1f: {  	s9 =	smul.u32 $0xF7A, s1;
	s8 =	simm.s32 @!p0 $0x1BF5;
	p2 =	por !p2, p0  }
0x20: {  	[sflag:s8] =	ssyncset.s32 @!p0 $0xFFFFF086;
	s6 =	sadd.s32 @!p0 s3, s7;
	s7 =	simm.s32 @!p0 $0x108  }
0x21: {  	s3 =	sadd.s32 s3, s9;
	s6 =	sadd.s32 @!p0 $0x88, s6;
	s7 =	simm.s32 @p2 $0x1082  }
0x22: {  	[simem:s7], [sflag:s8] =	dma.local @!p0 [hbm:s6], $0xF7A  }
0x23: {  	s9 =	sor.u32 $0xD0000000, s2;
	s6 =	simm.s32 $0x108;
	_ =	swait.ge @!p0 [sflag:s8], $0x0  }
0x24: {  	s3 =	sadd.s32 $0x88, s3;
	s6 =	simm.s32 @!p1 $0x1082;
	[sflag:s4] =	ssyncset.s32 $0xFFFFF086  }
0x25: {  	[simem:s6], [sflag:s4] =	dma.local [hbm:s3], $0xF7A  }
0x26: {  	[smem:$0x3F89] =	sst s1;
	(tag) =	ssettag s2;
	_ =	strace s9  }
0x27: {  	s1 =	sld [smem:$0x3F99]  }
0x28: {  	s2 =	sld [smem:$0x3F9A]  }
0x29: {  	s4 =	sld [smem:$0x3F9C]  }
0x2a: {  	p0 =	seq.s32 s5, $0x0;
	s5 =	sld [smem:$0x3F9D]  }
0x2b: {  	s6 =	sld [smem:$0x3F9E]  }
0x2c: {  	s7 =	sld [smem:$0x3F9F]  }
0x2d: {  	s3 =	simm.s32 $0x108;
	s8 =	sld [smem:$0x3FA0]  }
0x2e: {  	s3 =	simm.s32 @!p0 $0x1082;
	s9 =	sld [smem:$0x3FA1]  }
0x2f: {  	lr =	sadd.s32 s0, s3;
	s0 =	sld [smem:$0x3F98]  }
0x30: {  	s3 =	sld [smem:$0x3F9B]  }
0x31: {  	[smem:$0x3FA4] =	sst s10  }
0x32: {  	s10 =	sld [smem:$0x3FA2];
	_ =	sdelay $0x3  }
0x33: {  	p0 =	seq.s32 s10, $0x1;
	s10 =	sld [smem:$0x3FA4];
	_ =	sdelay $0x3  }
0x34: {  	[smem:$0x3FA4] =	sst s10  }
0x35: {  	s10 =	sld [smem:$0x3FA3];
	_ =	sdelay $0x3  }
0x36: {  	p1 =	seq.s32 s10, $0x1;
	s10 =	sld [smem:$0x3FA4];
	_ =	sdelay $0x3  }
0x37: {  	[smem:$0x3FA4] =	sst s10  }
0x38: {  	s10 =	sld [smem:$0x3FA5]  }
0x39: {  	_ = 	snop;
	(pc) =	sbr.ind lr, $3  }
0x3a: {  	_ = 	snop  }
0x3b: {  	_ = 	snop  }
0x3c: {  	p2 =	seq.s32 s10, $0x1;
	s10 =	sld [smem:$0x3FA4]  }
0x3d: {  	_ =	shalt  }
0x3e: {  	_ =	shalt  }
0x3f: {  	_ =	shalt  }
0x40: {  	_ =	shalt  }
0x41: {  	_ =	shalt  }
0x42: {  	_ =	shalt  }
0x43: {  	_ =	shalt  }
0x44: {  	_ =	shalt  }
0x45: {  	_ =	shalt  }
0x46: {  	_ =	shalt  }
0x47: {  	_ =	shalt  }
0x48: {  	_ =	shalt  }
0x49: {  	_ =	shalt  }
0x4a: {  	_ =	shalt  }
0x4b: {  	_ =	shalt  }
0x4c: {  	_ =	shalt  }
0x4d: {  	_ =	shalt  }
0x4e: {  	_ =	shalt  }
0x4f: {  	_ =	shalt  }
0x50: {  	_ =	shalt  }
0x51: {  	_ =	shalt  }
0x52: {  	_ =	shalt  }
0x53: {  	_ =	shalt  }
0x54: {  	_ =	shalt  }
0x55: {  	_ =	shalt  }
0x56: {  	_ =	shalt  }
0x57: {  	_ =	shalt  }
0x58: {  	_ =	shalt  }
0x59: {  	_ =	shalt  }
0x5a: {  	_ =	shalt  }
0x5b: {  	_ =	shalt  }
0x5c: {  	_ =	shalt  }
0x5d: {  	_ =	shalt  }
0x5e: {  	_ =	shalt  }
0x5f: {  	_ =	shalt  }
0x60: {  	_ =	shalt  }
0x61: {  	_ =	shalt  }
0x62: {  	_ =	shalt  }
0x63: {  	_ =	shalt  }
0x64: {  	_ =	shalt  }
0x65: {  	_ =	shalt  }
0x66: {  	_ =	shalt  }
0x67: {  	_ =	shalt  }
0x68: {  	_ =	shalt  }
0x69: {  	_ =	shalt  }
0x6a: {  	_ =	shalt  }
0x6b: {  	_ =	shalt  }
0x6c: {  	_ =	shalt  }
0x6d: {  	_ =	shalt  }
0x6e: {  	_ =	shalt  }
0x6f: {  	_ =	shalt  }
0x70: {  	_ =	shalt  }
0x71: {  	_ =	shalt  }
0x72: {  	_ =	shalt  }
0x73: {  	_ =	shalt  }
0x74: {  	_ =	shalt  }
0x75: {  	_ =	shalt  }
0x76: {  	_ =	shalt  }
0x77: {  	_ =	shalt  }
0x78: {  	_ =	shalt  }
0x79: {  	_ =	shalt  }
0x7a: {  	_ =	shalt  }
0x7b: {  	_ =	shalt  }
0x7c: {  	_ =	shalt  }
0x7d: {  	_ =	shalt  }
0x7e: {  	_ =	shalt  }
0x7f: {  	_ =	shalt  }
0x80: {  	_ =	shalt  }
0x81: {  	_ =	shalt  }
0x82: {  	_ =	shalt  }
0x83: {  	_ =	shalt  }
0x84: {  	_ =	shalt  }
0x85: {  	_ =	shalt  }
0x86: {  	_ =	shalt  }
0x87: {  	_ =	shalt  }
.Lfunc_end0:
.L_simem_size_0:
called_computation_lowered:
.L_overlay_start_0:
0x88: {  	s2 =	sld [smem:$0x3FD9]  }
0x89: {  	s3 =	sld [smem:$0x3FFE];
	_ =	sdelay $0x1  }
0x8a: {  	s1 =	srdreg.scid  }
0x8b: {  	s0 =	sand.u32 $0x1, s1  }
0x8c: {  	s16 =	sshll.u32 s0, $0xA;
	s2 =	sadd.s32 s3, s2  }
0x8d: {  	s2 =	sadd.s32 s2, s16  }
0x8e: {  	[smem:$0x3FB0] =	sst s2  }
0x8f: {  	_ = 	snop  }
0x90: {  	(tm) =	ssettm $0x1  }
0x91: {  	s17 =	sld [smem:$0x3FFB];
	_ =	sdelay $0x3  }
0x92: {  	_ =	strace s17  }
0x93: {  	s2 =	sld [smem:$0x3FFC];
	_ =	sdelay $0x3  }
0x94: {  	_ =	strace s2  }
0x95: {  	s2 =	sld [smem:$0x3FFD];
	_ =	sdelay $0x3  }
0x96: {  	_ =	strace s2  }
0x97: {  	_ =	strace $0x8FFFFFFF  }
0x98: {  	s18 =	sld [smem:$0x3FDB];
	_ =	sdelay $0x1  }
0x99: {  	s19 =	simm.s32 $_scs_section_size  }
0x9a: {  	s4 =	simm.s32 $_size__tile_overlayer_lowered;
	s5 =	simm.s32 $_tile_overlayer_lowered  }
0x9b: {  	s22 =	simm.s32 $0x1BFF;
	s21 =	sshll.u32 s5, $0x1;
	s2 =	sadd.s32 s19, s18  }
0x9c: {  	s6 =	simm.s32 $0x0;
	s20 =	sshll.u32 s4, $0x1;
	s4 =	sadd.s32 s21, s2  }
0x9d: {  	[timem:s6], [sflag:s22] =	dma.local [hbm:s4], s20  }
0x9e: {  	_ =	swait.ge [sflag:s22], s20  }
0x9f: {  	s3 =	ssub.s32 $0x0, s20;
	[sflag:s22] =	ssyncset.done $0x0  }
0xa0: {  	[sflag:s22] =	ssyncadd.s32 s3;
	_ =	sdelay $0x1  }
0xa1: {  	s23 =	simm.s32 $0x1B8B  }
0xa2: {  	_ =	swait.ge [sflag:s23], $0x1  }
0xa3: {  	[sflag:s23] =	ssyncset.done $0x0  }
0xa4: {  	s25 =	simm.s32 $0x1B8E;
	s24 =	sld [smem:$0x3FFE];
	[sflag:s23] =	ssyncadd.s32 $0xFFFFFFFF  }
0xa5: {  	s26 =	simm.s32 $execute0_lowered;
	[smem:$0x3FD2] =	sst s25  }
0xa6: {  	s4 =	sshll.u32 s26, $0x1;
	_ =	strace $0x80000046;
	[dreg:$0x1] =	wrdreg $0xFFFFFFFF  }
0xa7: {  	s28 =	simm.s32 $_size_execute0_lowered;
	s2 =	sadd.s32 s2, s4;
	[dreg:$0x0] =	wrdreg $0x0  }
0xa8: {  	s4 =	sshll.u32 s28, $0x1;
	[dreg:$0x2] =	wrdreg s2  }
0xa9: {  	[dreg:$0x3] =	wrdreg s4  }
0xaa: {  	[dreg:$0x4] =	wrdreg $0xC0  }
0xab: {  	_ =	task [dreg:s6], $0x5FFFF  }
0xac: {  	[dreg:$0x1] =	wrdreg $0xFFFFFFFF  }
0xad: {  	[dreg:$0x0] =	wrdreg $0x60  }
0xae: {  	[dreg:$0x2] =	wrdreg s24  }
0xaf: {  	[dreg:$0x3] =	wrdreg $0x54000  }
0xb0: {  	[dreg:$0x4] =	wrdreg $0x9  }
0xb1: {  	_ =	task.clear_ibuf [dreg:s6], $0x5FFFF;
	_ =	strace $0x90000046  }
0xb2: {  	s29 =	simm.s32 $0x9;
	_ =	strace $0x80000048  }
0xb3: {  	_ =	swait.ge [sflag:s29], $0x1  }
0xb4: {  	[sflag:s29] =	ssyncadd.s32 $0xFFFFFFFF  }
0xb5: {  	_ =	strace $0x90000048  }
0xb6: {  	_ =	sfence  }
0xb7: {  	s30 =	sld [smem:$0x0];
	_ =	sdelay $0x2  }
0xb8: {  	s31 =	sshll.u32 s1, $0xD;
	s1 =	sshrl.u32 s1, $0x2  }
0xb9: {  	s3 =	sand.u32 $0x4000, s31;
	s1 =	sadd.s32 s1, s30  }
0xba: {  	s0 =	sor.u32 s3, s0;
	s1 =	sshll.u32 s1, $0x11  }
0xbb: {  	s0 =	sor.u32 s1, s0  }
0xbc: {  	s0 =	sadd.s32 $0x8F2B, s0  }
0xbd: {  	[sflag:s0] =	ssyncadd.remote.s32 $0x1  }
0xbe: {  	_ =	sfence.sel $0xFFFF  }
0xbf: {  	[dreg:$0x0] =	wrdreg $0xFFFFFFFF;
	(pc) =	sbr.abs _section_cstart, $3  }
0xc0: {  	[dreg:$0x1] =	wrdreg $0xFFFFFFFF  }
0xc1: {  	_ =	task.clear_ibuf [dreg:s6], $0x2FFFF;
	_ =	strace $0x9FFFFFFF  }
0xc2: {  	(tm) =	ssettm $0x7FFFFFFF  }
0xc3: {  	_ =	shalt  }
tec
execute0_lowered:
.L_overlay_start_1:
0x0: {  	(tag) =	ssettag $0x1  }
0x1: {  	s0 =	srdreg.scid;
	s5 =	rddreg [dreg:$0x0]  }
0x2: {  	s1 =	rddreg [dreg:$0x1];
	s8 =	stileid.u32;
	s2 =	simm.s32 $0x0  }
0x3: {  	s11 =	simm.s32 $0x80;
	s3 =	sand.u32 $0x1, s0;
	s0 =	rddreg [dreg:$0x2]  }
0x4: {  	s12 =	simm.s32 $0x0;
	[smem:$0x7FF] =	sst s2;
	p0 =	sne.s32 s8, $0x0  }
0x5: {  	s4 =	sshll.u32 s3, $0x4;
	_ =	strace $0x80000047;
	s6 =	smul.u32 $0x28000, s3  }
0x6: {  	s7 =	ssub.s32 $0x2, s3;
	s3 =	sadd.s32 $0x32C00, s5;
	s4 =	sor.u32 s8, s4  }
0x7: {  	s10 =	sshrl.u32 s7, $0x1;
	s8 =	simm.s32 $0x1;
	s4 =	smul.u32 $0x280, s4  }
0x8: {  	s6 =	sadd.s32 s6, s5;
	s7 =	ssub.s32 s7, s10;
	s10 =	sshrl.u32 @!p0 s1, $0x3  }
0x9: {  	s6 =	sadd.s32 $0x33400, s6;
	s7 =	smax.u32 s7, $0x1;
	s9 =	sadd.s32 s4, s5  }
0xa: {  	s4 =	sadd.s32 $0xAC00, s5;
	s5 =	sadd.s32 $0x5C00, s9;
	s9 =	simm.s32 $0x1400  }
.LBB2_1:
0xb: {  	[tilespmem:s2], [sflag:$0x1] =	stream.linear.gather [hbm4b:s5+s2], $0x1400, $0x38;
	[tilespmem:$0x19400] =	vst v63  }
0xc: {  	_ =	swait.ge [sflag:s8], $0x1400  }
0xd: {  	[sflag:s8] =	ssyncset.done $0x0  }
0xe: {  	[sflag:s8] =	ssyncadd.s32 $0xFFFFEC00  }
0xf: {  	[tilespmem:s9], [sflag:$0x1] =	stream.linear.gather [hbm4b:s3+s2], $0x4000, $0x38;
	[tilespmem:$0x19400] =	vst v63  }
0x10: {  	_ =	swait.ge [sflag:s8], $0x4000  }
0x11: {  	[sflag:s8] =	ssyncset.done $0x0  }
0x12: {  	s13 =	simm.s32 @!p0 $0x1C01;
	[sflag:s8] =	ssyncadd.s32 $0xFFFFC000  }
0x13: {  	[spmem:s10], [sflag:s13] =	dma.local @!p0 [hbm:s4], $0x28000  }
0x14: {  	s13 =	simm.s32 @!p0 $0x1  }
0x15: {  	_ =	swait.ge @!p0 [sflag:s13], $0x28000  }
0x16: {  	[sflag:s13] =	ssyncset.done @!p0 $0x0  }
0x17: {  	[sflag:s13] =	ssyncadd.s32 @!p0 $0xFFFD8000  }
0x18: {  	s31 =	simm.s32 $0x0;
	[bflag:$0x0] =	sbarrier.arrive $0xFFFF  }
0x19: {  	[spmem:s1] =	stream.indirect.scatter.add.f32 [tilespmem:s9], [sflag:$0x1], $0x80, s31, s11, $0xb8;
	[tilespmem:$0x19400] =	vst v63  }
0x1a: {  	_ =	swait.ge [sflag:s8], $0x4000  }
0x1b: {  	s13 =	simm.s32 $0x200;
	[sflag:s8] =	ssyncset.done $0x0  }
.LBB2_2:
0x1c: {  	s14 =	sshra.s32 s13, $0x2;
	[sflag:s8] =	ssyncadd.s32 $0xFFFFC000;
	p1 =	sne.s32 s13, $0x4E00  }
0x1d: {  	[spmem:s1] =	stream.indirect.scatter.add.f32 [tilespmem:s9], [sflag:$0x1], $0x80, s14, s11, $0xb8;
	[tilespmem:$0x19400] =	vst v63  }
.Ltmp0:
0x1e: {  	_ = 	snop;
	(pc) =	sbr.rel @p1 .LBB2_2-.Ltmp0, $4  }
0x1f: {  	_ = 	snop  }
0x20: {  	s13 =	sadd.s32 $0x200, s13  }
0x21: {  	_ =	swait.ge [sflag:s8], $0x4000  }
0x22: {  	[sflag:s8] =	ssyncset.done $0x0  }
0x23: {  	[sflag:s8] =	ssyncadd.s32 $0xFFFFC000;
	s12 =	sadd.s32 $0x1, s12  }
0x24: {  	s13 =	simm.s32 @!p0 $0x1C01;
	[bflag:$0x0] =	sbarrier.arrive $0xFFFF;
	p1 =	sne.s32 s12, s7  }
0x25: {  	[hbm:s6], [sflag:s13] =	dma.local @!p0 [spmem:s10], $0x28000  }
.Ltmp1:
0x26: {  	_ = 	snop;
	(pc) =	sbr.rel @p1 .LBB2_1-.Ltmp1, $4  }
0x27: {  	s13 =	simm.s32 @!p0 $0x1  }
0x28: {  	_ =	swait.ge @!p0 [sflag:s13], $0x28000  }
0x29: {  	[sflag:s13] =	ssyncset.done @!p0 $0x0  }
0x2a: {  	[sflag:s13] =	ssyncadd.s32 @!p0 $0xFFFD8000  }
0x2b: {  	_ =	sfence.sel $0x180000  }
0x2c: {  	[bflag:$0x0] =	sbarrier.arrive $0xFFFF  }
0x2d: {  	_ =	strace $0x90000047  }
0x2e: {  	s0 =	sadd.s32 @!p0 $0x100000, s0;
	[bflag:$0x2] =	sbarrier.arrive $0xFFFF  }
0x2f: {  	[sflag:s0] =	ssyncadd.tile.s32 @!p0 $0x1;
	_ =	shalt  }
.Lfunc_end2:
_tile_overlayer_lowered:
.L_overlay_start_2:
0x30: {  	(tag) =	ssettag $0x2  }
0x31: {  	s0 =	rddreg [dreg:$0x0];
	s2 =	stileid.u32  }
0x32: {  	s1 =	rddreg [dreg:$0x1];
	p0 =	sne.s32 s2, $0x0  }
0x33: {  	s3 =	rddreg [dreg:$0x2];
	[bflag:$0x3] =	sbarrier.arrive $0xFFFF;
	s2 =	simm.s32 @!p0 $0x1C01  }
0x34: {  	[timem:s3], [sflag:s2] =	dma.local @!p0 [hbm:s0], s1  }
0x35: {  	s0 =	simm.s32 @!p0 $0x1  }
0x36: {  	_ =	swait.ge @!p0 [sflag:s0], s1  }
0x37: {  	s1 =	ssub.s32 @!p0 $0x0, s1;
	[sflag:s0] =	ssyncset.done @!p0 $0x0  }
0x38: {  	[sflag:s0] =	ssyncadd.s32 @!p0 s1  }
0x39: {  	[bflag:$0x3] =	sbarrier.arrive $0xFFFF  }
0x3a: {  	_ =	shalt  }

// kernel: kernel.14.cloned.1.call-start
scs
__scs_entry_jumppad:
0x0: {  	(pc) =	sbr.rel $0x88, $3  }
0x1: {  	(tag) =	ssettag $0x0;
	lr =	simm.s32 $0x1  }
0x2: {  	[smem:$0x3F89] =	sst lr;
	_ =	strace $0xD0000000  }
0x3: {  	_ = 	snop  }
0x4: {  	_ = 	snop  }
0x5: {  	_ = 	snop  }
0x6: {  	_ = 	snop  }
0x7: {  	_ = 	snop  }
__scs_overlays_trampoline_lowered:
0x8: {  	[smem:$0x3F98] =	sst s0  }
0x9: {  	[smem:$0x3F99] =	sst s1  }
0xa: {  	[smem:$0x3F9A] =	sst s2  }
0xb: {  	[smem:$0x3F9B] =	sst s3  }
0xc: {  	[smem:$0x3F9C] =	sst s4  }
0xd: {  	[smem:$0x3F9D] =	sst s5  }
0xe: {  	[smem:$0x3F9E] =	sst s6  }
0xf: {  	[smem:$0x3F9F] =	sst s7  }
0x10: {  	[smem:$0x3FA0] =	sst s8  }
0x11: {  	[smem:$0x3FA1] =	sst s9;
	s0 =	simm.s32 @!p0 $0x0  }
0x12: {  	s1 =	sld [smem:$0x3F87];
	s0 =	simm.s32 @p0 $0x1  }
0x13: {  	[smem:$0x3FA2] =	sst s0;
	s0 =	simm.s32 @!p1 $0x0  }
0x14: {  	s2 =	sld [smem:$0x3F86];
	s0 =	simm.s32 @p1 $0x1  }
0x15: {  	[smem:$0x3FA3] =	sst s0;
	s0 =	simm.s32 @!p2 $0x0  }
0x16: {  	s3 =	sld [smem:$0x3FDB];
	s0 =	simm.s32 @p2 $0x1  }
0x17: {  	s4 =	simm.s32 $0x1BF5;
	[smem:$0x3FA5] =	sst s0  }
0x18: {  	s0 =	sld [smem:$0x3F88];
	_ =	swait.ge [sflag:s4], $0x0  }
0x19: {  	s7 =	sld [smem:$0x3F89]  }
0x1a: {  	s8 =	sadd.s32 $0xFFFFE003, lr  }
0x1b: {  	s9 =	sadd.s32 $0xFFFFFEF7, lr;
	s5 =	simm.s32 $0xFFFFFFFF;
	p2 =	slt.u32 s8, $0xFFFFF086  }
0x1c: {  	p1 =	slt.u32 s9, $0xF7A;
	s5 =	simm.s32 @!p2 $0x0  }
0x1d: {  	s5 =	simm.s32 @p1 $0x1;
	p0 =	seq.s32 s7, s2  }
0x1e: {  	s7 =	smul.u32 @!p0 $0xF7A, s2;
	p2 =	seq.s32 @!p0 s5, $0x0  }
0x1f: {  	s9 =	smul.u32 $0xF7A, s1;
	s8 =	simm.s32 @!p0 $0x1BF5;
	p2 =	por !p2, p0  }
0x20: {  	[sflag:s8] =	ssyncset.s32 @!p0 $0xFFFFF086;
	s6 =	sadd.s32 @!p0 s3, s7;
	s7 =	simm.s32 @!p0 $0x108  }
0x21: {  	s3 =	sadd.s32 s3, s9;
	s6 =	sadd.s32 @!p0 $0x88, s6;
	s7 =	simm.s32 @p2 $0x1082  }
0x22: {  	[simem:s7], [sflag:s8] =	dma.local @!p0 [hbm:s6], $0xF7A  }
0x23: {  	s9 =	sor.u32 $0xD0000000, s2;
	s6 =	simm.s32 $0x108;
	_ =	swait.ge @!p0 [sflag:s8], $0x0  }
0x24: {  	s3 =	sadd.s32 $0x88, s3;
	s6 =	simm.s32 @!p1 $0x1082;
	[sflag:s4] =	ssyncset.s32 $0xFFFFF086  }
0x25: {  	[simem:s6], [sflag:s4] =	dma.local [hbm:s3], $0xF7A  }
0x26: {  	[smem:$0x3F89] =	sst s1;
	(tag) =	ssettag s2;
	_ =	strace s9  }
0x27: {  	s1 =	sld [smem:$0x3F99]  }
0x28: {  	s2 =	sld [smem:$0x3F9A]  }
0x29: {  	s4 =	sld [smem:$0x3F9C]  }
0x2a: {  	p0 =	seq.s32 s5, $0x0;
	s5 =	sld [smem:$0x3F9D]  }
0x2b: {  	s6 =	sld [smem:$0x3F9E]  }
0x2c: {  	s7 =	sld [smem:$0x3F9F]  }
0x2d: {  	s3 =	simm.s32 $0x108;
	s8 =	sld [smem:$0x3FA0]  }
0x2e: {  	s3 =	simm.s32 @!p0 $0x1082;
	s9 =	sld [smem:$0x3FA1]  }
0x2f: {  	lr =	sadd.s32 s0, s3;
	s0 =	sld [smem:$0x3F98]  }
0x30: {  	s3 =	sld [smem:$0x3F9B]  }
0x31: {  	[smem:$0x3FA4] =	sst s10  }
0x32: {  	s10 =	sld [smem:$0x3FA2];
	_ =	sdelay $0x3  }
0x33: {  	p0 =	seq.s32 s10, $0x1;
	s10 =	sld [smem:$0x3FA4];
	_ =	sdelay $0x3  }
0x34: {  	[smem:$0x3FA4] =	sst s10  }
0x35: {  	s10 =	sld [smem:$0x3FA3];
	_ =	sdelay $0x3  }
0x36: {  	p1 =	seq.s32 s10, $0x1;
	s10 =	sld [smem:$0x3FA4];
	_ =	sdelay $0x3  }
0x37: {  	[smem:$0x3FA4] =	sst s10  }
0x38: {  	s10 =	sld [smem:$0x3FA5]  }
0x39: {  	_ = 	snop;
	(pc) =	sbr.ind lr, $3  }
0x3a: {  	_ = 	snop  }
0x3b: {  	_ = 	snop  }
0x3c: {  	p2 =	seq.s32 s10, $0x1;
	s10 =	sld [smem:$0x3FA4]  }
0x3d: {  	_ =	shalt  }
0x3e: {  	_ =	shalt  }
0x3f: {  	_ =	shalt  }
0x40: {  	_ =	shalt  }
0x41: {  	_ =	shalt  }
0x42: {  	_ =	shalt  }
0x43: {  	_ =	shalt  }
0x44: {  	_ =	shalt  }
0x45: {  	_ =	shalt  }
0x46: {  	_ =	shalt  }
0x47: {  	_ =	shalt  }
0x48: {  	_ =	shalt  }
0x49: {  	_ =	shalt  }
0x4a: {  	_ =	shalt  }
0x4b: {  	_ =	shalt  }
0x4c: {  	_ =	shalt  }
0x4d: {  	_ =	shalt  }
0x4e: {  	_ =	shalt  }
0x4f: {  	_ =	shalt  }
0x50: {  	_ =	shalt  }
0x51: {  	_ =	shalt  }
0x52: {  	_ =	shalt  }
0x53: {  	_ =	shalt  }
0x54: {  	_ =	shalt  }
0x55: {  	_ =	shalt  }
0x56: {  	_ =	shalt  }
0x57: {  	_ =	shalt  }
0x58: {  	_ =	shalt  }
0x59: {  	_ =	shalt  }
0x5a: {  	_ =	shalt  }
0x5b: {  	_ =	shalt  }
0x5c: {  	_ =	shalt  }
0x5d: {  	_ =	shalt  }
0x5e: {  	_ =	shalt  }
0x5f: {  	_ =	shalt  }
0x60: {  	_ =	shalt  }
0x61: {  	_ =	shalt  }
0x62: {  	_ =	shalt  }
0x63: {  	_ =	shalt  }
0x64: {  	_ =	shalt  }
0x65: {  	_ =	shalt  }
0x66: {  	_ =	shalt  }
0x67: {  	_ =	shalt  }
0x68: {  	_ =	shalt  }
0x69: {  	_ =	shalt  }
0x6a: {  	_ =	shalt  }
0x6b: {  	_ =	shalt  }
0x6c: {  	_ =	shalt  }
0x6d: {  	_ =	shalt  }
0x6e: {  	_ =	shalt  }
0x6f: {  	_ =	shalt  }
0x70: {  	_ =	shalt  }
0x71: {  	_ =	shalt  }
0x72: {  	_ =	shalt  }
0x73: {  	_ =	shalt  }
0x74: {  	_ =	shalt  }
0x75: {  	_ =	shalt  }
0x76: {  	_ =	shalt  }
0x77: {  	_ =	shalt  }
0x78: {  	_ =	shalt  }
0x79: {  	_ =	shalt  }
0x7a: {  	_ =	shalt  }
0x7b: {  	_ =	shalt  }
0x7c: {  	_ =	shalt  }
0x7d: {  	_ =	shalt  }
0x7e: {  	_ =	shalt  }
0x7f: {  	_ =	shalt  }
0x80: {  	_ =	shalt  }
0x81: {  	_ =	shalt  }
0x82: {  	_ =	shalt  }
0x83: {  	_ =	shalt  }
0x84: {  	_ =	shalt  }
0x85: {  	_ =	shalt  }
0x86: {  	_ =	shalt  }
0x87: {  	_ =	shalt  }
.Lfunc_end0:
.L_simem_size_0:
called_computation.1_lowered:
.L_overlay_start_0:
0x88: {  	s2 =	sld [smem:$0x3FD9]  }
0x89: {  	s3 =	sld [smem:$0x3FFE];
	_ =	sdelay $0x1  }
0x8a: {  	s1 =	srdreg.scid  }
0x8b: {  	s0 =	sand.u32 $0x1, s1  }
0x8c: {  	s16 =	sshll.u32 s0, $0xA;
	s2 =	sadd.s32 s3, s2  }
0x8d: {  	s2 =	sadd.s32 s2, s16  }
0x8e: {  	[smem:$0x3FB0] =	sst s2  }
0x8f: {  	_ = 	snop  }
0x90: {  	(tm) =	ssettm $0x1  }
0x91: {  	s17 =	sld [smem:$0x3FFB];
	_ =	sdelay $0x3  }
0x92: {  	_ =	strace s17  }
0x93: {  	s2 =	sld [smem:$0x3FFC];
	_ =	sdelay $0x3  }
0x94: {  	_ =	strace s2  }
0x95: {  	s2 =	sld [smem:$0x3FFD];
	_ =	sdelay $0x3  }
0x96: {  	_ =	strace s2  }
0x97: {  	_ =	strace $0x8FFFFFFF  }
0x98: {  	s18 =	sld [smem:$0x3FDB];
	_ =	sdelay $0x1  }
0x99: {  	s19 =	simm.s32 $_scs_section_size  }
0x9a: {  	s4 =	simm.s32 $_size__tile_overlayer_lowered;
	s5 =	simm.s32 $_tile_overlayer_lowered  }
0x9b: {  	s22 =	simm.s32 $0x1BFF;
	s21 =	sshll.u32 s5, $0x1;
	s2 =	sadd.s32 s19, s18  }
0x9c: {  	s6 =	simm.s32 $0x0;
	s20 =	sshll.u32 s4, $0x1;
	s4 =	sadd.s32 s21, s2  }
0x9d: {  	[timem:s6], [sflag:s22] =	dma.local [hbm:s4], s20  }
0x9e: {  	_ =	swait.ge [sflag:s22], s20  }
0x9f: {  	s3 =	ssub.s32 $0x0, s20;
	[sflag:s22] =	ssyncset.done $0x0  }
0xa0: {  	[sflag:s22] =	ssyncadd.s32 s3;
	_ =	sdelay $0x1  }
0xa1: {  	s23 =	simm.s32 $0x1B8B  }
0xa2: {  	_ =	swait.ge [sflag:s23], $0x1  }
0xa3: {  	[sflag:s23] =	ssyncset.done $0x0  }
0xa4: {  	s25 =	simm.s32 $0x1B8E;
	s24 =	sld [smem:$0x3FFE];
	[sflag:s23] =	ssyncadd.s32 $0xFFFFFFFF  }
0xa5: {  	s26 =	simm.s32 $execute0_lowered;
	[smem:$0x3FD2] =	sst s25  }
0xa6: {  	s4 =	sshll.u32 s26, $0x1;
	_ =	strace $0x80000049;
	[dreg:$0x1] =	wrdreg $0xFFFFFFFF  }
0xa7: {  	s28 =	simm.s32 $_size_execute0_lowered;
	s2 =	sadd.s32 s2, s4;
	[dreg:$0x0] =	wrdreg $0x0  }
0xa8: {  	s4 =	sshll.u32 s28, $0x1;
	[dreg:$0x2] =	wrdreg s2  }
0xa9: {  	[dreg:$0x3] =	wrdreg s4  }
0xaa: {  	[dreg:$0x4] =	wrdreg $0xC0  }
0xab: {  	_ =	task [dreg:s6], $0x5FFFF  }
0xac: {  	[dreg:$0x1] =	wrdreg $0xFFFFFFFF  }
0xad: {  	[dreg:$0x0] =	wrdreg $0x60  }
0xae: {  	[dreg:$0x2] =	wrdreg s24  }
0xaf: {  	[dreg:$0x3] =	wrdreg $0xA8000  }
0xb0: {  	[dreg:$0x4] =	wrdreg $0x9  }
0xb1: {  	_ =	task.clear_ibuf [dreg:s6], $0x5FFFF;
	_ =	strace $0x90000049  }
0xb2: {  	s29 =	simm.s32 $0x9;
	_ =	strace $0x8000004B  }
0xb3: {  	_ =	swait.ge [sflag:s29], $0x1  }
0xb4: {  	[sflag:s29] =	ssyncadd.s32 $0xFFFFFFFF  }
0xb5: {  	_ =	strace $0x9000004B  }
0xb6: {  	_ =	sfence  }
0xb7: {  	s30 =	sld [smem:$0x0];
	_ =	sdelay $0x2  }
0xb8: {  	s31 =	sshll.u32 s1, $0xD;
	s1 =	sshrl.u32 s1, $0x2  }
0xb9: {  	s3 =	sand.u32 $0x4000, s31;
	s1 =	sadd.s32 s1, s30  }
0xba: {  	s0 =	sor.u32 s3, s0;
	s1 =	sshll.u32 s1, $0x11  }
0xbb: {  	s0 =	sor.u32 s1, s0  }
0xbc: {  	s0 =	sadd.s32 $0x8F2B, s0  }
0xbd: {  	[sflag:s0] =	ssyncadd.remote.s32 $0x1  }
0xbe: {  	_ =	sfence.sel $0xFFFF  }
0xbf: {  	[dreg:$0x0] =	wrdreg $0xFFFFFFFF;
	(pc) =	sbr.abs _section_cstart, $3  }
0xc0: {  	[dreg:$0x1] =	wrdreg $0xFFFFFFFF  }
0xc1: {  	_ =	task.clear_ibuf [dreg:s6], $0x2FFFF;
	_ =	strace $0x9FFFFFFF  }
0xc2: {  	(tm) =	ssettm $0x7FFFFFFF  }
0xc3: {  	_ =	shalt  }
tec
execute0_lowered:
.L_overlay_start_1:
0x0: {  	(tag) =	ssettag $0x1  }
0x1: {  	s8 =	rddreg [dreg:$0x0]  }
0x2: {  	s1 =	rddreg [dreg:$0x1]  }
0x3: {  	s3 =	srdreg.scid;
	s0 =	rddreg [dreg:$0x2];
	s2 =	simm.s32 $0x0  }
0x4: {  	s12 =	stileid.u32;
	s15 =	simm.s32 $0x80;
	s16 =	simm.s32 $0x2800  }
0x5: {  	s17 =	simm.s32 $0x1;
	s18 =	simm.s32 $0x6800;
	s19 =	simm.s32 $0x3  }
0x6: {  	s20 =	simm.s32 $0x2;
	s21 =	simm.s32 $0x1380;
	s22 =	simm.s32 $0x2700  }
0x7: {  	s23 =	simm.s32 $0x2780;
	s24 =	simm.s32 $0x0;
	s6 =	sand.u32 $0x1, s3  }
0x8: {  	[smem:$0x7FF] =	sst s2;
	s4 =	sadd.s32 $0x5AC00, s8;
	p0 =	sne.s32 s12, $0x0  }
0x9: {  	s3 =	sshll.u32 s6, $0x4;
	_ =	strace $0x8000004A;
	s9 =	smul.u32 $0xA0000, s6  }
0xa: {  	s10 =	ssub.s32 $0x2, s6;
	s6 =	sadd.s32 $0x218400, s8;
	s5 =	sor.u32 s12, s3  }
0xb: {  	s3 =	sadd.s32 $0x32C00, s8;
	s13 =	sshrl.u32 s10, $0x1;
	s7 =	smul.u32 $0x280, s5  }
0xc: {  	s12 =	simm.s32 $0x4;
	s5 =	sadd.s32 $0x82C00, s8;
	s14 =	sadd.s32 s9, s8  }
0xd: {  	s13 =	ssub.s32 s10, s13;
	s10 =	sadd.s32 $0xAAC00, s14;
	s11 =	sadd.s32 s7, s8  }
0xe: {  	s14 =	sshrl.u32 @!p0 s1, $0x3;
	s7 =	sadd.s32 $0xAC00, s8;
	s8 =	sadd.s32 $0x213400, s11  }
0xf: {  	s9 =	sadd.s32 $0x5C00, s11;
	s11 =	smax.u32 s13, $0x1;
	s13 =	simm.s32 $0x1400  }
.LBB2_1:
0x10: {  	[tilespmem:s2], [sflag:$0x4] =	stream.linear.gather [hbm4b:s8+s2], $0x1400, $0x38;
	[tilespmem:$0x1E800] =	vst v63  }
0x11: {  	_ =	swait.ge [sflag:s12], $0x1400  }
0x12: {  	[sflag:s12] =	ssyncset.done $0x0  }
0x13: {  	[sflag:s12] =	ssyncadd.s32 $0xFFFFEC00  }
0x14: {  	[tilespmem:s13], [sflag:$0x4] =	stream.linear.gather [hbm4b:s9+s2], $0x1400, $0x38;
	[tilespmem:$0x1E800] =	vst v63  }
0x15: {  	_ =	swait.ge [sflag:s12], $0x1400  }
0x16: {  	[sflag:s12] =	ssyncset.done $0x0  }
0x17: {  	s25 =	simm.s32 @!p0 $0x1C04;
	[sflag:s12] =	ssyncadd.s32 $0xFFFFEC00  }
0x18: {  	[spmem:s14], [sflag:s25] =	dma.local @!p0 [hbm:s7], $0x28000  }
0x19: {  	s25 =	simm.s32 @!p0 $0x4  }
0x1a: {  	_ =	swait.ge @!p0 [sflag:s25], $0x28000  }
0x1b: {  	[sflag:s25] =	ssyncset.done @!p0 $0x0  }
0x1c: {  	[sflag:s25] =	ssyncadd.s32 @!p0 $0xFFFD8000  }
0x1d: {  	[bflag:$0x0] =	sbarrier.arrive $0xFFFF  }
0x1e: {  	[tilespmem:s16], [sflag:$0x1] =	stream.indirect.gather [hbm4b:s3+s15], $0x80, s2, s15, $0xb8;
	[tilespmem:$0x1E800] =	vst v63  }
0x1f: {  	_ =	swait.ge [sflag:s17], $0x4000  }
0x20: {  	[sflag:s17] =	ssyncset.done $0x0  }
0x21: {  	s28 =	simm.s32 $0x80;
	[sflag:s17] =	ssyncadd.s32 $0xFFFFC000  }
0x22: {  	[tilespmem:s18], [sflag:$0x2] =	stream.indirect.gather [hbm4b:s3+s15], $0x80, s28, s15, $0xb8;
	[tilespmem:$0x1E800] =	vst v63  }
0x23: {  	s29 =	simm.s32 $0x1400  }
0x24: {  	[spmem:s1] =	stream.indirect.scatter.add.f32 [tilespmem:s16], [sflag:$0x3], $0x80, s29, s15, $0xb8;
	[tilespmem:$0x1E800] =	vst v63  }
0x25: {  	_ =	swait.ge [sflag:s19], $0x4000  }
0x26: {  	[sflag:s19] =	ssyncset.done $0x0  }
0x27: {  	[sflag:s19] =	ssyncadd.s32 $0xFFFFC000  }
0x28: {  	_ =	swait.ge [sflag:s20], $0x4000  }
0x29: {  	[sflag:s20] =	ssyncset.done $0x0  }
0x2a: {  	s30 =	simm.s32 $0x100;
	[sflag:s20] =	ssyncadd.s32 $0xFFFFC000  }
0x2b: {  	[tilespmem:s16], [sflag:$0x1] =	stream.indirect.gather [hbm4b:s3+s15], $0x80, s30, s15, $0xb8;
	[tilespmem:$0x1E800] =	vst v63  }
0x2c: {  	s31 =	simm.s32 $0x1480  }
0x2d: {  	[spmem:s1] =	stream.indirect.scatter.add.f32 [tilespmem:s18], [sflag:$0x3], $0x80, s31, s15, $0xb8;
	[tilespmem:$0x1E800] =	vst v63  }
0x2e: {  	_ =	swait.ge [sflag:s19], $0x4000  }
0x2f: {  	s25 =	simm.s32 $0x400;
	[sflag:s19] =	ssyncset.done $0x0  }
.LBB2_2:
0x30: {  	p1 =	sne.s32 s25, $0x4800  }
0x31: {  	[sflag:s19] =	ssyncadd.s32 $0xFFFFC000;
	s26 =	smov.u32 s25;
	s25 =	sadd.s32 $0x400, s25  }
0x32: {  	_ = 	snop  }
0x33: {  	_ =	swait.ge [sflag:s17], $0x4000  }
0x34: {  	s26 =	sshra.s32 s26, $0x2;
	[sflag:s17] =	ssyncset.done $0x0  }
0x35: {  	s28 =	sadd.s32 $0x80, s26;
	[sflag:s17] =	ssyncadd.s32 $0xFFFFC000  }
0x36: {  	[tilespmem:s18], [sflag:$0x2] =	stream.indirect.gather [hbm4b:s3+s15], $0x80, s28, s15, $0xb8;
	[tilespmem:$0x1E800] =	vst v63  }
0x37: {  	s28 =	sadd.s32 $0x1400, s26  }
0x38: {  	[spmem:s1] =	stream.indirect.scatter.add.f32 [tilespmem:s16], [sflag:$0x3], $0x80, s28, s15, $0xb8;
	[tilespmem:$0x1E800] =	vst v63  }
0x39: {  	_ =	swait.ge [sflag:s19], $0x4000  }
0x3a: {  	[sflag:s19] =	ssyncset.done $0x0  }
0x3b: {  	[sflag:s19] =	ssyncadd.s32 $0xFFFFC000  }
0x3c: {  	_ =	swait.ge [sflag:s20], $0x4000  }
0x3d: {  	[sflag:s20] =	ssyncset.done $0x0  }
0x3e: {  	s28 =	sadd.s32 $0x100, s26;
	[sflag:s20] =	ssyncadd.s32 $0xFFFFC000  }
0x3f: {  	[tilespmem:s16], [sflag:$0x1] =	stream.indirect.gather [hbm4b:s3+s15], $0x80, s28, s15, $0xb8;
	[tilespmem:$0x1E800] =	vst v63  }
.Ltmp0:
0x40: {  	_ = 	snop;
	(pc) =	sbr.rel @p1 .LBB2_2-.Ltmp0, $4  }
0x41: {  	s26 =	sadd.s32 $0x1480, s26  }
0x42: {  	[spmem:s1] =	stream.indirect.scatter.add.f32 [tilespmem:s18], [sflag:$0x3], $0x80, s26, s15, $0xb8;
	[tilespmem:$0x1E800] =	vst v63  }
0x43: {  	_ =	swait.ge [sflag:s19], $0x4000  }
0x44: {  	[sflag:s19] =	ssyncset.done $0x0  }
0x45: {  	[sflag:s19] =	ssyncadd.s32 $0xFFFFC000  }
0x46: {  	_ =	swait.ge [sflag:s17], $0x4000  }
0x47: {  	[sflag:s17] =	ssyncset.done $0x0  }
0x48: {  	[sflag:s17] =	ssyncadd.s32 $0xFFFFC000  }
0x49: {  	[tilespmem:s18], [sflag:$0x2] =	stream.indirect.gather [hbm4b:s3+s15], $0x80, s21, s15, $0xb8;
	[tilespmem:$0x1E800] =	vst v63  }
0x4a: {  	_ = 	snop  }
0x4b: {  	[spmem:s1] =	stream.indirect.scatter.add.f32 [tilespmem:s16], [sflag:$0x3], $0x80, s22, s15, $0xb8;
	[tilespmem:$0x1E800] =	vst v63  }
0x4c: {  	_ =	swait.ge [sflag:s19], $0x4000  }
0x4d: {  	[sflag:s19] =	ssyncset.done $0x0  }
0x4e: {  	[sflag:s19] =	ssyncadd.s32 $0xFFFFC000  }
0x4f: {  	_ =	swait.ge [sflag:s20], $0x4000  }
0x50: {  	[sflag:s20] =	ssyncset.done $0x0  }
0x51: {  	[sflag:s20] =	ssyncadd.s32 $0xFFFFC000  }
0x52: {  	[tilespmem:s16], [sflag:$0x1] =	stream.indirect.gather [hbm4b:s3+s15], $0x80, s21, s15, $0xb8;
	[tilespmem:$0x1E800] =	vst v63  }
0x53: {  	_ = 	snop  }
0x54: {  	[spmem:s1] =	stream.indirect.scatter.add.f32 [tilespmem:s18], [sflag:$0x3], $0x80, s23, s15, $0xb8;
	[tilespmem:$0x1E800] =	vst v63  }
0x55: {  	_ =	swait.ge [sflag:s19], $0x4000  }
0x56: {  	[sflag:s19] =	ssyncset.done $0x0  }
0x57: {  	[sflag:s19] =	ssyncadd.s32 $0xFFFFC000  }
0x58: {  	_ =	swait.ge [sflag:s17], $0x4000  }
0x59: {  	[sflag:s17] =	ssyncset.done $0x0  }
0x5a: {  	[sflag:s17] =	ssyncadd.s32 $0xFFFFC000  }
0x5b: {  	[bflag:$0x0] =	sbarrier.arrive $0xFFFF  }
0x5c: {  	s25 =	simm.s32 @!p0 $0x1C04;
	s26 =	simm.s32 @!p0 $0x4;
	[bflag:$0x0] =	sbarrier.arrive @p0 $0xFFFF  }
0x5d: {  	[hbm:s10], [sflag:s25] =	dma.local @!p0 [spmem:s14], $0x28000  }
0x5e: {  	_ =	swait.ge @!p0 [sflag:s26], $0x28000  }
0x5f: {  	[sflag:s26] =	ssyncset.done @!p0 $0x0  }
0x60: {  	[sflag:s26] =	ssyncadd.s32 @!p0 $0xFFFD8000  }
0x61: {  	[bflag:$0x0] =	sbarrier.arrive @!p0 $0xFFFF  }
0x62: {  	[spmem:s14], [sflag:s25] =	dma.local @!p0 [hbm:s7], $0x28000  }
0x63: {  	_ =	swait.ge @!p0 [sflag:s26], $0x28000  }
0x64: {  	[sflag:s26] =	ssyncset.done @!p0 $0x0  }
0x65: {  	[sflag:s26] =	ssyncadd.s32 @!p0 $0xFFFD8000  }
0x66: {  	s26 =	simm.s32 $0x0;
	[bflag:$0x0] =	sbarrier.arrive $0xFFFF  }
0x67: {  	[tilespmem:s16], [sflag:$0x1] =	stream.indirect.gather [hbm4b:s4+s15], $0x80, s26, s15, $0xb8;
	[tilespmem:$0x1E800] =	vst v63  }
0x68: {  	_ =	swait.ge [sflag:s17], $0x4000  }
0x69: {  	[sflag:s17] =	ssyncset.done $0x0  }
0x6a: {  	s28 =	simm.s32 $0x80;
	[sflag:s17] =	ssyncadd.s32 $0xFFFFC000  }
0x6b: {  	[tilespmem:s18], [sflag:$0x2] =	stream.indirect.gather [hbm4b:s4+s15], $0x80, s28, s15, $0xb8;
	[tilespmem:$0x1E800] =	vst v63  }
0x6c: {  	s29 =	simm.s32 $0x1400  }
0x6d: {  	[spmem:s1] =	stream.indirect.scatter.add.f32 [tilespmem:s16], [sflag:$0x3], $0x80, s29, s15, $0xb8;
	[tilespmem:$0x1E800] =	vst v63  }
0x6e: {  	_ =	swait.ge [sflag:s19], $0x4000  }
0x6f: {  	[sflag:s19] =	ssyncset.done $0x0  }
0x70: {  	[sflag:s19] =	ssyncadd.s32 $0xFFFFC000  }
0x71: {  	_ =	swait.ge [sflag:s20], $0x4000  }
0x72: {  	[sflag:s20] =	ssyncset.done $0x0  }
0x73: {  	s30 =	simm.s32 $0x100;
	[sflag:s20] =	ssyncadd.s32 $0xFFFFC000  }
0x74: {  	[tilespmem:s16], [sflag:$0x1] =	stream.indirect.gather [hbm4b:s4+s15], $0x80, s30, s15, $0xb8;
	[tilespmem:$0x1E800] =	vst v63  }
0x75: {  	s31 =	simm.s32 $0x1480  }
0x76: {  	[spmem:s1] =	stream.indirect.scatter.add.f32 [tilespmem:s18], [sflag:$0x3], $0x80, s31, s15, $0xb8;
	[tilespmem:$0x1E800] =	vst v63  }
0x77: {  	_ =	swait.ge [sflag:s19], $0x4000  }
0x78: {  	s25 =	simm.s32 $0x400;
	[sflag:s19] =	ssyncset.done $0x0  }
.LBB2_4:
0x79: {  	p1 =	sne.s32 s25, $0x4800  }
0x7a: {  	[sflag:s19] =	ssyncadd.s32 $0xFFFFC000;
	s26 =	smov.u32 s25;
	s25 =	sadd.s32 $0x400, s25  }
0x7b: {  	_ = 	snop  }
0x7c: {  	_ =	swait.ge [sflag:s17], $0x4000  }
0x7d: {  	s26 =	sshra.s32 s26, $0x2;
	[sflag:s17] =	ssyncset.done $0x0  }
0x7e: {  	s28 =	sadd.s32 $0x80, s26;
	[sflag:s17] =	ssyncadd.s32 $0xFFFFC000  }
0x7f: {  	[tilespmem:s18], [sflag:$0x2] =	stream.indirect.gather [hbm4b:s4+s15], $0x80, s28, s15, $0xb8;
	[tilespmem:$0x1E800] =	vst v63  }
0x80: {  	s28 =	sadd.s32 $0x1400, s26  }
0x81: {  	[spmem:s1] =	stream.indirect.scatter.add.f32 [tilespmem:s16], [sflag:$0x3], $0x80, s28, s15, $0xb8;
	[tilespmem:$0x1E800] =	vst v63  }
0x82: {  	_ =	swait.ge [sflag:s19], $0x4000  }
0x83: {  	[sflag:s19] =	ssyncset.done $0x0  }
0x84: {  	[sflag:s19] =	ssyncadd.s32 $0xFFFFC000  }
0x85: {  	_ =	swait.ge [sflag:s20], $0x4000  }
0x86: {  	[sflag:s20] =	ssyncset.done $0x0  }
0x87: {  	s28 =	sadd.s32 $0x100, s26;
	[sflag:s20] =	ssyncadd.s32 $0xFFFFC000  }
0x88: {  	[tilespmem:s16], [sflag:$0x1] =	stream.indirect.gather [hbm4b:s4+s15], $0x80, s28, s15, $0xb8;
	[tilespmem:$0x1E800] =	vst v63  }
.Ltmp1:
0x89: {  	_ = 	snop;
	(pc) =	sbr.rel @p1 .LBB2_4-.Ltmp1, $4  }
0x8a: {  	s26 =	sadd.s32 $0x1480, s26  }
0x8b: {  	[spmem:s1] =	stream.indirect.scatter.add.f32 [tilespmem:s18], [sflag:$0x3], $0x80, s26, s15, $0xb8;
	[tilespmem:$0x1E800] =	vst v63  }
0x8c: {  	_ =	swait.ge [sflag:s19], $0x4000  }
0x8d: {  	[sflag:s19] =	ssyncset.done $0x0  }
0x8e: {  	[sflag:s19] =	ssyncadd.s32 $0xFFFFC000  }
0x8f: {  	_ =	swait.ge [sflag:s17], $0x4000  }
0x90: {  	[sflag:s17] =	ssyncset.done $0x0  }
0x91: {  	[sflag:s17] =	ssyncadd.s32 $0xFFFFC000  }
0x92: {  	[tilespmem:s18], [sflag:$0x2] =	stream.indirect.gather [hbm4b:s4+s15], $0x80, s21, s15, $0xb8;
	[tilespmem:$0x1E800] =	vst v63  }
0x93: {  	_ = 	snop  }
0x94: {  	[spmem:s1] =	stream.indirect.scatter.add.f32 [tilespmem:s16], [sflag:$0x3], $0x80, s22, s15, $0xb8;
	[tilespmem:$0x1E800] =	vst v63  }
0x95: {  	_ =	swait.ge [sflag:s19], $0x4000  }
0x96: {  	[sflag:s19] =	ssyncset.done $0x0  }
0x97: {  	[sflag:s19] =	ssyncadd.s32 $0xFFFFC000  }
0x98: {  	_ =	swait.ge [sflag:s20], $0x4000  }
0x99: {  	[sflag:s20] =	ssyncset.done $0x0  }
0x9a: {  	[sflag:s20] =	ssyncadd.s32 $0xFFFFC000  }
0x9b: {  	[tilespmem:s16], [sflag:$0x1] =	stream.indirect.gather [hbm4b:s4+s15], $0x80, s21, s15, $0xb8;
	[tilespmem:$0x1E800] =	vst v63  }
0x9c: {  	_ = 	snop  }
0x9d: {  	[spmem:s1] =	stream.indirect.scatter.add.f32 [tilespmem:s18], [sflag:$0x3], $0x80, s23, s15, $0xb8;
	[tilespmem:$0x1E800] =	vst v63  }
0x9e: {  	_ =	swait.ge [sflag:s19], $0x4000  }
0x9f: {  	[sflag:s19] =	ssyncset.done $0x0  }
0xa0: {  	[sflag:s19] =	ssyncadd.s32 $0xFFFFC000  }
0xa1: {  	_ =	swait.ge [sflag:s17], $0x4000  }
0xa2: {  	[sflag:s17] =	ssyncset.done $0x0  }
0xa3: {  	[sflag:s17] =	ssyncadd.s32 $0xFFFFC000  }
0xa4: {  	[bflag:$0x0] =	sbarrier.arrive $0xFFFF  }
0xa5: {  	s25 =	sadd.s32 @!p0 $0x28000, s10;
	s26 =	simm.s32 @!p0 $0x1C04;
	[bflag:$0x0] =	sbarrier.arrive @p0 $0xFFFF  }
0xa6: {  	[hbm:s25], [sflag:s26] =	dma.local @!p0 [spmem:s14], $0x28000  }
0xa7: {  	s25 =	simm.s32 @!p0 $0x4  }
0xa8: {  	_ =	swait.ge @!p0 [sflag:s25], $0x28000  }
0xa9: {  	[sflag:s25] =	ssyncset.done @!p0 $0x0  }
0xaa: {  	[sflag:s25] =	ssyncadd.s32 @!p0 $0xFFFD8000  }
0xab: {  	[bflag:$0x0] =	sbarrier.arrive @!p0 $0xFFFF  }
0xac: {  	[spmem:s14], [sflag:s26] =	dma.local @!p0 [hbm:s7], $0x28000  }
0xad: {  	_ =	swait.ge @!p0 [sflag:s25], $0x28000  }
0xae: {  	[sflag:s25] =	ssyncset.done @!p0 $0x0  }
0xaf: {  	[sflag:s25] =	ssyncadd.s32 @!p0 $0xFFFD8000  }
0xb0: {  	s26 =	simm.s32 $0x0;
	[bflag:$0x0] =	sbarrier.arrive $0xFFFF  }
0xb1: {  	[tilespmem:s16], [sflag:$0x1] =	stream.indirect.gather [hbm4b:s5+s15], $0x80, s26, s15, $0xb8;
	[tilespmem:$0x1E800] =	vst v63  }
0xb2: {  	_ =	swait.ge [sflag:s17], $0x4000  }
0xb3: {  	[sflag:s17] =	ssyncset.done $0x0  }
0xb4: {  	s28 =	simm.s32 $0x80;
	[sflag:s17] =	ssyncadd.s32 $0xFFFFC000  }
0xb5: {  	[tilespmem:s18], [sflag:$0x2] =	stream.indirect.gather [hbm4b:s5+s15], $0x80, s28, s15, $0xb8;
	[tilespmem:$0x1E800] =	vst v63  }
0xb6: {  	s29 =	simm.s32 $0x1400  }
0xb7: {  	[spmem:s1] =	stream.indirect.scatter.add.f32 [tilespmem:s16], [sflag:$0x3], $0x80, s29, s15, $0xb8;
	[tilespmem:$0x1E800] =	vst v63  }
0xb8: {  	_ =	swait.ge [sflag:s19], $0x4000  }
0xb9: {  	[sflag:s19] =	ssyncset.done $0x0  }
0xba: {  	[sflag:s19] =	ssyncadd.s32 $0xFFFFC000  }
0xbb: {  	_ =	swait.ge [sflag:s20], $0x4000  }
0xbc: {  	[sflag:s20] =	ssyncset.done $0x0  }
0xbd: {  	s30 =	simm.s32 $0x100;
	[sflag:s20] =	ssyncadd.s32 $0xFFFFC000  }
0xbe: {  	[tilespmem:s16], [sflag:$0x1] =	stream.indirect.gather [hbm4b:s5+s15], $0x80, s30, s15, $0xb8;
	[tilespmem:$0x1E800] =	vst v63  }
0xbf: {  	s31 =	simm.s32 $0x1480  }
0xc0: {  	[spmem:s1] =	stream.indirect.scatter.add.f32 [tilespmem:s18], [sflag:$0x3], $0x80, s31, s15, $0xb8;
	[tilespmem:$0x1E800] =	vst v63  }
0xc1: {  	_ =	swait.ge [sflag:s19], $0x4000  }
0xc2: {  	s25 =	simm.s32 $0x400;
	[sflag:s19] =	ssyncset.done $0x0  }
.LBB2_6:
0xc3: {  	p1 =	sne.s32 s25, $0x4800  }
0xc4: {  	[sflag:s19] =	ssyncadd.s32 $0xFFFFC000;
	s26 =	smov.u32 s25;
	s25 =	sadd.s32 $0x400, s25  }
0xc5: {  	_ = 	snop  }
0xc6: {  	_ =	swait.ge [sflag:s17], $0x4000  }
0xc7: {  	s26 =	sshra.s32 s26, $0x2;
	[sflag:s17] =	ssyncset.done $0x0  }
0xc8: {  	s28 =	sadd.s32 $0x80, s26;
	[sflag:s17] =	ssyncadd.s32 $0xFFFFC000  }
0xc9: {  	[tilespmem:s18], [sflag:$0x2] =	stream.indirect.gather [hbm4b:s5+s15], $0x80, s28, s15, $0xb8;
	[tilespmem:$0x1E800] =	vst v63  }
0xca: {  	s28 =	sadd.s32 $0x1400, s26  }
0xcb: {  	[spmem:s1] =	stream.indirect.scatter.add.f32 [tilespmem:s16], [sflag:$0x3], $0x80, s28, s15, $0xb8;
	[tilespmem:$0x1E800] =	vst v63  }
0xcc: {  	_ =	swait.ge [sflag:s19], $0x4000  }
0xcd: {  	[sflag:s19] =	ssyncset.done $0x0  }
0xce: {  	[sflag:s19] =	ssyncadd.s32 $0xFFFFC000  }
0xcf: {  	_ =	swait.ge [sflag:s20], $0x4000  }
0xd0: {  	[sflag:s20] =	ssyncset.done $0x0  }
0xd1: {  	s28 =	sadd.s32 $0x100, s26;
	[sflag:s20] =	ssyncadd.s32 $0xFFFFC000  }
0xd2: {  	[tilespmem:s16], [sflag:$0x1] =	stream.indirect.gather [hbm4b:s5+s15], $0x80, s28, s15, $0xb8;
	[tilespmem:$0x1E800] =	vst v63  }
.Ltmp2:
0xd3: {  	_ = 	snop;
	(pc) =	sbr.rel @p1 .LBB2_6-.Ltmp2, $4  }
0xd4: {  	s26 =	sadd.s32 $0x1480, s26  }
0xd5: {  	[spmem:s1] =	stream.indirect.scatter.add.f32 [tilespmem:s18], [sflag:$0x3], $0x80, s26, s15, $0xb8;
	[tilespmem:$0x1E800] =	vst v63  }
0xd6: {  	_ =	swait.ge [sflag:s19], $0x4000  }
0xd7: {  	[sflag:s19] =	ssyncset.done $0x0  }
0xd8: {  	[sflag:s19] =	ssyncadd.s32 $0xFFFFC000  }
0xd9: {  	_ =	swait.ge [sflag:s17], $0x4000  }
0xda: {  	[sflag:s17] =	ssyncset.done $0x0  }
0xdb: {  	[sflag:s17] =	ssyncadd.s32 $0xFFFFC000  }
0xdc: {  	[tilespmem:s18], [sflag:$0x2] =	stream.indirect.gather [hbm4b:s5+s15], $0x80, s21, s15, $0xb8;
	[tilespmem:$0x1E800] =	vst v63  }
0xdd: {  	_ = 	snop  }
0xde: {  	[spmem:s1] =	stream.indirect.scatter.add.f32 [tilespmem:s16], [sflag:$0x3], $0x80, s22, s15, $0xb8;
	[tilespmem:$0x1E800] =	vst v63  }
0xdf: {  	_ =	swait.ge [sflag:s19], $0x4000  }
0xe0: {  	[sflag:s19] =	ssyncset.done $0x0  }
0xe1: {  	[sflag:s19] =	ssyncadd.s32 $0xFFFFC000  }
0xe2: {  	_ =	swait.ge [sflag:s20], $0x4000  }
0xe3: {  	[sflag:s20] =	ssyncset.done $0x0  }
0xe4: {  	[sflag:s20] =	ssyncadd.s32 $0xFFFFC000  }
0xe5: {  	[tilespmem:s16], [sflag:$0x1] =	stream.indirect.gather [hbm4b:s5+s15], $0x80, s21, s15, $0xb8;
	[tilespmem:$0x1E800] =	vst v63  }
0xe6: {  	_ = 	snop  }
0xe7: {  	[spmem:s1] =	stream.indirect.scatter.add.f32 [tilespmem:s18], [sflag:$0x3], $0x80, s23, s15, $0xb8;
	[tilespmem:$0x1E800] =	vst v63  }
0xe8: {  	_ =	swait.ge [sflag:s19], $0x4000  }
0xe9: {  	[sflag:s19] =	ssyncset.done $0x0  }
0xea: {  	[sflag:s19] =	ssyncadd.s32 $0xFFFFC000  }
0xeb: {  	_ =	swait.ge [sflag:s17], $0x4000  }
0xec: {  	[sflag:s17] =	ssyncset.done $0x0  }
0xed: {  	[sflag:s17] =	ssyncadd.s32 $0xFFFFC000  }
0xee: {  	[bflag:$0x0] =	sbarrier.arrive $0xFFFF  }
0xef: {  	s25 =	sadd.s32 @!p0 $0x50000, s10;
	s26 =	simm.s32 @!p0 $0x1C04;
	[bflag:$0x0] =	sbarrier.arrive @p0 $0xFFFF  }
0xf0: {  	[hbm:s25], [sflag:s26] =	dma.local @!p0 [spmem:s14], $0x28000  }
0xf1: {  	s25 =	simm.s32 @!p0 $0x4  }
0xf2: {  	_ =	swait.ge @!p0 [sflag:s25], $0x28000  }
0xf3: {  	[sflag:s25] =	ssyncset.done @!p0 $0x0  }
0xf4: {  	[sflag:s25] =	ssyncadd.s32 @!p0 $0xFFFD8000  }
0xf5: {  	[bflag:$0x0] =	sbarrier.arrive @!p0 $0xFFFF  }
0xf6: {  	[spmem:s14], [sflag:s26] =	dma.local @!p0 [hbm:s7], $0x28000  }
0xf7: {  	_ =	swait.ge @!p0 [sflag:s25], $0x28000  }
0xf8: {  	[sflag:s25] =	ssyncset.done @!p0 $0x0  }
0xf9: {  	[sflag:s25] =	ssyncadd.s32 @!p0 $0xFFFD8000  }
0xfa: {  	s26 =	simm.s32 $0x0;
	[bflag:$0x0] =	sbarrier.arrive $0xFFFF  }
0xfb: {  	[tilespmem:s16], [sflag:$0x1] =	stream.indirect.gather [hbm4b:s6+s15], $0x80, s26, s15, $0xb8;
	[tilespmem:$0x1E800] =	vst v63  }
0xfc: {  	_ =	swait.ge [sflag:s17], $0x4000  }
0xfd: {  	[sflag:s17] =	ssyncset.done $0x0  }
0xfe: {  	s28 =	simm.s32 $0x80;
	[sflag:s17] =	ssyncadd.s32 $0xFFFFC000  }
0xff: {  	[tilespmem:s18], [sflag:$0x2] =	stream.indirect.gather [hbm4b:s6+s15], $0x80, s28, s15, $0xb8;
	[tilespmem:$0x1E800] =	vst v63  }
0x100: {  	s29 =	simm.s32 $0x1400  }
0x101: {  	[spmem:s1] =	stream.indirect.scatter.add.f32 [tilespmem:s16], [sflag:$0x3], $0x80, s29, s15, $0xb8;
	[tilespmem:$0x1E800] =	vst v63  }
0x102: {  	_ =	swait.ge [sflag:s19], $0x4000  }
0x103: {  	[sflag:s19] =	ssyncset.done $0x0  }
0x104: {  	[sflag:s19] =	ssyncadd.s32 $0xFFFFC000  }
0x105: {  	_ =	swait.ge [sflag:s20], $0x4000  }
0x106: {  	[sflag:s20] =	ssyncset.done $0x0  }
0x107: {  	s30 =	simm.s32 $0x100;
	[sflag:s20] =	ssyncadd.s32 $0xFFFFC000  }
0x108: {  	[tilespmem:s16], [sflag:$0x1] =	stream.indirect.gather [hbm4b:s6+s15], $0x80, s30, s15, $0xb8;
	[tilespmem:$0x1E800] =	vst v63  }
0x109: {  	s31 =	simm.s32 $0x1480  }
0x10a: {  	[spmem:s1] =	stream.indirect.scatter.add.f32 [tilespmem:s18], [sflag:$0x3], $0x80, s31, s15, $0xb8;
	[tilespmem:$0x1E800] =	vst v63  }
0x10b: {  	_ =	swait.ge [sflag:s19], $0x4000  }
0x10c: {  	s25 =	simm.s32 $0x400;
	[sflag:s19] =	ssyncset.done $0x0  }
.LBB2_8:
0x10d: {  	p1 =	sne.s32 s25, $0x4800  }
0x10e: {  	[sflag:s19] =	ssyncadd.s32 $0xFFFFC000;
	s26 =	smov.u32 s25;
	s25 =	sadd.s32 $0x400, s25  }
0x10f: {  	_ = 	snop  }
0x110: {  	_ =	swait.ge [sflag:s17], $0x4000  }
0x111: {  	s26 =	sshra.s32 s26, $0x2;
	[sflag:s17] =	ssyncset.done $0x0  }
0x112: {  	s28 =	sadd.s32 $0x80, s26;
	[sflag:s17] =	ssyncadd.s32 $0xFFFFC000  }
0x113: {  	[tilespmem:s18], [sflag:$0x2] =	stream.indirect.gather [hbm4b:s6+s15], $0x80, s28, s15, $0xb8;
	[tilespmem:$0x1E800] =	vst v63  }
0x114: {  	s28 =	sadd.s32 $0x1400, s26  }
0x115: {  	[spmem:s1] =	stream.indirect.scatter.add.f32 [tilespmem:s16], [sflag:$0x3], $0x80, s28, s15, $0xb8;
	[tilespmem:$0x1E800] =	vst v63  }
0x116: {  	_ =	swait.ge [sflag:s19], $0x4000  }
0x117: {  	[sflag:s19] =	ssyncset.done $0x0  }
0x118: {  	[sflag:s19] =	ssyncadd.s32 $0xFFFFC000  }
0x119: {  	_ =	swait.ge [sflag:s20], $0x4000  }
0x11a: {  	[sflag:s20] =	ssyncset.done $0x0  }
0x11b: {  	s28 =	sadd.s32 $0x100, s26;
	[sflag:s20] =	ssyncadd.s32 $0xFFFFC000  }
0x11c: {  	[tilespmem:s16], [sflag:$0x1] =	stream.indirect.gather [hbm4b:s6+s15], $0x80, s28, s15, $0xb8;
	[tilespmem:$0x1E800] =	vst v63  }
.Ltmp3:
0x11d: {  	_ = 	snop;
	(pc) =	sbr.rel @p1 .LBB2_8-.Ltmp3, $4  }
0x11e: {  	s26 =	sadd.s32 $0x1480, s26  }
0x11f: {  	[spmem:s1] =	stream.indirect.scatter.add.f32 [tilespmem:s18], [sflag:$0x3], $0x80, s26, s15, $0xb8;
	[tilespmem:$0x1E800] =	vst v63  }
0x120: {  	_ =	swait.ge [sflag:s19], $0x4000  }
0x121: {  	[sflag:s19] =	ssyncset.done $0x0  }
0x122: {  	[sflag:s19] =	ssyncadd.s32 $0xFFFFC000  }
0x123: {  	_ =	swait.ge [sflag:s17], $0x4000  }
0x124: {  	[sflag:s17] =	ssyncset.done $0x0  }
0x125: {  	[sflag:s17] =	ssyncadd.s32 $0xFFFFC000  }
0x126: {  	[tilespmem:s18], [sflag:$0x2] =	stream.indirect.gather [hbm4b:s6+s15], $0x80, s21, s15, $0xb8;
	[tilespmem:$0x1E800] =	vst v63  }
0x127: {  	_ = 	snop  }
0x128: {  	[spmem:s1] =	stream.indirect.scatter.add.f32 [tilespmem:s16], [sflag:$0x3], $0x80, s22, s15, $0xb8;
	[tilespmem:$0x1E800] =	vst v63  }
0x129: {  	_ =	swait.ge [sflag:s19], $0x4000  }
0x12a: {  	[sflag:s19] =	ssyncset.done $0x0  }
0x12b: {  	[sflag:s19] =	ssyncadd.s32 $0xFFFFC000  }
0x12c: {  	_ =	swait.ge [sflag:s20], $0x4000  }
0x12d: {  	[sflag:s20] =	ssyncset.done $0x0  }
0x12e: {  	[sflag:s20] =	ssyncadd.s32 $0xFFFFC000  }
0x12f: {  	[tilespmem:s16], [sflag:$0x1] =	stream.indirect.gather [hbm4b:s6+s15], $0x80, s21, s15, $0xb8;
	[tilespmem:$0x1E800] =	vst v63  }
0x130: {  	_ = 	snop  }
0x131: {  	[spmem:s1] =	stream.indirect.scatter.add.f32 [tilespmem:s18], [sflag:$0x3], $0x80, s23, s15, $0xb8;
	[tilespmem:$0x1E800] =	vst v63  }
0x132: {  	_ =	swait.ge [sflag:s19], $0x4000  }
0x133: {  	[sflag:s19] =	ssyncset.done $0x0  }
0x134: {  	[sflag:s19] =	ssyncadd.s32 $0xFFFFC000  }
0x135: {  	_ =	swait.ge [sflag:s17], $0x4000  }
0x136: {  	[sflag:s17] =	ssyncset.done $0x0  }
0x137: {  	s25 =	sadd.s32 @!p0 $0x78000, s10;
	[sflag:s17] =	ssyncadd.s32 $0xFFFFC000  }
0x138: {  	s26 =	simm.s32 @!p0 $0x1C04;
	s24 =	sadd.s32 $0x1, s24;
	[bflag:$0x0] =	sbarrier.arrive $0xFFFF  }
0x139: {  	[hbm:s25], [sflag:s26] =	dma.local @!p0 [spmem:s14], $0x28000  }
0x13a: {  	p1 =	sne.s32 s24, s11;
	s25 =	simm.s32 @!p0 $0x4  }
.Ltmp4:
0x13b: {  	_ =	swait.ge @!p0 [sflag:s25], $0x28000;
	(pc) =	sbr.rel @p1 .LBB2_1-.Ltmp4, $3  }
0x13c: {  	[sflag:s25] =	ssyncset.done @!p0 $0x0  }
0x13d: {  	[sflag:s25] =	ssyncadd.s32 @!p0 $0xFFFD8000  }
0x13e: {  	[bflag:$0x0] =	sbarrier.arrive $0xFFFF;
	_ =	sdelay $0x1  }
0x13f: {  	_ =	sfence.sel $0x180000  }
0x140: {  	[bflag:$0x0] =	sbarrier.arrive $0xFFFF  }
0x141: {  	_ =	strace $0x9000004A  }
0x142: {  	s0 =	sadd.s32 @!p0 $0x100000, s0;
	[bflag:$0x2] =	sbarrier.arrive $0xFFFF  }
0x143: {  	[sflag:s0] =	ssyncadd.tile.s32 @!p0 $0x1;
	_ =	shalt  }
.Lfunc_end2:
_tile_overlayer_lowered:
.L_overlay_start_2:
0x144: {  	(tag) =	ssettag $0x2  }
0x145: {  	s0 =	rddreg [dreg:$0x0];
	s2 =	stileid.u32  }
0x146: {  	s1 =	rddreg [dreg:$0x1];
	p0 =	sne.s32 s2, $0x0  }
0x147: {  	s3 =	rddreg [dreg:$0x2];
	[bflag:$0x3] =	sbarrier.arrive $0xFFFF;
	s2 =	simm.s32 @!p0 $0x1C04  }
0x148: {  	[timem:s3], [sflag:s2] =	dma.local @!p0 [hbm:s0], s1  }
0x149: {  	s0 =	simm.s32 @!p0 $0x4  }
0x14a: {  	_ =	swait.ge @!p0 [sflag:s0], s1  }
0x14b: {  	s1 =	ssub.s32 @!p0 $0x0, s1;
	[sflag:s0] =	ssyncset.done @!p0 $0x0  }
0x14c: {  	[sflag:s0] =	ssyncadd.s32 @!p0 s1  }
0x14d: {  	[bflag:$0x3] =	sbarrier.arrive $0xFFFF  }
0x14e: {  	_ =	shalt  }

// kernel: kernel.17.cloned.1.call-start
scs
__scs_entry_jumppad:
0x0: {  	(pc) =	sbr.rel $0x88, $3  }
0x1: {  	(tag) =	ssettag $0x0;
	lr =	simm.s32 $0x1  }
0x2: {  	[smem:$0x3F89] =	sst lr;
	_ =	strace $0xD0000000  }
0x3: {  	_ = 	snop  }
0x4: {  	_ = 	snop  }
0x5: {  	_ = 	snop  }
0x6: {  	_ = 	snop  }
0x7: {  	_ = 	snop  }
__scs_overlays_trampoline_lowered:
0x8: {  	[smem:$0x3F98] =	sst s0  }
0x9: {  	[smem:$0x3F99] =	sst s1  }
0xa: {  	[smem:$0x3F9A] =	sst s2  }
0xb: {  	[smem:$0x3F9B] =	sst s3  }
0xc: {  	[smem:$0x3F9C] =	sst s4  }
0xd: {  	[smem:$0x3F9D] =	sst s5  }
0xe: {  	[smem:$0x3F9E] =	sst s6  }
0xf: {  	[smem:$0x3F9F] =	sst s7  }
0x10: {  	[smem:$0x3FA0] =	sst s8  }
0x11: {  	[smem:$0x3FA1] =	sst s9;
	s0 =	simm.s32 @!p0 $0x0  }
0x12: {  	s1 =	sld [smem:$0x3F87];
	s0 =	simm.s32 @p0 $0x1  }
0x13: {  	[smem:$0x3FA2] =	sst s0;
	s0 =	simm.s32 @!p1 $0x0  }
0x14: {  	s2 =	sld [smem:$0x3F86];
	s0 =	simm.s32 @p1 $0x1  }
0x15: {  	[smem:$0x3FA3] =	sst s0;
	s0 =	simm.s32 @!p2 $0x0  }
0x16: {  	s3 =	sld [smem:$0x3FDB];
	s0 =	simm.s32 @p2 $0x1  }
0x17: {  	s4 =	simm.s32 $0x1BF5;
	[smem:$0x3FA5] =	sst s0  }
0x18: {  	s0 =	sld [smem:$0x3F88];
	_ =	swait.ge [sflag:s4], $0x0  }
0x19: {  	s7 =	sld [smem:$0x3F89]  }
0x1a: {  	s8 =	sadd.s32 $0xFFFFE003, lr  }
0x1b: {  	s9 =	sadd.s32 $0xFFFFFEF7, lr;
	s5 =	simm.s32 $0xFFFFFFFF;
	p2 =	slt.u32 s8, $0xFFFFF086  }
0x1c: {  	p1 =	slt.u32 s9, $0xF7A;
	s5 =	simm.s32 @!p2 $0x0  }
0x1d: {  	s5 =	simm.s32 @p1 $0x1;
	p0 =	seq.s32 s7, s2  }
0x1e: {  	s7 =	smul.u32 @!p0 $0xF7A, s2;
	p2 =	seq.s32 @!p0 s5, $0x0  }
0x1f: {  	s9 =	smul.u32 $0xF7A, s1;
	s8 =	simm.s32 @!p0 $0x1BF5;
	p2 =	por !p2, p0  }
0x20: {  	[sflag:s8] =	ssyncset.s32 @!p0 $0xFFFFF086;
	s6 =	sadd.s32 @!p0 s3, s7;
	s7 =	simm.s32 @!p0 $0x108  }
0x21: {  	s3 =	sadd.s32 s3, s9;
	s6 =	sadd.s32 @!p0 $0x88, s6;
	s7 =	simm.s32 @p2 $0x1082  }
0x22: {  	[simem:s7], [sflag:s8] =	dma.local @!p0 [hbm:s6], $0xF7A  }
0x23: {  	s9 =	sor.u32 $0xD0000000, s2;
	s6 =	simm.s32 $0x108;
	_ =	swait.ge @!p0 [sflag:s8], $0x0  }
0x24: {  	s3 =	sadd.s32 $0x88, s3;
	s6 =	simm.s32 @!p1 $0x1082;
	[sflag:s4] =	ssyncset.s32 $0xFFFFF086  }
0x25: {  	[simem:s6], [sflag:s4] =	dma.local [hbm:s3], $0xF7A  }
0x26: {  	[smem:$0x3F89] =	sst s1;
	(tag) =	ssettag s2;
	_ =	strace s9  }
0x27: {  	s1 =	sld [smem:$0x3F99]  }
0x28: {  	s2 =	sld [smem:$0x3F9A]  }
0x29: {  	s4 =	sld [smem:$0x3F9C]  }
0x2a: {  	p0 =	seq.s32 s5, $0x0;
	s5 =	sld [smem:$0x3F9D]  }
0x2b: {  	s6 =	sld [smem:$0x3F9E]  }
0x2c: {  	s7 =	sld [smem:$0x3F9F]  }
0x2d: {  	s3 =	simm.s32 $0x108;
	s8 =	sld [smem:$0x3FA0]  }
0x2e: {  	s3 =	simm.s32 @!p0 $0x1082;
	s9 =	sld [smem:$0x3FA1]  }
0x2f: {  	lr =	sadd.s32 s0, s3;
	s0 =	sld [smem:$0x3F98]  }
0x30: {  	s3 =	sld [smem:$0x3F9B]  }
0x31: {  	[smem:$0x3FA4] =	sst s10  }
0x32: {  	s10 =	sld [smem:$0x3FA2];
	_ =	sdelay $0x3  }
0x33: {  	p0 =	seq.s32 s10, $0x1;
	s10 =	sld [smem:$0x3FA4];
	_ =	sdelay $0x3  }
0x34: {  	[smem:$0x3FA4] =	sst s10  }
0x35: {  	s10 =	sld [smem:$0x3FA3];
	_ =	sdelay $0x3  }
0x36: {  	p1 =	seq.s32 s10, $0x1;
	s10 =	sld [smem:$0x3FA4];
	_ =	sdelay $0x3  }
0x37: {  	[smem:$0x3FA4] =	sst s10  }
0x38: {  	s10 =	sld [smem:$0x3FA5]  }
0x39: {  	_ = 	snop;
	(pc) =	sbr.ind lr, $3  }
0x3a: {  	_ = 	snop  }
0x3b: {  	_ = 	snop  }
0x3c: {  	p2 =	seq.s32 s10, $0x1;
	s10 =	sld [smem:$0x3FA4]  }
0x3d: {  	_ =	shalt  }
0x3e: {  	_ =	shalt  }
0x3f: {  	_ =	shalt  }
0x40: {  	_ =	shalt  }
0x41: {  	_ =	shalt  }
0x42: {  	_ =	shalt  }
0x43: {  	_ =	shalt  }
0x44: {  	_ =	shalt  }
0x45: {  	_ =	shalt  }
0x46: {  	_ =	shalt  }
0x47: {  	_ =	shalt  }
0x48: {  	_ =	shalt  }
0x49: {  	_ =	shalt  }
0x4a: {  	_ =	shalt  }
0x4b: {  	_ =	shalt  }
0x4c: {  	_ =	shalt  }
0x4d: {  	_ =	shalt  }
0x4e: {  	_ =	shalt  }
0x4f: {  	_ =	shalt  }
0x50: {  	_ =	shalt  }
0x51: {  	_ =	shalt  }
0x52: {  	_ =	shalt  }
0x53: {  	_ =	shalt  }
0x54: {  	_ =	shalt  }
0x55: {  	_ =	shalt  }
0x56: {  	_ =	shalt  }
0x57: {  	_ =	shalt  }
0x58: {  	_ =	shalt  }
0x59: {  	_ =	shalt  }
0x5a: {  	_ =	shalt  }
0x5b: {  	_ =	shalt  }
0x5c: {  	_ =	shalt  }
0x5d: {  	_ =	shalt  }
0x5e: {  	_ =	shalt  }
0x5f: {  	_ =	shalt  }
0x60: {  	_ =	shalt  }
0x61: {  	_ =	shalt  }
0x62: {  	_ =	shalt  }
0x63: {  	_ =	shalt  }
0x64: {  	_ =	shalt  }
0x65: {  	_ =	shalt  }
0x66: {  	_ =	shalt  }
0x67: {  	_ =	shalt  }
0x68: {  	_ =	shalt  }
0x69: {  	_ =	shalt  }
0x6a: {  	_ =	shalt  }
0x6b: {  	_ =	shalt  }
0x6c: {  	_ =	shalt  }
0x6d: {  	_ =	shalt  }
0x6e: {  	_ =	shalt  }
0x6f: {  	_ =	shalt  }
0x70: {  	_ =	shalt  }
0x71: {  	_ =	shalt  }
0x72: {  	_ =	shalt  }
0x73: {  	_ =	shalt  }
0x74: {  	_ =	shalt  }
0x75: {  	_ =	shalt  }
0x76: {  	_ =	shalt  }
0x77: {  	_ =	shalt  }
0x78: {  	_ =	shalt  }
0x79: {  	_ =	shalt  }
0x7a: {  	_ =	shalt  }
0x7b: {  	_ =	shalt  }
0x7c: {  	_ =	shalt  }
0x7d: {  	_ =	shalt  }
0x7e: {  	_ =	shalt  }
0x7f: {  	_ =	shalt  }
0x80: {  	_ =	shalt  }
0x81: {  	_ =	shalt  }
0x82: {  	_ =	shalt  }
0x83: {  	_ =	shalt  }
0x84: {  	_ =	shalt  }
0x85: {  	_ =	shalt  }
0x86: {  	_ =	shalt  }
0x87: {  	_ =	shalt  }
.Lfunc_end0:
.L_simem_size_0:
called_computation.2_lowered:
.L_overlay_start_0:
0x88: {  	s2 =	sld [smem:$0x3FD9]  }
0x89: {  	s3 =	sld [smem:$0x3FFE];
	_ =	sdelay $0x1  }
0x8a: {  	s1 =	srdreg.scid  }
0x8b: {  	s0 =	sand.u32 $0x1, s1  }
0x8c: {  	s16 =	sshll.u32 s0, $0xA;
	s2 =	sadd.s32 s3, s2  }
0x8d: {  	s2 =	sadd.s32 s2, s16  }
0x8e: {  	[smem:$0x3FB0] =	sst s2  }
0x8f: {  	_ = 	snop  }
0x90: {  	(tm) =	ssettm $0x1  }
0x91: {  	s17 =	sld [smem:$0x3FFB];
	_ =	sdelay $0x3  }
0x92: {  	_ =	strace s17  }
0x93: {  	s2 =	sld [smem:$0x3FFC];
	_ =	sdelay $0x3  }
0x94: {  	_ =	strace s2  }
0x95: {  	s2 =	sld [smem:$0x3FFD];
	_ =	sdelay $0x3  }
0x96: {  	_ =	strace s2  }
0x97: {  	_ =	strace $0x8FFFFFFF  }
0x98: {  	s18 =	sld [smem:$0x3FDB];
	_ =	sdelay $0x1  }
0x99: {  	s19 =	simm.s32 $_scs_section_size  }
0x9a: {  	s4 =	simm.s32 $_size__tile_overlayer_lowered;
	s5 =	simm.s32 $_tile_overlayer_lowered  }
0x9b: {  	s22 =	simm.s32 $0x1BFF;
	s21 =	sshll.u32 s5, $0x1;
	s2 =	sadd.s32 s19, s18  }
0x9c: {  	s6 =	simm.s32 $0x0;
	s20 =	sshll.u32 s4, $0x1;
	s4 =	sadd.s32 s21, s2  }
0x9d: {  	[timem:s6], [sflag:s22] =	dma.local [hbm:s4], s20  }
0x9e: {  	_ =	swait.ge [sflag:s22], s20  }
0x9f: {  	s3 =	ssub.s32 $0x0, s20;
	[sflag:s22] =	ssyncset.done $0x0  }
0xa0: {  	[sflag:s22] =	ssyncadd.s32 s3;
	_ =	sdelay $0x1  }
0xa1: {  	s23 =	simm.s32 $0x1B8B  }
0xa2: {  	_ =	swait.ge [sflag:s23], $0x1  }
0xa3: {  	[sflag:s23] =	ssyncset.done $0x0  }
0xa4: {  	s25 =	simm.s32 $0x1B8E;
	s24 =	sld [smem:$0x3FFE];
	[sflag:s23] =	ssyncadd.s32 $0xFFFFFFFF  }
0xa5: {  	s26 =	simm.s32 $execute0_lowered;
	[smem:$0x3FD2] =	sst s25  }
0xa6: {  	s4 =	sshll.u32 s26, $0x1;
	_ =	strace $0x8000004C;
	[dreg:$0x1] =	wrdreg $0xFFFFFFFF  }
0xa7: {  	s28 =	simm.s32 $_size_execute0_lowered;
	s2 =	sadd.s32 s2, s4;
	[dreg:$0x0] =	wrdreg $0x0  }
0xa8: {  	s4 =	sshll.u32 s28, $0x1;
	[dreg:$0x2] =	wrdreg s2  }
0xa9: {  	[dreg:$0x3] =	wrdreg s4  }
0xaa: {  	[dreg:$0x4] =	wrdreg $0xC0  }
0xab: {  	_ =	task [dreg:s6], $0x5FFFF  }
0xac: {  	[dreg:$0x1] =	wrdreg $0xFFFFFFFF  }
0xad: {  	[dreg:$0x0] =	wrdreg $0x60  }
0xae: {  	[dreg:$0x2] =	wrdreg s24  }
0xaf: {  	[dreg:$0x3] =	wrdreg $0xA8000  }
0xb0: {  	[dreg:$0x4] =	wrdreg $0x9  }
0xb1: {  	_ =	task.clear_ibuf [dreg:s6], $0x5FFFF;
	_ =	strace $0x9000004C  }
0xb2: {  	s29 =	simm.s32 $0x9;
	_ =	strace $0x8000004E  }
0xb3: {  	_ =	swait.ge [sflag:s29], $0x1  }
0xb4: {  	[sflag:s29] =	ssyncadd.s32 $0xFFFFFFFF  }
0xb5: {  	_ =	strace $0x9000004E  }
0xb6: {  	_ =	sfence  }
0xb7: {  	s30 =	sld [smem:$0x0];
	_ =	sdelay $0x2  }
0xb8: {  	s31 =	sshll.u32 s1, $0xD;
	s1 =	sshrl.u32 s1, $0x2  }
0xb9: {  	s3 =	sand.u32 $0x4000, s31;
	s1 =	sadd.s32 s1, s30  }
0xba: {  	s0 =	sor.u32 s3, s0;
	s1 =	sshll.u32 s1, $0x11  }
0xbb: {  	s0 =	sor.u32 s1, s0  }
0xbc: {  	s0 =	sadd.s32 $0x8F2B, s0  }
0xbd: {  	[sflag:s0] =	ssyncadd.remote.s32 $0x1  }
0xbe: {  	_ =	sfence.sel $0xFFFF  }
0xbf: {  	[dreg:$0x0] =	wrdreg $0xFFFFFFFF;
	(pc) =	sbr.abs _section_cstart, $3  }
0xc0: {  	[dreg:$0x1] =	wrdreg $0xFFFFFFFF  }
0xc1: {  	_ =	task.clear_ibuf [dreg:s6], $0x2FFFF;
	_ =	strace $0x9FFFFFFF  }
0xc2: {  	(tm) =	ssettm $0x7FFFFFFF  }
0xc3: {  	_ =	shalt  }
tec
execute0_lowered:
.L_overlay_start_1:
0x0: {  	(tag) =	ssettag $0x1  }
0x1: {  	s8 =	rddreg [dreg:$0x0]  }
0x2: {  	s1 =	rddreg [dreg:$0x1]  }
0x3: {  	s3 =	srdreg.scid;
	s0 =	rddreg [dreg:$0x2];
	s2 =	simm.s32 $0x0  }
0x4: {  	s12 =	stileid.u32;
	s15 =	simm.s32 $0x80;
	s16 =	simm.s32 $0x2800  }
0x5: {  	s17 =	simm.s32 $0x1;
	s18 =	simm.s32 $0x6800;
	s19 =	simm.s32 $0x3  }
0x6: {  	s20 =	simm.s32 $0x2;
	s21 =	simm.s32 $0x1380;
	s22 =	simm.s32 $0x2700  }
0x7: {  	s23 =	simm.s32 $0x2780;
	s24 =	simm.s32 $0x0;
	s6 =	sand.u32 $0x1, s3  }
0x8: {  	[smem:$0x7FF] =	sst s2;
	s4 =	sadd.s32 $0x32C00, s8;
	p0 =	sne.s32 s12, $0x0  }
0x9: {  	s3 =	sshll.u32 s6, $0x4;
	_ =	strace $0x8000004D;
	s9 =	smul.u32 $0xA0000, s6  }
0xa: {  	s10 =	ssub.s32 $0x2, s6;
	s6 =	sadd.s32 $0x82C00, s8;
	s5 =	sor.u32 s12, s3  }
0xb: {  	s3 =	sadd.s32 $0x218400, s8;
	s13 =	sshrl.u32 s10, $0x1;
	s7 =	smul.u32 $0x280, s5  }
0xc: {  	s12 =	simm.s32 $0x4;
	s5 =	sadd.s32 $0x5AC00, s8;
	s14 =	sadd.s32 s9, s8  }
0xd: {  	s13 =	ssub.s32 s10, s13;
	s10 =	sadd.s32 $0xAAC00, s14;
	s11 =	sadd.s32 s7, s8  }
0xe: {  	s14 =	sshrl.u32 @!p0 s1, $0x3;
	s7 =	sadd.s32 $0xAC00, s8;
	s8 =	sadd.s32 $0x213400, s11  }
0xf: {  	s9 =	sadd.s32 $0x5C00, s11;
	s11 =	smax.u32 s13, $0x1;
	s13 =	simm.s32 $0x1400  }
.LBB2_1:
0x10: {  	[tilespmem:s2], [sflag:$0x4] =	stream.linear.gather [hbm4b:s8+s2], $0x1400, $0x38;
	[tilespmem:$0x1E800] =	vst v63  }
0x11: {  	_ =	swait.ge [sflag:s12], $0x1400  }
0x12: {  	[sflag:s12] =	ssyncset.done $0x0  }
0x13: {  	[sflag:s12] =	ssyncadd.s32 $0xFFFFEC00  }
0x14: {  	[tilespmem:s13], [sflag:$0x4] =	stream.linear.gather [hbm4b:s9+s2], $0x1400, $0x38;
	[tilespmem:$0x1E800] =	vst v63  }
0x15: {  	_ =	swait.ge [sflag:s12], $0x1400  }
0x16: {  	[sflag:s12] =	ssyncset.done $0x0  }
0x17: {  	s25 =	simm.s32 @!p0 $0x1C04;
	[sflag:s12] =	ssyncadd.s32 $0xFFFFEC00  }
0x18: {  	[spmem:s14], [sflag:s25] =	dma.local @!p0 [hbm:s7], $0x28000  }
0x19: {  	s25 =	simm.s32 @!p0 $0x4  }
0x1a: {  	_ =	swait.ge @!p0 [sflag:s25], $0x28000  }
0x1b: {  	[sflag:s25] =	ssyncset.done @!p0 $0x0  }
0x1c: {  	[sflag:s25] =	ssyncadd.s32 @!p0 $0xFFFD8000  }
0x1d: {  	[bflag:$0x0] =	sbarrier.arrive $0xFFFF  }
0x1e: {  	[tilespmem:s16], [sflag:$0x1] =	stream.indirect.gather [hbm4b:s3+s15], $0x80, s2, s15, $0xb8;
	[tilespmem:$0x1E800] =	vst v63  }
0x1f: {  	_ =	swait.ge [sflag:s17], $0x4000  }
0x20: {  	[sflag:s17] =	ssyncset.done $0x0  }
0x21: {  	s28 =	simm.s32 $0x80;
	[sflag:s17] =	ssyncadd.s32 $0xFFFFC000  }
0x22: {  	[tilespmem:s18], [sflag:$0x2] =	stream.indirect.gather [hbm4b:s3+s15], $0x80, s28, s15, $0xb8;
	[tilespmem:$0x1E800] =	vst v63  }
0x23: {  	s29 =	simm.s32 $0x1400  }
0x24: {  	[spmem:s1] =	stream.indirect.scatter.add.f32 [tilespmem:s16], [sflag:$0x3], $0x80, s29, s15, $0xb8;
	[tilespmem:$0x1E800] =	vst v63  }
0x25: {  	_ =	swait.ge [sflag:s19], $0x4000  }
0x26: {  	[sflag:s19] =	ssyncset.done $0x0  }
0x27: {  	[sflag:s19] =	ssyncadd.s32 $0xFFFFC000  }
0x28: {  	_ =	swait.ge [sflag:s20], $0x4000  }
0x29: {  	[sflag:s20] =	ssyncset.done $0x0  }
0x2a: {  	s30 =	simm.s32 $0x100;
	[sflag:s20] =	ssyncadd.s32 $0xFFFFC000  }
0x2b: {  	[tilespmem:s16], [sflag:$0x1] =	stream.indirect.gather [hbm4b:s3+s15], $0x80, s30, s15, $0xb8;
	[tilespmem:$0x1E800] =	vst v63  }
0x2c: {  	s31 =	simm.s32 $0x1480  }
0x2d: {  	[spmem:s1] =	stream.indirect.scatter.add.f32 [tilespmem:s18], [sflag:$0x3], $0x80, s31, s15, $0xb8;
	[tilespmem:$0x1E800] =	vst v63  }
0x2e: {  	_ =	swait.ge [sflag:s19], $0x4000  }
0x2f: {  	s25 =	simm.s32 $0x400;
	[sflag:s19] =	ssyncset.done $0x0  }
.LBB2_2:
0x30: {  	p1 =	sne.s32 s25, $0x4800  }
0x31: {  	[sflag:s19] =	ssyncadd.s32 $0xFFFFC000;
	s26 =	smov.u32 s25;
	s25 =	sadd.s32 $0x400, s25  }
0x32: {  	_ = 	snop  }
0x33: {  	_ =	swait.ge [sflag:s17], $0x4000  }
0x34: {  	s26 =	sshra.s32 s26, $0x2;
	[sflag:s17] =	ssyncset.done $0x0  }
0x35: {  	s28 =	sadd.s32 $0x80, s26;
	[sflag:s17] =	ssyncadd.s32 $0xFFFFC000  }
0x36: {  	[tilespmem:s18], [sflag:$0x2] =	stream.indirect.gather [hbm4b:s3+s15], $0x80, s28, s15, $0xb8;
	[tilespmem:$0x1E800] =	vst v63  }
0x37: {  	s28 =	sadd.s32 $0x1400, s26  }
0x38: {  	[spmem:s1] =	stream.indirect.scatter.add.f32 [tilespmem:s16], [sflag:$0x3], $0x80, s28, s15, $0xb8;
	[tilespmem:$0x1E800] =	vst v63  }
0x39: {  	_ =	swait.ge [sflag:s19], $0x4000  }
0x3a: {  	[sflag:s19] =	ssyncset.done $0x0  }
0x3b: {  	[sflag:s19] =	ssyncadd.s32 $0xFFFFC000  }
0x3c: {  	_ =	swait.ge [sflag:s20], $0x4000  }
0x3d: {  	[sflag:s20] =	ssyncset.done $0x0  }
0x3e: {  	s28 =	sadd.s32 $0x100, s26;
	[sflag:s20] =	ssyncadd.s32 $0xFFFFC000  }
0x3f: {  	[tilespmem:s16], [sflag:$0x1] =	stream.indirect.gather [hbm4b:s3+s15], $0x80, s28, s15, $0xb8;
	[tilespmem:$0x1E800] =	vst v63  }
.Ltmp0:
0x40: {  	_ = 	snop;
	(pc) =	sbr.rel @p1 .LBB2_2-.Ltmp0, $4  }
0x41: {  	s26 =	sadd.s32 $0x1480, s26  }
0x42: {  	[spmem:s1] =	stream.indirect.scatter.add.f32 [tilespmem:s18], [sflag:$0x3], $0x80, s26, s15, $0xb8;
	[tilespmem:$0x1E800] =	vst v63  }
0x43: {  	_ =	swait.ge [sflag:s19], $0x4000  }
0x44: {  	[sflag:s19] =	ssyncset.done $0x0  }
0x45: {  	[sflag:s19] =	ssyncadd.s32 $0xFFFFC000  }
0x46: {  	_ =	swait.ge [sflag:s17], $0x4000  }
0x47: {  	[sflag:s17] =	ssyncset.done $0x0  }
0x48: {  	[sflag:s17] =	ssyncadd.s32 $0xFFFFC000  }
0x49: {  	[tilespmem:s18], [sflag:$0x2] =	stream.indirect.gather [hbm4b:s3+s15], $0x80, s21, s15, $0xb8;
	[tilespmem:$0x1E800] =	vst v63  }
0x4a: {  	_ = 	snop  }
0x4b: {  	[spmem:s1] =	stream.indirect.scatter.add.f32 [tilespmem:s16], [sflag:$0x3], $0x80, s22, s15, $0xb8;
	[tilespmem:$0x1E800] =	vst v63  }
0x4c: {  	_ =	swait.ge [sflag:s19], $0x4000  }
0x4d: {  	[sflag:s19] =	ssyncset.done $0x0  }
0x4e: {  	[sflag:s19] =	ssyncadd.s32 $0xFFFFC000  }
0x4f: {  	_ =	swait.ge [sflag:s20], $0x4000  }
0x50: {  	[sflag:s20] =	ssyncset.done $0x0  }
0x51: {  	[sflag:s20] =	ssyncadd.s32 $0xFFFFC000  }
0x52: {  	[tilespmem:s16], [sflag:$0x1] =	stream.indirect.gather [hbm4b:s3+s15], $0x80, s21, s15, $0xb8;
	[tilespmem:$0x1E800] =	vst v63  }
0x53: {  	_ = 	snop  }
0x54: {  	[spmem:s1] =	stream.indirect.scatter.add.f32 [tilespmem:s18], [sflag:$0x3], $0x80, s23, s15, $0xb8;
	[tilespmem:$0x1E800] =	vst v63  }
0x55: {  	_ =	swait.ge [sflag:s19], $0x4000  }
0x56: {  	[sflag:s19] =	ssyncset.done $0x0  }
0x57: {  	[sflag:s19] =	ssyncadd.s32 $0xFFFFC000  }
0x58: {  	_ =	swait.ge [sflag:s17], $0x4000  }
0x59: {  	[sflag:s17] =	ssyncset.done $0x0  }
0x5a: {  	[sflag:s17] =	ssyncadd.s32 $0xFFFFC000  }
0x5b: {  	[bflag:$0x0] =	sbarrier.arrive $0xFFFF  }
0x5c: {  	s25 =	simm.s32 @!p0 $0x1C04;
	s26 =	simm.s32 @!p0 $0x4;
	[bflag:$0x0] =	sbarrier.arrive @p0 $0xFFFF  }
0x5d: {  	[hbm:s10], [sflag:s25] =	dma.local @!p0 [spmem:s14], $0x28000  }
0x5e: {  	_ =	swait.ge @!p0 [sflag:s26], $0x28000  }
0x5f: {  	[sflag:s26] =	ssyncset.done @!p0 $0x0  }
0x60: {  	[sflag:s26] =	ssyncadd.s32 @!p0 $0xFFFD8000  }
0x61: {  	[bflag:$0x0] =	sbarrier.arrive @!p0 $0xFFFF  }
0x62: {  	[spmem:s14], [sflag:s25] =	dma.local @!p0 [hbm:s7], $0x28000  }
0x63: {  	_ =	swait.ge @!p0 [sflag:s26], $0x28000  }
0x64: {  	[sflag:s26] =	ssyncset.done @!p0 $0x0  }
0x65: {  	[sflag:s26] =	ssyncadd.s32 @!p0 $0xFFFD8000  }
0x66: {  	s26 =	simm.s32 $0x0;
	[bflag:$0x0] =	sbarrier.arrive $0xFFFF  }
0x67: {  	[tilespmem:s16], [sflag:$0x1] =	stream.indirect.gather [hbm4b:s4+s15], $0x80, s26, s15, $0xb8;
	[tilespmem:$0x1E800] =	vst v63  }
0x68: {  	_ =	swait.ge [sflag:s17], $0x4000  }
0x69: {  	[sflag:s17] =	ssyncset.done $0x0  }
0x6a: {  	s28 =	simm.s32 $0x80;
	[sflag:s17] =	ssyncadd.s32 $0xFFFFC000  }
0x6b: {  	[tilespmem:s18], [sflag:$0x2] =	stream.indirect.gather [hbm4b:s4+s15], $0x80, s28, s15, $0xb8;
	[tilespmem:$0x1E800] =	vst v63  }
0x6c: {  	s29 =	simm.s32 $0x1400  }
0x6d: {  	[spmem:s1] =	stream.indirect.scatter.add.f32 [tilespmem:s16], [sflag:$0x3], $0x80, s29, s15, $0xb8;
	[tilespmem:$0x1E800] =	vst v63  }
0x6e: {  	_ =	swait.ge [sflag:s19], $0x4000  }
0x6f: {  	[sflag:s19] =	ssyncset.done $0x0  }
0x70: {  	[sflag:s19] =	ssyncadd.s32 $0xFFFFC000  }
0x71: {  	_ =	swait.ge [sflag:s20], $0x4000  }
0x72: {  	[sflag:s20] =	ssyncset.done $0x0  }
0x73: {  	s30 =	simm.s32 $0x100;
	[sflag:s20] =	ssyncadd.s32 $0xFFFFC000  }
0x74: {  	[tilespmem:s16], [sflag:$0x1] =	stream.indirect.gather [hbm4b:s4+s15], $0x80, s30, s15, $0xb8;
	[tilespmem:$0x1E800] =	vst v63  }
0x75: {  	s31 =	simm.s32 $0x1480  }
0x76: {  	[spmem:s1] =	stream.indirect.scatter.add.f32 [tilespmem:s18], [sflag:$0x3], $0x80, s31, s15, $0xb8;
	[tilespmem:$0x1E800] =	vst v63  }
0x77: {  	_ =	swait.ge [sflag:s19], $0x4000  }
0x78: {  	s25 =	simm.s32 $0x400;
	[sflag:s19] =	ssyncset.done $0x0  }
.LBB2_4:
0x79: {  	p1 =	sne.s32 s25, $0x4800  }
0x7a: {  	[sflag:s19] =	ssyncadd.s32 $0xFFFFC000;
	s26 =	smov.u32 s25;
	s25 =	sadd.s32 $0x400, s25  }
0x7b: {  	_ = 	snop  }
0x7c: {  	_ =	swait.ge [sflag:s17], $0x4000  }
0x7d: {  	s26 =	sshra.s32 s26, $0x2;
	[sflag:s17] =	ssyncset.done $0x0  }
0x7e: {  	s28 =	sadd.s32 $0x80, s26;
	[sflag:s17] =	ssyncadd.s32 $0xFFFFC000  }
0x7f: {  	[tilespmem:s18], [sflag:$0x2] =	stream.indirect.gather [hbm4b:s4+s15], $0x80, s28, s15, $0xb8;
	[tilespmem:$0x1E800] =	vst v63  }
0x80: {  	s28 =	sadd.s32 $0x1400, s26  }
0x81: {  	[spmem:s1] =	stream.indirect.scatter.add.f32 [tilespmem:s16], [sflag:$0x3], $0x80, s28, s15, $0xb8;
	[tilespmem:$0x1E800] =	vst v63  }
0x82: {  	_ =	swait.ge [sflag:s19], $0x4000  }
0x83: {  	[sflag:s19] =	ssyncset.done $0x0  }
0x84: {  	[sflag:s19] =	ssyncadd.s32 $0xFFFFC000  }
0x85: {  	_ =	swait.ge [sflag:s20], $0x4000  }
0x86: {  	[sflag:s20] =	ssyncset.done $0x0  }
0x87: {  	s28 =	sadd.s32 $0x100, s26;
	[sflag:s20] =	ssyncadd.s32 $0xFFFFC000  }
0x88: {  	[tilespmem:s16], [sflag:$0x1] =	stream.indirect.gather [hbm4b:s4+s15], $0x80, s28, s15, $0xb8;
	[tilespmem:$0x1E800] =	vst v63  }
.Ltmp1:
0x89: {  	_ = 	snop;
	(pc) =	sbr.rel @p1 .LBB2_4-.Ltmp1, $4  }
0x8a: {  	s26 =	sadd.s32 $0x1480, s26  }
0x8b: {  	[spmem:s1] =	stream.indirect.scatter.add.f32 [tilespmem:s18], [sflag:$0x3], $0x80, s26, s15, $0xb8;
	[tilespmem:$0x1E800] =	vst v63  }
0x8c: {  	_ =	swait.ge [sflag:s19], $0x4000  }
0x8d: {  	[sflag:s19] =	ssyncset.done $0x0  }
0x8e: {  	[sflag:s19] =	ssyncadd.s32 $0xFFFFC000  }
0x8f: {  	_ =	swait.ge [sflag:s17], $0x4000  }
0x90: {  	[sflag:s17] =	ssyncset.done $0x0  }
0x91: {  	[sflag:s17] =	ssyncadd.s32 $0xFFFFC000  }
0x92: {  	[tilespmem:s18], [sflag:$0x2] =	stream.indirect.gather [hbm4b:s4+s15], $0x80, s21, s15, $0xb8;
	[tilespmem:$0x1E800] =	vst v63  }
0x93: {  	_ = 	snop  }
0x94: {  	[spmem:s1] =	stream.indirect.scatter.add.f32 [tilespmem:s16], [sflag:$0x3], $0x80, s22, s15, $0xb8;
	[tilespmem:$0x1E800] =	vst v63  }
0x95: {  	_ =	swait.ge [sflag:s19], $0x4000  }
0x96: {  	[sflag:s19] =	ssyncset.done $0x0  }
0x97: {  	[sflag:s19] =	ssyncadd.s32 $0xFFFFC000  }
0x98: {  	_ =	swait.ge [sflag:s20], $0x4000  }
0x99: {  	[sflag:s20] =	ssyncset.done $0x0  }
0x9a: {  	[sflag:s20] =	ssyncadd.s32 $0xFFFFC000  }
0x9b: {  	[tilespmem:s16], [sflag:$0x1] =	stream.indirect.gather [hbm4b:s4+s15], $0x80, s21, s15, $0xb8;
	[tilespmem:$0x1E800] =	vst v63  }
0x9c: {  	_ = 	snop  }
0x9d: {  	[spmem:s1] =	stream.indirect.scatter.add.f32 [tilespmem:s18], [sflag:$0x3], $0x80, s23, s15, $0xb8;
	[tilespmem:$0x1E800] =	vst v63  }
0x9e: {  	_ =	swait.ge [sflag:s19], $0x4000  }
0x9f: {  	[sflag:s19] =	ssyncset.done $0x0  }
0xa0: {  	[sflag:s19] =	ssyncadd.s32 $0xFFFFC000  }
0xa1: {  	_ =	swait.ge [sflag:s17], $0x4000  }
0xa2: {  	[sflag:s17] =	ssyncset.done $0x0  }
0xa3: {  	[sflag:s17] =	ssyncadd.s32 $0xFFFFC000  }
0xa4: {  	[bflag:$0x0] =	sbarrier.arrive $0xFFFF  }
0xa5: {  	s25 =	sadd.s32 @!p0 $0x28000, s10;
	s26 =	simm.s32 @!p0 $0x1C04;
	[bflag:$0x0] =	sbarrier.arrive @p0 $0xFFFF  }
0xa6: {  	[hbm:s25], [sflag:s26] =	dma.local @!p0 [spmem:s14], $0x28000  }
0xa7: {  	s25 =	simm.s32 @!p0 $0x4  }
0xa8: {  	_ =	swait.ge @!p0 [sflag:s25], $0x28000  }
0xa9: {  	[sflag:s25] =	ssyncset.done @!p0 $0x0  }
0xaa: {  	[sflag:s25] =	ssyncadd.s32 @!p0 $0xFFFD8000  }
0xab: {  	[bflag:$0x0] =	sbarrier.arrive @!p0 $0xFFFF  }
0xac: {  	[spmem:s14], [sflag:s26] =	dma.local @!p0 [hbm:s7], $0x28000  }
0xad: {  	_ =	swait.ge @!p0 [sflag:s25], $0x28000  }
0xae: {  	[sflag:s25] =	ssyncset.done @!p0 $0x0  }
0xaf: {  	[sflag:s25] =	ssyncadd.s32 @!p0 $0xFFFD8000  }
0xb0: {  	s26 =	simm.s32 $0x0;
	[bflag:$0x0] =	sbarrier.arrive $0xFFFF  }
0xb1: {  	[tilespmem:s16], [sflag:$0x1] =	stream.indirect.gather [hbm4b:s5+s15], $0x80, s26, s15, $0xb8;
	[tilespmem:$0x1E800] =	vst v63  }
0xb2: {  	_ =	swait.ge [sflag:s17], $0x4000  }
0xb3: {  	[sflag:s17] =	ssyncset.done $0x0  }
0xb4: {  	s28 =	simm.s32 $0x80;
	[sflag:s17] =	ssyncadd.s32 $0xFFFFC000  }
0xb5: {  	[tilespmem:s18], [sflag:$0x2] =	stream.indirect.gather [hbm4b:s5+s15], $0x80, s28, s15, $0xb8;
	[tilespmem:$0x1E800] =	vst v63  }
0xb6: {  	s29 =	simm.s32 $0x1400  }
0xb7: {  	[spmem:s1] =	stream.indirect.scatter.add.f32 [tilespmem:s16], [sflag:$0x3], $0x80, s29, s15, $0xb8;
	[tilespmem:$0x1E800] =	vst v63  }
0xb8: {  	_ =	swait.ge [sflag:s19], $0x4000  }
0xb9: {  	[sflag:s19] =	ssyncset.done $0x0  }
0xba: {  	[sflag:s19] =	ssyncadd.s32 $0xFFFFC000  }
0xbb: {  	_ =	swait.ge [sflag:s20], $0x4000  }
0xbc: {  	[sflag:s20] =	ssyncset.done $0x0  }
0xbd: {  	s30 =	simm.s32 $0x100;
	[sflag:s20] =	ssyncadd.s32 $0xFFFFC000  }
0xbe: {  	[tilespmem:s16], [sflag:$0x1] =	stream.indirect.gather [hbm4b:s5+s15], $0x80, s30, s15, $0xb8;
	[tilespmem:$0x1E800] =	vst v63  }
0xbf: {  	s31 =	simm.s32 $0x1480  }
0xc0: {  	[spmem:s1] =	stream.indirect.scatter.add.f32 [tilespmem:s18], [sflag:$0x3], $0x80, s31, s15, $0xb8;
	[tilespmem:$0x1E800] =	vst v63  }
0xc1: {  	_ =	swait.ge [sflag:s19], $0x4000  }
0xc2: {  	s25 =	simm.s32 $0x400;
	[sflag:s19] =	ssyncset.done $0x0  }
.LBB2_6:
0xc3: {  	p1 =	sne.s32 s25, $0x4800  }
0xc4: {  	[sflag:s19] =	ssyncadd.s32 $0xFFFFC000;
	s26 =	smov.u32 s25;
	s25 =	sadd.s32 $0x400, s25  }
0xc5: {  	_ = 	snop  }
0xc6: {  	_ =	swait.ge [sflag:s17], $0x4000  }
0xc7: {  	s26 =	sshra.s32 s26, $0x2;
	[sflag:s17] =	ssyncset.done $0x0  }
0xc8: {  	s28 =	sadd.s32 $0x80, s26;
	[sflag:s17] =	ssyncadd.s32 $0xFFFFC000  }
0xc9: {  	[tilespmem:s18], [sflag:$0x2] =	stream.indirect.gather [hbm4b:s5+s15], $0x80, s28, s15, $0xb8;
	[tilespmem:$0x1E800] =	vst v63  }
0xca: {  	s28 =	sadd.s32 $0x1400, s26  }
0xcb: {  	[spmem:s1] =	stream.indirect.scatter.add.f32 [tilespmem:s16], [sflag:$0x3], $0x80, s28, s15, $0xb8;
	[tilespmem:$0x1E800] =	vst v63  }
0xcc: {  	_ =	swait.ge [sflag:s19], $0x4000  }
0xcd: {  	[sflag:s19] =	ssyncset.done $0x0  }
0xce: {  	[sflag:s19] =	ssyncadd.s32 $0xFFFFC000  }
0xcf: {  	_ =	swait.ge [sflag:s20], $0x4000  }
0xd0: {  	[sflag:s20] =	ssyncset.done $0x0  }
0xd1: {  	s28 =	sadd.s32 $0x100, s26;
	[sflag:s20] =	ssyncadd.s32 $0xFFFFC000  }
0xd2: {  	[tilespmem:s16], [sflag:$0x1] =	stream.indirect.gather [hbm4b:s5+s15], $0x80, s28, s15, $0xb8;
	[tilespmem:$0x1E800] =	vst v63  }
.Ltmp2:
0xd3: {  	_ = 	snop;
	(pc) =	sbr.rel @p1 .LBB2_6-.Ltmp2, $4  }
0xd4: {  	s26 =	sadd.s32 $0x1480, s26  }
0xd5: {  	[spmem:s1] =	stream.indirect.scatter.add.f32 [tilespmem:s18], [sflag:$0x3], $0x80, s26, s15, $0xb8;
	[tilespmem:$0x1E800] =	vst v63  }
0xd6: {  	_ =	swait.ge [sflag:s19], $0x4000  }
0xd7: {  	[sflag:s19] =	ssyncset.done $0x0  }
0xd8: {  	[sflag:s19] =	ssyncadd.s32 $0xFFFFC000  }
0xd9: {  	_ =	swait.ge [sflag:s17], $0x4000  }
0xda: {  	[sflag:s17] =	ssyncset.done $0x0  }
0xdb: {  	[sflag:s17] =	ssyncadd.s32 $0xFFFFC000  }
0xdc: {  	[tilespmem:s18], [sflag:$0x2] =	stream.indirect.gather [hbm4b:s5+s15], $0x80, s21, s15, $0xb8;
	[tilespmem:$0x1E800] =	vst v63  }
0xdd: {  	_ = 	snop  }
0xde: {  	[spmem:s1] =	stream.indirect.scatter.add.f32 [tilespmem:s16], [sflag:$0x3], $0x80, s22, s15, $0xb8;
	[tilespmem:$0x1E800] =	vst v63  }
0xdf: {  	_ =	swait.ge [sflag:s19], $0x4000  }
0xe0: {  	[sflag:s19] =	ssyncset.done $0x0  }
0xe1: {  	[sflag:s19] =	ssyncadd.s32 $0xFFFFC000  }
0xe2: {  	_ =	swait.ge [sflag:s20], $0x4000  }
0xe3: {  	[sflag:s20] =	ssyncset.done $0x0  }
0xe4: {  	[sflag:s20] =	ssyncadd.s32 $0xFFFFC000  }
0xe5: {  	[tilespmem:s16], [sflag:$0x1] =	stream.indirect.gather [hbm4b:s5+s15], $0x80, s21, s15, $0xb8;
	[tilespmem:$0x1E800] =	vst v63  }
0xe6: {  	_ = 	snop  }
0xe7: {  	[spmem:s1] =	stream.indirect.scatter.add.f32 [tilespmem:s18], [sflag:$0x3], $0x80, s23, s15, $0xb8;
	[tilespmem:$0x1E800] =	vst v63  }
0xe8: {  	_ =	swait.ge [sflag:s19], $0x4000  }
0xe9: {  	[sflag:s19] =	ssyncset.done $0x0  }
0xea: {  	[sflag:s19] =	ssyncadd.s32 $0xFFFFC000  }
0xeb: {  	_ =	swait.ge [sflag:s17], $0x4000  }
0xec: {  	[sflag:s17] =	ssyncset.done $0x0  }
0xed: {  	[sflag:s17] =	ssyncadd.s32 $0xFFFFC000  }
0xee: {  	[bflag:$0x0] =	sbarrier.arrive $0xFFFF  }
0xef: {  	s25 =	sadd.s32 @!p0 $0x50000, s10;
	s26 =	simm.s32 @!p0 $0x1C04;
	[bflag:$0x0] =	sbarrier.arrive @p0 $0xFFFF  }
0xf0: {  	[hbm:s25], [sflag:s26] =	dma.local @!p0 [spmem:s14], $0x28000  }
0xf1: {  	s25 =	simm.s32 @!p0 $0x4  }
0xf2: {  	_ =	swait.ge @!p0 [sflag:s25], $0x28000  }
0xf3: {  	[sflag:s25] =	ssyncset.done @!p0 $0x0  }
0xf4: {  	[sflag:s25] =	ssyncadd.s32 @!p0 $0xFFFD8000  }
0xf5: {  	[bflag:$0x0] =	sbarrier.arrive @!p0 $0xFFFF  }
0xf6: {  	[spmem:s14], [sflag:s26] =	dma.local @!p0 [hbm:s7], $0x28000  }
0xf7: {  	_ =	swait.ge @!p0 [sflag:s25], $0x28000  }
0xf8: {  	[sflag:s25] =	ssyncset.done @!p0 $0x0  }
0xf9: {  	[sflag:s25] =	ssyncadd.s32 @!p0 $0xFFFD8000  }
0xfa: {  	s26 =	simm.s32 $0x0;
	[bflag:$0x0] =	sbarrier.arrive $0xFFFF  }
0xfb: {  	[tilespmem:s16], [sflag:$0x1] =	stream.indirect.gather [hbm4b:s6+s15], $0x80, s26, s15, $0xb8;
	[tilespmem:$0x1E800] =	vst v63  }
0xfc: {  	_ =	swait.ge [sflag:s17], $0x4000  }
0xfd: {  	[sflag:s17] =	ssyncset.done $0x0  }
0xfe: {  	s28 =	simm.s32 $0x80;
	[sflag:s17] =	ssyncadd.s32 $0xFFFFC000  }
0xff: {  	[tilespmem:s18], [sflag:$0x2] =	stream.indirect.gather [hbm4b:s6+s15], $0x80, s28, s15, $0xb8;
	[tilespmem:$0x1E800] =	vst v63  }
0x100: {  	s29 =	simm.s32 $0x1400  }
0x101: {  	[spmem:s1] =	stream.indirect.scatter.add.f32 [tilespmem:s16], [sflag:$0x3], $0x80, s29, s15, $0xb8;
	[tilespmem:$0x1E800] =	vst v63  }
0x102: {  	_ =	swait.ge [sflag:s19], $0x4000  }
0x103: {  	[sflag:s19] =	ssyncset.done $0x0  }
0x104: {  	[sflag:s19] =	ssyncadd.s32 $0xFFFFC000  }
0x105: {  	_ =	swait.ge [sflag:s20], $0x4000  }
0x106: {  	[sflag:s20] =	ssyncset.done $0x0  }
0x107: {  	s30 =	simm.s32 $0x100;
	[sflag:s20] =	ssyncadd.s32 $0xFFFFC000  }
0x108: {  	[tilespmem:s16], [sflag:$0x1] =	stream.indirect.gather [hbm4b:s6+s15], $0x80, s30, s15, $0xb8;
	[tilespmem:$0x1E800] =	vst v63  }
0x109: {  	s31 =	simm.s32 $0x1480  }
0x10a: {  	[spmem:s1] =	stream.indirect.scatter.add.f32 [tilespmem:s18], [sflag:$0x3], $0x80, s31, s15, $0xb8;
	[tilespmem:$0x1E800] =	vst v63  }
0x10b: {  	_ =	swait.ge [sflag:s19], $0x4000  }
0x10c: {  	s25 =	simm.s32 $0x400;
	[sflag:s19] =	ssyncset.done $0x0  }
.LBB2_8:
0x10d: {  	p1 =	sne.s32 s25, $0x4800  }
0x10e: {  	[sflag:s19] =	ssyncadd.s32 $0xFFFFC000;
	s26 =	smov.u32 s25;
	s25 =	sadd.s32 $0x400, s25  }
0x10f: {  	_ = 	snop  }
0x110: {  	_ =	swait.ge [sflag:s17], $0x4000  }
0x111: {  	s26 =	sshra.s32 s26, $0x2;
	[sflag:s17] =	ssyncset.done $0x0  }
0x112: {  	s28 =	sadd.s32 $0x80, s26;
	[sflag:s17] =	ssyncadd.s32 $0xFFFFC000  }
0x113: {  	[tilespmem:s18], [sflag:$0x2] =	stream.indirect.gather [hbm4b:s6+s15], $0x80, s28, s15, $0xb8;
	[tilespmem:$0x1E800] =	vst v63  }
0x114: {  	s28 =	sadd.s32 $0x1400, s26  }
0x115: {  	[spmem:s1] =	stream.indirect.scatter.add.f32 [tilespmem:s16], [sflag:$0x3], $0x80, s28, s15, $0xb8;
	[tilespmem:$0x1E800] =	vst v63  }
0x116: {  	_ =	swait.ge [sflag:s19], $0x4000  }
0x117: {  	[sflag:s19] =	ssyncset.done $0x0  }
0x118: {  	[sflag:s19] =	ssyncadd.s32 $0xFFFFC000  }
0x119: {  	_ =	swait.ge [sflag:s20], $0x4000  }
0x11a: {  	[sflag:s20] =	ssyncset.done $0x0  }
0x11b: {  	s28 =	sadd.s32 $0x100, s26;
	[sflag:s20] =	ssyncadd.s32 $0xFFFFC000  }
0x11c: {  	[tilespmem:s16], [sflag:$0x1] =	stream.indirect.gather [hbm4b:s6+s15], $0x80, s28, s15, $0xb8;
	[tilespmem:$0x1E800] =	vst v63  }
.Ltmp3:
0x11d: {  	_ = 	snop;
	(pc) =	sbr.rel @p1 .LBB2_8-.Ltmp3, $4  }
0x11e: {  	s26 =	sadd.s32 $0x1480, s26  }
0x11f: {  	[spmem:s1] =	stream.indirect.scatter.add.f32 [tilespmem:s18], [sflag:$0x3], $0x80, s26, s15, $0xb8;
	[tilespmem:$0x1E800] =	vst v63  }
0x120: {  	_ =	swait.ge [sflag:s19], $0x4000  }
0x121: {  	[sflag:s19] =	ssyncset.done $0x0  }
0x122: {  	[sflag:s19] =	ssyncadd.s32 $0xFFFFC000  }
0x123: {  	_ =	swait.ge [sflag:s17], $0x4000  }
0x124: {  	[sflag:s17] =	ssyncset.done $0x0  }
0x125: {  	[sflag:s17] =	ssyncadd.s32 $0xFFFFC000  }
0x126: {  	[tilespmem:s18], [sflag:$0x2] =	stream.indirect.gather [hbm4b:s6+s15], $0x80, s21, s15, $0xb8;
	[tilespmem:$0x1E800] =	vst v63  }
0x127: {  	_ = 	snop  }
0x128: {  	[spmem:s1] =	stream.indirect.scatter.add.f32 [tilespmem:s16], [sflag:$0x3], $0x80, s22, s15, $0xb8;
	[tilespmem:$0x1E800] =	vst v63  }
0x129: {  	_ =	swait.ge [sflag:s19], $0x4000  }
0x12a: {  	[sflag:s19] =	ssyncset.done $0x0  }
0x12b: {  	[sflag:s19] =	ssyncadd.s32 $0xFFFFC000  }
0x12c: {  	_ =	swait.ge [sflag:s20], $0x4000  }
0x12d: {  	[sflag:s20] =	ssyncset.done $0x0  }
0x12e: {  	[sflag:s20] =	ssyncadd.s32 $0xFFFFC000  }
0x12f: {  	[tilespmem:s16], [sflag:$0x1] =	stream.indirect.gather [hbm4b:s6+s15], $0x80, s21, s15, $0xb8;
	[tilespmem:$0x1E800] =	vst v63  }
0x130: {  	_ = 	snop  }
0x131: {  	[spmem:s1] =	stream.indirect.scatter.add.f32 [tilespmem:s18], [sflag:$0x3], $0x80, s23, s15, $0xb8;
	[tilespmem:$0x1E800] =	vst v63  }
0x132: {  	_ =	swait.ge [sflag:s19], $0x4000  }
0x133: {  	[sflag:s19] =	ssyncset.done $0x0  }
0x134: {  	[sflag:s19] =	ssyncadd.s32 $0xFFFFC000  }
0x135: {  	_ =	swait.ge [sflag:s17], $0x4000  }
0x136: {  	[sflag:s17] =	ssyncset.done $0x0  }
0x137: {  	s25 =	sadd.s32 @!p0 $0x78000, s10;
	[sflag:s17] =	ssyncadd.s32 $0xFFFFC000  }
0x138: {  	s26 =	simm.s32 @!p0 $0x1C04;
	s24 =	sadd.s32 $0x1, s24;
	[bflag:$0x0] =	sbarrier.arrive $0xFFFF  }
0x139: {  	[hbm:s25], [sflag:s26] =	dma.local @!p0 [spmem:s14], $0x28000  }
0x13a: {  	p1 =	sne.s32 s24, s11;
	s25 =	simm.s32 @!p0 $0x4  }
.Ltmp4:
0x13b: {  	_ =	swait.ge @!p0 [sflag:s25], $0x28000;
	(pc) =	sbr.rel @p1 .LBB2_1-.Ltmp4, $3  }
0x13c: {  	[sflag:s25] =	ssyncset.done @!p0 $0x0  }
0x13d: {  	[sflag:s25] =	ssyncadd.s32 @!p0 $0xFFFD8000  }
0x13e: {  	[bflag:$0x0] =	sbarrier.arrive $0xFFFF;
	_ =	sdelay $0x1  }
0x13f: {  	_ =	sfence.sel $0x180000  }
0x140: {  	[bflag:$0x0] =	sbarrier.arrive $0xFFFF  }
0x141: {  	_ =	strace $0x9000004D  }
0x142: {  	s0 =	sadd.s32 @!p0 $0x100000, s0;
	[bflag:$0x2] =	sbarrier.arrive $0xFFFF  }
0x143: {  	[sflag:s0] =	ssyncadd.tile.s32 @!p0 $0x1;
	_ =	shalt  }
.Lfunc_end2:
_tile_overlayer_lowered:
.L_overlay_start_2:
0x144: {  	(tag) =	ssettag $0x2  }
0x145: {  	s0 =	rddreg [dreg:$0x0];
	s2 =	stileid.u32  }
0x146: {  	s1 =	rddreg [dreg:$0x1];
	p0 =	sne.s32 s2, $0x0  }
0x147: {  	s3 =	rddreg [dreg:$0x2];
	[bflag:$0x3] =	sbarrier.arrive $0xFFFF;
	s2 =	simm.s32 @!p0 $0x1C04  }
0x148: {  	[timem:s3], [sflag:s2] =	dma.local @!p0 [hbm:s0], s1  }
0x149: {  	s0 =	simm.s32 @!p0 $0x4  }
0x14a: {  	_ =	swait.ge @!p0 [sflag:s0], s1  }
0x14b: {  	s1 =	ssub.s32 @!p0 $0x0, s1;
	[sflag:s0] =	ssyncset.done @!p0 $0x0  }
0x14c: {  	[sflag:s0] =	ssyncadd.s32 @!p0 s1  }
0x14d: {  	[bflag:$0x3] =	sbarrier.arrive $0xFFFF  }
0x14e: {  	_ =	shalt  }

// kernel: kernel.20.cloned.1.call-start
scs
__scs_entry_jumppad:
0x0: {  	(pc) =	sbr.rel $0x88, $3  }
0x1: {  	(tag) =	ssettag $0x0;
	lr =	simm.s32 $0x1  }
0x2: {  	[smem:$0x3F89] =	sst lr;
	_ =	strace $0xD0000000  }
0x3: {  	_ = 	snop  }
0x4: {  	_ = 	snop  }
0x5: {  	_ = 	snop  }
0x6: {  	_ = 	snop  }
0x7: {  	_ = 	snop  }
__scs_overlays_trampoline_lowered:
0x8: {  	[smem:$0x3F98] =	sst s0  }
0x9: {  	[smem:$0x3F99] =	sst s1  }
0xa: {  	[smem:$0x3F9A] =	sst s2  }
0xb: {  	[smem:$0x3F9B] =	sst s3  }
0xc: {  	[smem:$0x3F9C] =	sst s4  }
0xd: {  	[smem:$0x3F9D] =	sst s5  }
0xe: {  	[smem:$0x3F9E] =	sst s6  }
0xf: {  	[smem:$0x3F9F] =	sst s7  }
0x10: {  	[smem:$0x3FA0] =	sst s8  }
0x11: {  	[smem:$0x3FA1] =	sst s9;
	s0 =	simm.s32 @!p0 $0x0  }
0x12: {  	s1 =	sld [smem:$0x3F87];
	s0 =	simm.s32 @p0 $0x1  }
0x13: {  	[smem:$0x3FA2] =	sst s0;
	s0 =	simm.s32 @!p1 $0x0  }
0x14: {  	s2 =	sld [smem:$0x3F86];
	s0 =	simm.s32 @p1 $0x1  }
0x15: {  	[smem:$0x3FA3] =	sst s0;
	s0 =	simm.s32 @!p2 $0x0  }
0x16: {  	s3 =	sld [smem:$0x3FDB];
	s0 =	simm.s32 @p2 $0x1  }
0x17: {  	s4 =	simm.s32 $0x1BF5;
	[smem:$0x3FA5] =	sst s0  }
0x18: {  	s0 =	sld [smem:$0x3F88];
	_ =	swait.ge [sflag:s4], $0x0  }
0x19: {  	s7 =	sld [smem:$0x3F89]  }
0x1a: {  	s8 =	sadd.s32 $0xFFFFE003, lr  }
0x1b: {  	s9 =	sadd.s32 $0xFFFFFEF7, lr;
	s5 =	simm.s32 $0xFFFFFFFF;
	p2 =	slt.u32 s8, $0xFFFFF086  }
0x1c: {  	p1 =	slt.u32 s9, $0xF7A;
	s5 =	simm.s32 @!p2 $0x0  }
0x1d: {  	s5 =	simm.s32 @p1 $0x1;
	p0 =	seq.s32 s7, s2  }
0x1e: {  	s7 =	smul.u32 @!p0 $0xF7A, s2;
	p2 =	seq.s32 @!p0 s5, $0x0  }
0x1f: {  	s9 =	smul.u32 $0xF7A, s1;
	s8 =	simm.s32 @!p0 $0x1BF5;
	p2 =	por !p2, p0  }
0x20: {  	[sflag:s8] =	ssyncset.s32 @!p0 $0xFFFFF086;
	s6 =	sadd.s32 @!p0 s3, s7;
	s7 =	simm.s32 @!p0 $0x108  }
0x21: {  	s3 =	sadd.s32 s3, s9;
	s6 =	sadd.s32 @!p0 $0x88, s6;
	s7 =	simm.s32 @p2 $0x1082  }
0x22: {  	[simem:s7], [sflag:s8] =	dma.local @!p0 [hbm:s6], $0xF7A  }
0x23: {  	s9 =	sor.u32 $0xD0000000, s2;
	s6 =	simm.s32 $0x108;
	_ =	swait.ge @!p0 [sflag:s8], $0x0  }
0x24: {  	s3 =	sadd.s32 $0x88, s3;
	s6 =	simm.s32 @!p1 $0x1082;
	[sflag:s4] =	ssyncset.s32 $0xFFFFF086  }
0x25: {  	[simem:s6], [sflag:s4] =	dma.local [hbm:s3], $0xF7A  }
0x26: {  	[smem:$0x3F89] =	sst s1;
	(tag) =	ssettag s2;
	_ =	strace s9  }
0x27: {  	s1 =	sld [smem:$0x3F99]  }
0x28: {  	s2 =	sld [smem:$0x3F9A]  }
0x29: {  	s4 =	sld [smem:$0x3F9C]  }
0x2a: {  	p0 =	seq.s32 s5, $0x0;
	s5 =	sld [smem:$0x3F9D]  }
0x2b: {  	s6 =	sld [smem:$0x3F9E]  }
0x2c: {  	s7 =	sld [smem:$0x3F9F]  }
0x2d: {  	s3 =	simm.s32 $0x108;
	s8 =	sld [smem:$0x3FA0]  }
0x2e: {  	s3 =	simm.s32 @!p0 $0x1082;
	s9 =	sld [smem:$0x3FA1]  }
0x2f: {  	lr =	sadd.s32 s0, s3;
	s0 =	sld [smem:$0x3F98]  }
0x30: {  	s3 =	sld [smem:$0x3F9B]  }
0x31: {  	[smem:$0x3FA4] =	sst s10  }
0x32: {  	s10 =	sld [smem:$0x3FA2];
	_ =	sdelay $0x3  }
0x33: {  	p0 =	seq.s32 s10, $0x1;
	s10 =	sld [smem:$0x3FA4];
	_ =	sdelay $0x3  }
0x34: {  	[smem:$0x3FA4] =	sst s10  }
0x35: {  	s10 =	sld [smem:$0x3FA3];
	_ =	sdelay $0x3  }
0x36: {  	p1 =	seq.s32 s10, $0x1;
	s10 =	sld [smem:$0x3FA4];
	_ =	sdelay $0x3  }
0x37: {  	[smem:$0x3FA4] =	sst s10  }
0x38: {  	s10 =	sld [smem:$0x3FA5]  }
0x39: {  	_ = 	snop;
	(pc) =	sbr.ind lr, $3  }
0x3a: {  	_ = 	snop  }
0x3b: {  	_ = 	snop  }
0x3c: {  	p2 =	seq.s32 s10, $0x1;
	s10 =	sld [smem:$0x3FA4]  }
0x3d: {  	_ =	shalt  }
0x3e: {  	_ =	shalt  }
0x3f: {  	_ =	shalt  }
0x40: {  	_ =	shalt  }
0x41: {  	_ =	shalt  }
0x42: {  	_ =	shalt  }
0x43: {  	_ =	shalt  }
0x44: {  	_ =	shalt  }
0x45: {  	_ =	shalt  }
0x46: {  	_ =	shalt  }
0x47: {  	_ =	shalt  }
0x48: {  	_ =	shalt  }
0x49: {  	_ =	shalt  }
0x4a: {  	_ =	shalt  }
0x4b: {  	_ =	shalt  }
0x4c: {  	_ =	shalt  }
0x4d: {  	_ =	shalt  }
0x4e: {  	_ =	shalt  }
0x4f: {  	_ =	shalt  }
0x50: {  	_ =	shalt  }
0x51: {  	_ =	shalt  }
0x52: {  	_ =	shalt  }
0x53: {  	_ =	shalt  }
0x54: {  	_ =	shalt  }
0x55: {  	_ =	shalt  }
0x56: {  	_ =	shalt  }
0x57: {  	_ =	shalt  }
0x58: {  	_ =	shalt  }
0x59: {  	_ =	shalt  }
0x5a: {  	_ =	shalt  }
0x5b: {  	_ =	shalt  }
0x5c: {  	_ =	shalt  }
0x5d: {  	_ =	shalt  }
0x5e: {  	_ =	shalt  }
0x5f: {  	_ =	shalt  }
0x60: {  	_ =	shalt  }
0x61: {  	_ =	shalt  }
0x62: {  	_ =	shalt  }
0x63: {  	_ =	shalt  }
0x64: {  	_ =	shalt  }
0x65: {  	_ =	shalt  }
0x66: {  	_ =	shalt  }
0x67: {  	_ =	shalt  }
0x68: {  	_ =	shalt  }
0x69: {  	_ =	shalt  }
0x6a: {  	_ =	shalt  }
0x6b: {  	_ =	shalt  }
0x6c: {  	_ =	shalt  }
0x6d: {  	_ =	shalt  }
0x6e: {  	_ =	shalt  }
0x6f: {  	_ =	shalt  }
0x70: {  	_ =	shalt  }
0x71: {  	_ =	shalt  }
0x72: {  	_ =	shalt  }
0x73: {  	_ =	shalt  }
0x74: {  	_ =	shalt  }
0x75: {  	_ =	shalt  }
0x76: {  	_ =	shalt  }
0x77: {  	_ =	shalt  }
0x78: {  	_ =	shalt  }
0x79: {  	_ =	shalt  }
0x7a: {  	_ =	shalt  }
0x7b: {  	_ =	shalt  }
0x7c: {  	_ =	shalt  }
0x7d: {  	_ =	shalt  }
0x7e: {  	_ =	shalt  }
0x7f: {  	_ =	shalt  }
0x80: {  	_ =	shalt  }
0x81: {  	_ =	shalt  }
0x82: {  	_ =	shalt  }
0x83: {  	_ =	shalt  }
0x84: {  	_ =	shalt  }
0x85: {  	_ =	shalt  }
0x86: {  	_ =	shalt  }
0x87: {  	_ =	shalt  }
.Lfunc_end0:
.L_simem_size_0:
called_computation.3_lowered:
.L_overlay_start_0:
0x88: {  	s2 =	sld [smem:$0x3FD9]  }
0x89: {  	s3 =	sld [smem:$0x3FFE];
	_ =	sdelay $0x1  }
0x8a: {  	s1 =	srdreg.scid  }
0x8b: {  	s0 =	sand.u32 $0x1, s1  }
0x8c: {  	s16 =	sshll.u32 s0, $0xA;
	s2 =	sadd.s32 s3, s2  }
0x8d: {  	s2 =	sadd.s32 s2, s16  }
0x8e: {  	[smem:$0x3FB0] =	sst s2  }
0x8f: {  	_ = 	snop  }
0x90: {  	(tm) =	ssettm $0x1  }
0x91: {  	s17 =	sld [smem:$0x3FFB];
	_ =	sdelay $0x3  }
0x92: {  	_ =	strace s17  }
0x93: {  	s2 =	sld [smem:$0x3FFC];
	_ =	sdelay $0x3  }
0x94: {  	_ =	strace s2  }
0x95: {  	s2 =	sld [smem:$0x3FFD];
	_ =	sdelay $0x3  }
0x96: {  	_ =	strace s2  }
0x97: {  	_ =	strace $0x8FFFFFFF  }
0x98: {  	s18 =	sld [smem:$0x3FDB];
	_ =	sdelay $0x1  }
0x99: {  	s19 =	simm.s32 $_scs_section_size  }
0x9a: {  	s4 =	simm.s32 $_size__tile_overlayer_lowered;
	s5 =	simm.s32 $_tile_overlayer_lowered  }
0x9b: {  	s22 =	simm.s32 $0x1BFF;
	s21 =	sshll.u32 s5, $0x1;
	s2 =	sadd.s32 s19, s18  }
0x9c: {  	s6 =	simm.s32 $0x0;
	s20 =	sshll.u32 s4, $0x1;
	s4 =	sadd.s32 s21, s2  }
0x9d: {  	[timem:s6], [sflag:s22] =	dma.local [hbm:s4], s20  }
0x9e: {  	_ =	swait.ge [sflag:s22], s20  }
0x9f: {  	s3 =	ssub.s32 $0x0, s20;
	[sflag:s22] =	ssyncset.done $0x0  }
0xa0: {  	[sflag:s22] =	ssyncadd.s32 s3;
	_ =	sdelay $0x1  }
0xa1: {  	s23 =	simm.s32 $0x1B8B  }
0xa2: {  	_ =	swait.ge [sflag:s23], $0x1  }
0xa3: {  	[sflag:s23] =	ssyncset.done $0x0  }
0xa4: {  	s25 =	simm.s32 $0x1B8E;
	s24 =	sld [smem:$0x3FFE];
	[sflag:s23] =	ssyncadd.s32 $0xFFFFFFFF  }
0xa5: {  	s26 =	simm.s32 $execute0_lowered;
	[smem:$0x3FD2] =	sst s25  }
0xa6: {  	s4 =	sshll.u32 s26, $0x1;
	_ =	strace $0x8000004F;
	[dreg:$0x1] =	wrdreg $0xFFFFFFFF  }
0xa7: {  	s28 =	simm.s32 $_size_execute0_lowered;
	s2 =	sadd.s32 s2, s4;
	[dreg:$0x0] =	wrdreg $0x0  }
0xa8: {  	s4 =	sshll.u32 s28, $0x1;
	[dreg:$0x2] =	wrdreg s2  }
0xa9: {  	[dreg:$0x3] =	wrdreg s4  }
0xaa: {  	[dreg:$0x4] =	wrdreg $0xC0  }
0xab: {  	_ =	task [dreg:s6], $0x5FFFF  }
0xac: {  	[dreg:$0x1] =	wrdreg $0xFFFFFFFF  }
0xad: {  	[dreg:$0x0] =	wrdreg $0x60  }
0xae: {  	[dreg:$0x2] =	wrdreg s24  }
0xaf: {  	[dreg:$0x3] =	wrdreg $0xA8000  }
0xb0: {  	[dreg:$0x4] =	wrdreg $0x9  }
0xb1: {  	_ =	task.clear_ibuf [dreg:s6], $0x5FFFF;
	_ =	strace $0x9000004F  }
0xb2: {  	s29 =	simm.s32 $0x9;
	_ =	strace $0x80000051  }
0xb3: {  	_ =	swait.ge [sflag:s29], $0x1  }
0xb4: {  	[sflag:s29] =	ssyncadd.s32 $0xFFFFFFFF  }
0xb5: {  	_ =	strace $0x90000051  }
0xb6: {  	_ =	sfence  }
0xb7: {  	s30 =	sld [smem:$0x0];
	_ =	sdelay $0x2  }
0xb8: {  	s31 =	sshll.u32 s1, $0xD;
	s1 =	sshrl.u32 s1, $0x2  }
0xb9: {  	s3 =	sand.u32 $0x4000, s31;
	s1 =	sadd.s32 s1, s30  }
0xba: {  	s0 =	sor.u32 s3, s0;
	s1 =	sshll.u32 s1, $0x11  }
0xbb: {  	s0 =	sor.u32 s1, s0  }
0xbc: {  	s0 =	sadd.s32 $0x8F2B, s0  }
0xbd: {  	[sflag:s0] =	ssyncadd.remote.s32 $0x1  }
0xbe: {  	_ =	sfence.sel $0xFFFF  }
0xbf: {  	[dreg:$0x0] =	wrdreg $0xFFFFFFFF;
	(pc) =	sbr.abs _section_cstart, $3  }
0xc0: {  	[dreg:$0x1] =	wrdreg $0xFFFFFFFF  }
0xc1: {  	_ =	task.clear_ibuf [dreg:s6], $0x2FFFF;
	_ =	strace $0x9FFFFFFF  }
0xc2: {  	(tm) =	ssettm $0x7FFFFFFF  }
0xc3: {  	_ =	shalt  }
tec
execute0_lowered:
.L_overlay_start_1:
0x0: {  	(tag) =	ssettag $0x1  }
0x1: {  	s8 =	rddreg [dreg:$0x0]  }
0x2: {  	s1 =	rddreg [dreg:$0x1]  }
0x3: {  	s3 =	srdreg.scid;
	s0 =	rddreg [dreg:$0x2];
	s2 =	simm.s32 $0x0  }
0x4: {  	s12 =	stileid.u32;
	s15 =	simm.s32 $0x80;
	s16 =	simm.s32 $0x2800  }
0x5: {  	s17 =	simm.s32 $0x1;
	s18 =	simm.s32 $0x6800;
	s19 =	simm.s32 $0x3  }
0x6: {  	s20 =	simm.s32 $0x2;
	s21 =	simm.s32 $0x1380;
	s22 =	simm.s32 $0x2700  }
0x7: {  	s23 =	simm.s32 $0x2780;
	s24 =	simm.s32 $0x0;
	s6 =	sand.u32 $0x1, s3  }
0x8: {  	[smem:$0x7FF] =	sst s2;
	s3 =	sadd.s32 $0x218400, s8;
	p0 =	sne.s32 s12, $0x0  }
0x9: {  	s4 =	sshll.u32 s6, $0x4;
	_ =	strace $0x80000050;
	s9 =	smul.u32 $0xA0000, s6  }
0xa: {  	s10 =	ssub.s32 $0x2, s6;
	s6 =	sadd.s32 $0x290400, s8;
	s5 =	sor.u32 s12, s4  }
0xb: {  	s4 =	sadd.s32 $0x240400, s8;
	s13 =	sshrl.u32 s10, $0x1;
	s7 =	smul.u32 $0x280, s5  }
0xc: {  	s12 =	simm.s32 $0x4;
	s5 =	sadd.s32 $0x268400, s8;
	s14 =	sadd.s32 s9, s8  }
0xd: {  	s13 =	ssub.s32 s10, s13;
	s10 =	sadd.s32 $0x32C00, s14;
	s11 =	sadd.s32 s7, s8  }
0xe: {  	s14 =	sshrl.u32 @!p0 s1, $0x3;
	s7 =	sadd.s32 $0xAC00, s8;
	s8 =	sadd.s32 $0x213400, s11  }
0xf: {  	s9 =	sadd.s32 $0x5C00, s11;
	s11 =	smax.u32 s13, $0x1;
	s13 =	simm.s32 $0x1400  }
.LBB2_1:
0x10: {  	[tilespmem:s2], [sflag:$0x4] =	stream.linear.gather [hbm4b:s8+s2], $0x1400, $0x38;
	[tilespmem:$0x1E800] =	vst v63  }
0x11: {  	_ =	swait.ge [sflag:s12], $0x1400  }
0x12: {  	[sflag:s12] =	ssyncset.done $0x0  }
0x13: {  	[sflag:s12] =	ssyncadd.s32 $0xFFFFEC00  }
0x14: {  	[tilespmem:s13], [sflag:$0x4] =	stream.linear.gather [hbm4b:s9+s2], $0x1400, $0x38;
	[tilespmem:$0x1E800] =	vst v63  }
0x15: {  	_ =	swait.ge [sflag:s12], $0x1400  }
0x16: {  	[sflag:s12] =	ssyncset.done $0x0  }
0x17: {  	s25 =	simm.s32 @!p0 $0x1C04;
	[sflag:s12] =	ssyncadd.s32 $0xFFFFEC00  }
0x18: {  	[spmem:s14], [sflag:s25] =	dma.local @!p0 [hbm:s7], $0x28000  }
0x19: {  	s25 =	simm.s32 @!p0 $0x4  }
0x1a: {  	_ =	swait.ge @!p0 [sflag:s25], $0x28000  }
0x1b: {  	[sflag:s25] =	ssyncset.done @!p0 $0x0  }
0x1c: {  	[sflag:s25] =	ssyncadd.s32 @!p0 $0xFFFD8000  }
0x1d: {  	[bflag:$0x0] =	sbarrier.arrive $0xFFFF  }
0x1e: {  	[tilespmem:s16], [sflag:$0x1] =	stream.indirect.gather [hbm4b:s3+s15], $0x80, s2, s15, $0xb8;
	[tilespmem:$0x1E800] =	vst v63  }
0x1f: {  	_ =	swait.ge [sflag:s17], $0x4000  }
0x20: {  	[sflag:s17] =	ssyncset.done $0x0  }
0x21: {  	s28 =	simm.s32 $0x80;
	[sflag:s17] =	ssyncadd.s32 $0xFFFFC000  }
0x22: {  	[tilespmem:s18], [sflag:$0x2] =	stream.indirect.gather [hbm4b:s3+s15], $0x80, s28, s15, $0xb8;
	[tilespmem:$0x1E800] =	vst v63  }
0x23: {  	s29 =	simm.s32 $0x1400  }
0x24: {  	[spmem:s1] =	stream.indirect.scatter.add.f32 [tilespmem:s16], [sflag:$0x3], $0x80, s29, s15, $0xb8;
	[tilespmem:$0x1E800] =	vst v63  }
0x25: {  	_ =	swait.ge [sflag:s19], $0x4000  }
0x26: {  	[sflag:s19] =	ssyncset.done $0x0  }
0x27: {  	[sflag:s19] =	ssyncadd.s32 $0xFFFFC000  }
0x28: {  	_ =	swait.ge [sflag:s20], $0x4000  }
0x29: {  	[sflag:s20] =	ssyncset.done $0x0  }
0x2a: {  	s30 =	simm.s32 $0x100;
	[sflag:s20] =	ssyncadd.s32 $0xFFFFC000  }
0x2b: {  	[tilespmem:s16], [sflag:$0x1] =	stream.indirect.gather [hbm4b:s3+s15], $0x80, s30, s15, $0xb8;
	[tilespmem:$0x1E800] =	vst v63  }
0x2c: {  	s31 =	simm.s32 $0x1480  }
0x2d: {  	[spmem:s1] =	stream.indirect.scatter.add.f32 [tilespmem:s18], [sflag:$0x3], $0x80, s31, s15, $0xb8;
	[tilespmem:$0x1E800] =	vst v63  }
0x2e: {  	_ =	swait.ge [sflag:s19], $0x4000  }
0x2f: {  	s25 =	simm.s32 $0x400;
	[sflag:s19] =	ssyncset.done $0x0  }
.LBB2_2:
0x30: {  	p1 =	sne.s32 s25, $0x4800  }
0x31: {  	[sflag:s19] =	ssyncadd.s32 $0xFFFFC000;
	s26 =	smov.u32 s25;
	s25 =	sadd.s32 $0x400, s25  }
0x32: {  	_ = 	snop  }
0x33: {  	_ =	swait.ge [sflag:s17], $0x4000  }
0x34: {  	s26 =	sshra.s32 s26, $0x2;
	[sflag:s17] =	ssyncset.done $0x0  }
0x35: {  	s28 =	sadd.s32 $0x80, s26;
	[sflag:s17] =	ssyncadd.s32 $0xFFFFC000  }
0x36: {  	[tilespmem:s18], [sflag:$0x2] =	stream.indirect.gather [hbm4b:s3+s15], $0x80, s28, s15, $0xb8;
	[tilespmem:$0x1E800] =	vst v63  }
0x37: {  	s28 =	sadd.s32 $0x1400, s26  }
0x38: {  	[spmem:s1] =	stream.indirect.scatter.add.f32 [tilespmem:s16], [sflag:$0x3], $0x80, s28, s15, $0xb8;
	[tilespmem:$0x1E800] =	vst v63  }
0x39: {  	_ =	swait.ge [sflag:s19], $0x4000  }
0x3a: {  	[sflag:s19] =	ssyncset.done $0x0  }
0x3b: {  	[sflag:s19] =	ssyncadd.s32 $0xFFFFC000  }
0x3c: {  	_ =	swait.ge [sflag:s20], $0x4000  }
0x3d: {  	[sflag:s20] =	ssyncset.done $0x0  }
0x3e: {  	s28 =	sadd.s32 $0x100, s26;
	[sflag:s20] =	ssyncadd.s32 $0xFFFFC000  }
0x3f: {  	[tilespmem:s16], [sflag:$0x1] =	stream.indirect.gather [hbm4b:s3+s15], $0x80, s28, s15, $0xb8;
	[tilespmem:$0x1E800] =	vst v63  }
.Ltmp0:
0x40: {  	_ = 	snop;
	(pc) =	sbr.rel @p1 .LBB2_2-.Ltmp0, $4  }
0x41: {  	s26 =	sadd.s32 $0x1480, s26  }
0x42: {  	[spmem:s1] =	stream.indirect.scatter.add.f32 [tilespmem:s18], [sflag:$0x3], $0x80, s26, s15, $0xb8;
	[tilespmem:$0x1E800] =	vst v63  }
0x43: {  	_ =	swait.ge [sflag:s19], $0x4000  }
0x44: {  	[sflag:s19] =	ssyncset.done $0x0  }
0x45: {  	[sflag:s19] =	ssyncadd.s32 $0xFFFFC000  }
0x46: {  	_ =	swait.ge [sflag:s17], $0x4000  }
0x47: {  	[sflag:s17] =	ssyncset.done $0x0  }
0x48: {  	[sflag:s17] =	ssyncadd.s32 $0xFFFFC000  }
0x49: {  	[tilespmem:s18], [sflag:$0x2] =	stream.indirect.gather [hbm4b:s3+s15], $0x80, s21, s15, $0xb8;
	[tilespmem:$0x1E800] =	vst v63  }
0x4a: {  	_ = 	snop  }
0x4b: {  	[spmem:s1] =	stream.indirect.scatter.add.f32 [tilespmem:s16], [sflag:$0x3], $0x80, s22, s15, $0xb8;
	[tilespmem:$0x1E800] =	vst v63  }
0x4c: {  	_ =	swait.ge [sflag:s19], $0x4000  }
0x4d: {  	[sflag:s19] =	ssyncset.done $0x0  }
0x4e: {  	[sflag:s19] =	ssyncadd.s32 $0xFFFFC000  }
0x4f: {  	_ =	swait.ge [sflag:s20], $0x4000  }
0x50: {  	[sflag:s20] =	ssyncset.done $0x0  }
0x51: {  	[sflag:s20] =	ssyncadd.s32 $0xFFFFC000  }
0x52: {  	[tilespmem:s16], [sflag:$0x1] =	stream.indirect.gather [hbm4b:s3+s15], $0x80, s21, s15, $0xb8;
	[tilespmem:$0x1E800] =	vst v63  }
0x53: {  	_ = 	snop  }
0x54: {  	[spmem:s1] =	stream.indirect.scatter.add.f32 [tilespmem:s18], [sflag:$0x3], $0x80, s23, s15, $0xb8;
	[tilespmem:$0x1E800] =	vst v63  }
0x55: {  	_ =	swait.ge [sflag:s19], $0x4000  }
0x56: {  	[sflag:s19] =	ssyncset.done $0x0  }
0x57: {  	[sflag:s19] =	ssyncadd.s32 $0xFFFFC000  }
0x58: {  	_ =	swait.ge [sflag:s17], $0x4000  }
0x59: {  	[sflag:s17] =	ssyncset.done $0x0  }
0x5a: {  	[sflag:s17] =	ssyncadd.s32 $0xFFFFC000  }
0x5b: {  	[bflag:$0x0] =	sbarrier.arrive $0xFFFF  }
0x5c: {  	s25 =	simm.s32 @!p0 $0x1C04;
	s26 =	simm.s32 @!p0 $0x4;
	[bflag:$0x0] =	sbarrier.arrive @p0 $0xFFFF  }
0x5d: {  	[hbm:s10], [sflag:s25] =	dma.local @!p0 [spmem:s14], $0x28000  }
0x5e: {  	_ =	swait.ge @!p0 [sflag:s26], $0x28000  }
0x5f: {  	[sflag:s26] =	ssyncset.done @!p0 $0x0  }
0x60: {  	[sflag:s26] =	ssyncadd.s32 @!p0 $0xFFFD8000  }
0x61: {  	[bflag:$0x0] =	sbarrier.arrive @!p0 $0xFFFF  }
0x62: {  	[spmem:s14], [sflag:s25] =	dma.local @!p0 [hbm:s7], $0x28000  }
0x63: {  	_ =	swait.ge @!p0 [sflag:s26], $0x28000  }
0x64: {  	[sflag:s26] =	ssyncset.done @!p0 $0x0  }
0x65: {  	[sflag:s26] =	ssyncadd.s32 @!p0 $0xFFFD8000  }
0x66: {  	s26 =	simm.s32 $0x0;
	[bflag:$0x0] =	sbarrier.arrive $0xFFFF  }
0x67: {  	[tilespmem:s16], [sflag:$0x1] =	stream.indirect.gather [hbm4b:s4+s15], $0x80, s26, s15, $0xb8;
	[tilespmem:$0x1E800] =	vst v63  }
0x68: {  	_ =	swait.ge [sflag:s17], $0x4000  }
0x69: {  	[sflag:s17] =	ssyncset.done $0x0  }
0x6a: {  	s28 =	simm.s32 $0x80;
	[sflag:s17] =	ssyncadd.s32 $0xFFFFC000  }
0x6b: {  	[tilespmem:s18], [sflag:$0x2] =	stream.indirect.gather [hbm4b:s4+s15], $0x80, s28, s15, $0xb8;
	[tilespmem:$0x1E800] =	vst v63  }
0x6c: {  	s29 =	simm.s32 $0x1400  }
0x6d: {  	[spmem:s1] =	stream.indirect.scatter.add.f32 [tilespmem:s16], [sflag:$0x3], $0x80, s29, s15, $0xb8;
	[tilespmem:$0x1E800] =	vst v63  }
0x6e: {  	_ =	swait.ge [sflag:s19], $0x4000  }
0x6f: {  	[sflag:s19] =	ssyncset.done $0x0  }
0x70: {  	[sflag:s19] =	ssyncadd.s32 $0xFFFFC000  }
0x71: {  	_ =	swait.ge [sflag:s20], $0x4000  }
0x72: {  	[sflag:s20] =	ssyncset.done $0x0  }
0x73: {  	s30 =	simm.s32 $0x100;
	[sflag:s20] =	ssyncadd.s32 $0xFFFFC000  }
0x74: {  	[tilespmem:s16], [sflag:$0x1] =	stream.indirect.gather [hbm4b:s4+s15], $0x80, s30, s15, $0xb8;
	[tilespmem:$0x1E800] =	vst v63  }
0x75: {  	s31 =	simm.s32 $0x1480  }
0x76: {  	[spmem:s1] =	stream.indirect.scatter.add.f32 [tilespmem:s18], [sflag:$0x3], $0x80, s31, s15, $0xb8;
	[tilespmem:$0x1E800] =	vst v63  }
0x77: {  	_ =	swait.ge [sflag:s19], $0x4000  }
0x78: {  	s25 =	simm.s32 $0x400;
	[sflag:s19] =	ssyncset.done $0x0  }
.LBB2_4:
0x79: {  	p1 =	sne.s32 s25, $0x4800  }
0x7a: {  	[sflag:s19] =	ssyncadd.s32 $0xFFFFC000;
	s26 =	smov.u32 s25;
	s25 =	sadd.s32 $0x400, s25  }
0x7b: {  	_ = 	snop  }
0x7c: {  	_ =	swait.ge [sflag:s17], $0x4000  }
0x7d: {  	s26 =	sshra.s32 s26, $0x2;
	[sflag:s17] =	ssyncset.done $0x0  }
0x7e: {  	s28 =	sadd.s32 $0x80, s26;
	[sflag:s17] =	ssyncadd.s32 $0xFFFFC000  }
0x7f: {  	[tilespmem:s18], [sflag:$0x2] =	stream.indirect.gather [hbm4b:s4+s15], $0x80, s28, s15, $0xb8;
	[tilespmem:$0x1E800] =	vst v63  }
0x80: {  	s28 =	sadd.s32 $0x1400, s26  }
0x81: {  	[spmem:s1] =	stream.indirect.scatter.add.f32 [tilespmem:s16], [sflag:$0x3], $0x80, s28, s15, $0xb8;
	[tilespmem:$0x1E800] =	vst v63  }
0x82: {  	_ =	swait.ge [sflag:s19], $0x4000  }
0x83: {  	[sflag:s19] =	ssyncset.done $0x0  }
0x84: {  	[sflag:s19] =	ssyncadd.s32 $0xFFFFC000  }
0x85: {  	_ =	swait.ge [sflag:s20], $0x4000  }
0x86: {  	[sflag:s20] =	ssyncset.done $0x0  }
0x87: {  	s28 =	sadd.s32 $0x100, s26;
	[sflag:s20] =	ssyncadd.s32 $0xFFFFC000  }
0x88: {  	[tilespmem:s16], [sflag:$0x1] =	stream.indirect.gather [hbm4b:s4+s15], $0x80, s28, s15, $0xb8;
	[tilespmem:$0x1E800] =	vst v63  }
.Ltmp1:
0x89: {  	_ = 	snop;
	(pc) =	sbr.rel @p1 .LBB2_4-.Ltmp1, $4  }
0x8a: {  	s26 =	sadd.s32 $0x1480, s26  }
0x8b: {  	[spmem:s1] =	stream.indirect.scatter.add.f32 [tilespmem:s18], [sflag:$0x3], $0x80, s26, s15, $0xb8;
	[tilespmem:$0x1E800] =	vst v63  }
0x8c: {  	_ =	swait.ge [sflag:s19], $0x4000  }
0x8d: {  	[sflag:s19] =	ssyncset.done $0x0  }
0x8e: {  	[sflag:s19] =	ssyncadd.s32 $0xFFFFC000  }
0x8f: {  	_ =	swait.ge [sflag:s17], $0x4000  }
0x90: {  	[sflag:s17] =	ssyncset.done $0x0  }
0x91: {  	[sflag:s17] =	ssyncadd.s32 $0xFFFFC000  }
0x92: {  	[tilespmem:s18], [sflag:$0x2] =	stream.indirect.gather [hbm4b:s4+s15], $0x80, s21, s15, $0xb8;
	[tilespmem:$0x1E800] =	vst v63  }
0x93: {  	_ = 	snop  }
0x94: {  	[spmem:s1] =	stream.indirect.scatter.add.f32 [tilespmem:s16], [sflag:$0x3], $0x80, s22, s15, $0xb8;
	[tilespmem:$0x1E800] =	vst v63  }
0x95: {  	_ =	swait.ge [sflag:s19], $0x4000  }
0x96: {  	[sflag:s19] =	ssyncset.done $0x0  }
0x97: {  	[sflag:s19] =	ssyncadd.s32 $0xFFFFC000  }
0x98: {  	_ =	swait.ge [sflag:s20], $0x4000  }
0x99: {  	[sflag:s20] =	ssyncset.done $0x0  }
0x9a: {  	[sflag:s20] =	ssyncadd.s32 $0xFFFFC000  }
0x9b: {  	[tilespmem:s16], [sflag:$0x1] =	stream.indirect.gather [hbm4b:s4+s15], $0x80, s21, s15, $0xb8;
	[tilespmem:$0x1E800] =	vst v63  }
0x9c: {  	_ = 	snop  }
0x9d: {  	[spmem:s1] =	stream.indirect.scatter.add.f32 [tilespmem:s18], [sflag:$0x3], $0x80, s23, s15, $0xb8;
	[tilespmem:$0x1E800] =	vst v63  }
0x9e: {  	_ =	swait.ge [sflag:s19], $0x4000  }
0x9f: {  	[sflag:s19] =	ssyncset.done $0x0  }
0xa0: {  	[sflag:s19] =	ssyncadd.s32 $0xFFFFC000  }
0xa1: {  	_ =	swait.ge [sflag:s17], $0x4000  }
0xa2: {  	[sflag:s17] =	ssyncset.done $0x0  }
0xa3: {  	[sflag:s17] =	ssyncadd.s32 $0xFFFFC000  }
0xa4: {  	[bflag:$0x0] =	sbarrier.arrive $0xFFFF  }
0xa5: {  	s25 =	sadd.s32 @!p0 $0x28000, s10;
	s26 =	simm.s32 @!p0 $0x1C04;
	[bflag:$0x0] =	sbarrier.arrive @p0 $0xFFFF  }
0xa6: {  	[hbm:s25], [sflag:s26] =	dma.local @!p0 [spmem:s14], $0x28000  }
0xa7: {  	s25 =	simm.s32 @!p0 $0x4  }
0xa8: {  	_ =	swait.ge @!p0 [sflag:s25], $0x28000  }
0xa9: {  	[sflag:s25] =	ssyncset.done @!p0 $0x0  }
0xaa: {  	[sflag:s25] =	ssyncadd.s32 @!p0 $0xFFFD8000  }
0xab: {  	[bflag:$0x0] =	sbarrier.arrive @!p0 $0xFFFF  }
0xac: {  	[spmem:s14], [sflag:s26] =	dma.local @!p0 [hbm:s7], $0x28000  }
0xad: {  	_ =	swait.ge @!p0 [sflag:s25], $0x28000  }
0xae: {  	[sflag:s25] =	ssyncset.done @!p0 $0x0  }
0xaf: {  	[sflag:s25] =	ssyncadd.s32 @!p0 $0xFFFD8000  }
0xb0: {  	s26 =	simm.s32 $0x0;
	[bflag:$0x0] =	sbarrier.arrive $0xFFFF  }
0xb1: {  	[tilespmem:s16], [sflag:$0x1] =	stream.indirect.gather [hbm4b:s5+s15], $0x80, s26, s15, $0xb8;
	[tilespmem:$0x1E800] =	vst v63  }
0xb2: {  	_ =	swait.ge [sflag:s17], $0x4000  }
0xb3: {  	[sflag:s17] =	ssyncset.done $0x0  }
0xb4: {  	s28 =	simm.s32 $0x80;
	[sflag:s17] =	ssyncadd.s32 $0xFFFFC000  }
0xb5: {  	[tilespmem:s18], [sflag:$0x2] =	stream.indirect.gather [hbm4b:s5+s15], $0x80, s28, s15, $0xb8;
	[tilespmem:$0x1E800] =	vst v63  }
0xb6: {  	s29 =	simm.s32 $0x1400  }
0xb7: {  	[spmem:s1] =	stream.indirect.scatter.add.f32 [tilespmem:s16], [sflag:$0x3], $0x80, s29, s15, $0xb8;
	[tilespmem:$0x1E800] =	vst v63  }
0xb8: {  	_ =	swait.ge [sflag:s19], $0x4000  }
0xb9: {  	[sflag:s19] =	ssyncset.done $0x0  }
0xba: {  	[sflag:s19] =	ssyncadd.s32 $0xFFFFC000  }
0xbb: {  	_ =	swait.ge [sflag:s20], $0x4000  }
0xbc: {  	[sflag:s20] =	ssyncset.done $0x0  }
0xbd: {  	s30 =	simm.s32 $0x100;
	[sflag:s20] =	ssyncadd.s32 $0xFFFFC000  }
0xbe: {  	[tilespmem:s16], [sflag:$0x1] =	stream.indirect.gather [hbm4b:s5+s15], $0x80, s30, s15, $0xb8;
	[tilespmem:$0x1E800] =	vst v63  }
0xbf: {  	s31 =	simm.s32 $0x1480  }
0xc0: {  	[spmem:s1] =	stream.indirect.scatter.add.f32 [tilespmem:s18], [sflag:$0x3], $0x80, s31, s15, $0xb8;
	[tilespmem:$0x1E800] =	vst v63  }
0xc1: {  	_ =	swait.ge [sflag:s19], $0x4000  }
0xc2: {  	s25 =	simm.s32 $0x400;
	[sflag:s19] =	ssyncset.done $0x0  }
.LBB2_6:
0xc3: {  	p1 =	sne.s32 s25, $0x4800  }
0xc4: {  	[sflag:s19] =	ssyncadd.s32 $0xFFFFC000;
	s26 =	smov.u32 s25;
	s25 =	sadd.s32 $0x400, s25  }
0xc5: {  	_ = 	snop  }
0xc6: {  	_ =	swait.ge [sflag:s17], $0x4000  }
0xc7: {  	s26 =	sshra.s32 s26, $0x2;
	[sflag:s17] =	ssyncset.done $0x0  }
0xc8: {  	s28 =	sadd.s32 $0x80, s26;
	[sflag:s17] =	ssyncadd.s32 $0xFFFFC000  }
0xc9: {  	[tilespmem:s18], [sflag:$0x2] =	stream.indirect.gather [hbm4b:s5+s15], $0x80, s28, s15, $0xb8;
	[tilespmem:$0x1E800] =	vst v63  }
0xca: {  	s28 =	sadd.s32 $0x1400, s26  }
0xcb: {  	[spmem:s1] =	stream.indirect.scatter.add.f32 [tilespmem:s16], [sflag:$0x3], $0x80, s28, s15, $0xb8;
	[tilespmem:$0x1E800] =	vst v63  }
0xcc: {  	_ =	swait.ge [sflag:s19], $0x4000  }
0xcd: {  	[sflag:s19] =	ssyncset.done $0x0  }
0xce: {  	[sflag:s19] =	ssyncadd.s32 $0xFFFFC000  }
0xcf: {  	_ =	swait.ge [sflag:s20], $0x4000  }
0xd0: {  	[sflag:s20] =	ssyncset.done $0x0  }
0xd1: {  	s28 =	sadd.s32 $0x100, s26;
	[sflag:s20] =	ssyncadd.s32 $0xFFFFC000  }
0xd2: {  	[tilespmem:s16], [sflag:$0x1] =	stream.indirect.gather [hbm4b:s5+s15], $0x80, s28, s15, $0xb8;
	[tilespmem:$0x1E800] =	vst v63  }
.Ltmp2:
0xd3: {  	_ = 	snop;
	(pc) =	sbr.rel @p1 .LBB2_6-.Ltmp2, $4  }
0xd4: {  	s26 =	sadd.s32 $0x1480, s26  }
0xd5: {  	[spmem:s1] =	stream.indirect.scatter.add.f32 [tilespmem:s18], [sflag:$0x3], $0x80, s26, s15, $0xb8;
	[tilespmem:$0x1E800] =	vst v63  }
0xd6: {  	_ =	swait.ge [sflag:s19], $0x4000  }
0xd7: {  	[sflag:s19] =	ssyncset.done $0x0  }
0xd8: {  	[sflag:s19] =	ssyncadd.s32 $0xFFFFC000  }
0xd9: {  	_ =	swait.ge [sflag:s17], $0x4000  }
0xda: {  	[sflag:s17] =	ssyncset.done $0x0  }
0xdb: {  	[sflag:s17] =	ssyncadd.s32 $0xFFFFC000  }
0xdc: {  	[tilespmem:s18], [sflag:$0x2] =	stream.indirect.gather [hbm4b:s5+s15], $0x80, s21, s15, $0xb8;
	[tilespmem:$0x1E800] =	vst v63  }
0xdd: {  	_ = 	snop  }
0xde: {  	[spmem:s1] =	stream.indirect.scatter.add.f32 [tilespmem:s16], [sflag:$0x3], $0x80, s22, s15, $0xb8;
	[tilespmem:$0x1E800] =	vst v63  }
0xdf: {  	_ =	swait.ge [sflag:s19], $0x4000  }
0xe0: {  	[sflag:s19] =	ssyncset.done $0x0  }
0xe1: {  	[sflag:s19] =	ssyncadd.s32 $0xFFFFC000  }
0xe2: {  	_ =	swait.ge [sflag:s20], $0x4000  }
0xe3: {  	[sflag:s20] =	ssyncset.done $0x0  }
0xe4: {  	[sflag:s20] =	ssyncadd.s32 $0xFFFFC000  }
0xe5: {  	[tilespmem:s16], [sflag:$0x1] =	stream.indirect.gather [hbm4b:s5+s15], $0x80, s21, s15, $0xb8;
	[tilespmem:$0x1E800] =	vst v63  }
0xe6: {  	_ = 	snop  }
0xe7: {  	[spmem:s1] =	stream.indirect.scatter.add.f32 [tilespmem:s18], [sflag:$0x3], $0x80, s23, s15, $0xb8;
	[tilespmem:$0x1E800] =	vst v63  }
0xe8: {  	_ =	swait.ge [sflag:s19], $0x4000  }
0xe9: {  	[sflag:s19] =	ssyncset.done $0x0  }
0xea: {  	[sflag:s19] =	ssyncadd.s32 $0xFFFFC000  }
0xeb: {  	_ =	swait.ge [sflag:s17], $0x4000  }
0xec: {  	[sflag:s17] =	ssyncset.done $0x0  }
0xed: {  	[sflag:s17] =	ssyncadd.s32 $0xFFFFC000  }
0xee: {  	[bflag:$0x0] =	sbarrier.arrive $0xFFFF  }
0xef: {  	s25 =	sadd.s32 @!p0 $0x50000, s10;
	s26 =	simm.s32 @!p0 $0x1C04;
	[bflag:$0x0] =	sbarrier.arrive @p0 $0xFFFF  }
0xf0: {  	[hbm:s25], [sflag:s26] =	dma.local @!p0 [spmem:s14], $0x28000  }
0xf1: {  	s25 =	simm.s32 @!p0 $0x4  }
0xf2: {  	_ =	swait.ge @!p0 [sflag:s25], $0x28000  }
0xf3: {  	[sflag:s25] =	ssyncset.done @!p0 $0x0  }
0xf4: {  	[sflag:s25] =	ssyncadd.s32 @!p0 $0xFFFD8000  }
0xf5: {  	[bflag:$0x0] =	sbarrier.arrive @!p0 $0xFFFF  }
0xf6: {  	[spmem:s14], [sflag:s26] =	dma.local @!p0 [hbm:s7], $0x28000  }
0xf7: {  	_ =	swait.ge @!p0 [sflag:s25], $0x28000  }
0xf8: {  	[sflag:s25] =	ssyncset.done @!p0 $0x0  }
0xf9: {  	[sflag:s25] =	ssyncadd.s32 @!p0 $0xFFFD8000  }
0xfa: {  	s26 =	simm.s32 $0x0;
	[bflag:$0x0] =	sbarrier.arrive $0xFFFF  }
0xfb: {  	[tilespmem:s16], [sflag:$0x1] =	stream.indirect.gather [hbm4b:s6+s15], $0x80, s26, s15, $0xb8;
	[tilespmem:$0x1E800] =	vst v63  }
0xfc: {  	_ =	swait.ge [sflag:s17], $0x4000  }
0xfd: {  	[sflag:s17] =	ssyncset.done $0x0  }
0xfe: {  	s28 =	simm.s32 $0x80;
	[sflag:s17] =	ssyncadd.s32 $0xFFFFC000  }
0xff: {  	[tilespmem:s18], [sflag:$0x2] =	stream.indirect.gather [hbm4b:s6+s15], $0x80, s28, s15, $0xb8;
	[tilespmem:$0x1E800] =	vst v63  }
0x100: {  	s29 =	simm.s32 $0x1400  }
0x101: {  	[spmem:s1] =	stream.indirect.scatter.add.f32 [tilespmem:s16], [sflag:$0x3], $0x80, s29, s15, $0xb8;
	[tilespmem:$0x1E800] =	vst v63  }
0x102: {  	_ =	swait.ge [sflag:s19], $0x4000  }
0x103: {  	[sflag:s19] =	ssyncset.done $0x0  }
0x104: {  	[sflag:s19] =	ssyncadd.s32 $0xFFFFC000  }
0x105: {  	_ =	swait.ge [sflag:s20], $0x4000  }
0x106: {  	[sflag:s20] =	ssyncset.done $0x0  }
0x107: {  	s30 =	simm.s32 $0x100;
	[sflag:s20] =	ssyncadd.s32 $0xFFFFC000  }
0x108: {  	[tilespmem:s16], [sflag:$0x1] =	stream.indirect.gather [hbm4b:s6+s15], $0x80, s30, s15, $0xb8;
	[tilespmem:$0x1E800] =	vst v63  }
0x109: {  	s31 =	simm.s32 $0x1480  }
0x10a: {  	[spmem:s1] =	stream.indirect.scatter.add.f32 [tilespmem:s18], [sflag:$0x3], $0x80, s31, s15, $0xb8;
	[tilespmem:$0x1E800] =	vst v63  }
0x10b: {  	_ =	swait.ge [sflag:s19], $0x4000  }
0x10c: {  	s25 =	simm.s32 $0x400;
	[sflag:s19] =	ssyncset.done $0x0  }
.LBB2_8:
0x10d: {  	p1 =	sne.s32 s25, $0x4800  }
0x10e: {  	[sflag:s19] =	ssyncadd.s32 $0xFFFFC000;
	s26 =	smov.u32 s25;
	s25 =	sadd.s32 $0x400, s25  }
0x10f: {  	_ = 	snop  }
0x110: {  	_ =	swait.ge [sflag:s17], $0x4000  }
0x111: {  	s26 =	sshra.s32 s26, $0x2;
	[sflag:s17] =	ssyncset.done $0x0  }
0x112: {  	s28 =	sadd.s32 $0x80, s26;
	[sflag:s17] =	ssyncadd.s32 $0xFFFFC000  }
0x113: {  	[tilespmem:s18], [sflag:$0x2] =	stream.indirect.gather [hbm4b:s6+s15], $0x80, s28, s15, $0xb8;
	[tilespmem:$0x1E800] =	vst v63  }
0x114: {  	s28 =	sadd.s32 $0x1400, s26  }
0x115: {  	[spmem:s1] =	stream.indirect.scatter.add.f32 [tilespmem:s16], [sflag:$0x3], $0x80, s28, s15, $0xb8;
	[tilespmem:$0x1E800] =	vst v63  }
0x116: {  	_ =	swait.ge [sflag:s19], $0x4000  }
0x117: {  	[sflag:s19] =	ssyncset.done $0x0  }
0x118: {  	[sflag:s19] =	ssyncadd.s32 $0xFFFFC000  }
0x119: {  	_ =	swait.ge [sflag:s20], $0x4000  }
0x11a: {  	[sflag:s20] =	ssyncset.done $0x0  }
0x11b: {  	s28 =	sadd.s32 $0x100, s26;
	[sflag:s20] =	ssyncadd.s32 $0xFFFFC000  }
0x11c: {  	[tilespmem:s16], [sflag:$0x1] =	stream.indirect.gather [hbm4b:s6+s15], $0x80, s28, s15, $0xb8;
	[tilespmem:$0x1E800] =	vst v63  }
.Ltmp3:
0x11d: {  	_ = 	snop;
	(pc) =	sbr.rel @p1 .LBB2_8-.Ltmp3, $4  }
0x11e: {  	s26 =	sadd.s32 $0x1480, s26  }
0x11f: {  	[spmem:s1] =	stream.indirect.scatter.add.f32 [tilespmem:s18], [sflag:$0x3], $0x80, s26, s15, $0xb8;
	[tilespmem:$0x1E800] =	vst v63  }
0x120: {  	_ =	swait.ge [sflag:s19], $0x4000  }
0x121: {  	[sflag:s19] =	ssyncset.done $0x0  }
0x122: {  	[sflag:s19] =	ssyncadd.s32 $0xFFFFC000  }
0x123: {  	_ =	swait.ge [sflag:s17], $0x4000  }
0x124: {  	[sflag:s17] =	ssyncset.done $0x0  }
0x125: {  	[sflag:s17] =	ssyncadd.s32 $0xFFFFC000  }
0x126: {  	[tilespmem:s18], [sflag:$0x2] =	stream.indirect.gather [hbm4b:s6+s15], $0x80, s21, s15, $0xb8;
	[tilespmem:$0x1E800] =	vst v63  }
0x127: {  	_ = 	snop  }
0x128: {  	[spmem:s1] =	stream.indirect.scatter.add.f32 [tilespmem:s16], [sflag:$0x3], $0x80, s22, s15, $0xb8;
	[tilespmem:$0x1E800] =	vst v63  }
0x129: {  	_ =	swait.ge [sflag:s19], $0x4000  }
0x12a: {  	[sflag:s19] =	ssyncset.done $0x0  }
0x12b: {  	[sflag:s19] =	ssyncadd.s32 $0xFFFFC000  }
0x12c: {  	_ =	swait.ge [sflag:s20], $0x4000  }
0x12d: {  	[sflag:s20] =	ssyncset.done $0x0  }
0x12e: {  	[sflag:s20] =	ssyncadd.s32 $0xFFFFC000  }
0x12f: {  	[tilespmem:s16], [sflag:$0x1] =	stream.indirect.gather [hbm4b:s6+s15], $0x80, s21, s15, $0xb8;
	[tilespmem:$0x1E800] =	vst v63  }
0x130: {  	_ = 	snop  }
0x131: {  	[spmem:s1] =	stream.indirect.scatter.add.f32 [tilespmem:s18], [sflag:$0x3], $0x80, s23, s15, $0xb8;
	[tilespmem:$0x1E800] =	vst v63  }
0x132: {  	_ =	swait.ge [sflag:s19], $0x4000  }
0x133: {  	[sflag:s19] =	ssyncset.done $0x0  }
0x134: {  	[sflag:s19] =	ssyncadd.s32 $0xFFFFC000  }
0x135: {  	_ =	swait.ge [sflag:s17], $0x4000  }
0x136: {  	[sflag:s17] =	ssyncset.done $0x0  }
0x137: {  	s25 =	sadd.s32 @!p0 $0x78000, s10;
	[sflag:s17] =	ssyncadd.s32 $0xFFFFC000  }
0x138: {  	s26 =	simm.s32 @!p0 $0x1C04;
	s24 =	sadd.s32 $0x1, s24;
	[bflag:$0x0] =	sbarrier.arrive $0xFFFF  }
0x139: {  	[hbm:s25], [sflag:s26] =	dma.local @!p0 [spmem:s14], $0x28000  }
0x13a: {  	p1 =	sne.s32 s24, s11;
	s25 =	simm.s32 @!p0 $0x4  }
.Ltmp4:
0x13b: {  	_ =	swait.ge @!p0 [sflag:s25], $0x28000;
	(pc) =	sbr.rel @p1 .LBB2_1-.Ltmp4, $3  }
0x13c: {  	[sflag:s25] =	ssyncset.done @!p0 $0x0  }
0x13d: {  	[sflag:s25] =	ssyncadd.s32 @!p0 $0xFFFD8000  }
0x13e: {  	[bflag:$0x0] =	sbarrier.arrive $0xFFFF;
	_ =	sdelay $0x1  }
0x13f: {  	_ =	sfence.sel $0x180000  }
0x140: {  	[bflag:$0x0] =	sbarrier.arrive $0xFFFF  }
0x141: {  	_ =	strace $0x90000050  }
0x142: {  	s0 =	sadd.s32 @!p0 $0x100000, s0;
	[bflag:$0x2] =	sbarrier.arrive $0xFFFF  }
0x143: {  	[sflag:s0] =	ssyncadd.tile.s32 @!p0 $0x1;
	_ =	shalt  }
.Lfunc_end2:
_tile_overlayer_lowered:
.L_overlay_start_2:
0x144: {  	(tag) =	ssettag $0x2  }
0x145: {  	s0 =	rddreg [dreg:$0x0];
	s2 =	stileid.u32  }
0x146: {  	s1 =	rddreg [dreg:$0x1];
	p0 =	sne.s32 s2, $0x0  }
0x147: {  	s3 =	rddreg [dreg:$0x2];
	[bflag:$0x3] =	sbarrier.arrive $0xFFFF;
	s2 =	simm.s32 @!p0 $0x1C04  }
0x148: {  	[timem:s3], [sflag:s2] =	dma.local @!p0 [hbm:s0], s1  }
0x149: {  	s0 =	simm.s32 @!p0 $0x4  }
0x14a: {  	_ =	swait.ge @!p0 [sflag:s0], s1  }
0x14b: {  	s1 =	ssub.s32 @!p0 $0x0, s1;
	[sflag:s0] =	ssyncset.done @!p0 $0x0  }
0x14c: {  	[sflag:s0] =	ssyncadd.s32 @!p0 s1  }
0x14d: {  	[bflag:$0x3] =	sbarrier.arrive $0xFFFF  }
0x14e: {  	_ =	shalt  }

</sc_bundles>
